<compile_context>
chip_gen: v7x
topology: tpu7x:2x2x1
jax: 0.10.2.dev20260603
libtpu: 0.0.44.dev20260713+nightly
codegen_flags: <defaults>
</compile_context>

<pallas_src>
import functools

import jax
import jax.numpy as jnp
from jax import lax
from jax.experimental import pallas as pl
from jax.experimental.pallas import tpu as pltpu
from jax.experimental.pallas import tpu_sc as plsc

T = 2048
H = 768
E = 8
F = 768
KT = 2 * T
BM = 512
NB = 15
P = NB * BM

NC, NS = 2, 16
NW = NC * NS
CHB = KT // NW
CHD = T // NW

_CH = 512


def _routing_body(x_ref, rw_ref, pos1_ref, pos2_ref, w1b_ref, w2b_ref, be_ref):
    x = x_ref[...]
    rw = rw_ref[...]
    logits = lax.dot_general(x, rw, (((1,), (1,)), ((), ())),
                             preferred_element_type=jnp.float32)
    lane = lax.broadcasted_iota(jnp.int32, (T, E), 1)
    m1 = jnp.max(logits, axis=1, keepdims=True)
    i1 = jnp.min(jnp.where(logits == m1, lane, E), axis=1, keepdims=True)
    masked = jnp.where(lane == i1, -jnp.inf, logits)
    m2 = jnp.max(masked, axis=1, keepdims=True)
    i2 = jnp.min(jnp.where(masked == m2, lane, E), axis=1, keepdims=True)
    d = jnp.exp(m2 - m1)
    w1 = 1.0 / (1.0 + d)
    w2 = d / (1.0 + d)

    one1 = (lane == i1).astype(jnp.float32)
    one2 = (lane == i2).astype(jnp.float32)

    r = lax.broadcasted_iota(jnp.int32, (_CH, _CH), 0)
    c = lax.broadcasted_iota(jnp.int32, (_CH, _CH), 1)
    L = (c < r).astype(jnp.float32)
    run = jnp.zeros((1, E), jnp.float32)
    ranks = []
    for part in (one1, one2):
        for s in range(T // _CH):
            v = lax.slice(part, (s * _CH, 0), ((s + 1) * _CH, E))
            excl = lax.dot_general(L, v, (((1,), (0,)), ((), ())),
                                   preferred_element_type=jnp.float32) + run
            run = run + jnp.sum(v, axis=0, keepdims=True)
            ranks.append(excl)
    n_parts = T // _CH
    r1 = jnp.concatenate(ranks[:n_parts], axis=0)
    r2 = jnp.concatenate(ranks[n_parts:], axis=0)

    count = run
    pcnt = jnp.floor((count + (BM - 1)) * (1.0 / BM)) * BM
    er = lax.broadcasted_iota(jnp.int32, (E, E), 0)
    ec = lax.broadcasted_iota(jnp.int32, (E, E), 1)
    U = (er < ec).astype(jnp.float32)
    poff = lax.dot_general(pcnt, U, (((1,), (0,)), ((), ())),
                           preferred_element_type=jnp.float32)
    pend = poff + pcnt

    pos1 = jnp.sum(one1 * (r1 + poff), axis=1, keepdims=True)
    pos2 = jnp.sum(one2 * (r2 + poff), axis=1, keepdims=True)
    pos1_ref[...] = pos1.astype(jnp.int32)
    pos2_ref[...] = pos2.astype(jnp.int32)

    ones16 = jnp.ones((1, 16), jnp.float32)
    w1b_ref[...] = w1 * ones16
    w2b_ref[...] = w2 * ones16

    nlive = jnp.sum(pcnt, axis=1, keepdims=True) * (1.0 / BM)
    ri = lax.broadcasted_iota(jnp.int32, (128, 1), 0)
    bstart = (ri * BM).astype(jnp.float32)
    be = jnp.sum((pend <= bstart).astype(jnp.float32), axis=1, keepdims=True)
    be = jnp.minimum(be, 7.0)
    be_ref[...] = jnp.where(ri == 64, nlive, be).astype(jnp.int32)


_routing = pl.pallas_call(
    _routing_body,
    out_shape=(
        jax.ShapeDtypeStruct((T, 1), jnp.int32),
        jax.ShapeDtypeStruct((T, 1), jnp.int32),
        jax.ShapeDtypeStruct((T, 16), jnp.float32),
        jax.ShapeDtypeStruct((T, 16), jnp.float32),
        jax.ShapeDtypeStruct((128, 1), jnp.int32),
    ),
)

NQ = 4
QCH = CHB // NQ


def _dispatch_body(x_hbm, p1_hbm, p2_hbm, xs_hbm, idx_v, rows_v,
                   lsem0, lsem1, lsem2, lsem3, ssem):
    wid = lax.axis_index("s") * NC + lax.axis_index("c")
    tb = lax.rem(wid * CHB, T)
    k0 = wid < NS
    lsems = (lsem0, lsem1, lsem2, lsem3)
    loads = [pltpu.async_copy(x_hbm.at[pl.ds(tb + q * QCH, QCH)],
                              rows_v.at[q], lsems[q]) for q in range(NQ)]

    @pl.when(k0)
    def _():
        for q in range(NQ):
            pltpu.sync_copy(p1_hbm.at[pl.ds(tb + q * QCH, QCH)], idx_v.at[q])

    @pl.when(jnp.logical_not(k0))
    def _():
        for q in range(NQ):
            pltpu.sync_copy(p2_hbm.at[pl.ds(tb + q * QCH, QCH)], idx_v.at[q])

    stores = []
    for q in range(NQ):
        loads[q].wait()
        stores.append(pltpu.async_copy(rows_v.at[q], xs_hbm.at[idx_v.at[q]],
                                       ssem))
    for s in stores:
        s.wait()


def _ffn_body(be_ref, xs_ref, wg_ref, wu_ref, wd_ref, ys_ref):
    b = pl.program_id(0)

    @pl.when(b < be_ref[64])
    def _():
        xb = xs_ref[...]
        g = lax.dot_general(xb, wg_ref[0], (((1,), (1,)), ((), ())),
                            preferred_element_type=jnp.float32)
        u = lax.dot_general(xb, wu_ref[0], (((1,), (1,)), ((), ())),
                            preferred_element_type=jnp.float32)
        hcur = g * (1.0 / (1.0 + jnp.exp(-g))) * u
        ys_ref[...] = lax.dot_general(hcur, wd_ref[0],
                                      (((1,), (1,)), ((), ())),
                                      preferred_element_type=jnp.float32)


def _blive(b, be):
    return jnp.minimum(b, be[64] - 1)


_ffn = pl.pallas_call(
    _ffn_body,
    grid_spec=pltpu.PrefetchScalarGridSpec(
        num_scalar_prefetch=1,
        grid=(NB,),
        in_specs=[
            pl.BlockSpec((BM, H), lambda b, be: (_blive(b, be), 0)),
            pl.BlockSpec((1, F, H), lambda b, be: (be[_blive(b, be)], 0, 0)),
            pl.BlockSpec((1, F, H), lambda b, be: (be[_blive(b, be)], 0, 0)),
            pl.BlockSpec((1, H, F), lambda b, be: (be[_blive(b, be)], 0, 0)),
        ],
        out_specs=pl.BlockSpec((BM, H), lambda b, be: (_blive(b, be), 0)),
    ),
    out_shape=jax.ShapeDtypeStruct((P, H), jnp.float32),
)


HD = CHD // 2


def _combine_body(ys_hbm, p1_hbm, p2_hbm, w1_hbm, w2_hbm, out_hbm,
                  idx1_v, idx2_v, w1_v, w2_v, buf1, buf2, sem1, sem2, osem):
    wid = lax.axis_index("s") * NC + lax.axis_index("c")
    t0 = wid * CHD
    pltpu.sync_copy(p1_hbm.at[pl.ds(t0, HD)], idx1_v.at[0])
    pltpu.sync_copy(p2_hbm.at[pl.ds(t0, HD)], idx2_v.at[0])
    c1a = pltpu.async_copy(ys_hbm.at[idx1_v.at[0]], buf1.at[0], sem1)
    c2a = pltpu.async_copy(ys_hbm.at[idx2_v.at[0]], buf2.at[0], sem2)
    pltpu.sync_copy(p1_hbm.at[pl.ds(t0 + HD, HD)], idx1_v.at[1])
    pltpu.sync_copy(p2_hbm.at[pl.ds(t0 + HD, HD)], idx2_v.at[1])
    c1b = pltpu.async_copy(ys_hbm.at[idx1_v.at[1]], buf1.at[1], sem1)
    c2b = pltpu.async_copy(ys_hbm.at[idx2_v.at[1]], buf2.at[1], sem2)
    pltpu.sync_copy(w1_hbm.at[pl.ds(t0, CHD)], w1_v)
    pltpu.sync_copy(w2_hbm.at[pl.ds(t0, CHD)], w2_v)

    def half(h, c1, c2):
        c1.wait()
        c2.wait()

        def body(i, carry):
            wv1 = w1_v[h * HD + i]
            wv2 = w2_v[h * HD + i]
            for jj in range(H // 16):
                sl = pl.ds(jj * 16, 16)
                buf1[h, i, sl] = buf1[h, i, sl] * wv1 + buf2[h, i, sl] * wv2
            return carry

        lax.fori_loop(0, HD, body, 0)
        return pltpu.async_copy(buf1.at[h], out_hbm.at[pl.ds(t0 + h * HD, HD)],
                                osem)

    o0 = half(0, c1a, c2a)
    o1 = half(1, c1b, c2b)
    o0.wait()
    o1.wait()


@functools.cache
def _sc_kernels():
    mesh = plsc.VectorSubcoreMesh(core_axis_name="c", subcore_axis_name="s",
                                  num_cores=NC, num_subcores=NS)
    dispatch = pl.kernel(
        _dispatch_body,
        out_type=jax.ShapeDtypeStruct((P, H), jnp.float32),
        mesh=mesh,
        scratch_types=[
            pltpu.VMEM((NQ, QCH), jnp.int32),
            pltpu.VMEM((NQ, QCH, H), jnp.float32),
            pltpu.SemaphoreType.DMA,
            pltpu.SemaphoreType.DMA,
            pltpu.SemaphoreType.DMA,
            pltpu.SemaphoreType.DMA,
            pltpu.SemaphoreType.DMA,
        ],
    )
    combine = pl.kernel(
        _combine_body,
        out_type=jax.ShapeDtypeStruct((T, H), jnp.float32),
        mesh=mesh,
        scratch_types=[
            pltpu.VMEM((2, HD), jnp.int32),
            pltpu.VMEM((2, HD), jnp.int32),
            pltpu.VMEM((CHD, 16), jnp.float32),
            pltpu.VMEM((CHD, 16), jnp.float32),
            pltpu.VMEM((2, HD, H), jnp.float32),
            pltpu.VMEM((2, HD, H), jnp.float32),
            pltpu.SemaphoreType.DMA,
            pltpu.SemaphoreType.DMA,
            pltpu.SemaphoreType.DMA,
        ],
    )
    return dispatch, combine


def kernel(hidden_states, router_w, w_gate, w_up, w_down):
    b, s, h = hidden_states.shape
    dispatch, combine = _sc_kernels()
    x = hidden_states.reshape(b * s, h)
    pos1, pos2, w1b, w2b, be = _routing(x, router_w)
    p1 = pos1.reshape(T)
    p2 = pos2.reshape(T)
    xs = dispatch(x, p1, p2)
    ys = _ffn(be.reshape(128), xs, w_gate, w_up, w_down)
    out = combine(ys, p1, p2, w1b, w2b)
    return out.reshape(b, s, h)

# --- scband reference (transcript-rebuilt; emitter-appended) ---
"""Pipeline reference for scband-ktmo-elayer-wrapper-81982335746669 (READ-ONLY COPY).

The authoritative reference and input builder live on the scoring server;
editing this copy changes nothing except your own understanding.
"""

import jax, jax.numpy as jnp
import numpy as np

B, S, H = 1, 2048, 768
E, TOPK, F = 8, 2, 768

def setup_inputs(seed: int = 0) -> dict:
    key = jax.random.key(seed)
    k0, k1, k2, k3, k4 = jax.random.split(key, 5)
    hidden_states = jax.random.normal(k0, (B, S, H), dtype=jnp.float32)
    router_w = jax.random.normal(k1, (E, H), dtype=jnp.float32) * (1.0 / np.sqrt(H))
    w_gate = jax.random.normal(k2, (E, F, H), dtype=jnp.float32) * (1.0 / np.sqrt(H))
    w_up = jax.random.normal(k3, (E, F, H), dtype=jnp.float32) * (1.0 / np.sqrt(H))
    w_down = jax.random.normal(k4, (E, H, F), dtype=jnp.float32) * (1.0 / np.sqrt(F))
    return {"hidden_states": hidden_states, "router_w": router_w, "w_gate": w_gate, "w_up": w_up, "w_down": w_down}

def reference(hidden_states, router_w, w_gate, w_up, w_down):
    # Faithful MoE layer: router -> softmax -> top-k -> renormalize -> SwiGLU experts -> weighted combine.
    # Mirrors KTMoELayerWrapper.forward semantics (router + KTMoEFunction expert dispatch).
    b, s, h = hidden_states.shape
    x = hidden_states.reshape(b * s, h)
    logits = x @ router_w.T                              # [T, E]
    probs = jax.nn.softmax(logits, axis=-1)
    topk_w, topk_ids = jax.lax.top_k(probs, TOPK)        # [T, k]
    topk_w = topk_w / jnp.sum(topk_w, axis=-1, keepdims=True)
    out = jnp.zeros((b * s, h), dtype=jnp.float32)
    for e in range(E):
        mask = (topk_ids == e).astype(jnp.float32)       # [T, k]
        coef = jnp.sum(topk_w * mask, axis=-1)           # [T]
        g = jax.nn.silu(x @ w_gate[e].T)                 # [T, F]
        u = x @ w_up[e].T                                # [T, F]
        hcur = (g * u) @ w_down[e].T                     # [T, H]
        out = out + coef[:, None] * hcur
    return out.reshape(b, s, h)

if __name__ == "__main__":
    import jax
    _d = setup_inputs()
    print(jax.jit(kernel)(*tuple(_d.values())))

</pallas_src>

<mosaic_0001>
#map = affine_map<(d0, d1) -> (0, 0)>
#map1 = affine_map<(d0, d1) -> (0)>
module attributes {stable_mosaic.version = 14 : i64} {
  func.func @_combine_body(%arg0: i32, %arg1: i32, %arg2: memref<7680x768xf32, #tpu.memory_space<hbm>>, %arg3: memref<2048xi32, #tpu.memory_space<hbm>>, %arg4: memref<2048xi32, #tpu.memory_space<hbm>>, %arg5: memref<2048x16xf32, #tpu.memory_space<hbm>>, %arg6: memref<2048x16xf32, #tpu.memory_space<hbm>>, %arg7: memref<2048x768xf32, #tpu.memory_space<hbm>>, %arg8: memref<2x32xi32, #tpu.memory_space<vmem>>, %arg9: memref<2x32xi32, #tpu.memory_space<vmem>>, %arg10: memref<64x16xf32, #tpu.memory_space<vmem>>, %arg11: memref<64x16xf32, #tpu.memory_space<vmem>>, %arg12: memref<2x32x768xf32, #tpu.memory_space<vmem>>, %arg13: memref<2x32x768xf32, #tpu.memory_space<vmem>>, %arg14: memref<!tpu.dma_semaphore, #tpu.memory_space<semaphore_mem>>, %arg15: memref<!tpu.dma_semaphore, #tpu.memory_space<semaphore_mem>>, %arg16: memref<!tpu.dma_semaphore, #tpu.memory_space<semaphore_mem>>) attributes {dimension_semantics = [#tpu.dimension_semantics<core_parallel>, #tpu.dimension_semantics<subcore_parallel>], iteration_bounds = array<i64: 2, 16>, scalar_prefetch = 0 : i64, scratch_operands = 9 : i64, tpu.core_type = #tpu.core_type<sc_vector_subcore>, window_params = [{transform_indices = #map}, {transform_indices = #map1}, {transform_indices = #map1}, {transform_indices = #map}, {transform_indices = #map}, {transform_indices = #map}]} {
    %mul3A = arith.constant 2 : i32
    %mul3A_0 = arith.muli %arg1, %mul3A : i32
    %add3A = arith.addi %mul3A_0, %arg0 : i32
    %mul3A_1 = arith.constant 64 : i32
    %mul3A_2 = arith.muli %add3A, %mul3A_1 : i32
    %run_scoped3A = arith.constant 0 : i32
    "tpu.region"() ({
      %run_scoped3A_171 = tpu.sem_alloc : memref<!tpu.dma_semaphore, #tpu.memory_space<semaphore_mem>>
      %dma_start3A_172 = arith.constant 0 : i32
      %dma_start3A_173 = tpu.memref_slice %arg8[%run_scoped3A, %dma_start3A_172] : memref<2x32xi32, #tpu.memory_space<vmem>> -> memref<1x32xi32, #tpu.memory_space<vmem>>
      %dma_start3A_174 = tpu.memref_squeeze %dma_start3A_173 : memref<1x32xi32, #tpu.memory_space<vmem>> -> memref<32xi32, #tpu.memory_space<vmem>>
      %dma_start3A_175 = tpu.memref_slice %arg3[%mul3A_2] : memref<2048xi32, #tpu.memory_space<hbm>> -> memref<32xi32, #tpu.memory_space<hbm>>
      %dma_start3A_176 = arith.constant 0 : i32
      %dma_start3A_177 = tpu.memref_slice %arg8[%run_scoped3A, %dma_start3A_176] : memref<2x32xi32, #tpu.memory_space<vmem>> -> memref<1x32xi32, #tpu.memory_space<vmem>>
      %dma_start3A_178 = tpu.memref_squeeze %dma_start3A_177 : memref<1x32xi32, #tpu.memory_space<vmem>> -> memref<32xi32, #tpu.memory_space<vmem>>
      %dma_start3A_179 = tpu.memref_slice %arg3[%mul3A_2] : memref<2048xi32, #tpu.memory_space<hbm>> -> memref<32xi32, #tpu.memory_space<hbm>>
      tpu.enqueue_dma source(%dma_start3A_179 : memref<32xi32, #tpu.memory_space<hbm>>) target(%dma_start3A_178 : memref<32xi32, #tpu.memory_space<vmem>>) target_semaphore(%run_scoped3A_171 : memref<!tpu.dma_semaphore, #tpu.memory_space<semaphore_mem>>)
      %dma_wait3A_180 = arith.constant 0 : i32
      %dma_wait3A_181 = tpu.memref_slice %arg8[%run_scoped3A, %dma_wait3A_180] : memref<2x32xi32, #tpu.memory_space<vmem>> -> memref<1x32xi32, #tpu.memory_space<vmem>>
      %dma_wait3A_182 = tpu.memref_squeeze %dma_wait3A_181 : memref<1x32xi32, #tpu.memory_space<vmem>> -> memref<32xi32, #tpu.memory_space<vmem>>
      %dma_wait3A_183 = tpu.memref_slice %arg3[%mul3A_2] : memref<2048xi32, #tpu.memory_space<hbm>> -> memref<32xi32, #tpu.memory_space<hbm>>
      %dma_wait3A_184 = arith.constant 0 : i32
      %dma_wait3A_185 = tpu.memref_slice %arg8[%run_scoped3A, %dma_wait3A_184] : memref<2x32xi32, #tpu.memory_space<vmem>> -> memref<1x32xi32, #tpu.memory_space<vmem>>
      %dma_wait3A_186 = tpu.memref_squeeze %dma_wait3A_185 : memref<1x32xi32, #tpu.memory_space<vmem>> -> memref<32xi32, #tpu.memory_space<vmem>>
      %dma_wait3A_187 = tpu.memref_slice %arg3[%mul3A_2] : memref<2048xi32, #tpu.memory_space<hbm>> -> memref<32xi32, #tpu.memory_space<hbm>>
      tpu.wait_dma2 semaphore(%run_scoped3A_171 : memref<!tpu.dma_semaphore, #tpu.memory_space<semaphore_mem>>) src(%dma_wait3A_187 : memref<32xi32, #tpu.memory_space<hbm>>) dst(%dma_wait3A_186 : memref<32xi32, #tpu.memory_space<vmem>>)
      tpu.yield
    }) : () -> ()
    %run_scoped3A_3 = arith.constant 0 : i32
    "tpu.region"() ({
      %run_scoped3A_171 = tpu.sem_alloc : memref<!tpu.dma_semaphore, #tpu.memory_space<semaphore_mem>>
      %dma_start3A_172 = arith.constant 0 : i32
      %dma_start3A_173 = tpu.memref_slice %arg9[%run_scoped3A_3, %dma_start3A_172] : memref<2x32xi32, #tpu.memory_space<vmem>> -> memref<1x32xi32, #tpu.memory_space<vmem>>
      %dma_start3A_174 = tpu.memref_squeeze %dma_start3A_173 : memref<1x32xi32, #tpu.memory_space<vmem>> -> memref<32xi32, #tpu.memory_space<vmem>>
      %dma_start3A_175 = tpu.memref_slice %arg4[%mul3A_2] : memref<2048xi32, #tpu.memory_space<hbm>> -> memref<32xi32, #tpu.memory_space<hbm>>
      %dma_start3A_176 = arith.constant 0 : i32
      %dma_start3A_177 = tpu.memref_slice %arg9[%run_scoped3A_3, %dma_start3A_176] : memref<2x32xi32, #tpu.memory_space<vmem>> -> memref<1x32xi32, #tpu.memory_space<vmem>>
      %dma_start3A_178 = tpu.memref_squeeze %dma_start3A_177 : memref<1x32xi32, #tpu.memory_space<vmem>> -> memref<32xi32, #tpu.memory_space<vmem>>
      %dma_start3A_179 = tpu.memref_slice %arg4[%mul3A_2] : memref<2048xi32, #tpu.memory_space<hbm>> -> memref<32xi32, #tpu.memory_space<hbm>>
      tpu.enqueue_dma source(%dma_start3A_179 : memref<32xi32, #tpu.memory_space<hbm>>) target(%dma_start3A_178 : memref<32xi32, #tpu.memory_space<vmem>>) target_semaphore(%run_scoped3A_171 : memref<!tpu.dma_semaphore, #tpu.memory_space<semaphore_mem>>)
      %dma_wait3A_180 = arith.constant 0 : i32
      %dma_wait3A_181 = tpu.memref_slice %arg9[%run_scoped3A_3, %dma_wait3A_180] : memref<2x32xi32, #tpu.memory_space<vmem>> -> memref<1x32xi32, #tpu.memory_space<vmem>>
      %dma_wait3A_182 = tpu.memref_squeeze %dma_wait3A_181 : memref<1x32xi32, #tpu.memory_space<vmem>> -> memref<32xi32, #tpu.memory_space<vmem>>
      %dma_wait3A_183 = tpu.memref_slice %arg4[%mul3A_2] : memref<2048xi32, #tpu.memory_space<hbm>> -> memref<32xi32, #tpu.memory_space<hbm>>
      %dma_wait3A_184 = arith.constant 0 : i32
      %dma_wait3A_185 = tpu.memref_slice %arg9[%run_scoped3A_3, %dma_wait3A_184] : memref<2x32xi32, #tpu.memory_space<vmem>> -> memref<1x32xi32, #tpu.memory_space<vmem>>
      %dma_wait3A_186 = tpu.memref_squeeze %dma_wait3A_185 : memref<1x32xi32, #tpu.memory_space<vmem>> -> memref<32xi32, #tpu.memory_space<vmem>>
      %dma_wait3A_187 = tpu.memref_slice %arg4[%mul3A_2] : memref<2048xi32, #tpu.memory_space<hbm>> -> memref<32xi32, #tpu.memory_space<hbm>>
      tpu.wait_dma2 semaphore(%run_scoped3A_171 : memref<!tpu.dma_semaphore, #tpu.memory_space<semaphore_mem>>) src(%dma_wait3A_187 : memref<32xi32, #tpu.memory_space<hbm>>) dst(%dma_wait3A_186 : memref<32xi32, #tpu.memory_space<vmem>>)
      tpu.yield
    }) : () -> ()
    %dma_start3A = arith.constant 0 : i32
    %dma_start3A_4 = arith.constant 0 : i32
    %dma_start3A_5 = arith.constant 0 : i32
    %dma_start3A_6 = arith.constant 0 : i32
    %dma_start3A_7 = tpu.memref_slice %arg12[%dma_start3A_4, %dma_start3A_5, %dma_start3A_6] : memref<2x32x768xf32, #tpu.memory_space<vmem>> -> memref<1x32x768xf32, #tpu.memory_space<vmem>>
    %dma_start3A_8 = tpu.memref_squeeze %dma_start3A_7 : memref<1x32x768xf32, #tpu.memory_space<vmem>> -> memref<32x768xf32, #tpu.memory_space<vmem>>
    %dma_start3A_9 = arith.constant 0 : i32
    %dma_start3A_10 = tpu.memref_slice %arg8[%dma_start3A, %dma_start3A_9] : memref<2x32xi32, #tpu.memory_space<vmem>> -> memref<1x32xi32, #tpu.memory_space<vmem>>
    %dma_start3A_11 = tpu.memref_squeeze %dma_start3A_10 : memref<1x32xi32, #tpu.memory_space<vmem>> -> memref<32xi32, #tpu.memory_space<vmem>>
    %dma_start3A_12 = arith.constant 0 : i32
    %dma_start3A_13 = arith.constant 0 : i32
    %dma_start3A_14 = tpu.memref_slice %arg2[%dma_start3A_12, %dma_start3A_13] : memref<7680x768xf32, #tpu.memory_space<hbm>> -> memref<7680x768xf32, #tpu.memory_space<hbm>>
    tpu.enqueue_indirect_dma source(%dma_start3A_14 : memref<7680x768xf32, #tpu.memory_space<hbm>>) target(%dma_start3A_8 : memref<32x768xf32, #tpu.memory_space<vmem>>) offsets(%dma_start3A_11 : memref<32xi32, #tpu.memory_space<vmem>>) semaphore(%arg14 : memref<!tpu.dma_semaphore, #tpu.memory_space<semaphore_mem>>)
    %dma_start3A_15 = arith.constant 0 : i32
    %dma_start3A_16 = arith.constant 0 : i32
    %dma_start3A_17 = arith.constant 0 : i32
    %dma_start3A_18 = arith.constant 0 : i32
    %dma_start3A_19 = tpu.memref_slice %arg13[%dma_start3A_16, %dma_start3A_17, %dma_start3A_18] : memref<2x32x768xf32, #tpu.memory_space<vmem>> -> memref<1x32x768xf32, #tpu.memory_space<vmem>>
    %dma_start3A_20 = tpu.memref_squeeze %dma_start3A_19 : memref<1x32x768xf32, #tpu.memory_space<vmem>> -> memref<32x768xf32, #tpu.memory_space<vmem>>
    %dma_start3A_21 = arith.constant 0 : i32
    %dma_start3A_22 = tpu.memref_slice %arg9[%dma_start3A_15, %dma_start3A_21] : memref<2x32xi32, #tpu.memory_space<vmem>> -> memref<1x32xi32, #tpu.memory_space<vmem>>
    %dma_start3A_23 = tpu.memref_squeeze %dma_start3A_22 : memref<1x32xi32, #tpu.memory_space<vmem>> -> memref<32xi32, #tpu.memory_space<vmem>>
    %dma_start3A_24 = arith.constant 0 : i32
    %dma_start3A_25 = arith.constant 0 : i32
    %dma_start3A_26 = tpu.memref_slice %arg2[%dma_start3A_24, %dma_start3A_25] : memref<7680x768xf32, #tpu.memory_space<hbm>> -> memref<7680x768xf32, #tpu.memory_space<hbm>>
    tpu.enqueue_indirect_dma source(%dma_start3A_26 : memref<7680x768xf32, #tpu.memory_space<hbm>>) target(%dma_start3A_20 : memref<32x768xf32, #tpu.memory_space<vmem>>) offsets(%dma_start3A_23 : memref<32xi32, #tpu.memory_space<vmem>>) semaphore(%arg15 : memref<!tpu.dma_semaphore, #tpu.memory_space<semaphore_mem>>)
    %add3A_27 = arith.constant 32 : i32
    %add3A_28 = arith.addi %mul3A_2, %add3A_27 : i32
    %run_scoped3A_29 = arith.constant 1 : i32
    "tpu.region"() ({
      %run_scoped3A_171 = tpu.sem_alloc : memref<!tpu.dma_semaphore, #tpu.memory_space<semaphore_mem>>
      %dma_start3A_172 = arith.constant 0 : i32
      %dma_start3A_173 = tpu.memref_slice %arg8[%run_scoped3A_29, %dma_start3A_172] : memref<2x32xi32, #tpu.memory_space<vmem>> -> memref<1x32xi32, #tpu.memory_space<vmem>>
      %dma_start3A_174 = tpu.memref_squeeze %dma_start3A_173 : memref<1x32xi32, #tpu.memory_space<vmem>> -> memref<32xi32, #tpu.memory_space<vmem>>
      %dma_start3A_175 = tpu.memref_slice %arg3[%add3A_28] : memref<2048xi32, #tpu.memory_space<hbm>> -> memref<32xi32, #tpu.memory_space<hbm>>
      %dma_start3A_176 = arith.constant 0 : i32
      %dma_start3A_177 = tpu.memref_slice %arg8[%run_scoped3A_29, %dma_start3A_176] : memref<2x32xi32, #tpu.memory_space<vmem>> -> memref<1x32xi32, #tpu.memory_space<vmem>>
      %dma_start3A_178 = tpu.memref_squeeze %dma_start3A_177 : memref<1x32xi32, #tpu.memory_space<vmem>> -> memref<32xi32, #tpu.memory_space<vmem>>
      %dma_start3A_179 = tpu.memref_slice %arg3[%add3A_28] : memref<2048xi32, #tpu.memory_space<hbm>> -> memref<32xi32, #tpu.memory_space<hbm>>
      tpu.enqueue_dma source(%dma_start3A_179 : memref<32xi32, #tpu.memory_space<hbm>>) target(%dma_start3A_178 : memref<32xi32, #tpu.memory_space<vmem>>) target_semaphore(%run_scoped3A_171 : memref<!tpu.dma_semaphore, #tpu.memory_space<semaphore_mem>>)
      %dma_wait3A_180 = arith.constant 0 : i32
      %dma_wait3A_181 = tpu.memref_slice %arg8[%run_scoped3A_29, %dma_wait3A_180] : memref<2x32xi32, #tpu.memory_space<vmem>> -> memref<1x32xi32, #tpu.memory_space<vmem>>
      %dma_wait3A_182 = tpu.memref_squeeze %dma_wait3A_181 : memref<1x32xi32, #tpu.memory_space<vmem>> -> memref<32xi32, #tpu.memory_space<vmem>>
      %dma_wait3A_183 = tpu.memref_slice %arg3[%add3A_28] : memref<2048xi32, #tpu.memory_space<hbm>> -> memref<32xi32, #tpu.memory_space<hbm>>
      %dma_wait3A_184 = arith.constant 0 : i32
      %dma_wait3A_185 = tpu.memref_slice %arg8[%run_scoped3A_29, %dma_wait3A_184] : memref<2x32xi32, #tpu.memory_space<vmem>> -> memref<1x32xi32, #tpu.memory_space<vmem>>
      %dma_wait3A_186 = tpu.memref_squeeze %dma_wait3A_185 : memref<1x32xi32, #tpu.memory_space<vmem>> -> memref<32xi32, #tpu.memory_space<vmem>>
      %dma_wait3A_187 = tpu.memref_slice %arg3[%add3A_28] : memref<2048xi32, #tpu.memory_space<hbm>> -> memref<32xi32, #tpu.memory_space<hbm>>
      tpu.wait_dma2 semaphore(%run_scoped3A_171 : memref<!tpu.dma_semaphore, #tpu.memory_space<semaphore_mem>>) src(%dma_wait3A_187 : memref<32xi32, #tpu.memory_space<hbm>>) dst(%dma_wait3A_186 : memref<32xi32, #tpu.memory_space<vmem>>)
      tpu.yield
    }) : () -> ()
    %add3A_30 = arith.constant 32 : i32
    %add3A_31 = arith.addi %mul3A_2, %add3A_30 : i32
    %run_scoped3A_32 = arith.constant 1 : i32
    "tpu.region"() ({
      %run_scoped3A_171 = tpu.sem_alloc : memref<!tpu.dma_semaphore, #tpu.memory_space<semaphore_mem>>
      %dma_start3A_172 = arith.constant 0 : i32
      %dma_start3A_173 = tpu.memref_slice %arg9[%run_scoped3A_32, %dma_start3A_172] : memref<2x32xi32, #tpu.memory_space<vmem>> -> memref<1x32xi32, #tpu.memory_space<vmem>>
      %dma_start3A_174 = tpu.memref_squeeze %dma_start3A_173 : memref<1x32xi32, #tpu.memory_space<vmem>> -> memref<32xi32, #tpu.memory_space<vmem>>
      %dma_start3A_175 = tpu.memref_slice %arg4[%add3A_31] : memref<2048xi32, #tpu.memory_space<hbm>> -> memref<32xi32, #tpu.memory_space<hbm>>
      %dma_start3A_176 = arith.constant 0 : i32
      %dma_start3A_177 = tpu.memref_slice %arg9[%run_scoped3A_32, %dma_start3A_176] : memref<2x32xi32, #tpu.memory_space<vmem>> -> memref<1x32xi32, #tpu.memory_space<vmem>>
      %dma_start3A_178 = tpu.memref_squeeze %dma_start3A_177 : memref<1x32xi32, #tpu.memory_space<vmem>> -> memref<32xi32, #tpu.memory_space<vmem>>
      %dma_start3A_179 = tpu.memref_slice %arg4[%add3A_31] : memref<2048xi32, #tpu.memory_space<hbm>> -> memref<32xi32, #tpu.memory_space<hbm>>
      tpu.enqueue_dma source(%dma_start3A_179 : memref<32xi32, #tpu.memory_space<hbm>>) target(%dma_start3A_178 : memref<32xi32, #tpu.memory_space<vmem>>) target_semaphore(%run_scoped3A_171 : memref<!tpu.dma_semaphore, #tpu.memory_space<semaphore_mem>>)
      %dma_wait3A_180 = arith.constant 0 : i32
      %dma_wait3A_181 = tpu.memref_slice %arg9[%run_scoped3A_32, %dma_wait3A_180] : memref<2x32xi32, #tpu.memory_space<vmem>> -> memref<1x32xi32, #tpu.memory_space<vmem>>
      %dma_wait3A_182 = tpu.memref_squeeze %dma_wait3A_181 : memref<1x32xi32, #tpu.memory_space<vmem>> -> memref<32xi32, #tpu.memory_space<vmem>>
      %dma_wait3A_183 = tpu.memref_slice %arg4[%add3A_31] : memref<2048xi32, #tpu.memory_space<hbm>> -> memref<32xi32, #tpu.memory_space<hbm>>
      %dma_wait3A_184 = arith.constant 0 : i32
      %dma_wait3A_185 = tpu.memref_slice %arg9[%run_scoped3A_32, %dma_wait3A_184] : memref<2x32xi32, #tpu.memory_space<vmem>> -> memref<1x32xi32, #tpu.memory_space<vmem>>
      %dma_wait3A_186 = tpu.memref_squeeze %dma_wait3A_185 : memref<1x32xi32, #tpu.memory_space<vmem>> -> memref<32xi32, #tpu.memory_space<vmem>>
      %dma_wait3A_187 = tpu.memref_slice %arg4[%add3A_31] : memref<2048xi32, #tpu.memory_space<hbm>> -> memref<32xi32, #tpu.memory_space<hbm>>
      tpu.wait_dma2 semaphore(%run_scoped3A_171 : memref<!tpu.dma_semaphore, #tpu.memory_space<semaphore_mem>>) src(%dma_wait3A_187 : memref<32xi32, #tpu.memory_space<hbm>>) dst(%dma_wait3A_186 : memref<32xi32, #tpu.memory_space<vmem>>)
      tpu.yield
    }) : () -> ()
    %dma_start3A_33 = arith.constant 1 : i32
    %dma_start3A_34 = arith.constant 1 : i32
    %dma_start3A_35 = arith.constant 0 : i32
    %dma_start3A_36 = arith.constant 0 : i32
    %dma_start3A_37 = tpu.memref_slice %arg12[%dma_start3A_34, %dma_start3A_35, %dma_start3A_36] : memref<2x32x768xf32, #tpu.memory_space<vmem>> -> memref<1x32x768xf32, #tpu.memory_space<vmem>>
    %dma_start3A_38 = tpu.memref_squeeze %dma_start3A_37 : memref<1x32x768xf32, #tpu.memory_space<vmem>> -> memref<32x768xf32, #tpu.memory_space<vmem>>
    %dma_start3A_39 = arith.constant 0 : i32
    %dma_start3A_40 = tpu.memref_slice %arg8[%dma_start3A_33, %dma_start3A_39] : memref<2x32xi32, #tpu.memory_space<vmem>> -> memref<1x32xi32, #tpu.memory_space<vmem>>
    %dma_start3A_41 = tpu.memref_squeeze %dma_start3A_40 : memref<1x32xi32, #tpu.memory_space<vmem>> -> memref<32xi32, #tpu.memory_space<vmem>>
    %dma_start3A_42 = arith.constant 0 : i32
    %dma_start3A_43 = arith.constant 0 : i32
    %dma_start3A_44 = tpu.memref_slice %arg2[%dma_start3A_42, %dma_start3A_43] : memref<7680x768xf32, #tpu.memory_space<hbm>> -> memref<7680x768xf32, #tpu.memory_space<hbm>>
    tpu.enqueue_indirect_dma source(%dma_start3A_44 : memref<7680x768xf32, #tpu.memory_space<hbm>>) target(%dma_start3A_38 : memref<32x768xf32, #tpu.memory_space<vmem>>) offsets(%dma_start3A_41 : memref<32xi32, #tpu.memory_space<vmem>>) semaphore(%arg14 : memref<!tpu.dma_semaphore, #tpu.memory_space<semaphore_mem>>)
    %dma_start3A_45 = arith.constant 1 : i32
    %dma_start3A_46 = arith.constant 1 : i32
    %dma_start3A_47 = arith.constant 0 : i32
    %dma_start3A_48 = arith.constant 0 : i32
    %dma_start3A_49 = tpu.memref_slice %arg13[%dma_start3A_46, %dma_start3A_47, %dma_start3A_48] : memref<2x32x768xf32, #tpu.memory_space<vmem>> -> memref<1x32x768xf32, #tpu.memory_space<vmem>>
    %dma_start3A_50 = tpu.memref_squeeze %dma_start3A_49 : memref<1x32x768xf32, #tpu.memory_space<vmem>> -> memref<32x768xf32, #tpu.memory_space<vmem>>
    %dma_start3A_51 = arith.constant 0 : i32
    %dma_start3A_52 = tpu.memref_slice %arg9[%dma_start3A_45, %dma_start3A_51] : memref<2x32xi32, #tpu.memory_space<vmem>> -> memref<1x32xi32, #tpu.memory_space<vmem>>
    %dma_start3A_53 = tpu.memref_squeeze %dma_start3A_52 : memref<1x32xi32, #tpu.memory_space<vmem>> -> memref<32xi32, #tpu.memory_space<vmem>>
    %dma_start3A_54 = arith.constant 0 : i32
    %dma_start3A_55 = arith.constant 0 : i32
    %dma_start3A_56 = tpu.memref_slice %arg2[%dma_start3A_54, %dma_start3A_55] : memref<7680x768xf32, #tpu.memory_space<hbm>> -> memref<7680x768xf32, #tpu.memory_space<hbm>>
    tpu.enqueue_indirect_dma source(%dma_start3A_56 : memref<7680x768xf32, #tpu.memory_space<hbm>>) target(%dma_start3A_50 : memref<32x768xf32, #tpu.memory_space<vmem>>) offsets(%dma_start3A_53 : memref<32xi32, #tpu.memory_space<vmem>>) semaphore(%arg15 : memref<!tpu.dma_semaphore, #tpu.memory_space<semaphore_mem>>)
    "tpu.region"() ({
      %run_scoped3A_171 = tpu.sem_alloc : memref<!tpu.dma_semaphore, #tpu.memory_space<semaphore_mem>>
      %dma_start3A_172 = arith.constant 0 : i32
      %dma_start3A_173 = tpu.memref_slice %arg5[%mul3A_2, %dma_start3A_172] : memref<2048x16xf32, #tpu.memory_space<hbm>> -> memref<64x16xf32, #tpu.memory_space<hbm>>
      %dma_start3A_174 = arith.constant 0 : i32
      %dma_start3A_175 = tpu.memref_slice %arg5[%mul3A_2, %dma_start3A_174] : memref<2048x16xf32, #tpu.memory_space<hbm>> -> memref<64x16xf32, #tpu.memory_space<hbm>>
      tpu.enqueue_dma source(%dma_start3A_175 : memref<64x16xf32, #tpu.memory_space<hbm>>) target(%arg10 : memref<64x16xf32, #tpu.memory_space<vmem>>) target_semaphore(%run_scoped3A_171 : memref<!tpu.dma_semaphore, #tpu.memory_space<semaphore_mem>>)
      %dma_wait3A_176 = arith.constant 0 : i32
      %dma_wait3A_177 = tpu.memref_slice %arg5[%mul3A_2, %dma_wait3A_176] : memref<2048x16xf32, #tpu.memory_space<hbm>> -> memref<64x16xf32, #tpu.memory_space<hbm>>
      %dma_wait3A_178 = arith.constant 0 : i32
      %dma_wait3A_179 = tpu.memref_slice %arg5[%mul3A_2, %dma_wait3A_178] : memref<2048x16xf32, #tpu.memory_space<hbm>> -> memref<64x16xf32, #tpu.memory_space<hbm>>
      tpu.wait_dma2 semaphore(%run_scoped3A_171 : memref<!tpu.dma_semaphore, #tpu.memory_space<semaphore_mem>>) src(%dma_wait3A_179 : memref<64x16xf32, #tpu.memory_space<hbm>>) dst(%arg10 : memref<64x16xf32, #tpu.memory_space<vmem>>)
      tpu.yield
    }) : () -> ()
    "tpu.region"() ({
      %run_scoped3A_171 = tpu.sem_alloc : memref<!tpu.dma_semaphore, #tpu.memory_space<semaphore_mem>>
      %dma_start3A_172 = arith.constant 0 : i32
      %dma_start3A_173 = tpu.memref_slice %arg6[%mul3A_2, %dma_start3A_172] : memref<2048x16xf32, #tpu.memory_space<hbm>> -> memref<64x16xf32, #tpu.memory_space<hbm>>
      %dma_start3A_174 = arith.constant 0 : i32
      %dma_start3A_175 = tpu.memref_slice %arg6[%mul3A_2, %dma_start3A_174] : memref<2048x16xf32, #tpu.memory_space<hbm>> -> memref<64x16xf32, #tpu.memory_space<hbm>>
      tpu.enqueue_dma source(%dma_start3A_175 : memref<64x16xf32, #tpu.memory_space<hbm>>) target(%arg11 : memref<64x16xf32, #tpu.memory_space<vmem>>) target_semaphore(%run_scoped3A_171 : memref<!tpu.dma_semaphore, #tpu.memory_space<semaphore_mem>>)
      %dma_wait3A_176 = arith.constant 0 : i32
      %dma_wait3A_177 = tpu.memref_slice %arg6[%mul3A_2, %dma_wait3A_176] : memref<2048x16xf32, #tpu.memory_space<hbm>> -> memref<64x16xf32, #tpu.memory_space<hbm>>
      %dma_wait3A_178 = arith.constant 0 : i32
      %dma_wait3A_179 = tpu.memref_slice %arg6[%mul3A_2, %dma_wait3A_178] : memref<2048x16xf32, #tpu.memory_space<hbm>> -> memref<64x16xf32, #tpu.memory_space<hbm>>
      tpu.wait_dma2 semaphore(%run_scoped3A_171 : memref<!tpu.dma_semaphore, #tpu.memory_space<semaphore_mem>>) src(%dma_wait3A_179 : memref<64x16xf32, #tpu.memory_space<hbm>>) dst(%arg11 : memref<64x16xf32, #tpu.memory_space<vmem>>)
      tpu.yield
    }) : () -> ()
    %dma_wait3A = arith.constant 0 : i32
    %dma_wait3A_57 = arith.constant 0 : i32
    %dma_wait3A_58 = arith.constant 0 : i32
    %dma_wait3A_59 = arith.constant 0 : i32
    %dma_wait3A_60 = tpu.memref_slice %arg12[%dma_wait3A_57, %dma_wait3A_58, %dma_wait3A_59] : memref<2x32x768xf32, #tpu.memory_space<vmem>> -> memref<1x32x768xf32, #tpu.memory_space<vmem>>
    %dma_wait3A_61 = tpu.memref_squeeze %dma_wait3A_60 : memref<1x32x768xf32, #tpu.memory_space<vmem>> -> memref<32x768xf32, #tpu.memory_space<vmem>>
    %dma_wait3A_62 = arith.constant 0 : i32
    %dma_wait3A_63 = tpu.memref_slice %arg8[%dma_wait3A, %dma_wait3A_62] : memref<2x32xi32, #tpu.memory_space<vmem>> -> memref<1x32xi32, #tpu.memory_space<vmem>>
    %dma_wait3A_64 = tpu.memref_squeeze %dma_wait3A_63 : memref<1x32xi32, #tpu.memory_space<vmem>> -> memref<32xi32, #tpu.memory_space<vmem>>
    %dma_wait3A_65 = arith.constant 0 : i32
    %dma_wait3A_66 = arith.constant 0 : i32
    %dma_wait3A_67 = tpu.memref_slice %arg2[%dma_wait3A_65, %dma_wait3A_66] : memref<7680x768xf32, #tpu.memory_space<hbm>> -> memref<7680x768xf32, #tpu.memory_space<hbm>>
    tpu.wait_indirect_dma semaphore(%arg14 : memref<!tpu.dma_semaphore, #tpu.memory_space<semaphore_mem>>) src(%dma_wait3A_67 : memref<7680x768xf32, #tpu.memory_space<hbm>>) dst(%dma_wait3A_61 : memref<32x768xf32, #tpu.memory_space<vmem>>)
    %dma_wait3A_68 = arith.constant 0 : i32
    %dma_wait3A_69 = arith.constant 0 : i32
    %dma_wait3A_70 = arith.constant 0 : i32
    %dma_wait3A_71 = arith.constant 0 : i32
    %dma_wait3A_72 = tpu.memref_slice %arg13[%dma_wait3A_69, %dma_wait3A_70, %dma_wait3A_71] : memref<2x32x768xf32, #tpu.memory_space<vmem>> -> memref<1x32x768xf32, #tpu.memory_space<vmem>>
    %dma_wait3A_73 = tpu.memref_squeeze %dma_wait3A_72 : memref<1x32x768xf32, #tpu.memory_space<vmem>> -> memref<32x768xf32, #tpu.memory_space<vmem>>
    %dma_wait3A_74 = arith.constant 0 : i32
    %dma_wait3A_75 = tpu.memref_slice %arg9[%dma_wait3A_68, %dma_wait3A_74] : memref<2x32xi32, #tpu.memory_space<vmem>> -> memref<1x32xi32, #tpu.memory_space<vmem>>
    %dma_wait3A_76 = tpu.memref_squeeze %dma_wait3A_75 : memref<1x32xi32, #tpu.memory_space<vmem>> -> memref<32xi32, #tpu.memory_space<vmem>>
    %dma_wait3A_77 = arith.constant 0 : i32
    %dma_wait3A_78 = arith.constant 0 : i32
    %dma_wait3A_79 = tpu.memref_slice %arg2[%dma_wait3A_77, %dma_wait3A_78] : memref<7680x768xf32, #tpu.memory_space<hbm>> -> memref<7680x768xf32, #tpu.memory_space<hbm>>
    tpu.wait_indirect_dma semaphore(%arg15 : memref<!tpu.dma_semaphore, #tpu.memory_space<semaphore_mem>>) src(%dma_wait3A_79 : memref<7680x768xf32, #tpu.memory_space<hbm>>) dst(%dma_wait3A_73 : memref<32x768xf32, #tpu.memory_space<vmem>>)
    %scan3A = arith.constant 0 : i32
    %scan3A_80 = arith.constant 0 : i32
    %scan3A_81 = arith.constant 32 : i32
    %scan3A_82 = arith.addi %scan3A_80, %scan3A_81 : i32
    %scan3A_83 = arith.constant 1 : i32
    scf.for %scan3A_171 = %scan3A_80 to %scan3A_82 step %scan3A_83  : i32 {
      %add3A_172 = arith.constant 0 : i32
      %add3A_173 = arith.addi %add3A_172, %scan3A_171 : i32
      %get3A = arith.index_cast %add3A_173 : i32 to index
      %get3A_174 = arith.constant 0 : index
      %get3A_175 = tpu.vector_load %arg10[%get3A, %get3A_174] {strides = array<i32>} : memref<64x16xf32, #tpu.memory_space<vmem>>, vector<1x16xf32>,
      %get3A_176 = vector.shape_cast %get3A_175 : vector<1x16xf32> to vector<16xf32>
      %add3A_177 = arith.constant 0 : i32
      %add3A_178 = arith.addi %add3A_177, %scan3A_171 : i32
      %get3A_179 = arith.index_cast %add3A_178 : i32 to index
      %get3A_180 = arith.constant 0 : index
      %get3A_181 = tpu.vector_load %arg11[%get3A_179, %get3A_180] {strides = array<i32>} : memref<64x16xf32, #tpu.memory_space<vmem>>, vector<1x16xf32>,
      %get3A_182 = vector.shape_cast %get3A_181 : vector<1x16xf32> to vector<16xf32>
      %get3A_183 = arith.constant 0 : i32
      %get3A_184 = arith.index_cast %get3A_183 : i32 to index
      %get3A_185 = arith.index_cast %scan3A_171 : i32 to index
      %get3A_186 = arith.constant 0 : index
      %get3A_187 = tpu.vector_load %arg12[%get3A_184, %get3A_185, %get3A_186] {strides = array<i32>} : memref<2x32x768xf32, #tpu.memory_space<vmem>>, vector<1x1x16xf32>,
      %get3A_188 = vector.shape_cast %get3A_187 : vector<1x1x16xf32> to vector<16xf32>
      %mul3A_189 = arith.mulf %get3A_188, %get3A_176 : vector<16xf32>
      %get3A_190 = arith.constant 0 : i32
      %get3A_191 = arith.index_cast %get3A_190 : i32 to index
      %get3A_192 = arith.index_cast %scan3A_171 : i32 to index
      %get3A_193 = arith.constant 0 : index
      %get3A_194 = tpu.vector_load %arg13[%get3A_191, %get3A_192, %get3A_193] {strides = array<i32>} : memref<2x32x768xf32, #tpu.memory_space<vmem>>, vector<1x1x16xf32>,
      %get3A_195 = vector.shape_cast %get3A_194 : vector<1x1x16xf32> to vector<16xf32>
      %mul3A_196 = arith.mulf %get3A_195, %get3A_182 : vector<16xf32>
      %add3A_197 = arith.addf %mul3A_189, %mul3A_196 : vector<16xf32>
      %swap3A = arith.constant 0 : i32
      %swap3A_198 = arith.index_cast %swap3A : i32 to index
      %swap3A_199 = arith.index_cast %scan3A_171 : i32 to index
      %swap3A_200 = arith.constant 0 : index
      %swap3A_201 = tpu.vector_load %arg12[%swap3A_198, %swap3A_199, %swap3A_200] {strides = array<i32>} : memref<2x32x768xf32, #tpu.memory_space<vmem>>, vector<1x1x16xf32>,
      %swap3A_202 = vector.shape_cast %swap3A_201 : vector<1x1x16xf32> to vector<16xf32>
      %swap3A_203 = vector.shape_cast %add3A_197 : vector<16xf32> to vector<1x1x16xf32>
      tpu.vector_store %arg12[%swap3A_198, %swap3A_199, %swap3A_200], %swap3A_203 {strides = array<i32>} : memref<2x32x768xf32, #tpu.memory_space<vmem>>, vector<1x1x16xf32>,
      %get3A_204 = arith.constant 0 : i32
      %get3A_205 = arith.index_cast %get3A_204 : i32 to index
      %get3A_206 = arith.index_cast %scan3A_171 : i32 to index
      %get3A_207 = arith.constant 16 : index
      %get3A_208 = tpu.vector_load %arg12[%get3A_205, %get3A_206, %get3A_207] {strides = array<i32>} : memref<2x32x768xf32, #tpu.memory_space<vmem>>, vector<1x1x16xf32>,
      %get3A_209 = vector.shape_cast %get3A_208 : vector<1x1x16xf32> to vector<16xf32>
      %mul3A_210 = arith.mulf %get3A_209, %get3A_176 : vector<16xf32>
      %get3A_211 = arith.constant 0 : i32
      %get3A_212 = arith.index_cast %get3A_211 : i32 to index
      %get3A_213 = arith.index_cast %scan3A_171 : i32 to index
      %get3A_214 = arith.constant 16 : index
      %get3A_215 = tpu.vector_load %arg13[%get3A_212, %get3A_213, %get3A_214] {strides = array<i32>} : memref<2x32x768xf32, #tpu.memory_space<vmem>>, vector<1x1x16xf32>,
      %get3A_216 = vector.shape_cast %get3A_215 : vector<1x1x16xf32> to vector<16xf32>
      %mul3A_217 = arith.mulf %get3A_216, %get3A_182 : vector<16xf32>
      %add3A_218 = arith.addf %mul3A_210, %mul3A_217 : vector<16xf32>
      %swap3A_219 = arith.constant 0 : i32
      %swap3A_220 = arith.index_cast %swap3A_219 : i32 to index
      %swap3A_221 = arith.index_cast %scan3A_171 : i32 to index
      %swap3A_222 = arith.constant 16 : index
      %swap3A_223 = tpu.vector_load %arg12[%swap3A_220, %swap3A_221, %swap3A_222] {strides = array<i32>} : memref<2x32x768xf32, #tpu.memory_space<vmem>>, vector<1x1x16xf32>,
      %swap3A_224 = vector.shape_cast %swap3A_223 : vector<1x1x16xf32> to vector<16xf32>
      %swap3A_225 = vector.shape_cast %add3A_218 : vector<16xf32> to vector<1x1x16xf32>
      tpu.vector_store %arg12[%swap3A_220, %swap3A_221, %swap3A_222], %swap3A_225 {strides = array<i32>} : memref<2x32x768xf32, #tpu.memory_space<vmem>>, vector<1x1x16xf32>,
      %get3A_226 = arith.constant 0 : i32
      %get3A_227 = arith.index_cast %get3A_226 : i32 to index
      %get3A_228 = arith.index_cast %scan3A_171 : i32 to index
      %get3A_229 = arith.constant 32 : index
      %get3A_230 = tpu.vector_load %arg12[%get3A_227, %get3A_228, %get3A_229] {strides = array<i32>} : memref<2x32x768xf32, #tpu.memory_space<vmem>>, vector<1x1x16xf32>,
      %get3A_231 = vector.shape_cast %get3A_230 : vector<1x1x16xf32> to vector<16xf32>
      %mul3A_232 = arith.mulf %get3A_231, %get3A_176 : vector<16xf32>
      %get3A_233 = arith.constant 0 : i32
      %get3A_234 = arith.index_cast %get3A_233 : i32 to index
      %get3A_235 = arith.index_cast %scan3A_171 : i32 to index
      %get3A_236 = arith.constant 32 : index
      %get3A_237 = tpu.vector_load %arg13[%get3A_234, %get3A_235, %get3A_236] {strides = array<i32>} : memref<2x32x768xf32, #tpu.memory_space<vmem>>, vector<1x1x16xf32>,
      %get3A_238 = vector.shape_cast %get3A_237 : vector<1x1x16xf32> to vector<16xf32>
      %mul3A_239 = arith.mulf %get3A_238, %get3A_182 : vector<16xf32>
      %add3A_240 = arith.addf %mul3A_232, %mul3A_239 : vector<16xf32>
      %swap3A_241 = arith.constant 0 : i32
      %swap3A_242 = arith.index_cast %swap3A_241 : i32 to index
      %swap3A_243 = arith.index_cast %scan3A_171 : i32 to index
      %swap3A_244 = arith.constant 32 : index
      %swap3A_245 = tpu.vector_load %arg12[%swap3A_242, %swap3A_243, %swap3A_244] {strides = array<i32>} : memref<2x32x768xf32, #tpu.memory_space<vmem>>, vector<1x1x16xf32>,
      %swap3A_246 = vector.shape_cast %swap3A_245 : vector<1x1x16xf32> to vector<16xf32>
      %swap3A_247 = vector.shape_cast %add3A_240 : vector<16xf32> to vector<1x1x16xf32>
      tpu.vector_store %arg12[%swap3A_242, %swap3A_243, %swap3A_244], %swap3A_247 {strides = array<i32>} : memref<2x32x768xf32, #tpu.memory_space<vmem>>, vector<1x1x16xf32>,
      %get3A_248 = arith.constant 0 : i32
      %get3A_249 = arith.index_cast %get3A_248 : i32 to index
      %get3A_250 = arith.index_cast %scan3A_171 : i32 to index
      %get3A_251 = arith.constant 48 : index
      %get3A_252 = tpu.vector_load %arg12[%get3A_249, %get3A_250, %get3A_251] {strides = array<i32>} : memref<2x32x768xf32, #tpu.memory_space<vmem>>, vector<1x1x16xf32>,
      %get3A_253 = vector.shape_cast %get3A_252 : vector<1x1x16xf32> to vector<16xf32>
      %mul3A_254 = arith.mulf %get3A_253, %get3A_176 : vector<16xf32>
      %get3A_255 = arith.constant 0 : i32
      %get3A_256 = arith.index_cast %get3A_255 : i32 to index
      %get3A_257 = arith.index_cast %scan3A_171 : i32 to index
      %get3A_258 = arith.constant 48 : index
      %get3A_259 = tpu.vector_load %arg13[%get3A_256, %get3A_257, %get3A_258] {strides = array<i32>} : memref<2x32x768xf32, #tpu.memory_space<vmem>>, vector<1x1x16xf32>,
      %get3A_260 = vector.shape_cast %get3A_259 : vector<1x1x16xf32> to vector<16xf32>
      %mul3A_261 = arith.mulf %get3A_260, %get3A_182 : vector<16xf32>
      %add3A_262 = arith.addf %mul3A_254, %mul3A_261 : vector<16xf32>
      %swap3A_263 = arith.constant 0 : i32
      %swap3A_264 = arith.index_cast %swap3A_263 : i32 to index
      %swap3A_265 = arith.index_cast %scan3A_171 : i32 to index
      %swap3A_266 = arith.constant 48 : index
      %swap3A_267 = tpu.vector_load %arg12[%swap3A_264, %swap3A_265, %swap3A_266] {strides = array<i32>} : memref<2x32x768xf32, #tpu.memory_space<vmem>>, vector<1x1x16xf32>,
      %swap3A_268 = vector.shape_cast %swap3A_267 : vector<1x1x16xf32> to vector<16xf32>
      %swap3A_269 = vector.shape_cast %add3A_262 : vector<16xf32> to vector<1x1x16xf32>
      tpu.vector_store %arg12[%swap3A_264, %swap3A_265, %swap3A_266], %swap3A_269 {strides = array<i32>} : memref<2x32x768xf32, #tpu.memory_space<vmem>>, vector<1x1x16xf32>,
      %get3A_270 = arith.constant 0 : i32
      %get3A_271 = arith.index_cast %get3A_270 : i32 to index
      %get3A_272 = arith.index_cast %scan3A_171 : i32 to index
      %get3A_273 = arith.constant 64 : index
      %get3A_274 = tpu.vector_load %arg12[%get3A_271, %get3A_272, %get3A_273] {strides = array<i32>} : memref<2x32x768xf32, #tpu.memory_space<vmem>>, vector<1x1x16xf32>,
      %get3A_275 = vector.shape_cast %get3A_274 : vector<1x1x16xf32> to vector<16xf32>
      %mul3A_276 = arith.mulf %get3A_275, %get3A_176 : vector<16xf32>
      %get3A_277 = arith.constant 0 : i32
      %get3A_278 = arith.index_cast %get3A_277 : i32 to index
      %get3A_279 = arith.index_cast %scan3A_171 : i32 to index
      %get3A_280 = arith.constant 64 : index
      %get3A_281 = tpu.vector_load %arg13[%get3A_278, %get3A_279, %get3A_280] {strides = array<i32>} : memref<2x32x768xf32, #tpu.memory_space<vmem>>, vector<1x1x16xf32>,
      %get3A_282 = vector.shape_cast %get3A_281 : vector<1x1x16xf32> to vector<16xf32>
      %mul3A_283 = arith.mulf %get3A_282, %get3A_182 : vector<16xf32>
      %add3A_284 = arith.addf %mul3A_276, %mul3A_283 : vector<16xf32>
      %swap3A_285 = arith.constant 0 : i32
      %swap3A_286 = arith.index_cast %swap3A_285 : i32 to index
      %swap3A_287 = arith.index_cast %scan3A_171 : i32 to index
      %swap3A_288 = arith.constant 64 : index
      %swap3A_289 = tpu.vector_load %arg12[%swap3A_286, %swap3A_287, %swap3A_288] {strides = array<i32>} : memref<2x32x768xf32, #tpu.memory_space<vmem>>, vector<1x1x16xf32>,
      %swap3A_290 = vector.shape_cast %swap3A_289 : vector<1x1x16xf32> to vector<16xf32>
      %swap3A_291 = vector.shape_cast %add3A_284 : vector<16xf32> to vector<1x1x16xf32>
      tpu.vector_store %arg12[%swap3A_286, %swap3A_287, %swap3A_288], %swap3A_291 {strides = array<i32>} : memref<2x32x768xf32, #tpu.memory_space<vmem>>, vector<1x1x16xf32>,
      %get3A_292 = arith.constant 0 : i32
      %get3A_293 = arith.index_cast %get3A_292 : i32 to index
      %get3A_294 = arith.index_cast %scan3A_171 : i32 to index
      %get3A_295 = arith.constant 80 : index
      %get3A_296 = tpu.vector_load %arg12[%get3A_293, %get3A_294, %get3A_295] {strides = array<i32>} : memref<2x32x768xf32, #tpu.memory_space<vmem>>, vector<1x1x16xf32>,
      %get3A_297 = vector.shape_cast %get3A_296 : vector<1x1x16xf32> to vector<16xf32>
      %mul3A_298 = arith.mulf %get3A_297, %get3A_176 : vector<16xf32>
      %get3A_299 = arith.constant 0 : i32
      %get3A_300 = arith.index_cast %get3A_299 : i32 to index
      %get3A_301 = arith.index_cast %scan3A_171 : i32 to index
      %get3A_302 = arith.constant 80 : index
      %get3A_303 = tpu.vector_load %arg13[%get3A_300, %get3A_301, %get3A_302] {strides = array<i32>} : memref<2x32x768xf32, #tpu.memory_space<vmem>>, vector<1x1x16xf32>,
      %get3A_304 = vector.shape_cast %get3A_303 : vector<1x1x16xf32> to vector<16xf32>
      %mul3A_305 = arith.mulf %get3A_304, %get3A_182 : vector<16xf32>
      %add3A_306 = arith.addf %mul3A_298, %mul3A_305 : vector<16xf32>
      %swap3A_307 = arith.constant 0 : i32
      %swap3A_308 = arith.index_cast %swap3A_307 : i32 to index
      %swap3A_309 = arith.index_cast %scan3A_171 : i32 to index
      %swap3A_310 = arith.constant 80 : index
      %swap3A_311 = tpu.vector_load %arg12[%swap3A_308, %swap3A_309, %swap3A_310] {strides = array<i32>} : memref<2x32x768xf32, #tpu.memory_space<vmem>>, vector<1x1x16xf32>,
      %swap3A_312 = vector.shape_cast %swap3A_311 : vector<1x1x16xf32> to vector<16xf32>
      %swap3A_313 = vector.shape_cast %add3A_306 : vector<16xf32> to vector<1x1x16xf32>
      tpu.vector_store %arg12[%swap3A_308, %swap3A_309, %swap3A_310], %swap3A_313 {strides = array<i32>} : memref<2x32x768xf32, #tpu.memory_space<vmem>>, vector<1x1x16xf32>,
      %get3A_314 = arith.constant 0 : i32
      %get3A_315 = arith.index_cast %get3A_314 : i32 to index
      %get3A_316 = arith.index_cast %scan3A_171 : i32 to index
      %get3A_317 = arith.constant 96 : index
      %get3A_318 = tpu.vector_load %arg12[%get3A_315, %get3A_316, %get3A_317] {strides = array<i32>} : memref<2x32x768xf32, #tpu.memory_space<vmem>>, vector<1x1x16xf32>,
      %get3A_319 = vector.shape_cast %get3A_318 : vector<1x1x16xf32> to vector<16xf32>
      %mul3A_320 = arith.mulf %get3A_319, %get3A_176 : vector<16xf32>
      %get3A_321 = arith.constant 0 : i32
      %get3A_322 = arith.index_cast %get3A_321 : i32 to index
      %get3A_323 = arith.index_cast %scan3A_171 : i32 to index
      %get3A_324 = arith.constant 96 : index
      %get3A_325 = tpu.vector_load %arg13[%get3A_322, %get3A_323, %get3A_324] {strides = array<i32>} : memref<2x32x768xf32, #tpu.memory_space<vmem>>, vector<1x1x16xf32>,
      %get3A_326 = vector.shape_cast %get3A_325 : vector<1x1x16xf32> to vector<16xf32>
      %mul3A_327 = arith.mulf %get3A_326, %get3A_182 : vector<16xf32>
      %add3A_328 = arith.addf %mul3A_320, %mul3A_327 : vector<16xf32>
      %swap3A_329 = arith.constant 0 : i32
      %swap3A_330 = arith.index_cast %swap3A_329 : i32 to index
      %swap3A_331 = arith.index_cast %scan3A_171 : i32 to index
      %swap3A_332 = arith.constant 96 : index
      %swap3A_333 = tpu.vector_load %arg12[%swap3A_330, %swap3A_331, %swap3A_332] {strides = array<i32>} : memref<2x32x768xf32, #tpu.memory_space<vmem>>, vector<1x1x16xf32>,
      %swap3A_334 = vector.shape_cast %swap3A_333 : vector<1x1x16xf32> to vector<16xf32>
      %swap3A_335 = vector.shape_cast %add3A_328 : vector<16xf32> to vector<1x1x16xf32>
      tpu.vector_store %arg12[%swap3A_330, %swap3A_331, %swap3A_332], %swap3A_335 {strides = array<i32>} : memref<2x32x768xf32, #tpu.memory_space<vmem>>, vector<1x1x16xf32>,
      %get3A_336 = arith.constant 0 : i32
      %get3A_337 = arith.index_cast %get3A_336 : i32 to index
      %get3A_338 = arith.index_cast %scan3A_171 : i32 to index
      %get3A_339 = arith.constant 112 : index
      %get3A_340 = tpu.vector_load %arg12[%get3A_337, %get3A_338, %get3A_339] {strides = array<i32>} : memref<2x32x768xf32, #tpu.memory_space<vmem>>, vector<1x1x16xf32>,
      %get3A_341 = vector.shape_cast %get3A_340 : vector<1x1x16xf32> to vector<16xf32>
      %mul3A_342 = arith.mulf %get3A_341, %get3A_176 : vector<16xf32>
      %get3A_343 = arith.constant 0 : i32
      %get3A_344 = arith.index_cast %get3A_343 : i32 to index
      %get3A_345 = arith.index_cast %scan3A_171 : i32 to index
      %get3A_346 = arith.constant 112 : index
      %get3A_347 = tpu.vector_load %arg13[%get3A_344, %get3A_345, %get3A_346] {strides = array<i32>} : memref<2x32x768xf32, #tpu.memory_space<vmem>>, vector<1x1x16xf32>,
      %get3A_348 = vector.shape_cast %get3A_347 : vector<1x1x16xf32> to vector<16xf32>
      %mul3A_349 = arith.mulf %get3A_348, %get3A_182 : vector<16xf32>
      %add3A_350 = arith.addf %mul3A_342, %mul3A_349 : vector<16xf32>
      %swap3A_351 = arith.constant 0 : i32
      %swap3A_352 = arith.index_cast %swap3A_351 : i32 to index
      %swap3A_353 = arith.index_cast %scan3A_171 : i32 to index
      %swap3A_354 = arith.constant 112 : index
      %swap3A_355 = tpu.vector_load %arg12[%swap3A_352, %swap3A_353, %swap3A_354] {strides = array<i32>} : memref<2x32x768xf32, #tpu.memory_space<vmem>>, vector<1x1x16xf32>,
      %swap3A_356 = vector.shape_cast %swap3A_355 : vector<1x1x16xf32> to vector<16xf32>
      %swap3A_357 = vector.shape_cast %add3A_350 : vector<16xf32> to vector<1x1x16xf32>
      tpu.vector_store %arg12[%swap3A_352, %swap3A_353, %swap3A_354], %swap3A_357 {strides = array<i32>} : memref<2x32x768xf32, #tpu.memory_space<vmem>>, vector<1x1x16xf32>,
      %get3A_358 = arith.constant 0 : i32
      %get3A_359 = arith.index_cast %get3A_358 : i32 to index
      %get3A_360 = arith.index_cast %scan3A_171 : i32 to index
      %get3A_361 = arith.constant 128 : index
      %get3A_362 = tpu.vector_load %arg12[%get3A_359, %get3A_360, %get3A_361] {strides = array<i32>} : memref<2x32x768xf32, #tpu.memory_space<vmem>>, vector<1x1x16xf32>,
      %get3A_363 = vector.shape_cast %get3A_362 : vector<1x1x16xf32> to vector<16xf32>
      %mul3A_364 = arith.mulf %get3A_363, %get3A_176 : vector<16xf32>
      %get3A_365 = arith.constant 0 : i32
      %get3A_366 = arith.index_cast %get3A_365 : i32 to index
      %get3A_367 = arith.index_cast %scan3A_171 : i32 to index
      %get3A_368 = arith.constant 128 : index
      %get3A_369 = tpu.vector_load %arg13[%get3A_366, %get3A_367, %get3A_368] {strides = array<i32>} : memref<2x32x768xf32, #tpu.memory_space<vmem>>, vector<1x1x16xf32>,
      %get3A_370 = vector.shape_cast %get3A_369 : vector<1x1x16xf32> to vector<16xf32>
      %mul3A_371 = arith.mulf %get3A_370, %get3A_182 : vector<16xf32>
      %add3A_372 = arith.addf %mul3A_364, %mul3A_371 : vector<16xf32>
      %swap3A_373 = arith.constant 0 : i32
      %swap3A_374 = arith.index_cast %swap3A_373 : i32 to index
      %swap3A_375 = arith.index_cast %scan3A_171 : i32 to index
      %swap3A_376 = arith.constant 128 : index
      %swap3A_377 = tpu.vector_load %arg12[%swap3A_374, %swap3A_375, %swap3A_376] {strides = array<i32>} : memref<2x32x768xf32, #tpu.memory_space<vmem>>, vector<1x1x16xf32>,
      %swap3A_378 = vector.shape_cast %swap3A_377 : vector<1x1x16xf32> to vector<16xf32>
      %swap3A_379 = vector.shape_cast %add3A_372 : vector<16xf32> to vector<1x1x16xf32>
      tpu.vector_store %arg12[%swap3A_374, %swap3A_375, %swap3A_376], %swap3A_379 {strides = array<i32>} : memref<2x32x768xf32, #tpu.memory_space<vmem>>, vector<1x1x16xf32>,
      %get3A_380 = arith.constant 0 : i32
      %get3A_381 = arith.index_cast %get3A_380 : i32 to index
      %get3A_382 = arith.index_cast %scan3A_171 : i32 to index
      %get3A_383 = arith.constant 144 : index
      %get3A_384 = tpu.vector_load %arg12[%get3A_381, %get3A_382, %get3A_383] {strides = array<i32>} : memref<2x32x768xf32, #tpu.memory_space<vmem>>, vector<1x1x16xf32>,
      %get3A_385 = vector.shape_cast %get3A_384 : vector<1x1x16xf32> to vector<16xf32>
      %mul3A_386 = arith.mulf %get3A_385, %get3A_176 : vector<16xf32>
      %get3A_387 = arith.constant 0 : i32
      %get3A_388 = arith.index_cast %get3A_387 : i32 to index
      %get3A_389 = arith.index_cast %scan3A_171 : i32 to index
      %get3A_390 = arith.constant 144 : index
      %get3A_391 = tpu.vector_load %arg13[%get3A_388, %get3A_389, %get3A_390] {strides = array<i32>} : memref<2x32x768xf32, #tpu.memory_space<vmem>>, vector<1x1x16xf32>,
      %get3A_392 = vector.shape_cast %get3A_391 : vector<1x1x16xf32> to vector<16xf32>
      %mul3A_393 = arith.mulf %get3A_392, %get3A_182 : vector<16xf32>
      %add3A_394 = arith.addf %mul3A_386, %mul3A_393 : vector<16xf32>
      %swap3A_395 = arith.constant 0 : i32
      %swap3A_396 = arith.index_cast %swap3A_395 : i32 to index
      %swap3A_397 = arith.index_cast %scan3A_171 : i32 to index
      %swap3A_398 = arith.constant 144 : index
      %swap3A_399 = tpu.vector_load %arg12[%swap3A_396, %swap3A_397, %swap3A_398] {strides = array<i32>} : memref<2x32x768xf32, #tpu.memory_space<vmem>>, vector<1x1x16xf32>,
      %swap3A_400 = vector.shape_cast %swap3A_399 : vector<1x1x16xf32> to vector<16xf32>
      %swap3A_401 = vector.shape_cast %add3A_394 : vector<16xf32> to vector<1x1x16xf32>
      tpu.vector_store %arg12[%swap3A_396, %swap3A_397, %swap3A_398], %swap3A_401 {strides = array<i32>} : memref<2x32x768xf32, #tpu.memory_space<vmem>>, vector<1x1x16xf32>,
      %get3A_402 = arith.constant 0 : i32
      %get3A_403 = arith.index_cast %get3A_402 : i32 to index
      %get3A_404 = arith.index_cast %scan3A_171 : i32 to index
      %get3A_405 = arith.constant 160 : index
      %get3A_406 = tpu.vector_load %arg12[%get3A_403, %get3A_404, %get3A_405] {strides = array<i32>} : memref<2x32x768xf32, #tpu.memory_space<vmem>>, vector<1x1x16xf32>,
      %get3A_407 = vector.shape_cast %get3A_406 : vector<1x1x16xf32> to vector<16xf32>
      %mul3A_408 = arith.mulf %get3A_407, %get3A_176 : vector<16xf32>
      %get3A_409 = arith.constant 0 : i32
      %get3A_410 = arith.index_cast %get3A_409 : i32 to index
      %get3A_411 = arith.index_cast %scan3A_171 : i32 to index
      %get3A_412 = arith.constant 160 : index
      %get3A_413 = tpu.vector_load %arg13[%get3A_410, %get3A_411, %get3A_412] {strides = array<i32>} : memref<2x32x768xf32, #tpu.memory_space<vmem>>, vector<1x1x16xf32>,
      %get3A_414 = vector.shape_cast %get3A_413 : vector<1x1x16xf32> to vector<16xf32>
      %mul3A_415 = arith.mulf %get3A_414, %get3A_182 : vector<16xf32>
      %add3A_416 = arith.addf %mul3A_408, %mul3A_415 : vector<16xf32>
      %swap3A_417 = arith.constant 0 : i32
      %swap3A_418 = arith.index_cast %swap3A_417 : i32 to index
      %swap3A_419 = arith.index_cast %scan3A_171 : i32 to index
      %swap3A_420 = arith.constant 160 : index
      %swap3A_421 = tpu.vector_load %arg12[%swap3A_418, %swap3A_419, %swap3A_420] {strides = array<i32>} : memref<2x32x768xf32, #tpu.memory_space<vmem>>, vector<1x1x16xf32>,
      %swap3A_422 = vector.shape_cast %swap3A_421 : vector<1x1x16xf32> to vector<16xf32>
      %swap3A_423 = vector.shape_cast %add3A_416 : vector<16xf32> to vector<1x1x16xf32>
      tpu.vector_store %arg12[%swap3A_418, %swap3A_419, %swap3A_420], %swap3A_423 {strides = array<i32>} : memref<2x32x768xf32, #tpu.memory_space<vmem>>, vector<1x1x16xf32>,
      %get3A_424 = arith.constant 0 : i32
      %get3A_425 = arith.index_cast %get3A_424 : i32 to index
      %get3A_426 = arith.index_cast %scan3A_171 : i32 to index
      %get3A_427 = arith.constant 176 : index
      %get3A_428 = tpu.vector_load %arg12[%get3A_425, %get3A_426, %get3A_427] {strides = array<i32>} : memref<2x32x768xf32, #tpu.memory_space<vmem>>, vector<1x1x16xf32>,
      %get3A_429 = vector.shape_cast %get3A_428 : vector<1x1x16xf32> to vector<16xf32>
      %mul3A_430 = arith.mulf %get3A_429, %get3A_176 : vector<16xf32>
      %get3A_431 = arith.constant 0 : i32
      %get3A_432 = arith.index_cast %get3A_431 : i32 to index
      %get3A_433 = arith.index_cast %scan3A_171 : i32 to index
      %get3A_434 = arith.constant 176 : index
      %get3A_435 = tpu.vector_load %arg13[%get3A_432, %get3A_433, %get3A_434] {strides = array<i32>} : memref<2x32x768xf32, #tpu.memory_space<vmem>>, vector<1x1x16xf32>,
      %get3A_436 = vector.shape_cast %get3A_435 : vector<1x1x16xf32> to vector<16xf32>
      %mul3A_437 = arith.mulf %get3A_436, %get3A_182 : vector<16xf32>
      %add3A_438 = arith.addf %mul3A_430, %mul3A_437 : vector<16xf32>
      %swap3A_439 = arith.constant 0 : i32
      %swap3A_440 = arith.index_cast %swap3A_439 : i32 to index
      %swap3A_441 = arith.index_cast %scan3A_171 : i32 to index
      %swap3A_442 = arith.constant 176 : index
      %swap3A_443 = tpu.vector_load %arg12[%swap3A_440, %swap3A_441, %swap3A_442] {strides = array<i32>} : memref<2x32x768xf32, #tpu.memory_space<vmem>>, vector<1x1x16xf32>,
      %swap3A_444 = vector.shape_cast %swap3A_443 : vector<1x1x16xf32> to vector<16xf32>
      %swap3A_445 = vector.shape_cast %add3A_438 : vector<16xf32> to vector<1x1x16xf32>
      tpu.vector_store %arg12[%swap3A_440, %swap3A_441, %swap3A_442], %swap3A_445 {strides = array<i32>} : memref<2x32x768xf32, #tpu.memory_space<vmem>>, vector<1x1x16xf32>,
      %get3A_446 = arith.constant 0 : i32
      %get3A_447 = arith.index_cast %get3A_446 : i32 to index
      %get3A_448 = arith.index_cast %scan3A_171 : i32 to index
      %get3A_449 = arith.constant 192 : index
      %get3A_450 = tpu.vector_load %arg12[%get3A_447, %get3A_448, %get3A_449] {strides = array<i32>} : memref<2x32x768xf32, #tpu.memory_space<vmem>>, vector<1x1x16xf32>,
      %get3A_451 = vector.shape_cast %get3A_450 : vector<1x1x16xf32> to vector<16xf32>
      %mul3A_452 = arith.mulf %get3A_451, %get3A_176 : vector<16xf32>
      %get3A_453 = arith.constant 0 : i32
      %get3A_454 = arith.index_cast %get3A_453 : i32 to index
      %get3A_455 = arith.index_cast %scan3A_171 : i32 to index
      %get3A_456 = arith.constant 192 : index
      %get3A_457 = tpu.vector_load %arg13[%get3A_454, %get3A_455, %get3A_456] {strides = array<i32>} : memref<2x32x768xf32, #tpu.memory_space<vmem>>, vector<1x1x16xf32>,
      %get3A_458 = vector.shape_cast %get3A_457 : vector<1x1x16xf32> to vector<16xf32>
      %mul3A_459 = arith.mulf %get3A_458, %get3A_182 : vector<16xf32>
      %add3A_460 = arith.addf %mul3A_452, %mul3A_459 : vector<16xf32>
      %swap3A_461 = arith.constant 0 : i32
      %swap3A_462 = arith.index_cast %swap3A_461 : i32 to index
      %swap3A_463 = arith.index_cast %scan3A_171 : i32 to index
      %swap3A_464 = arith.constant 192 : index
      %swap3A_465 = tpu.vector_load %arg12[%swap3A_462, %swap3A_463, %swap3A_464] {strides = array<i32>} : memref<2x32x768xf32, #tpu.memory_space<vmem>>, vector<1x1x16xf32>,
      %swap3A_466 = vector.shape_cast %swap3A_465 : vector<1x1x16xf32> to vector<16xf32>
      %swap3A_467 = vector.shape_cast %add3A_460 : vector<16xf32> to vector<1x1x16xf32>
      tpu.vector_store %arg12[%swap3A_462, %swap3A_463, %swap3A_464], %swap3A_467 {strides = array<i32>} : memref<2x32x768xf32, #tpu.memory_space<vmem>>, vector<1x1x16xf32>,
      %get3A_468 = arith.constant 0 : i32
      %get3A_469 = arith.index_cast %get3A_468 : i32 to index
      %get3A_470 = arith.index_cast %scan3A_171 : i32 to index
      %get3A_471 = arith.constant 208 : index
      %get3A_472 = tpu.vector_load %arg12[%get3A_469, %get3A_470, %get3A_471] {strides = array<i32>} : memref<2x32x768xf32, #tpu.memory_space<vmem>>, vector<1x1x16xf32>,
      %get3A_473 = vector.shape_cast %get3A_472 : vector<1x1x16xf32> to vector<16xf32>
      %mul3A_474 = arith.mulf %get3A_473, %get3A_176 : vector<16xf32>
      %get3A_475 = arith.constant 0 : i32
      %get3A_476 = arith.index_cast %get3A_475 : i32 to index
      %get3A_477 = arith.index_cast %scan3A_171 : i32 to index
      %get3A_478 = arith.constant 208 : index
      %get3A_479 = tpu.vector_load %arg13[%get3A_476, %get3A_477, %get3A_478] {strides = array<i32>} : memref<2x32x768xf32, #tpu.memory_space<vmem>>, vector<1x1x16xf32>,
      %get3A_480 = vector.shape_cast %get3A_479 : vector<1x1x16xf32> to vector<16xf32>
      %mul3A_481 = arith.mulf %get3A_480, %get3A_182 : vector<16xf32>
      %add3A_482 = arith.addf %mul3A_474, %mul3A_481 : vector<16xf32>
      %swap3A_483 = arith.constant 0 : i32
      %swap3A_484 = arith.index_cast %swap3A_483 : i32 to index
      %swap3A_485 = arith.index_cast %scan3A_171 : i32 to index
      %swap3A_486 = arith.constant 208 : index
      %swap3A_487 = tpu.vector_load %arg12[%swap3A_484, %swap3A_485, %swap3A_486] {strides = array<i32>} : memref<2x32x768xf32, #tpu.memory_space<vmem>>, vector<1x1x16xf32>,
      %swap3A_488 = vector.shape_cast %swap3A_487 : vector<1x1x16xf32> to vector<16xf32>
      %swap3A_489 = vector.shape_cast %add3A_482 : vector<16xf32> to vector<1x1x16xf32>
      tpu.vector_store %arg12[%swap3A_484, %swap3A_485, %swap3A_486], %swap3A_489 {strides = array<i32>} : memref<2x32x768xf32, #tpu.memory_space<vmem>>, vector<1x1x16xf32>,
      %get3A_490 = arith.constant 0 : i32
      %get3A_491 = arith.index_cast %get3A_490 : i32 to index
      %get3A_492 = arith.index_cast %scan3A_171 : i32 to index
      %get3A_493 = arith.constant 224 : index
      %get3A_494 = tpu.vector_load %arg12[%get3A_491, %get3A_492, %get3A_493] {strides = array<i32>} : memref<2x32x768xf32, #tpu.memory_space<vmem>>, vector<1x1x16xf32>,
      %get3A_495 = vector.shape_cast %get3A_494 : vector<1x1x16xf32> to vector<16xf32>
      %mul3A_496 = arith.mulf %get3A_495, %get3A_176 : vector<16xf32>
      %get3A_497 = arith.constant 0 : i32
      %get3A_498 = arith.index_cast %get3A_497 : i32 to index
      %get3A_499 = arith.index_cast %scan3A_171 : i32 to index
      %get3A_500 = arith.constant 224 : index
      %get3A_501 = tpu.vector_load %arg13[%get3A_498, %get3A_499, %get3A_500] {strides = array<i32>} : memref<2x32x768xf32, #tpu.memory_space<vmem>>, vector<1x1x16xf32>,
      %get3A_502 = vector.shape_cast %get3A_501 : vector<1x1x16xf32> to vector<16xf32>
      %mul3A_503 = arith.mulf %get3A_502, %get3A_182 : vector<16xf32>
      %add3A_504 = arith.addf %mul3A_496, %mul3A_503 : vector<16xf32>
      %swap3A_505 = arith.constant 0 : i32
      %swap3A_506 = arith.index_cast %swap3A_505 : i32 to index
      %swap3A_507 = arith.index_cast %scan3A_171 : i32 to index
      %swap3A_508 = arith.constant 224 : index
      %swap3A_509 = tpu.vector_load %arg12[%swap3A_506, %swap3A_507, %swap3A_508] {strides = array<i32>} : memref<2x32x768xf32, #tpu.memory_space<vmem>>, vector<1x1x16xf32>,
      %swap3A_510 = vector.shape_cast %swap3A_509 : vector<1x1x16xf32> to vector<16xf32>
      %swap3A_511 = vector.shape_cast %add3A_504 : vector<16xf32> to vector<1x1x16xf32>
      tpu.vector_store %arg12[%swap3A_506, %swap3A_507, %swap3A_508], %swap3A_511 {strides = array<i32>} : memref<2x32x768xf32, #tpu.memory_space<vmem>>, vector<1x1x16xf32>,
      %get3A_512 = arith.constant 0 : i32
      %get3A_513 = arith.index_cast %get3A_512 : i32 to index
      %get3A_514 = arith.index_cast %scan3A_171 : i32 to index
      %get3A_515 = arith.constant 240 : index
      %get3A_516 = tpu.vector_load %arg12[%get3A_513, %get3A_514, %get3A_515] {strides = array<i32>} : memref<2x32x768xf32, #tpu.memory_space<vmem>>, vector<1x1x16xf32>,
      %get3A_517 = vector.shape_cast %get3A_516 : vector<1x1x16xf32> to vector<16xf32>
      %mul3A_518 = arith.mulf %get3A_517, %get3A_176 : vector<16xf32>
      %get3A_519 = arith.constant 0 : i32
      %get3A_520 = arith.index_cast %get3A_519 : i32 to index
      %get3A_521 = arith.index_cast %scan3A_171 : i32 to index
      %get3A_522 = arith.constant 240 : index
      %get3A_523 = tpu.vector_load %arg13[%get3A_520, %get3A_521, %get3A_522] {strides = array<i32>} : memref<2x32x768xf32, #tpu.memory_space<vmem>>, vector<1x1x16xf32>,
      %get3A_524 = vector.shape_cast %get3A_523 : vector<1x1x16xf32> to vector<16xf32>
      %mul3A_525 = arith.mulf %get3A_524, %get3A_182 : vector<16xf32>
      %add3A_526 = arith.addf %mul3A_518, %mul3A_525 : vector<16xf32>
      %swap3A_527 = arith.constant 0 : i32
      %swap3A_528 = arith.index_cast %swap3A_527 : i32 to index
      %swap3A_529 = arith.index_cast %scan3A_171 : i32 to index
      %swap3A_530 = arith.constant 240 : index
      %swap3A_531 = tpu.vector_load %arg12[%swap3A_528, %swap3A_529, %swap3A_530] {strides = array<i32>} : memref<2x32x768xf32, #tpu.memory_space<vmem>>, vector<1x1x16xf32>,
      %swap3A_532 = vector.shape_cast %swap3A_531 : vector<1x1x16xf32> to vector<16xf32>
      %swap3A_533 = vector.shape_cast %add3A_526 : vector<16xf32> to vector<1x1x16xf32>
      tpu.vector_store %arg12[%swap3A_528, %swap3A_529, %swap3A_530], %swap3A_533 {strides = array<i32>} : memref<2x32x768xf32, #tpu.memory_space<vmem>>, vector<1x1x16xf32>,
      %get3A_534 = arith.constant 0 : i32
      %get3A_535 = arith.index_cast %get3A_534 : i32 to index
      %get3A_536 = arith.index_cast %scan3A_171 : i32 to index
      %get3A_537 = arith.constant 256 : index
      %get3A_538 = tpu.vector_load %arg12[%get3A_535, %get3A_536, %get3A_537] {strides = array<i32>} : memref<2x32x768xf32, #tpu.memory_space<vmem>>, vector<1x1x16xf32>,
      %get3A_539 = vector.shape_cast %get3A_538 : vector<1x1x16xf32> to vector<16xf32>
      %mul3A_540 = arith.mulf %get3A_539, %get3A_176 : vector<16xf32>
      %get3A_541 = arith.constant 0 : i32
      %get3A_542 = arith.index_cast %get3A_541 : i32 to index
      %get3A_543 = arith.index_cast %scan3A_171 : i32 to index
      %get3A_544 = arith.constant 256 : index
      %get3A_545 = tpu.vector_load %arg13[%get3A_542, %get3A_543, %get3A_544] {strides = array<i32>} : memref<2x32x768xf32, #tpu.memory_space<vmem>>, vector<1x1x16xf32>,
      %get3A_546 = vector.shape_cast %get3A_545 : vector<1x1x16xf32> to vector<16xf32>
      %mul3A_547 = arith.mulf %get3A_546, %get3A_182 : vector<16xf32>
      %add3A_548 = arith.addf %mul3A_540, %mul3A_547 : vector<16xf32>
      %swap3A_549 = arith.constant 0 : i32
      %swap3A_550 = arith.index_cast %swap3A_549 : i32 to index
      %swap3A_551 = arith.index_cast %scan3A_171 : i32 to index
      %swap3A_552 = arith.constant 256 : index
      %swap3A_553 = tpu.vector_load %arg12[%swap3A_550, %swap3A_551, %swap3A_552] {strides = array<i32>} : memref<2x32x768xf32, #tpu.memory_space<vmem>>, vector<1x1x16xf32>,
      %swap3A_554 = vector.shape_cast %swap3A_553 : vector<1x1x16xf32> to vector<16xf32>
      %swap3A_555 = vector.shape_cast %add3A_548 : vector<16xf32> to vector<1x1x16xf32>
      tpu.vector_store %arg12[%swap3A_550, %swap3A_551, %swap3A_552], %swap3A_555 {strides = array<i32>} : memref<2x32x768xf32, #tpu.memory_space<vmem>>, vector<1x1x16xf32>,
      %get3A_556 = arith.constant 0 : i32
      %get3A_557 = arith.index_cast %get3A_556 : i32 to index
      %get3A_558 = arith.index_cast %scan3A_171 : i32 to index
      %get3A_559 = arith.constant 272 : index
      %get3A_560 = tpu.vector_load %arg12[%get3A_557, %get3A_558, %get3A_559] {strides = array<i32>} : memref<2x32x768xf32, #tpu.memory_space<vmem>>, vector<1x1x16xf32>,
      %get3A_561 = vector.shape_cast %get3A_560 : vector<1x1x16xf32> to vector<16xf32>
      %mul3A_562 = arith.mulf %get3A_561, %get3A_176 : vector<16xf32>
      %get3A_563 = arith.constant 0 : i32
      %get3A_564 = arith.index_cast %get3A_563 : i32 to index
      %get3A_565 = arith.index_cast %scan3A_171 : i32 to index
      %get3A_566 = arith.constant 272 : index
      %get3A_567 = tpu.vector_load %arg13[%get3A_564, %get3A_565, %get3A_566] {strides = array<i32>} : memref<2x32x768xf32, #tpu.memory_space<vmem>>, vector<1x1x16xf32>,
      %get3A_568 = vector.shape_cast %get3A_567 : vector<1x1x16xf32> to vector<16xf32>
      %mul3A_569 = arith.mulf %get3A_568, %get3A_182 : vector<16xf32>
      %add3A_570 = arith.addf %mul3A_562, %mul3A_569 : vector<16xf32>
      %swap3A_571 = arith.constant 0 : i32
      %swap3A_572 = arith.index_cast %swap3A_571 : i32 to index
      %swap3A_573 = arith.index_cast %scan3A_171 : i32 to index
      %swap3A_574 = arith.constant 272 : index
      %swap3A_575 = tpu.vector_load %arg12[%swap3A_572, %swap3A_573, %swap3A_574] {strides = array<i32>} : memref<2x32x768xf32, #tpu.memory_space<vmem>>, vector<1x1x16xf32>,
      %swap3A_576 = vector.shape_cast %swap3A_575 : vector<1x1x16xf32> to vector<16xf32>
      %swap3A_577 = vector.shape_cast %add3A_570 : vector<16xf32> to vector<1x1x16xf32>
      tpu.vector_store %arg12[%swap3A_572, %swap3A_573, %swap3A_574], %swap3A_577 {strides = array<i32>} : memref<2x32x768xf32, #tpu.memory_space<vmem>>, vector<1x1x16xf32>,
      %get3A_578 = arith.constant 0 : i32
      %get3A_579 = arith.index_cast %get3A_578 : i32 to index
      %get3A_580 = arith.index_cast %scan3A_171 : i32 to index
      %get3A_581 = arith.constant 288 : index
      %get3A_582 = tpu.vector_load %arg12[%get3A_579, %get3A_580, %get3A_581] {strides = array<i32>} : memref<2x32x768xf32, #tpu.memory_space<vmem>>, vector<1x1x16xf32>,
      %get3A_583 = vector.shape_cast %get3A_582 : vector<1x1x16xf32> to vector<16xf32>
      %mul3A_584 = arith.mulf %get3A_583, %get3A_176 : vector<16xf32>
      %get3A_585 = arith.constant 0 : i32
      %get3A_586 = arith.index_cast %get3A_585 : i32 to index
      %get3A_587 = arith.index_cast %scan3A_171 : i32 to index
      %get3A_588 = arith.constant 288 : index
      %get3A_589 = tpu.vector_load %arg13[%get3A_586, %get3A_587, %get3A_588] {strides = array<i32>} : memref<2x32x768xf32, #tpu.memory_space<vmem>>, vector<1x1x16xf32>,
      %get3A_590 = vector.shape_cast %get3A_589 : vector<1x1x16xf32> to vector<16xf32>
      %mul3A_591 = arith.mulf %get3A_590, %get3A_182 : vector<16xf32>
      %add3A_592 = arith.addf %mul3A_584, %mul3A_591 : vector<16xf32>
      %swap3A_593 = arith.constant 0 : i32
      %swap3A_594 = arith.index_cast %swap3A_593 : i32 to index
      %swap3A_595 = arith.index_cast %scan3A_171 : i32 to index
      %swap3A_596 = arith.constant 288 : index
      %swap3A_597 = tpu.vector_load %arg12[%swap3A_594, %swap3A_595, %swap3A_596] {strides = array<i32>} : memref<2x32x768xf32, #tpu.memory_space<vmem>>, vector<1x1x16xf32>,
      %swap3A_598 = vector.shape_cast %swap3A_597 : vector<1x1x16xf32> to vector<16xf32>
      %swap3A_599 = vector.shape_cast %add3A_592 : vector<16xf32> to vector<1x1x16xf32>
      tpu.vector_store %arg12[%swap3A_594, %swap3A_595, %swap3A_596], %swap3A_599 {strides = array<i32>} : memref<2x32x768xf32, #tpu.memory_space<vmem>>, vector<1x1x16xf32>,
      %get3A_600 = arith.constant 0 : i32
      %get3A_601 = arith.index_cast %get3A_600 : i32 to index
      %get3A_602 = arith.index_cast %scan3A_171 : i32 to index
      %get3A_603 = arith.constant 304 : index
      %get3A_604 = tpu.vector_load %arg12[%get3A_601, %get3A_602, %get3A_603] {strides = array<i32>} : memref<2x32x768xf32, #tpu.memory_space<vmem>>, vector<1x1x16xf32>,
      %get3A_605 = vector.shape_cast %get3A_604 : vector<1x1x16xf32> to vector<16xf32>
      %mul3A_606 = arith.mulf %get3A_605, %get3A_176 : vector<16xf32>
      %get3A_607 = arith.constant 0 : i32
      %get3A_608 = arith.index_cast %get3A_607 : i32 to index
      %get3A_609 = arith.index_cast %scan3A_171 : i32 to index
      %get3A_610 = arith.constant 304 : index
      %get3A_611 = tpu.vector_load %arg13[%get3A_608, %get3A_609, %get3A_610] {strides = array<i32>} : memref<2x32x768xf32, #tpu.memory_space<vmem>>, vector<1x1x16xf32>,
      %get3A_612 = vector.shape_cast %get3A_611 : vector<1x1x16xf32> to vector<16xf32>
      %mul3A_613 = arith.mulf %get3A_612, %get3A_182 : vector<16xf32>
      %add3A_614 = arith.addf %mul3A_606, %mul3A_613 : vector<16xf32>
      %swap3A_615 = arith.constant 0 : i32
      %swap3A_616 = arith.index_cast %swap3A_615 : i32 to index
      %swap3A_617 = arith.index_cast %scan3A_171 : i32 to index
      %swap3A_618 = arith.constant 304 : index
      %swap3A_619 = tpu.vector_load %arg12[%swap3A_616, %swap3A_617, %swap3A_618] {strides = array<i32>} : memref<2x32x768xf32, #tpu.memory_space<vmem>>, vector<1x1x16xf32>,
      %swap3A_620 = vector.shape_cast %swap3A_619 : vector<1x1x16xf32> to vector<16xf32>
      %swap3A_621 = vector.shape_cast %add3A_614 : vector<16xf32> to vector<1x1x16xf32>
      tpu.vector_store %arg12[%swap3A_616, %swap3A_617, %swap3A_618], %swap3A_621 {strides = array<i32>} : memref<2x32x768xf32, #tpu.memory_space<vmem>>, vector<1x1x16xf32>,
      %get3A_622 = arith.constant 0 : i32
      %get3A_623 = arith.index_cast %get3A_622 : i32 to index
      %get3A_624 = arith.index_cast %scan3A_171 : i32 to index
      %get3A_625 = arith.constant 320 : index
      %get3A_626 = tpu.vector_load %arg12[%get3A_623, %get3A_624, %get3A_625] {strides = array<i32>} : memref<2x32x768xf32, #tpu.memory_space<vmem>>, vector<1x1x16xf32>,
      %get3A_627 = vector.shape_cast %get3A_626 : vector<1x1x16xf32> to vector<16xf32>
      %mul3A_628 = arith.mulf %get3A_627, %get3A_176 : vector<16xf32>
      %get3A_629 = arith.constant 0 : i32
      %get3A_630 = arith.index_cast %get3A_629 : i32 to index
      %get3A_631 = arith.index_cast %scan3A_171 : i32 to index
      %get3A_632 = arith.constant 320 : index
      %get3A_633 = tpu.vector_load %arg13[%get3A_630, %get3A_631, %get3A_632] {strides = array<i32>} : memref<2x32x768xf32, #tpu.memory_space<vmem>>, vector<1x1x16xf32>,
      %get3A_634 = vector.shape_cast %get3A_633 : vector<1x1x16xf32> to vector<16xf32>
      %mul3A_635 = arith.mulf %get3A_634, %get3A_182 : vector<16xf32>
      %add3A_636 = arith.addf %mul3A_628, %mul3A_635 : vector<16xf32>
      %swap3A_637 = arith.constant 0 : i32
      %swap3A_638 = arith.index_cast %swap3A_637 : i32 to index
      %swap3A_639 = arith.index_cast %scan3A_171 : i32 to index
      %swap3A_640 = arith.constant 320 : index
      %swap3A_641 = tpu.vector_load %arg12[%swap3A_638, %swap3A_639, %swap3A_640] {strides = array<i32>} : memref<2x32x768xf32, #tpu.memory_space<vmem>>, vector<1x1x16xf32>,
      %swap3A_642 = vector.shape_cast %swap3A_641 : vector<1x1x16xf32> to vector<16xf32>
      %swap3A_643 = vector.shape_cast %add3A_636 : vector<16xf32> to vector<1x1x16xf32>
      tpu.vector_store %arg12[%swap3A_638, %swap3A_639, %swap3A_640], %swap3A_643 {strides = array<i32>} : memref<2x32x768xf32, #tpu.memory_space<vmem>>, vector<1x1x16xf32>,
      %get3A_644 = arith.constant 0 : i32
      %get3A_645 = arith.index_cast %get3A_644 : i32 to index
      %get3A_646 = arith.index_cast %scan3A_171 : i32 to index
      %get3A_647 = arith.constant 336 : index
      %get3A_648 = tpu.vector_load %arg12[%get3A_645, %get3A_646, %get3A_647] {strides = array<i32>} : memref<2x32x768xf32, #tpu.memory_space<vmem>>, vector<1x1x16xf32>,
      %get3A_649 = vector.shape_cast %get3A_648 : vector<1x1x16xf32> to vector<16xf32>
      %mul3A_650 = arith.mulf %get3A_649, %get3A_176 : vector<16xf32>
      %get3A_651 = arith.constant 0 : i32
      %get3A_652 = arith.index_cast %get3A_651 : i32 to index
      %get3A_653 = arith.index_cast %scan3A_171 : i32 to index
      %get3A_654 = arith.constant 336 : index
      %get3A_655 = tpu.vector_load %arg13[%get3A_652, %get3A_653, %get3A_654] {strides = array<i32>} : memref<2x32x768xf32, #tpu.memory_space<vmem>>, vector<1x1x16xf32>,
      %get3A_656 = vector.shape_cast %get3A_655 : vector<1x1x16xf32> to vector<16xf32>
      %mul3A_657 = arith.mulf %get3A_656, %get3A_182 : vector<16xf32>
      %add3A_658 = arith.addf %mul3A_650, %mul3A_657 : vector<16xf32>
      %swap3A_659 = arith.constant 0 : i32
      %swap3A_660 = arith.index_cast %swap3A_659 : i32 to index
      %swap3A_661 = arith.index_cast %scan3A_171 : i32 to index
      %swap3A_662 = arith.constant 336 : index
      %swap3A_663 = tpu.vector_load %arg12[%swap3A_660, %swap3A_661, %swap3A_662] {strides = array<i32>} : memref<2x32x768xf32, #tpu.memory_space<vmem>>, vector<1x1x16xf32>,
      %swap3A_664 = vector.shape_cast %swap3A_663 : vector<1x1x16xf32> to vector<16xf32>
      %swap3A_665 = vector.shape_cast %add3A_658 : vector<16xf32> to vector<1x1x16xf32>
      tpu.vector_store %arg12[%swap3A_660, %swap3A_661, %swap3A_662], %swap3A_665 {strides = array<i32>} : memref<2x32x768xf32, #tpu.memory_space<vmem>>, vector<1x1x16xf32>,
      %get3A_666 = arith.constant 0 : i32
      %get3A_667 = arith.index_cast %get3A_666 : i32 to index
      %get3A_668 = arith.index_cast %scan3A_171 : i32 to index
      %get3A_669 = arith.constant 352 : index
      %get3A_670 = tpu.vector_load %arg12[%get3A_667, %get3A_668, %get3A_669] {strides = array<i32>} : memref<2x32x768xf32, #tpu.memory_space<vmem>>, vector<1x1x16xf32>,
      %get3A_671 = vector.shape_cast %get3A_670 : vector<1x1x16xf32> to vector<16xf32>
      %mul3A_672 = arith.mulf %get3A_671, %get3A_176 : vector<16xf32>
      %get3A_673 = arith.constant 0 : i32
      %get3A_674 = arith.index_cast %get3A_673 : i32 to index
      %get3A_675 = arith.index_cast %scan3A_171 : i32 to index
      %get3A_676 = arith.constant 352 : index
      %get3A_677 = tpu.vector_load %arg13[%get3A_674, %get3A_675, %get3A_676] {strides = array<i32>} : memref<2x32x768xf32, #tpu.memory_space<vmem>>, vector<1x1x16xf32>,
      %get3A_678 = vector.shape_cast %get3A_677 : vector<1x1x16xf32> to vector<16xf32>
      %mul3A_679 = arith.mulf %get3A_678, %get3A_182 : vector<16xf32>
      %add3A_680 = arith.addf %mul3A_672, %mul3A_679 : vector<16xf32>
      %swap3A_681 = arith.constant 0 : i32
      %swap3A_682 = arith.index_cast %swap3A_681 : i32 to index
      %swap3A_683 = arith.index_cast %scan3A_171 : i32 to index
      %swap3A_684 = arith.constant 352 : index
      %swap3A_685 = tpu.vector_load %arg12[%swap3A_682, %swap3A_683, %swap3A_684] {strides = array<i32>} : memref<2x32x768xf32, #tpu.memory_space<vmem>>, vector<1x1x16xf32>,
      %swap3A_686 = vector.shape_cast %swap3A_685 : vector<1x1x16xf32> to vector<16xf32>
      %swap3A_687 = vector.shape_cast %add3A_680 : vector<16xf32> to vector<1x1x16xf32>
      tpu.vector_store %arg12[%swap3A_682, %swap3A_683, %swap3A_684], %swap3A_687 {strides = array<i32>} : memref<2x32x768xf32, #tpu.memory_space<vmem>>, vector<1x1x16xf32>,
      %get3A_688 = arith.constant 0 : i32
      %get3A_689 = arith.index_cast %get3A_688 : i32 to index
      %get3A_690 = arith.index_cast %scan3A_171 : i32 to index
      %get3A_691 = arith.constant 368 : index
      %get3A_692 = tpu.vector_load %arg12[%get3A_689, %get3A_690, %get3A_691] {strides = array<i32>} : memref<2x32x768xf32, #tpu.memory_space<vmem>>, vector<1x1x16xf32>,
      %get3A_693 = vector.shape_cast %get3A_692 : vector<1x1x16xf32> to vector<16xf32>
      %mul3A_694 = arith.mulf %get3A_693, %get3A_176 : vector<16xf32>
      %get3A_695 = arith.constant 0 : i32
      %get3A_696 = arith.index_cast %get3A_695 : i32 to index
      %get3A_697 = arith.index_cast %scan3A_171 : i32 to index
      %get3A_698 = arith.constant 368 : index
      %get3A_699 = tpu.vector_load %arg13[%get3A_696, %get3A_697, %get3A_698] {strides = array<i32>} : memref<2x32x768xf32, #tpu.memory_space<vmem>>, vector<1x1x16xf32>,
      %get3A_700 = vector.shape_cast %get3A_699 : vector<1x1x16xf32> to vector<16xf32>
      %mul3A_701 = arith.mulf %get3A_700, %get3A_182 : vector<16xf32>
      %add3A_702 = arith.addf %mul3A_694, %mul3A_701 : vector<16xf32>
      %swap3A_703 = arith.constant 0 : i32
      %swap3A_704 = arith.index_cast %swap3A_703 : i32 to index
      %swap3A_705 = arith.index_cast %scan3A_171 : i32 to index
      %swap3A_706 = arith.constant 368 : index
      %swap3A_707 = tpu.vector_load %arg12[%swap3A_704, %swap3A_705, %swap3A_706] {strides = array<i32>} : memref<2x32x768xf32, #tpu.memory_space<vmem>>, vector<1x1x16xf32>,
      %swap3A_708 = vector.shape_cast %swap3A_707 : vector<1x1x16xf32> to vector<16xf32>
      %swap3A_709 = vector.shape_cast %add3A_702 : vector<16xf32> to vector<1x1x16xf32>
      tpu.vector_store %arg12[%swap3A_704, %swap3A_705, %swap3A_706], %swap3A_709 {strides = array<i32>} : memref<2x32x768xf32, #tpu.memory_space<vmem>>, vector<1x1x16xf32>,
      %get3A_710 = arith.constant 0 : i32
      %get3A_711 = arith.index_cast %get3A_710 : i32 to index
      %get3A_712 = arith.index_cast %scan3A_171 : i32 to index
      %get3A_713 = arith.constant 384 : index
      %get3A_714 = tpu.vector_load %arg12[%get3A_711, %get3A_712, %get3A_713] {strides = array<i32>} : memref<2x32x768xf32, #tpu.memory_space<vmem>>, vector<1x1x16xf32>,
      %get3A_715 = vector.shape_cast %get3A_714 : vector<1x1x16xf32> to vector<16xf32>
      %mul3A_716 = arith.mulf %get3A_715, %get3A_176 : vector<16xf32>
      %get3A_717 = arith.constant 0 : i32
      %get3A_718 = arith.index_cast %get3A_717 : i32 to index
      %get3A_719 = arith.index_cast %scan3A_171 : i32 to index
      %get3A_720 = arith.constant 384 : index
      %get3A_721 = tpu.vector_load %arg13[%get3A_718, %get3A_719, %get3A_720] {strides = array<i32>} : memref<2x32x768xf32, #tpu.memory_space<vmem>>, vector<1x1x16xf32>,
      %get3A_722 = vector.shape_cast %get3A_721 : vector<1x1x16xf32> to vector<16xf32>
      %mul3A_723 = arith.mulf %get3A_722, %get3A_182 : vector<16xf32>
      %add3A_724 = arith.addf %mul3A_716, %mul3A_723 : vector<16xf32>
      %swap3A_725 = arith.constant 0 : i32
      %swap3A_726 = arith.index_cast %swap3A_725 : i32 to index
      %swap3A_727 = arith.index_cast %scan3A_171 : i32 to index
      %swap3A_728 = arith.constant 384 : index
      %swap3A_729 = tpu.vector_load %arg12[%swap3A_726, %swap3A_727, %swap3A_728] {strides = array<i32>} : memref<2x32x768xf32, #tpu.memory_space<vmem>>, vector<1x1x16xf32>,
      %swap3A_730 = vector.shape_cast %swap3A_729 : vector<1x1x16xf32> to vector<16xf32>
      %swap3A_731 = vector.shape_cast %add3A_724 : vector<16xf32> to vector<1x1x16xf32>
      tpu.vector_store %arg12[%swap3A_726, %swap3A_727, %swap3A_728], %swap3A_731 {strides = array<i32>} : memref<2x32x768xf32, #tpu.memory_space<vmem>>, vector<1x1x16xf32>,
      %get3A_732 = arith.constant 0 : i32
      %get3A_733 = arith.index_cast %get3A_732 : i32 to index
      %get3A_734 = arith.index_cast %scan3A_171 : i32 to index
      %get3A_735 = arith.constant 400 : index
      %get3A_736 = tpu.vector_load %arg12[%get3A_733, %get3A_734, %get3A_735] {strides = array<i32>} : memref<2x32x768xf32, #tpu.memory_space<vmem>>, vector<1x1x16xf32>,
      %get3A_737 = vector.shape_cast %get3A_736 : vector<1x1x16xf32> to vector<16xf32>
      %mul3A_738 = arith.mulf %get3A_737, %get3A_176 : vector<16xf32>
      %get3A_739 = arith.constant 0 : i32
      %get3A_740 = arith.index_cast %get3A_739 : i32 to index
      %get3A_741 = arith.index_cast %scan3A_171 : i32 to index
      %get3A_742 = arith.constant 400 : index
      %get3A_743 = tpu.vector_load %arg13[%get3A_740, %get3A_741, %get3A_742] {strides = array<i32>} : memref<2x32x768xf32, #tpu.memory_space<vmem>>, vector<1x1x16xf32>,
      %get3A_744 = vector.shape_cast %get3A_743 : vector<1x1x16xf32> to vector<16xf32>
      %mul3A_745 = arith.mulf %get3A_744, %get3A_182 : vector<16xf32>
      %add3A_746 = arith.addf %mul3A_738, %mul3A_745 : vector<16xf32>
      %swap3A_747 = arith.constant 0 : i32
      %swap3A_748 = arith.index_cast %swap3A_747 : i32 to index
      %swap3A_749 = arith.index_cast %scan3A_171 : i32 to index
      %swap3A_750 = arith.constant 400 : index
      %swap3A_751 = tpu.vector_load %arg12[%swap3A_748, %swap3A_749, %swap3A_750] {strides = array<i32>} : memref<2x32x768xf32, #tpu.memory_space<vmem>>, vector<1x1x16xf32>,
      %swap3A_752 = vector.shape_cast %swap3A_751 : vector<1x1x16xf32> to vector<16xf32>
      %swap3A_753 = vector.shape_cast %add3A_746 : vector<16xf32> to vector<1x1x16xf32>
      tpu.vector_store %arg12[%swap3A_748, %swap3A_749, %swap3A_750], %swap3A_753 {strides = array<i32>} : memref<2x32x768xf32, #tpu.memory_space<vmem>>, vector<1x1x16xf32>,
      %get3A_754 = arith.constant 0 : i32
      %get3A_755 = arith.index_cast %get3A_754 : i32 to index
      %get3A_756 = arith.index_cast %scan3A_171 : i32 to index
      %get3A_757 = arith.constant 416 : index
      %get3A_758 = tpu.vector_load %arg12[%get3A_755, %get3A_756, %get3A_757] {strides = array<i32>} : memref<2x32x768xf32, #tpu.memory_space<vmem>>, vector<1x1x16xf32>,
      %get3A_759 = vector.shape_cast %get3A_758 : vector<1x1x16xf32> to vector<16xf32>
      %mul3A_760 = arith.mulf %get3A_759, %get3A_176 : vector<16xf32>
      %get3A_761 = arith.constant 0 : i32
      %get3A_762 = arith.index_cast %get3A_761 : i32 to index
      %get3A_763 = arith.index_cast %scan3A_171 : i32 to index
      %get3A_764 = arith.constant 416 : index
      %get3A_765 = tpu.vector_load %arg13[%get3A_762, %get3A_763, %get3A_764] {strides = array<i32>} : memref<2x32x768xf32, #tpu.memory_space<vmem>>, vector<1x1x16xf32>,
      %get3A_766 = vector.shape_cast %get3A_765 : vector<1x1x16xf32> to vector<16xf32>
      %mul3A_767 = arith.mulf %get3A_766, %get3A_182 : vector<16xf32>
      %add3A_768 = arith.addf %mul3A_760, %mul3A_767 : vector<16xf32>
      %swap3A_769 = arith.constant 0 : i32
      %swap3A_770 = arith.index_cast %swap3A_769 : i32 to index
      %swap3A_771 = arith.index_cast %scan3A_171 : i32 to index
      %swap3A_772 = arith.constant 416 : index
      %swap3A_773 = tpu.vector_load %arg12[%swap3A_770, %swap3A_771, %swap3A_772] {strides = array<i32>} : memref<2x32x768xf32, #tpu.memory_space<vmem>>, vector<1x1x16xf32>,
      %swap3A_774 = vector.shape_cast %swap3A_773 : vector<1x1x16xf32> to vector<16xf32>
      %swap3A_775 = vector.shape_cast %add3A_768 : vector<16xf32> to vector<1x1x16xf32>
      tpu.vector_store %arg12[%swap3A_770, %swap3A_771, %swap3A_772], %swap3A_775 {strides = array<i32>} : memref<2x32x768xf32, #tpu.memory_space<vmem>>, vector<1x1x16xf32>,
      %get3A_776 = arith.constant 0 : i32
      %get3A_777 = arith.index_cast %get3A_776 : i32 to index
      %get3A_778 = arith.index_cast %scan3A_171 : i32 to index
      %get3A_779 = arith.constant 432 : index
      %get3A_780 = tpu.vector_load %arg12[%get3A_777, %get3A_778, %get3A_779] {strides = array<i32>} : memref<2x32x768xf32, #tpu.memory_space<vmem>>, vector<1x1x16xf32>,
      %get3A_781 = vector.shape_cast %get3A_780 : vector<1x1x16xf32> to vector<16xf32>
      %mul3A_782 = arith.mulf %get3A_781, %get3A_176 : vector<16xf32>
      %get3A_783 = arith.constant 0 : i32
      %get3A_784 = arith.index_cast %get3A_783 : i32 to index
      %get3A_785 = arith.index_cast %scan3A_171 : i32 to index
      %get3A_786 = arith.constant 432 : index
      %get3A_787 = tpu.vector_load %arg13[%get3A_784, %get3A_785, %get3A_786] {strides = array<i32>} : memref<2x32x768xf32, #tpu.memory_space<vmem>>, vector<1x1x16xf32>,
      %get3A_788 = vector.shape_cast %get3A_787 : vector<1x1x16xf32> to vector<16xf32>
      %mul3A_789 = arith.mulf %get3A_788, %get3A_182 : vector<16xf32>
      %add3A_790 = arith.addf %mul3A_782, %mul3A_789 : vector<16xf32>
      %swap3A_791 = arith.constant 0 : i32
      %swap3A_792 = arith.index_cast %swap3A_791 : i32 to index
      %swap3A_793 = arith.index_cast %scan3A_171 : i32 to index
      %swap3A_794 = arith.constant 432 : index
      %swap3A_795 = tpu.vector_load %arg12[%swap3A_792, %swap3A_793, %swap3A_794] {strides = array<i32>} : memref<2x32x768xf32, #tpu.memory_space<vmem>>, vector<1x1x16xf32>,
      %swap3A_796 = vector.shape_cast %swap3A_795 : vector<1x1x16xf32> to vector<16xf32>
      %swap3A_797 = vector.shape_cast %add3A_790 : vector<16xf32> to vector<1x1x16xf32>
      tpu.vector_store %arg12[%swap3A_792, %swap3A_793, %swap3A_794], %swap3A_797 {strides = array<i32>} : memref<2x32x768xf32, #tpu.memory_space<vmem>>, vector<1x1x16xf32>,
      %get3A_798 = arith.constant 0 : i32
      %get3A_799 = arith.index_cast %get3A_798 : i32 to index
      %get3A_800 = arith.index_cast %scan3A_171 : i32 to index
      %get3A_801 = arith.constant 448 : index
      %get3A_802 = tpu.vector_load %arg12[%get3A_799, %get3A_800, %get3A_801] {strides = array<i32>} : memref<2x32x768xf32, #tpu.memory_space<vmem>>, vector<1x1x16xf32>,
      %get3A_803 = vector.shape_cast %get3A_802 : vector<1x1x16xf32> to vector<16xf32>
      %mul3A_804 = arith.mulf %get3A_803, %get3A_176 : vector<16xf32>
      %get3A_805 = arith.constant 0 : i32
      %get3A_806 = arith.index_cast %get3A_805 : i32 to index
      %get3A_807 = arith.index_cast %scan3A_171 : i32 to index
      %get3A_808 = arith.constant 448 : index
      %get3A_809 = tpu.vector_load %arg13[%get3A_806, %get3A_807, %get3A_808] {strides = array<i32>} : memref<2x32x768xf32, #tpu.memory_space<vmem>>, vector<1x1x16xf32>,
      %get3A_810 = vector.shape_cast %get3A_809 : vector<1x1x16xf32> to vector<16xf32>
      %mul3A_811 = arith.mulf %get3A_810, %get3A_182 : vector<16xf32>
      %add3A_812 = arith.addf %mul3A_804, %mul3A_811 : vector<16xf32>
      %swap3A_813 = arith.constant 0 : i32
      %swap3A_814 = arith.index_cast %swap3A_813 : i32 to index
      %swap3A_815 = arith.index_cast %scan3A_171 : i32 to index
      %swap3A_816 = arith.constant 448 : index
      %swap3A_817 = tpu.vector_load %arg12[%swap3A_814, %swap3A_815, %swap3A_816] {strides = array<i32>} : memref<2x32x768xf32, #tpu.memory_space<vmem>>, vector<1x1x16xf32>,
      %swap3A_818 = vector.shape_cast %swap3A_817 : vector<1x1x16xf32> to vector<16xf32>
      %swap3A_819 = vector.shape_cast %add3A_812 : vector<16xf32> to vector<1x1x16xf32>
      tpu.vector_store %arg12[%swap3A_814, %swap3A_815, %swap3A_816], %swap3A_819 {strides = array<i32>} : memref<2x32x768xf32, #tpu.memory_space<vmem>>, vector<1x1x16xf32>,
      %get3A_820 = arith.constant 0 : i32
      %get3A_821 = arith.index_cast %get3A_820 : i32 to index
      %get3A_822 = arith.index_cast %scan3A_171 : i32 to index
      %get3A_823 = arith.constant 464 : index
      %get3A_824 = tpu.vector_load %arg12[%get3A_821, %get3A_822, %get3A_823] {strides = array<i32>} : memref<2x32x768xf32, #tpu.memory_space<vmem>>, vector<1x1x16xf32>,
      %get3A_825 = vector.shape_cast %get3A_824 : vector<1x1x16xf32> to vector<16xf32>
      %mul3A_826 = arith.mulf %get3A_825, %get3A_176 : vector<16xf32>
      %get3A_827 = arith.constant 0 : i32
      %get3A_828 = arith.index_cast %get3A_827 : i32 to index
      %get3A_829 = arith.index_cast %scan3A_171 : i32 to index
      %get3A_830 = arith.constant 464 : index
      %get3A_831 = tpu.vector_load %arg13[%get3A_828, %get3A_829, %get3A_830] {strides = array<i32>} : memref<2x32x768xf32, #tpu.memory_space<vmem>>, vector<1x1x16xf32>,
      %get3A_832 = vector.shape_cast %get3A_831 : vector<1x1x16xf32> to vector<16xf32>
      %mul3A_833 = arith.mulf %get3A_832, %get3A_182 : vector<16xf32>
      %add3A_834 = arith.addf %mul3A_826, %mul3A_833 : vector<16xf32>
      %swap3A_835 = arith.constant 0 : i32
      %swap3A_836 = arith.index_cast %swap3A_835 : i32 to index
      %swap3A_837 = arith.index_cast %scan3A_171 : i32 to index
      %swap3A_838 = arith.constant 464 : index
      %swap3A_839 = tpu.vector_load %arg12[%swap3A_836, %swap3A_837, %swap3A_838] {strides = array<i32>} : memref<2x32x768xf32, #tpu.memory_space<vmem>>, vector<1x1x16xf32>,
      %swap3A_840 = vector.shape_cast %swap3A_839 : vector<1x1x16xf32> to vector<16xf32>
      %swap3A_841 = vector.shape_cast %add3A_834 : vector<16xf32> to vector<1x1x16xf32>
      tpu.vector_store %arg12[%swap3A_836, %swap3A_837, %swap3A_838], %swap3A_841 {strides = array<i32>} : memref<2x32x768xf32, #tpu.memory_space<vmem>>, vector<1x1x16xf32>,
      %get3A_842 = arith.constant 0 : i32
      %get3A_843 = arith.index_cast %get3A_842 : i32 to index
      %get3A_844 = arith.index_cast %scan3A_171 : i32 to index
      %get3A_845 = arith.constant 480 : index
      %get3A_846 = tpu.vector_load %arg12[%get3A_843, %get3A_844, %get3A_845] {strides = array<i32>} : memref<2x32x768xf32, #tpu.memory_space<vmem>>, vector<1x1x16xf32>,
      %get3A_847 = vector.shape_cast %get3A_846 : vector<1x1x16xf32> to vector<16xf32>
      %mul3A_848 = arith.mulf %get3A_847, %get3A_176 : vector<16xf32>
      %get3A_849 = arith.constant 0 : i32
      %get3A_850 = arith.index_cast %get3A_849 : i32 to index
      %get3A_851 = arith.index_cast %scan3A_171 : i32 to index
      %get3A_852 = arith.constant 480 : index
      %get3A_853 = tpu.vector_load %arg13[%get3A_850, %get3A_851, %get3A_852] {strides = array<i32>} : memref<2x32x768xf32, #tpu.memory_space<vmem>>, vector<1x1x16xf32>,
      %get3A_854 = vector.shape_cast %get3A_853 : vector<1x1x16xf32> to vector<16xf32>
      %mul3A_855 = arith.mulf %get3A_854, %get3A_182 : vector<16xf32>
      %add3A_856 = arith.addf %mul3A_848, %mul3A_855 : vector<16xf32>
      %swap3A_857 = arith.constant 0 : i32
      %swap3A_858 = arith.index_cast %swap3A_857 : i32 to index
      %swap3A_859 = arith.index_cast %scan3A_171 : i32 to index
      %swap3A_860 = arith.constant 480 : index
      %swap3A_861 = tpu.vector_load %arg12[%swap3A_858, %swap3A_859, %swap3A_860] {strides = array<i32>} : memref<2x32x768xf32, #tpu.memory_space<vmem>>, vector<1x1x16xf32>,
      %swap3A_862 = vector.shape_cast %swap3A_861 : vector<1x1x16xf32> to vector<16xf32>
      %swap3A_863 = vector.shape_cast %add3A_856 : vector<16xf32> to vector<1x1x16xf32>
      tpu.vector_store %arg12[%swap3A_858, %swap3A_859, %swap3A_860], %swap3A_863 {strides = array<i32>} : memref<2x32x768xf32, #tpu.memory_space<vmem>>, vector<1x1x16xf32>,
      %get3A_864 = arith.constant 0 : i32
      %get3A_865 = arith.index_cast %get3A_864 : i32 to index
      %get3A_866 = arith.index_cast %scan3A_171 : i32 to index
      %get3A_867 = arith.constant 496 : index
      %get3A_868 = tpu.vector_load %arg12[%get3A_865, %get3A_866, %get3A_867] {strides = array<i32>} : memref<2x32x768xf32, #tpu.memory_space<vmem>>, vector<1x1x16xf32>,
      %get3A_869 = vector.shape_cast %get3A_868 : vector<1x1x16xf32> to vector<16xf32>
      %mul3A_870 = arith.mulf %get3A_869, %get3A_176 : vector<16xf32>
      %get3A_871 = arith.constant 0 : i32
      %get3A_872 = arith.index_cast %get3A_871 : i32 to index
      %get3A_873 = arith.index_cast %scan3A_171 : i32 to index
      %get3A_874 = arith.constant 496 : index
      %get3A_875 = tpu.vector_load %arg13[%get3A_872, %get3A_873, %get3A_874] {strides = array<i32>} : memref<2x32x768xf32, #tpu.memory_space<vmem>>, vector<1x1x16xf32>,
      %get3A_876 = vector.shape_cast %get3A_875 : vector<1x1x16xf32> to vector<16xf32>
      %mul3A_877 = arith.mulf %get3A_876, %get3A_182 : vector<16xf32>
      %add3A_878 = arith.addf %mul3A_870, %mul3A_877 : vector<16xf32>
      %swap3A_879 = arith.constant 0 : i32
      %swap3A_880 = arith.index_cast %swap3A_879 : i32 to index
      %swap3A_881 = arith.index_cast %scan3A_171 : i32 to index
      %swap3A_882 = arith.constant 496 : index
      %swap3A_883 = tpu.vector_load %arg12[%swap3A_880, %swap3A_881, %swap3A_882] {strides = array<i32>} : memref<2x32x768xf32, #tpu.memory_space<vmem>>, vector<1x1x16xf32>,
      %swap3A_884 = vector.shape_cast %swap3A_883 : vector<1x1x16xf32> to vector<16xf32>
      %swap3A_885 = vector.shape_cast %add3A_878 : vector<16xf32> to vector<1x1x16xf32>
      tpu.vector_store %arg12[%swap3A_880, %swap3A_881, %swap3A_882], %swap3A_885 {strides = array<i32>} : memref<2x32x768xf32, #tpu.memory_space<vmem>>, vector<1x1x16xf32>,
      %get3A_886 = arith.constant 0 : i32
      %get3A_887 = arith.index_cast %get3A_886 : i32 to index
      %get3A_888 = arith.index_cast %scan3A_171 : i32 to index
      %get3A_889 = arith.constant 512 : index
      %get3A_890 = tpu.vector_load %arg12[%get3A_887, %get3A_888, %get3A_889] {strides = array<i32>} : memref<2x32x768xf32, #tpu.memory_space<vmem>>, vector<1x1x16xf32>,
      %get3A_891 = vector.shape_cast %get3A_890 : vector<1x1x16xf32> to vector<16xf32>
      %mul3A_892 = arith.mulf %get3A_891, %get3A_176 : vector<16xf32>
      %get3A_893 = arith.constant 0 : i32
      %get3A_894 = arith.index_cast %get3A_893 : i32 to index
      %get3A_895 = arith.index_cast %scan3A_171 : i32 to index
      %get3A_896 = arith.constant 512 : index
      %get3A_897 = tpu.vector_load %arg13[%get3A_894, %get3A_895, %get3A_896] {strides = array<i32>} : memref<2x32x768xf32, #tpu.memory_space<vmem>>, vector<1x1x16xf32>,
      %get3A_898 = vector.shape_cast %get3A_897 : vector<1x1x16xf32> to vector<16xf32>
      %mul3A_899 = arith.mulf %get3A_898, %get3A_182 : vector<16xf32>
      %add3A_900 = arith.addf %mul3A_892, %mul3A_899 : vector<16xf32>
      %swap3A_901 = arith.constant 0 : i32
      %swap3A_902 = arith.index_cast %swap3A_901 : i32 to index
      %swap3A_903 = arith.index_cast %scan3A_171 : i32 to index
      %swap3A_904 = arith.constant 512 : index
      %swap3A_905 = tpu.vector_load %arg12[%swap3A_902, %swap3A_903, %swap3A_904] {strides = array<i32>} : memref<2x32x768xf32, #tpu.memory_space<vmem>>, vector<1x1x16xf32>,
      %swap3A_906 = vector.shape_cast %swap3A_905 : vector<1x1x16xf32> to vector<16xf32>
      %swap3A_907 = vector.shape_cast %add3A_900 : vector<16xf32> to vector<1x1x16xf32>
      tpu.vector_store %arg12[%swap3A_902, %swap3A_903, %swap3A_904], %swap3A_907 {strides = array<i32>} : memref<2x32x768xf32, #tpu.memory_space<vmem>>, vector<1x1x16xf32>,
      %get3A_908 = arith.constant 0 : i32
      %get3A_909 = arith.index_cast %get3A_908 : i32 to index
      %get3A_910 = arith.index_cast %scan3A_171 : i32 to index
      %get3A_911 = arith.constant 528 : index
      %get3A_912 = tpu.vector_load %arg12[%get3A_909, %get3A_910, %get3A_911] {strides = array<i32>} : memref<2x32x768xf32, #tpu.memory_space<vmem>>, vector<1x1x16xf32>,
      %get3A_913 = vector.shape_cast %get3A_912 : vector<1x1x16xf32> to vector<16xf32>
      %mul3A_914 = arith.mulf %get3A_913, %get3A_176 : vector<16xf32>
      %get3A_915 = arith.constant 0 : i32
      %get3A_916 = arith.index_cast %get3A_915 : i32 to index
      %get3A_917 = arith.index_cast %scan3A_171 : i32 to index
      %get3A_918 = arith.constant 528 : index
      %get3A_919 = tpu.vector_load %arg13[%get3A_916, %get3A_917, %get3A_918] {strides = array<i32>} : memref<2x32x768xf32, #tpu.memory_space<vmem>>, vector<1x1x16xf32>,
      %get3A_920 = vector.shape_cast %get3A_919 : vector<1x1x16xf32> to vector<16xf32>
      %mul3A_921 = arith.mulf %get3A_920, %get3A_182 : vector<16xf32>
      %add3A_922 = arith.addf %mul3A_914, %mul3A_921 : vector<16xf32>
      %swap3A_923 = arith.constant 0 : i32
      %swap3A_924 = arith.index_cast %swap3A_923 : i32 to index
      %swap3A_925 = arith.index_cast %scan3A_171 : i32 to index
      %swap3A_926 = arith.constant 528 : index
      %swap3A_927 = tpu.vector_load %arg12[%swap3A_924, %swap3A_925, %swap3A_926] {strides = array<i32>} : memref<2x32x768xf32, #tpu.memory_space<vmem>>, vector<1x1x16xf32>,
      %swap3A_928 = vector.shape_cast %swap3A_927 : vector<1x1x16xf32> to vector<16xf32>
      %swap3A_929 = vector.shape_cast %add3A_922 : vector<16xf32> to vector<1x1x16xf32>
      tpu.vector_store %arg12[%swap3A_924, %swap3A_925, %swap3A_926], %swap3A_929 {strides = array<i32>} : memref<2x32x768xf32, #tpu.memory_space<vmem>>, vector<1x1x16xf32>,
      %get3A_930 = arith.constant 0 : i32
      %get3A_931 = arith.index_cast %get3A_930 : i32 to index
      %get3A_932 = arith.index_cast %scan3A_171 : i32 to index
      %get3A_933 = arith.constant 544 : index
      %get3A_934 = tpu.vector_load %arg12[%get3A_931, %get3A_932, %get3A_933] {strides = array<i32>} : memref<2x32x768xf32, #tpu.memory_space<vmem>>, vector<1x1x16xf32>,
      %get3A_935 = vector.shape_cast %get3A_934 : vector<1x1x16xf32> to vector<16xf32>
      %mul3A_936 = arith.mulf %get3A_935, %get3A_176 : vector<16xf32>
      %get3A_937 = arith.constant 0 : i32
      %get3A_938 = arith.index_cast %get3A_937 : i32 to index
      %get3A_939 = arith.index_cast %scan3A_171 : i32 to index
      %get3A_940 = arith.constant 544 : index
      %get3A_941 = tpu.vector_load %arg13[%get3A_938, %get3A_939, %get3A_940] {strides = array<i32>} : memref<2x32x768xf32, #tpu.memory_space<vmem>>, vector<1x1x16xf32>,
      %get3A_942 = vector.shape_cast %get3A_941 : vector<1x1x16xf32> to vector<16xf32>
      %mul3A_943 = arith.mulf %get3A_942, %get3A_182 : vector<16xf32>
      %add3A_944 = arith.addf %mul3A_936, %mul3A_943 : vector<16xf32>
      %swap3A_945 = arith.constant 0 : i32
      %swap3A_946 = arith.index_cast %swap3A_945 : i32 to index
      %swap3A_947 = arith.index_cast %scan3A_171 : i32 to index
      %swap3A_948 = arith.constant 544 : index
      %swap3A_949 = tpu.vector_load %arg12[%swap3A_946, %swap3A_947, %swap3A_948] {strides = array<i32>} : memref<2x32x768xf32, #tpu.memory_space<vmem>>, vector<1x1x16xf32>,
      %swap3A_950 = vector.shape_cast %swap3A_949 : vector<1x1x16xf32> to vector<16xf32>
      %swap3A_951 = vector.shape_cast %add3A_944 : vector<16xf32> to vector<1x1x16xf32>
      tpu.vector_store %arg12[%swap3A_946, %swap3A_947, %swap3A_948], %swap3A_951 {strides = array<i32>} : memref<2x32x768xf32, #tpu.memory_space<vmem>>, vector<1x1x16xf32>,
      %get3A_952 = arith.constant 0 : i32
      %get3A_953 = arith.index_cast %get3A_952 : i32 to index
      %get3A_954 = arith.index_cast %scan3A_171 : i32 to index
      %get3A_955 = arith.constant 560 : index
      %get3A_956 = tpu.vector_load %arg12[%get3A_953, %get3A_954, %get3A_955] {strides = array<i32>} : memref<2x32x768xf32, #tpu.memory_space<vmem>>, vector<1x1x16xf32>,
      %get3A_957 = vector.shape_cast %get3A_956 : vector<1x1x16xf32> to vector<16xf32>
      %mul3A_958 = arith.mulf %get3A_957, %get3A_176 : vector<16xf32>
      %get3A_959 = arith.constant 0 : i32
      %get3A_960 = arith.index_cast %get3A_959 : i32 to index
      %get3A_961 = arith.index_cast %scan3A_171 : i32 to index
      %get3A_962 = arith.constant 560 : index
      %get3A_963 = tpu.vector_load %arg13[%get3A_960, %get3A_961, %get3A_962] {strides = array<i32>} : memref<2x32x768xf32, #tpu.memory_space<vmem>>, vector<1x1x16xf32>,
      %get3A_964 = vector.shape_cast %get3A_963 : vector<1x1x16xf32> to vector<16xf32>
      %mul3A_965 = arith.mulf %get3A_964, %get3A_182 : vector<16xf32>
      %add3A_966 = arith.addf %mul3A_958, %mul3A_965 : vector<16xf32>
      %swap3A_967 = arith.constant 0 : i32
      %swap3A_968 = arith.index_cast %swap3A_967 : i32 to index
      %swap3A_969 = arith.index_cast %scan3A_171 : i32 to index
      %swap3A_970 = arith.constant 560 : index
      %swap3A_971 = tpu.vector_load %arg12[%swap3A_968, %swap3A_969, %swap3A_970] {strides = array<i32>} : memref<2x32x768xf32, #tpu.memory_space<vmem>>, vector<1x1x16xf32>,
      %swap3A_972 = vector.shape_cast %swap3A_971 : vector<1x1x16xf32> to vector<16xf32>
      %swap3A_973 = vector.shape_cast %add3A_966 : vector<16xf32> to vector<1x1x16xf32>
      tpu.vector_store %arg12[%swap3A_968, %swap3A_969, %swap3A_970], %swap3A_973 {strides = array<i32>} : memref<2x32x768xf32, #tpu.memory_space<vmem>>, vector<1x1x16xf32>,
      %get3A_974 = arith.constant 0 : i32
      %get3A_975 = arith.index_cast %get3A_974 : i32 to index
      %get3A_976 = arith.index_cast %scan3A_171 : i32 to index
      %get3A_977 = arith.constant 576 : index
      %get3A_978 = tpu.vector_load %arg12[%get3A_975, %get3A_976, %get3A_977] {strides = array<i32>} : memref<2x32x768xf32, #tpu.memory_space<vmem>>, vector<1x1x16xf32>,
      %get3A_979 = vector.shape_cast %get3A_978 : vector<1x1x16xf32> to vector<16xf32>
      %mul3A_980 = arith.mulf %get3A_979, %get3A_176 : vector<16xf32>
      %get3A_981 = arith.constant 0 : i32
      %get3A_982 = arith.index_cast %get3A_981 : i32 to index
      %get3A_983 = arith.index_cast %scan3A_171 : i32 to index
      %get3A_984 = arith.constant 576 : index
      %get3A_985 = tpu.vector_load %arg13[%get3A_982, %get3A_983, %get3A_984] {strides = array<i32>} : memref<2x32x768xf32, #tpu.memory_space<vmem>>, vector<1x1x16xf32>,
      %get3A_986 = vector.shape_cast %get3A_985 : vector<1x1x16xf32> to vector<16xf32>
      %mul3A_987 = arith.mulf %get3A_986, %get3A_182 : vector<16xf32>
      %add3A_988 = arith.addf %mul3A_980, %mul3A_987 : vector<16xf32>
      %swap3A_989 = arith.constant 0 : i32
      %swap3A_990 = arith.index_cast %swap3A_989 : i32 to index
      %swap3A_991 = arith.index_cast %scan3A_171 : i32 to index
      %swap3A_992 = arith.constant 576 : index
      %swap3A_993 = tpu.vector_load %arg12[%swap3A_990, %swap3A_991, %swap3A_992] {strides = array<i32>} : memref<2x32x768xf32, #tpu.memory_space<vmem>>, vector<1x1x16xf32>,
      %swap3A_994 = vector.shape_cast %swap3A_993 : vector<1x1x16xf32> to vector<16xf32>
      %swap3A_995 = vector.shape_cast %add3A_988 : vector<16xf32> to vector<1x1x16xf32>
      tpu.vector_store %arg12[%swap3A_990, %swap3A_991, %swap3A_992], %swap3A_995 {strides = array<i32>} : memref<2x32x768xf32, #tpu.memory_space<vmem>>, vector<1x1x16xf32>,
      %get3A_996 = arith.constant 0 : i32
      %get3A_997 = arith.index_cast %get3A_996 : i32 to index
      %get3A_998 = arith.index_cast %scan3A_171 : i32 to index
      %get3A_999 = arith.constant 592 : index
      %get3A_1000 = tpu.vector_load %arg12[%get3A_997, %get3A_998, %get3A_999] {strides = array<i32>} : memref<2x32x768xf32, #tpu.memory_space<vmem>>, vector<1x1x16xf32>,
      %get3A_1001 = vector.shape_cast %get3A_1000 : vector<1x1x16xf32> to vector<16xf32>
      %mul3A_1002 = arith.mulf %get3A_1001, %get3A_176 : vector<16xf32>
      %get3A_1003 = arith.constant 0 : i32
      %get3A_1004 = arith.index_cast %get3A_1003 : i32 to index
      %get3A_1005 = arith.index_cast %scan3A_171 : i32 to index
      %get3A_1006 = arith.constant 592 : index
      %get3A_1007 = tpu.vector_load %arg13[%get3A_1004, %get3A_1005, %get3A_1006] {strides = array<i32>} : memref<2x32x768xf32, #tpu.memory_space<vmem>>, vector<1x1x16xf32>,
      %get3A_1008 = vector.shape_cast %get3A_1007 : vector<1x1x16xf32> to vector<16xf32>
      %mul3A_1009 = arith.mulf %get3A_1008, %get3A_182 : vector<16xf32>
      %add3A_1010 = arith.addf %mul3A_1002, %mul3A_1009 : vector<16xf32>
      %swap3A_1011 = arith.constant 0 : i32
      %swap3A_1012 = arith.index_cast %swap3A_1011 : i32 to index
      %swap3A_1013 = arith.index_cast %scan3A_171 : i32 to index
      %swap3A_1014 = arith.constant 592 : index
      %swap3A_1015 = tpu.vector_load %arg12[%swap3A_1012, %swap3A_1013, %swap3A_1014] {strides = array<i32>} : memref<2x32x768xf32, #tpu.memory_space<vmem>>, vector<1x1x16xf32>,
      %swap3A_1016 = vector.shape_cast %swap3A_1015 : vector<1x1x16xf32> to vector<16xf32>
      %swap3A_1017 = vector.shape_cast %add3A_1010 : vector<16xf32> to vector<1x1x16xf32>
      tpu.vector_store %arg12[%swap3A_1012, %swap3A_1013, %swap3A_1014], %swap3A_1017 {strides = array<i32>} : memref<2x32x768xf32, #tpu.memory_space<vmem>>, vector<1x1x16xf32>,
      %get3A_1018 = arith.constant 0 : i32
      %get3A_1019 = arith.index_cast %get3A_1018 : i32 to index
      %get3A_1020 = arith.index_cast %scan3A_171 : i32 to index
      %get3A_1021 = arith.constant 608 : index
      %get3A_1022 = tpu.vector_load %arg12[%get3A_1019, %get3A_1020, %get3A_1021] {strides = array<i32>} : memref<2x32x768xf32, #tpu.memory_space<vmem>>, vector<1x1x16xf32>,
      %get3A_1023 = vector.shape_cast %get3A_1022 : vector<1x1x16xf32> to vector<16xf32>
      %mul3A_1024 = arith.mulf %get3A_1023, %get3A_176 : vector<16xf32>
      %get3A_1025 = arith.constant 0 : i32
      %get3A_1026 = arith.index_cast %get3A_1025 : i32 to index
      %get3A_1027 = arith.index_cast %scan3A_171 : i32 to index
      %get3A_1028 = arith.constant 608 : index
      %get3A_1029 = tpu.vector_load %arg13[%get3A_1026, %get3A_1027, %get3A_1028] {strides = array<i32>} : memref<2x32x768xf32, #tpu.memory_space<vmem>>, vector<1x1x16xf32>,
      %get3A_1030 = vector.shape_cast %get3A_1029 : vector<1x1x16xf32> to vector<16xf32>
      %mul3A_1031 = arith.mulf %get3A_1030, %get3A_182 : vector<16xf32>
      %add3A_1032 = arith.addf %mul3A_1024, %mul3A_1031 : vector<16xf32>
      %swap3A_1033 = arith.constant 0 : i32
      %swap3A_1034 = arith.index_cast %swap3A_1033 : i32 to index
      %swap3A_1035 = arith.index_cast %scan3A_171 : i32 to index
      %swap3A_1036 = arith.constant 608 : index
      %swap3A_1037 = tpu.vector_load %arg12[%swap3A_1034, %swap3A_1035, %swap3A_1036] {strides = array<i32>} : memref<2x32x768xf32, #tpu.memory_space<vmem>>, vector<1x1x16xf32>,
      %swap3A_1038 = vector.shape_cast %swap3A_1037 : vector<1x1x16xf32> to vector<16xf32>
      %swap3A_1039 = vector.shape_cast %add3A_1032 : vector<16xf32> to vector<1x1x16xf32>
      tpu.vector_store %arg12[%swap3A_1034, %swap3A_1035, %swap3A_1036], %swap3A_1039 {strides = array<i32>} : memref<2x32x768xf32, #tpu.memory_space<vmem>>, vector<1x1x16xf32>,
      %get3A_1040 = arith.constant 0 : i32
      %get3A_1041 = arith.index_cast %get3A_1040 : i32 to index
      %get3A_1042 = arith.index_cast %scan3A_171 : i32 to index
      %get3A_1043 = arith.constant 624 : index
      %get3A_1044 = tpu.vector_load %arg12[%get3A_1041, %get3A_1042, %get3A_1043] {strides = array<i32>} : memref<2x32x768xf32, #tpu.memory_space<vmem>>, vector<1x1x16xf32>,
      %get3A_1045 = vector.shape_cast %get3A_1044 : vector<1x1x16xf32> to vector<16xf32>
      %mul3A_1046 = arith.mulf %get3A_1045, %get3A_176 : vector<16xf32>
      %get3A_1047 = arith.constant 0 : i32
      %get3A_1048 = arith.index_cast %get3A_1047 : i32 to index
      %get3A_1049 = arith.index_cast %scan3A_171 : i32 to index
      %get3A_1050 = arith.constant 624 : index
      %get3A_1051 = tpu.vector_load %arg13[%get3A_1048, %get3A_1049, %get3A_1050] {strides = array<i32>} : memref<2x32x768xf32, #tpu.memory_space<vmem>>, vector<1x1x16xf32>,
      %get3A_1052 = vector.shape_cast %get3A_1051 : vector<1x1x16xf32> to vector<16xf32>
      %mul3A_1053 = arith.mulf %get3A_1052, %get3A_182 : vector<16xf32>
      %add3A_1054 = arith.addf %mul3A_1046, %mul3A_1053 : vector<16xf32>
      %swap3A_1055 = arith.constant 0 : i32
      %swap3A_1056 = arith.index_cast %swap3A_1055 : i32 to index
      %swap3A_1057 = arith.index_cast %scan3A_171 : i32 to index
      %swap3A_1058 = arith.constant 624 : index
      %swap3A_1059 = tpu.vector_load %arg12[%swap3A_1056, %swap3A_1057, %swap3A_1058] {strides = array<i32>} : memref<2x32x768xf32, #tpu.memory_space<vmem>>, vector<1x1x16xf32>,
      %swap3A_1060 = vector.shape_cast %swap3A_1059 : vector<1x1x16xf32> to vector<16xf32>
      %swap3A_1061 = vector.shape_cast %add3A_1054 : vector<16xf32> to vector<1x1x16xf32>
      tpu.vector_store %arg12[%swap3A_1056, %swap3A_1057, %swap3A_1058], %swap3A_1061 {strides = array<i32>} : memref<2x32x768xf32, #tpu.memory_space<vmem>>, vector<1x1x16xf32>,
      %get3A_1062 = arith.constant 0 : i32
      %get3A_1063 = arith.index_cast %get3A_1062 : i32 to index
      %get3A_1064 = arith.index_cast %scan3A_171 : i32 to index
      %get3A_1065 = arith.constant 640 : index
      %get3A_1066 = tpu.vector_load %arg12[%get3A_1063, %get3A_1064, %get3A_1065] {strides = array<i32>} : memref<2x32x768xf32, #tpu.memory_space<vmem>>, vector<1x1x16xf32>,
      %get3A_1067 = vector.shape_cast %get3A_1066 : vector<1x1x16xf32> to vector<16xf32>
      %mul3A_1068 = arith.mulf %get3A_1067, %get3A_176 : vector<16xf32>
      %get3A_1069 = arith.constant 0 : i32
      %get3A_1070 = arith.index_cast %get3A_1069 : i32 to index
      %get3A_1071 = arith.index_cast %scan3A_171 : i32 to index
      %get3A_1072 = arith.constant 640 : index
      %get3A_1073 = tpu.vector_load %arg13[%get3A_1070, %get3A_1071, %get3A_1072] {strides = array<i32>} : memref<2x32x768xf32, #tpu.memory_space<vmem>>, vector<1x1x16xf32>,
      %get3A_1074 = vector.shape_cast %get3A_1073 : vector<1x1x16xf32> to vector<16xf32>
      %mul3A_1075 = arith.mulf %get3A_1074, %get3A_182 : vector<16xf32>
      %add3A_1076 = arith.addf %mul3A_1068, %mul3A_1075 : vector<16xf32>
      %swap3A_1077 = arith.constant 0 : i32
      %swap3A_1078 = arith.index_cast %swap3A_1077 : i32 to index
      %swap3A_1079 = arith.index_cast %scan3A_171 : i32 to index
      %swap3A_1080 = arith.constant 640 : index
      %swap3A_1081 = tpu.vector_load %arg12[%swap3A_1078, %swap3A_1079, %swap3A_1080] {strides = array<i32>} : memref<2x32x768xf32, #tpu.memory_space<vmem>>, vector<1x1x16xf32>,
      %swap3A_1082 = vector.shape_cast %swap3A_1081 : vector<1x1x16xf32> to vector<16xf32>
      %swap3A_1083 = vector.shape_cast %add3A_1076 : vector<16xf32> to vector<1x1x16xf32>
      tpu.vector_store %arg12[%swap3A_1078, %swap3A_1079, %swap3A_1080], %swap3A_1083 {strides = array<i32>} : memref<2x32x768xf32, #tpu.memory_space<vmem>>, vector<1x1x16xf32>,
      %get3A_1084 = arith.constant 0 : i32
      %get3A_1085 = arith.index_cast %get3A_1084 : i32 to index
      %get3A_1086 = arith.index_cast %scan3A_171 : i32 to index
      %get3A_1087 = arith.constant 656 : index
      %get3A_1088 = tpu.vector_load %arg12[%get3A_1085, %get3A_1086, %get3A_1087] {strides = array<i32>} : memref<2x32x768xf32, #tpu.memory_space<vmem>>, vector<1x1x16xf32>,
      %get3A_1089 = vector.shape_cast %get3A_1088 : vector<1x1x16xf32> to vector<16xf32>
      %mul3A_1090 = arith.mulf %get3A_1089, %get3A_176 : vector<16xf32>
      %get3A_1091 = arith.constant 0 : i32
      %get3A_1092 = arith.index_cast %get3A_1091 : i32 to index
      %get3A_1093 = arith.index_cast %scan3A_171 : i32 to index
      %get3A_1094 = arith.constant 656 : index
      %get3A_1095 = tpu.vector_load %arg13[%get3A_1092, %get3A_1093, %get3A_1094] {strides = array<i32>} : memref<2x32x768xf32, #tpu.memory_space<vmem>>, vector<1x1x16xf32>,
      %get3A_1096 = vector.shape_cast %get3A_1095 : vector<1x1x16xf32> to vector<16xf32>
      %mul3A_1097 = arith.mulf %get3A_1096, %get3A_182 : vector<16xf32>
      %add3A_1098 = arith.addf %mul3A_1090, %mul3A_1097 : vector<16xf32>
      %swap3A_1099 = arith.constant 0 : i32
      %swap3A_1100 = arith.index_cast %swap3A_1099 : i32 to index
      %swap3A_1101 = arith.index_cast %scan3A_171 : i32 to index
      %swap3A_1102 = arith.constant 656 : index
      %swap3A_1103 = tpu.vector_load %arg12[%swap3A_1100, %swap3A_1101, %swap3A_1102] {strides = array<i32>} : memref<2x32x768xf32, #tpu.memory_space<vmem>>, vector<1x1x16xf32>,
      %swap3A_1104 = vector.shape_cast %swap3A_1103 : vector<1x1x16xf32> to vector<16xf32>
      %swap3A_1105 = vector.shape_cast %add3A_1098 : vector<16xf32> to vector<1x1x16xf32>
      tpu.vector_store %arg12[%swap3A_1100, %swap3A_1101, %swap3A_1102], %swap3A_1105 {strides = array<i32>} : memref<2x32x768xf32, #tpu.memory_space<vmem>>, vector<1x1x16xf32>,
      %get3A_1106 = arith.constant 0 : i32
      %get3A_1107 = arith.index_cast %get3A_1106 : i32 to index
      %get3A_1108 = arith.index_cast %scan3A_171 : i32 to index
      %get3A_1109 = arith.constant 672 : index
      %get3A_1110 = tpu.vector_load %arg12[%get3A_1107, %get3A_1108, %get3A_1109] {strides = array<i32>} : memref<2x32x768xf32, #tpu.memory_space<vmem>>, vector<1x1x16xf32>,
      %get3A_1111 = vector.shape_cast %get3A_1110 : vector<1x1x16xf32> to vector<16xf32>
      %mul3A_1112 = arith.mulf %get3A_1111, %get3A_176 : vector<16xf32>
      %get3A_1113 = arith.constant 0 : i32
      %get3A_1114 = arith.index_cast %get3A_1113 : i32 to index
      %get3A_1115 = arith.index_cast %scan3A_171 : i32 to index
      %get3A_1116 = arith.constant 672 : index
      %get3A_1117 = tpu.vector_load %arg13[%get3A_1114, %get3A_1115, %get3A_1116] {strides = array<i32>} : memref<2x32x768xf32, #tpu.memory_space<vmem>>, vector<1x1x16xf32>,
      %get3A_1118 = vector.shape_cast %get3A_1117 : vector<1x1x16xf32> to vector<16xf32>
      %mul3A_1119 = arith.mulf %get3A_1118, %get3A_182 : vector<16xf32>
      %add3A_1120 = arith.addf %mul3A_1112, %mul3A_1119 : vector<16xf32>
      %swap3A_1121 = arith.constant 0 : i32
      %swap3A_1122 = arith.index_cast %swap3A_1121 : i32 to index
      %swap3A_1123 = arith.index_cast %scan3A_171 : i32 to index
      %swap3A_1124 = arith.constant 672 : index
      %swap3A_1125 = tpu.vector_load %arg12[%swap3A_1122, %swap3A_1123, %swap3A_1124] {strides = array<i32>} : memref<2x32x768xf32, #tpu.memory_space<vmem>>, vector<1x1x16xf32>,
      %swap3A_1126 = vector.shape_cast %swap3A_1125 : vector<1x1x16xf32> to vector<16xf32>
      %swap3A_1127 = vector.shape_cast %add3A_1120 : vector<16xf32> to vector<1x1x16xf32>
      tpu.vector_store %arg12[%swap3A_1122, %swap3A_1123, %swap3A_1124], %swap3A_1127 {strides = array<i32>} : memref<2x32x768xf32, #tpu.memory_space<vmem>>, vector<1x1x16xf32>,
      %get3A_1128 = arith.constant 0 : i32
      %get3A_1129 = arith.index_cast %get3A_1128 : i32 to index
      %get3A_1130 = arith.index_cast %scan3A_171 : i32 to index
      %get3A_1131 = arith.constant 688 : index
      %get3A_1132 = tpu.vector_load %arg12[%get3A_1129, %get3A_1130, %get3A_1131] {strides = array<i32>} : memref<2x32x768xf32, #tpu.memory_space<vmem>>, vector<1x1x16xf32>,
      %get3A_1133 = vector.shape_cast %get3A_1132 : vector<1x1x16xf32> to vector<16xf32>
      %mul3A_1134 = arith.mulf %get3A_1133, %get3A_176 : vector<16xf32>
      %get3A_1135 = arith.constant 0 : i32
      %get3A_1136 = arith.index_cast %get3A_1135 : i32 to index
      %get3A_1137 = arith.index_cast %scan3A_171 : i32 to index
      %get3A_1138 = arith.constant 688 : index
      %get3A_1139 = tpu.vector_load %arg13[%get3A_1136, %get3A_1137, %get3A_1138] {strides = array<i32>} : memref<2x32x768xf32, #tpu.memory_space<vmem>>, vector<1x1x16xf32>,
      %get3A_1140 = vector.shape_cast %get3A_1139 : vector<1x1x16xf32> to vector<16xf32>
      %mul3A_1141 = arith.mulf %get3A_1140, %get3A_182 : vector<16xf32>
      %add3A_1142 = arith.addf %mul3A_1134, %mul3A_1141 : vector<16xf32>
      %swap3A_1143 = arith.constant 0 : i32
      %swap3A_1144 = arith.index_cast %swap3A_1143 : i32 to index
      %swap3A_1145 = arith.index_cast %scan3A_171 : i32 to index
      %swap3A_1146 = arith.constant 688 : index
      %swap3A_1147 = tpu.vector_load %arg12[%swap3A_1144, %swap3A_1145, %swap3A_1146] {strides = array<i32>} : memref<2x32x768xf32, #tpu.memory_space<vmem>>, vector<1x1x16xf32>,
      %swap3A_1148 = vector.shape_cast %swap3A_1147 : vector<1x1x16xf32> to vector<16xf32>
      %swap3A_1149 = vector.shape_cast %add3A_1142 : vector<16xf32> to vector<1x1x16xf32>
      tpu.vector_store %arg12[%swap3A_1144, %swap3A_1145, %swap3A_1146], %swap3A_1149 {strides = array<i32>} : memref<2x32x768xf32, #tpu.memory_space<vmem>>, vector<1x1x16xf32>,
      %get3A_1150 = arith.constant 0 : i32
      %get3A_1151 = arith.index_cast %get3A_1150 : i32 to index
      %get3A_1152 = arith.index_cast %scan3A_171 : i32 to index
      %get3A_1153 = arith.constant 704 : index
      %get3A_1154 = tpu.vector_load %arg12[%get3A_1151, %get3A_1152, %get3A_1153] {strides = array<i32>} : memref<2x32x768xf32, #tpu.memory_space<vmem>>, vector<1x1x16xf32>,
      %get3A_1155 = vector.shape_cast %get3A_1154 : vector<1x1x16xf32> to vector<16xf32>
      %mul3A_1156 = arith.mulf %get3A_1155, %get3A_176 : vector<16xf32>
      %get3A_1157 = arith.constant 0 : i32
      %get3A_1158 = arith.index_cast %get3A_1157 : i32 to index
      %get3A_1159 = arith.index_cast %scan3A_171 : i32 to index
      %get3A_1160 = arith.constant 704 : index
      %get3A_1161 = tpu.vector_load %arg13[%get3A_1158, %get3A_1159, %get3A_1160] {strides = array<i32>} : memref<2x32x768xf32, #tpu.memory_space<vmem>>, vector<1x1x16xf32>,
      %get3A_1162 = vector.shape_cast %get3A_1161 : vector<1x1x16xf32> to vector<16xf32>
      %mul3A_1163 = arith.mulf %get3A_1162, %get3A_182 : vector<16xf32>
      %add3A_1164 = arith.addf %mul3A_1156, %mul3A_1163 : vector<16xf32>
      %swap3A_1165 = arith.constant 0 : i32
      %swap3A_1166 = arith.index_cast %swap3A_1165 : i32 to index
      %swap3A_1167 = arith.index_cast %scan3A_171 : i32 to index
      %swap3A_1168 = arith.constant 704 : index
      %swap3A_1169 = tpu.vector_load %arg12[%swap3A_1166, %swap3A_1167, %swap3A_1168] {strides = array<i32>} : memref<2x32x768xf32, #tpu.memory_space<vmem>>, vector<1x1x16xf32>,
      %swap3A_1170 = vector.shape_cast %swap3A_1169 : vector<1x1x16xf32> to vector<16xf32>
      %swap3A_1171 = vector.shape_cast %add3A_1164 : vector<16xf32> to vector<1x1x16xf32>
      tpu.vector_store %arg12[%swap3A_1166, %swap3A_1167, %swap3A_1168], %swap3A_1171 {strides = array<i32>} : memref<2x32x768xf32, #tpu.memory_space<vmem>>, vector<1x1x16xf32>,
      %get3A_1172 = arith.constant 0 : i32
      %get3A_1173 = arith.index_cast %get3A_1172 : i32 to index
      %get3A_1174 = arith.index_cast %scan3A_171 : i32 to index
      %get3A_1175 = arith.constant 720 : index
      %get3A_1176 = tpu.vector_load %arg12[%get3A_1173, %get3A_1174, %get3A_1175] {strides = array<i32>} : memref<2x32x768xf32, #tpu.memory_space<vmem>>, vector<1x1x16xf32>,
      %get3A_1177 = vector.shape_cast %get3A_1176 : vector<1x1x16xf32> to vector<16xf32>
      %mul3A_1178 = arith.mulf %get3A_1177, %get3A_176 : vector<16xf32>
      %get3A_1179 = arith.constant 0 : i32
      %get3A_1180 = arith.index_cast %get3A_1179 : i32 to index
      %get3A_1181 = arith.index_cast %scan3A_171 : i32 to index
      %get3A_1182 = arith.constant 720 : index
      %get3A_1183 = tpu.vector_load %arg13[%get3A_1180, %get3A_1181, %get3A_1182] {strides = array<i32>} : memref<2x32x768xf32, #tpu.memory_space<vmem>>, vector<1x1x16xf32>,
      %get3A_1184 = vector.shape_cast %get3A_1183 : vector<1x1x16xf32> to vector<16xf32>
      %mul3A_1185 = arith.mulf %get3A_1184, %get3A_182 : vector<16xf32>
      %add3A_1186 = arith.addf %mul3A_1178, %mul3A_1185 : vector<16xf32>
      %swap3A_1187 = arith.constant 0 : i32
      %swap3A_1188 = arith.index_cast %swap3A_1187 : i32 to index
      %swap3A_1189 = arith.index_cast %scan3A_171 : i32 to index
      %swap3A_1190 = arith.constant 720 : index
      %swap3A_1191 = tpu.vector_load %arg12[%swap3A_1188, %swap3A_1189, %swap3A_1190] {strides = array<i32>} : memref<2x32x768xf32, #tpu.memory_space<vmem>>, vector<1x1x16xf32>,
      %swap3A_1192 = vector.shape_cast %swap3A_1191 : vector<1x1x16xf32> to vector<16xf32>
      %swap3A_1193 = vector.shape_cast %add3A_1186 : vector<16xf32> to vector<1x1x16xf32>
      tpu.vector_store %arg12[%swap3A_1188, %swap3A_1189, %swap3A_1190], %swap3A_1193 {strides = array<i32>} : memref<2x32x768xf32, #tpu.memory_space<vmem>>, vector<1x1x16xf32>,
      %get3A_1194 = arith.constant 0 : i32
      %get3A_1195 = arith.index_cast %get3A_1194 : i32 to index
      %get3A_1196 = arith.index_cast %scan3A_171 : i32 to index
      %get3A_1197 = arith.constant 736 : index
      %get3A_1198 = tpu.vector_load %arg12[%get3A_1195, %get3A_1196, %get3A_1197] {strides = array<i32>} : memref<2x32x768xf32, #tpu.memory_space<vmem>>, vector<1x1x16xf32>,
      %get3A_1199 = vector.shape_cast %get3A_1198 : vector<1x1x16xf32> to vector<16xf32>
      %mul3A_1200 = arith.mulf %get3A_1199, %get3A_176 : vector<16xf32>
      %get3A_1201 = arith.constant 0 : i32
      %get3A_1202 = arith.index_cast %get3A_1201 : i32 to index
      %get3A_1203 = arith.index_cast %scan3A_171 : i32 to index
      %get3A_1204 = arith.constant 736 : index
      %get3A_1205 = tpu.vector_load %arg13[%get3A_1202, %get3A_1203, %get3A_1204] {strides = array<i32>} : memref<2x32x768xf32, #tpu.memory_space<vmem>>, vector<1x1x16xf32>,
      %get3A_1206 = vector.shape_cast %get3A_1205 : vector<1x1x16xf32> to vector<16xf32>
      %mul3A_1207 = arith.mulf %get3A_1206, %get3A_182 : vector<16xf32>
      %add3A_1208 = arith.addf %mul3A_1200, %mul3A_1207 : vector<16xf32>
      %swap3A_1209 = arith.constant 0 : i32
      %swap3A_1210 = arith.index_cast %swap3A_1209 : i32 to index
      %swap3A_1211 = arith.index_cast %scan3A_171 : i32 to index
      %swap3A_1212 = arith.constant 736 : index
      %swap3A_1213 = tpu.vector_load %arg12[%swap3A_1210, %swap3A_1211, %swap3A_1212] {strides = array<i32>} : memref<2x32x768xf32, #tpu.memory_space<vmem>>, vector<1x1x16xf32>,
      %swap3A_1214 = vector.shape_cast %swap3A_1213 : vector<1x1x16xf32> to vector<16xf32>
      %swap3A_1215 = vector.shape_cast %add3A_1208 : vector<16xf32> to vector<1x1x16xf32>
      tpu.vector_store %arg12[%swap3A_1210, %swap3A_1211, %swap3A_1212], %swap3A_1215 {strides = array<i32>} : memref<2x32x768xf32, #tpu.memory_space<vmem>>, vector<1x1x16xf32>,
      %get3A_1216 = arith.constant 0 : i32
      %get3A_1217 = arith.index_cast %get3A_1216 : i32 to index
      %get3A_1218 = arith.index_cast %scan3A_171 : i32 to index
      %get3A_1219 = arith.constant 752 : index
      %get3A_1220 = tpu.vector_load %arg12[%get3A_1217, %get3A_1218, %get3A_1219] {strides = array<i32>} : memref<2x32x768xf32, #tpu.memory_space<vmem>>, vector<1x1x16xf32>,
      %get3A_1221 = vector.shape_cast %get3A_1220 : vector<1x1x16xf32> to vector<16xf32>
      %mul3A_1222 = arith.mulf %get3A_1221, %get3A_176 : vector<16xf32>
      %get3A_1223 = arith.constant 0 : i32
      %get3A_1224 = arith.index_cast %get3A_1223 : i32 to index
      %get3A_1225 = arith.index_cast %scan3A_171 : i32 to index
      %get3A_1226 = arith.constant 752 : index
      %get3A_1227 = tpu.vector_load %arg13[%get3A_1224, %get3A_1225, %get3A_1226] {strides = array<i32>} : memref<2x32x768xf32, #tpu.memory_space<vmem>>, vector<1x1x16xf32>,
      %get3A_1228 = vector.shape_cast %get3A_1227 : vector<1x1x16xf32> to vector<16xf32>
      %mul3A_1229 = arith.mulf %get3A_1228, %get3A_182 : vector<16xf32>
      %add3A_1230 = arith.addf %mul3A_1222, %mul3A_1229 : vector<16xf32>
      %swap3A_1231 = arith.constant 0 : i32
      %swap3A_1232 = arith.index_cast %swap3A_1231 : i32 to index
      %swap3A_1233 = arith.index_cast %scan3A_171 : i32 to index
      %swap3A_1234 = arith.constant 752 : index
      %swap3A_1235 = tpu.vector_load %arg12[%swap3A_1232, %swap3A_1233, %swap3A_1234] {strides = array<i32>} : memref<2x32x768xf32, #tpu.memory_space<vmem>>, vector<1x1x16xf32>,
      %swap3A_1236 = vector.shape_cast %swap3A_1235 : vector<1x1x16xf32> to vector<16xf32>
      %swap3A_1237 = vector.shape_cast %add3A_1230 : vector<16xf32> to vector<1x1x16xf32>
      tpu.vector_store %arg12[%swap3A_1232, %swap3A_1233, %swap3A_1234], %swap3A_1237 {strides = array<i32>} : memref<2x32x768xf32, #tpu.memory_space<vmem>>, vector<1x1x16xf32>,
    }
    %scan3A_84 = arith.constant 32 : i32
    %add3A_85 = arith.constant 0 : i32
    %add3A_86 = arith.addi %mul3A_2, %add3A_85 : i32
    %dma_start3A_87 = arith.constant 0 : i32
    %dma_start3A_88 = arith.constant 0 : i32
    %dma_start3A_89 = arith.constant 0 : i32
    %dma_start3A_90 = tpu.memref_slice %arg12[%dma_start3A_87, %dma_start3A_88, %dma_start3A_89] : memref<2x32x768xf32, #tpu.memory_space<vmem>> -> memref<1x32x768xf32, #tpu.memory_space<vmem>>
    %dma_start3A_91 = tpu.memref_squeeze %dma_start3A_90 : memref<1x32x768xf32, #tpu.memory_space<vmem>> -> memref<32x768xf32, #tpu.memory_space<vmem>>
    %dma_start3A_92 = arith.constant 0 : i32
    %dma_start3A_93 = tpu.memref_slice %arg7[%add3A_86, %dma_start3A_92] : memref<2048x768xf32, #tpu.memory_space<hbm>> -> memref<32x768xf32, #tpu.memory_space<hbm>>
    %dma_start3A_94 = arith.constant 0 : i32
    %dma_start3A_95 = tpu.memref_slice %arg7[%add3A_86, %dma_start3A_94] : memref<2048x768xf32, #tpu.memory_space<hbm>> -> memref<32x768xf32, #tpu.memory_space<hbm>>
    %dma_start3A_96 = arith.constant 0 : i32
    %dma_start3A_97 = arith.constant 0 : i32
    %dma_start3A_98 = tpu.memref_slice %arg12[%dma_start3A_87, %dma_start3A_96, %dma_start3A_97] : memref<2x32x768xf32, #tpu.memory_space<vmem>> -> memref<1x32x768xf32, #tpu.memory_space<vmem>>
    %dma_start3A_99 = tpu.memref_squeeze %dma_start3A_98 : memref<1x32x768xf32, #tpu.memory_space<vmem>> -> memref<32x768xf32, #tpu.memory_space<vmem>>
    tpu.enqueue_dma source(%dma_start3A_99 : memref<32x768xf32, #tpu.memory_space<vmem>>) target(%dma_start3A_95 : memref<32x768xf32, #tpu.memory_space<hbm>>) target_semaphore(%arg16 : memref<!tpu.dma_semaphore, #tpu.memory_space<semaphore_mem>>)
    %dma_wait3A_100 = arith.constant 1 : i32
    %dma_wait3A_101 = arith.constant 1 : i32
    %dma_wait3A_102 = arith.constant 0 : i32
    %dma_wait3A_103 = arith.constant 0 : i32
    %dma_wait3A_104 = tpu.memref_slice %arg12[%dma_wait3A_101, %dma_wait3A_102, %dma_wait3A_103] : memref<2x32x768xf32, #tpu.memory_space<vmem>> -> memref<1x32x768xf32, #tpu.memory_space<vmem>>
    %dma_wait3A_105 = tpu.memref_squeeze %dma_wait3A_104 : memref<1x32x768xf32, #tpu.memory_space<vmem>> -> memref<32x768xf32, #tpu.memory_space<vmem>>
    %dma_wait3A_106 = arith.constant 0 : i32
    %dma_wait3A_107 = tpu.memref_slice %arg8[%dma_wait3A_100, %dma_wait3A_106] : memref<2x32xi32, #tpu.memory_space<vmem>> -> memref<1x32xi32, #tpu.memory_space<vmem>>
    %dma_wait3A_108 = tpu.memref_squeeze %dma_wait3A_107 : memref<1x32xi32, #tpu.memory_space<vmem>> -> memref<32xi32, #tpu.memory_space<vmem>>
    %dma_wait3A_109 = arith.constant 0 : i32
    %dma_wait3A_110 = arith.constant 0 : i32
    %dma_wait3A_111 = tpu.memref_slice %arg2[%dma_wait3A_109, %dma_wait3A_110] : memref<7680x768xf32, #tpu.memory_space<hbm>> -> memref<7680x768xf32, #tpu.memory_space<hbm>>
    tpu.wait_indirect_dma semaphore(%arg14 : memref<!tpu.dma_semaphore, #tpu.memory_space<semaphore_mem>>) src(%dma_wait3A_111 : memref<7680x768xf32, #tpu.memory_space<hbm>>) dst(%dma_wait3A_105 : memref<32x768xf32, #tpu.memory_space<vmem>>)
    %dma_wait3A_112 = arith.constant 1 : i32
    %dma_wait3A_113 = arith.constant 1 : i32
    %dma_wait3A_114 = arith.constant 0 : i32
    %dma_wait3A_115 = arith.constant 0 : i32
    %dma_wait3A_116 = tpu.memref_slice %arg13[%dma_wait3A_113, %dma_wait3A_114, %dma_wait3A_115] : memref<2x32x768xf32, #tpu.memory_space<vmem>> -> memref<1x32x768xf32, #tpu.memory_space<vmem>>
    %dma_wait3A_117 = tpu.memref_squeeze %dma_wait3A_116 : memref<1x32x768xf32, #tpu.memory_space<vmem>> -> memref<32x768xf32, #tpu.memory_space<vmem>>
    %dma_wait3A_118 = arith.constant 0 : i32
    %dma_wait3A_119 = tpu.memref_slice %arg9[%dma_wait3A_112, %dma_wait3A_118] : memref<2x32xi32, #tpu.memory_space<vmem>> -> memref<1x32xi32, #tpu.memory_space<vmem>>
    %dma_wait3A_120 = tpu.memref_squeeze %dma_wait3A_119 : memref<1x32xi32, #tpu.memory_space<vmem>> -> memref<32xi32, #tpu.memory_space<vmem>>
    %dma_wait3A_121 = arith.constant 0 : i32
    %dma_wait3A_122 = arith.constant 0 : i32
    %dma_wait3A_123 = tpu.memref_slice %arg2[%dma_wait3A_121, %dma_wait3A_122] : memref<7680x768xf32, #tpu.memory_space<hbm>> -> memref<7680x768xf32, #tpu.memory_space<hbm>>
    tpu.wait_indirect_dma semaphore(%arg15 : memref<!tpu.dma_semaphore, #tpu.memory_space<semaphore_mem>>) src(%dma_wait3A_123 : memref<7680x768xf32, #tpu.memory_space<hbm>>) dst(%dma_wait3A_117 : memref<32x768xf32, #tpu.memory_space<vmem>>)
    %scan3A_124 = arith.constant 0 : i32
    %scan3A_125 = arith.constant 0 : i32
    %scan3A_126 = arith.constant 32 : i32
    %scan3A_127 = arith.addi %scan3A_125, %scan3A_126 : i32
    %scan3A_128 = arith.constant 1 : i32
    scf.for %scan3A_171 = %scan3A_125 to %scan3A_127 step %scan3A_128  : i32 {
      %add3A_172 = arith.constant 32 : i32
      %add3A_173 = arith.addi %add3A_172, %scan3A_171 : i32
      %get3A = arith.index_cast %add3A_173 : i32 to index
      %get3A_174 = arith.constant 0 : index
      %get3A_175 = tpu.vector_load %arg10[%get3A, %get3A_174] {strides = array<i32>} : memref<64x16xf32, #tpu.memory_space<vmem>>, vector<1x16xf32>,
      %get3A_176 = vector.shape_cast %get3A_175 : vector<1x16xf32> to vector<16xf32>
      %add3A_177 = arith.constant 32 : i32
      %add3A_178 = arith.addi %add3A_177, %scan3A_171 : i32
      %get3A_179 = arith.index_cast %add3A_178 : i32 to index
      %get3A_180 = arith.constant 0 : index
      %get3A_181 = tpu.vector_load %arg11[%get3A_179, %get3A_180] {strides = array<i32>} : memref<64x16xf32, #tpu.memory_space<vmem>>, vector<1x16xf32>,
      %get3A_182 = vector.shape_cast %get3A_181 : vector<1x16xf32> to vector<16xf32>
      %get3A_183 = arith.constant 1 : i32
      %get3A_184 = arith.index_cast %get3A_183 : i32 to index
      %get3A_185 = arith.index_cast %scan3A_171 : i32 to index
      %get3A_186 = arith.constant 0 : index
      %get3A_187 = tpu.vector_load %arg12[%get3A_184, %get3A_185, %get3A_186] {strides = array<i32>} : memref<2x32x768xf32, #tpu.memory_space<vmem>>, vector<1x1x16xf32>,
      %get3A_188 = vector.shape_cast %get3A_187 : vector<1x1x16xf32> to vector<16xf32>
      %mul3A_189 = arith.mulf %get3A_188, %get3A_176 : vector<16xf32>
      %get3A_190 = arith.constant 1 : i32
      %get3A_191 = arith.index_cast %get3A_190 : i32 to index
      %get3A_192 = arith.index_cast %scan3A_171 : i32 to index
      %get3A_193 = arith.constant 0 : index
      %get3A_194 = tpu.vector_load %arg13[%get3A_191, %get3A_192, %get3A_193] {strides = array<i32>} : memref<2x32x768xf32, #tpu.memory_space<vmem>>, vector<1x1x16xf32>,
      %get3A_195 = vector.shape_cast %get3A_194 : vector<1x1x16xf32> to vector<16xf32>
      %mul3A_196 = arith.mulf %get3A_195, %get3A_182 : vector<16xf32>
      %add3A_197 = arith.addf %mul3A_189, %mul3A_196 : vector<16xf32>
      %swap3A = arith.constant 1 : i32
      %swap3A_198 = arith.index_cast %swap3A : i32 to index
      %swap3A_199 = arith.index_cast %scan3A_171 : i32 to index
      %swap3A_200 = arith.constant 0 : index
      %swap3A_201 = tpu.vector_load %arg12[%swap3A_198, %swap3A_199, %swap3A_200] {strides = array<i32>} : memref<2x32x768xf32, #tpu.memory_space<vmem>>, vector<1x1x16xf32>,
      %swap3A_202 = vector.shape_cast %swap3A_201 : vector<1x1x16xf32> to vector<16xf32>
      %swap3A_203 = vector.shape_cast %add3A_197 : vector<16xf32> to vector<1x1x16xf32>
      tpu.vector_store %arg12[%swap3A_198, %swap3A_199, %swap3A_200], %swap3A_203 {strides = array<i32>} : memref<2x32x768xf32, #tpu.memory_space<vmem>>, vector<1x1x16xf32>,
      %get3A_204 = arith.constant 1 : i32
      %get3A_205 = arith.index_cast %get3A_204 : i32 to index
      %get3A_206 = arith.index_cast %scan3A_171 : i32 to index
      %get3A_207 = arith.constant 16 : index
      %get3A_208 = tpu.vector_load %arg12[%get3A_205, %get3A_206, %get3A_207] {strides = array<i32>} : memref<2x32x768xf32, #tpu.memory_space<vmem>>, vector<1x1x16xf32>,
      %get3A_209 = vector.shape_cast %get3A_208 : vector<1x1x16xf32> to vector<16xf32>
      %mul3A_210 = arith.mulf %get3A_209, %get3A_176 : vector<16xf32>
      %get3A_211 = arith.constant 1 : i32
      %get3A_212 = arith.index_cast %get3A_211 : i32 to index
      %get3A_213 = arith.index_cast %scan3A_171 : i32 to index
      %get3A_214 = arith.constant 16 : index
      %get3A_215 = tpu.vector_load %arg13[%get3A_212, %get3A_213, %get3A_214] {strides = array<i32>} : memref<2x32x768xf32, #tpu.memory_space<vmem>>, vector<1x1x16xf32>,
      %get3A_216 = vector.shape_cast %get3A_215 : vector<1x1x16xf32> to vector<16xf32>
      %mul3A_217 = arith.mulf %get3A_216, %get3A_182 : vector<16xf32>
      %add3A_218 = arith.addf %mul3A_210, %mul3A_217 : vector<16xf32>
      %swap3A_219 = arith.constant 1 : i32
      %swap3A_220 = arith.index_cast %swap3A_219 : i32 to index
      %swap3A_221 = arith.index_cast %scan3A_171 : i32 to index
      %swap3A_222 = arith.constant 16 : index
      %swap3A_223 = tpu.vector_load %arg12[%swap3A_220, %swap3A_221, %swap3A_222] {strides = array<i32>} : memref<2x32x768xf32, #tpu.memory_space<vmem>>, vector<1x1x16xf32>,
      %swap3A_224 = vector.shape_cast %swap3A_223 : vector<1x1x16xf32> to vector<16xf32>
      %swap3A_225 = vector.shape_cast %add3A_218 : vector<16xf32> to vector<1x1x16xf32>
      tpu.vector_store %arg12[%swap3A_220, %swap3A_221, %swap3A_222], %swap3A_225 {strides = array<i32>} : memref<2x32x768xf32, #tpu.memory_space<vmem>>, vector<1x1x16xf32>,
      %get3A_226 = arith.constant 1 : i32
      %get3A_227 = arith.index_cast %get3A_226 : i32 to index
      %get3A_228 = arith.index_cast %scan3A_171 : i32 to index
      %get3A_229 = arith.constant 32 : index
      %get3A_230 = tpu.vector_load %arg12[%get3A_227, %get3A_228, %get3A_229] {strides = array<i32>} : memref<2x32x768xf32, #tpu.memory_space<vmem>>, vector<1x1x16xf32>,
      %get3A_231 = vector.shape_cast %get3A_230 : vector<1x1x16xf32> to vector<16xf32>
      %mul3A_232 = arith.mulf %get3A_231, %get3A_176 : vector<16xf32>
      %get3A_233 = arith.constant 1 : i32
      %get3A_234 = arith.index_cast %get3A_233 : i32 to index
      %get3A_235 = arith.index_cast %scan3A_171 : i32 to index
      %get3A_236 = arith.constant 32 : index
      %get3A_237 = tpu.vector_load %arg13[%get3A_234, %get3A_235, %get3A_236] {strides = array<i32>} : memref<2x32x768xf32, #tpu.memory_space<vmem>>, vector<1x1x16xf32>,
      %get3A_238 = vector.shape_cast %get3A_237 : vector<1x1x16xf32> to vector<16xf32>
      %mul3A_239 = arith.mulf %get3A_238, %get3A_182 : vector<16xf32>
      %add3A_240 = arith.addf %mul3A_232, %mul3A_239 : vector<16xf32>
      %swap3A_241 = arith.constant 1 : i32
      %swap3A_242 = arith.index_cast %swap3A_241 : i32 to index
      %swap3A_243 = arith.index_cast %scan3A_171 : i32 to index
      %swap3A_244 = arith.constant 32 : index
      %swap3A_245 = tpu.vector_load %arg12[%swap3A_242, %swap3A_243, %swap3A_244] {strides = array<i32>} : memref<2x32x768xf32, #tpu.memory_space<vmem>>, vector<1x1x16xf32>,
      %swap3A_246 = vector.shape_cast %swap3A_245 : vector<1x1x16xf32> to vector<16xf32>
      %swap3A_247 = vector.shape_cast %add3A_240 : vector<16xf32> to vector<1x1x16xf32>
      tpu.vector_store %arg12[%swap3A_242, %swap3A_243, %swap3A_244], %swap3A_247 {strides = array<i32>} : memref<2x32x768xf32, #tpu.memory_space<vmem>>, vector<1x1x16xf32>,
      %get3A_248 = arith.constant 1 : i32
      %get3A_249 = arith.index_cast %get3A_248 : i32 to index
      %get3A_250 = arith.index_cast %scan3A_171 : i32 to index
      %get3A_251 = arith.constant 48 : index
      %get3A_252 = tpu.vector_load %arg12[%get3A_249, %get3A_250, %get3A_251] {strides = array<i32>} : memref<2x32x768xf32, #tpu.memory_space<vmem>>, vector<1x1x16xf32>,
      %get3A_253 = vector.shape_cast %get3A_252 : vector<1x1x16xf32> to vector<16xf32>
      %mul3A_254 = arith.mulf %get3A_253, %get3A_176 : vector<16xf32>
      %get3A_255 = arith.constant 1 : i32
      %get3A_256 = arith.index_cast %get3A_255 : i32 to index
      %get3A_257 = arith.index_cast %scan3A_171 : i32 to index
      %get3A_258 = arith.constant 48 : index
      %get3A_259 = tpu.vector_load %arg13[%get3A_256, %get3A_257, %get3A_258] {strides = array<i32>} : memref<2x32x768xf32, #tpu.memory_space<vmem>>, vector<1x1x16xf32>,
      %get3A_260 = vector.shape_cast %get3A_259 : vector<1x1x16xf32> to vector<16xf32>
      %mul3A_261 = arith.mulf %get3A_260, %get3A_182 : vector<16xf32>
      %add3A_262 = arith.addf %mul3A_254, %mul3A_261 : vector<16xf32>
      %swap3A_263 = arith.constant 1 : i32
      %swap3A_264 = arith.index_cast %swap3A_263 : i32 to index
      %swap3A_265 = arith.index_cast %scan3A_171 : i32 to index
      %swap3A_266 = arith.constant 48 : index
      %swap3A_267 = tpu.vector_load %arg12[%swap3A_264, %swap3A_265, %swap3A_266] {strides = array<i32>} : memref<2x32x768xf32, #tpu.memory_space<vmem>>, vector<1x1x16xf32>,
      %swap3A_268 = vector.shape_cast %swap3A_267 : vector<1x1x16xf32> to vector<16xf32>
      %swap3A_269 = vector.shape_cast %add3A_262 : vector<16xf32> to vector<1x1x16xf32>
      tpu.vector_store %arg12[%swap3A_264, %swap3A_265, %swap3A_266], %swap3A_269 {strides = array<i32>} : memref<2x32x768xf32, #tpu.memory_space<vmem>>, vector<1x1x16xf32>,
      %get3A_270 = arith.constant 1 : i32
      %get3A_271 = arith.index_cast %get3A_270 : i32 to index
      %get3A_272 = arith.index_cast %scan3A_171 : i32 to index
      %get3A_273 = arith.constant 64 : index
      %get3A_274 = tpu.vector_load %arg12[%get3A_271, %get3A_272, %get3A_273] {strides = array<i32>} : memref<2x32x768xf32, #tpu.memory_space<vmem>>, vector<1x1x16xf32>,
      %get3A_275 = vector.shape_cast %get3A_274 : vector<1x1x16xf32> to vector<16xf32>
      %mul3A_276 = arith.mulf %get3A_275, %get3A_176 : vector<16xf32>
      %get3A_277 = arith.constant 1 : i32
      %get3A_278 = arith.index_cast %get3A_277 : i32 to index
      %get3A_279 = arith.index_cast %scan3A_171 : i32 to index
      %get3A_280 = arith.constant 64 : index
      %get3A_281 = tpu.vector_load %arg13[%get3A_278, %get3A_279, %get3A_280] {strides = array<i32>} : memref<2x32x768xf32, #tpu.memory_space<vmem>>, vector<1x1x16xf32>,
      %get3A_282 = vector.shape_cast %get3A_281 : vector<1x1x16xf32> to vector<16xf32>
      %mul3A_283 = arith.mulf %get3A_282, %get3A_182 : vector<16xf32>
      %add3A_284 = arith.addf %mul3A_276, %mul3A_283 : vector<16xf32>
      %swap3A_285 = arith.constant 1 : i32
      %swap3A_286 = arith.index_cast %swap3A_285 : i32 to index
      %swap3A_287 = arith.index_cast %scan3A_171 : i32 to index
      %swap3A_288 = arith.constant 64 : index
      %swap3A_289 = tpu.vector_load %arg12[%swap3A_286, %swap3A_287, %swap3A_288] {strides = array<i32>} : memref<2x32x768xf32, #tpu.memory_space<vmem>>, vector<1x1x16xf32>,
      %swap3A_290 = vector.shape_cast %swap3A_289 : vector<1x1x16xf32> to vector<16xf32>
      %swap3A_291 = vector.shape_cast %add3A_284 : vector<16xf32> to vector<1x1x16xf32>
      tpu.vector_store %arg12[%swap3A_286, %swap3A_287, %swap3A_288], %swap3A_291 {strides = array<i32>} : memref<2x32x768xf32, #tpu.memory_space<vmem>>, vector<1x1x16xf32>,
      %get3A_292 = arith.constant 1 : i32
      %get3A_293 = arith.index_cast %get3A_292 : i32 to index
      %get3A_294 = arith.index_cast %scan3A_171 : i32 to index
      %get3A_295 = arith.constant 80 : index
      %get3A_296 = tpu.vector_load %arg12[%get3A_293, %get3A_294, %get3A_295] {strides = array<i32>} : memref<2x32x768xf32, #tpu.memory_space<vmem>>, vector<1x1x16xf32>,
      %get3A_297 = vector.shape_cast %get3A_296 : vector<1x1x16xf32> to vector<16xf32>
      %mul3A_298 = arith.mulf %get3A_297, %get3A_176 : vector<16xf32>
      %get3A_299 = arith.constant 1 : i32
      %get3A_300 = arith.index_cast %get3A_299 : i32 to index
      %get3A_301 = arith.index_cast %scan3A_171 : i32 to index
      %get3A_302 = arith.constant 80 : index
      %get3A_303 = tpu.vector_load %arg13[%get3A_300, %get3A_301, %get3A_302] {strides = array<i32>} : memref<2x32x768xf32, #tpu.memory_space<vmem>>, vector<1x1x16xf32>,
      %get3A_304 = vector.shape_cast %get3A_303 : vector<1x1x16xf32> to vector<16xf32>
      %mul3A_305 = arith.mulf %get3A_304, %get3A_182 : vector<16xf32>
      %add3A_306 = arith.addf %mul3A_298, %mul3A_305 : vector<16xf32>
      %swap3A_307 = arith.constant 1 : i32
      %swap3A_308 = arith.index_cast %swap3A_307 : i32 to index
      %swap3A_309 = arith.index_cast %scan3A_171 : i32 to index
      %swap3A_310 = arith.constant 80 : index
      %swap3A_311 = tpu.vector_load %arg12[%swap3A_308, %swap3A_309, %swap3A_310] {strides = array<i32>} : memref<2x32x768xf32, #tpu.memory_space<vmem>>, vector<1x1x16xf32>,
      %swap3A_312 = vector.shape_cast %swap3A_311 : vector<1x1x16xf32> to vector<16xf32>
      %swap3A_313 = vector.shape_cast %add3A_306 : vector<16xf32> to vector<1x1x16xf32>
      tpu.vector_store %arg12[%swap3A_308, %swap3A_309, %swap3A_310], %swap3A_313 {strides = array<i32>} : memref<2x32x768xf32, #tpu.memory_space<vmem>>, vector<1x1x16xf32>,
      %get3A_314 = arith.constant 1 : i32
      %get3A_315 = arith.index_cast %get3A_314 : i32 to index
      %get3A_316 = arith.index_cast %scan3A_171 : i32 to index
      %get3A_317 = arith.constant 96 : index
      %get3A_318 = tpu.vector_load %arg12[%get3A_315, %get3A_316, %get3A_317] {strides = array<i32>} : memref<2x32x768xf32, #tpu.memory_space<vmem>>, vector<1x1x16xf32>,
      %get3A_319 = vector.shape_cast %get3A_318 : vector<1x1x16xf32> to vector<16xf32>
      %mul3A_320 = arith.mulf %get3A_319, %get3A_176 : vector<16xf32>
      %get3A_321 = arith.constant 1 : i32
      %get3A_322 = arith.index_cast %get3A_321 : i32 to index
      %get3A_323 = arith.index_cast %scan3A_171 : i32 to index
      %get3A_324 = arith.constant 96 : index
      %get3A_325 = tpu.vector_load %arg13[%get3A_322, %get3A_323, %get3A_324] {strides = array<i32>} : memref<2x32x768xf32, #tpu.memory_space<vmem>>, vector<1x1x16xf32>,
      %get3A_326 = vector.shape_cast %get3A_325 : vector<1x1x16xf32> to vector<16xf32>
      %mul3A_327 = arith.mulf %get3A_326, %get3A_182 : vector<16xf32>
      %add3A_328 = arith.addf %mul3A_320, %mul3A_327 : vector<16xf32>
      %swap3A_329 = arith.constant 1 : i32
      %swap3A_330 = arith.index_cast %swap3A_329 : i32 to index
      %swap3A_331 = arith.index_cast %scan3A_171 : i32 to index
      %swap3A_332 = arith.constant 96 : index
      %swap3A_333 = tpu.vector_load %arg12[%swap3A_330, %swap3A_331, %swap3A_332] {strides = array<i32>} : memref<2x32x768xf32, #tpu.memory_space<vmem>>, vector<1x1x16xf32>,
      %swap3A_334 = vector.shape_cast %swap3A_333 : vector<1x1x16xf32> to vector<16xf32>
      %swap3A_335 = vector.shape_cast %add3A_328 : vector<16xf32> to vector<1x1x16xf32>
      tpu.vector_store %arg12[%swap3A_330, %swap3A_331, %swap3A_332], %swap3A_335 {strides = array<i32>} : memref<2x32x768xf32, #tpu.memory_space<vmem>>, vector<1x1x16xf32>,
      %get3A_336 = arith.constant 1 : i32
      %get3A_337 = arith.index_cast %get3A_336 : i32 to index
      %get3A_338 = arith.index_cast %scan3A_171 : i32 to index
      %get3A_339 = arith.constant 112 : index
      %get3A_340 = tpu.vector_load %arg12[%get3A_337, %get3A_338, %get3A_339] {strides = array<i32>} : memref<2x32x768xf32, #tpu.memory_space<vmem>>, vector<1x1x16xf32>,
      %get3A_341 = vector.shape_cast %get3A_340 : vector<1x1x16xf32> to vector<16xf32>
      %mul3A_342 = arith.mulf %get3A_341, %get3A_176 : vector<16xf32>
      %get3A_343 = arith.constant 1 : i32
      %get3A_344 = arith.index_cast %get3A_343 : i32 to index
      %get3A_345 = arith.index_cast %scan3A_171 : i32 to index
      %get3A_346 = arith.constant 112 : index
      %get3A_347 = tpu.vector_load %arg13[%get3A_344, %get3A_345, %get3A_346] {strides = array<i32>} : memref<2x32x768xf32, #tpu.memory_space<vmem>>, vector<1x1x16xf32>,
      %get3A_348 = vector.shape_cast %get3A_347 : vector<1x1x16xf32> to vector<16xf32>
      %mul3A_349 = arith.mulf %get3A_348, %get3A_182 : vector<16xf32>
      %add3A_350 = arith.addf %mul3A_342, %mul3A_349 : vector<16xf32>
      %swap3A_351 = arith.constant 1 : i32
      %swap3A_352 = arith.index_cast %swap3A_351 : i32 to index
      %swap3A_353 = arith.index_cast %scan3A_171 : i32 to index
      %swap3A_354 = arith.constant 112 : index
      %swap3A_355 = tpu.vector_load %arg12[%swap3A_352, %swap3A_353, %swap3A_354] {strides = array<i32>} : memref<2x32x768xf32, #tpu.memory_space<vmem>>, vector<1x1x16xf32>,
      %swap3A_356 = vector.shape_cast %swap3A_355 : vector<1x1x16xf32> to vector<16xf32>
      %swap3A_357 = vector.shape_cast %add3A_350 : vector<16xf32> to vector<1x1x16xf32>
      tpu.vector_store %arg12[%swap3A_352, %swap3A_353, %swap3A_354], %swap3A_357 {strides = array<i32>} : memref<2x32x768xf32, #tpu.memory_space<vmem>>, vector<1x1x16xf32>,
      %get3A_358 = arith.constant 1 : i32
      %get3A_359 = arith.index_cast %get3A_358 : i32 to index
      %get3A_360 = arith.index_cast %scan3A_171 : i32 to index
      %get3A_361 = arith.constant 128 : index
      %get3A_362 = tpu.vector_load %arg12[%get3A_359, %get3A_360, %get3A_361] {strides = array<i32>} : memref<2x32x768xf32, #tpu.memory_space<vmem>>, vector<1x1x16xf32>,
      %get3A_363 = vector.shape_cast %get3A_362 : vector<1x1x16xf32> to vector<16xf32>
      %mul3A_364 = arith.mulf %get3A_363, %get3A_176 : vector<16xf32>
      %get3A_365 = arith.constant 1 : i32
      %get3A_366 = arith.index_cast %get3A_365 : i32 to index
      %get3A_367 = arith.index_cast %scan3A_171 : i32 to index
      %get3A_368 = arith.constant 128 : index
      %get3A_369 = tpu.vector_load %arg13[%get3A_366, %get3A_367, %get3A_368] {strides = array<i32>} : memref<2x32x768xf32, #tpu.memory_space<vmem>>, vector<1x1x16xf32>,
      %get3A_370 = vector.shape_cast %get3A_369 : vector<1x1x16xf32> to vector<16xf32>
      %mul3A_371 = arith.mulf %get3A_370, %get3A_182 : vector<16xf32>
      %add3A_372 = arith.addf %mul3A_364, %mul3A_371 : vector<16xf32>
      %swap3A_373 = arith.constant 1 : i32
      %swap3A_374 = arith.index_cast %swap3A_373 : i32 to index
      %swap3A_375 = arith.index_cast %scan3A_171 : i32 to index
      %swap3A_376 = arith.constant 128 : index
      %swap3A_377 = tpu.vector_load %arg12[%swap3A_374, %swap3A_375, %swap3A_376] {strides = array<i32>} : memref<2x32x768xf32, #tpu.memory_space<vmem>>, vector<1x1x16xf32>,
      %swap3A_378 = vector.shape_cast %swap3A_377 : vector<1x1x16xf32> to vector<16xf32>
      %swap3A_379 = vector.shape_cast %add3A_372 : vector<16xf32> to vector<1x1x16xf32>
      tpu.vector_store %arg12[%swap3A_374, %swap3A_375, %swap3A_376], %swap3A_379 {strides = array<i32>} : memref<2x32x768xf32, #tpu.memory_space<vmem>>, vector<1x1x16xf32>,
      %get3A_380 = arith.constant 1 : i32
      %get3A_381 = arith.index_cast %get3A_380 : i32 to index
      %get3A_382 = arith.index_cast %scan3A_171 : i32 to index
      %get3A_383 = arith.constant 144 : index
      %get3A_384 = tpu.vector_load %arg12[%get3A_381, %get3A_382, %get3A_383] {strides = array<i32>} : memref<2x32x768xf32, #tpu.memory_space<vmem>>, vector<1x1x16xf32>,
      %get3A_385 = vector.shape_cast %get3A_384 : vector<1x1x16xf32> to vector<16xf32>
      %mul3A_386 = arith.mulf %get3A_385, %get3A_176 : vector<16xf32>
      %get3A_387 = arith.constant 1 : i32
      %get3A_388 = arith.index_cast %get3A_387 : i32 to index
      %get3A_389 = arith.index_cast %scan3A_171 : i32 to index
      %get3A_390 = arith.constant 144 : index
      %get3A_391 = tpu.vector_load %arg13[%get3A_388, %get3A_389, %get3A_390] {strides = array<i32>} : memref<2x32x768xf32, #tpu.memory_space<vmem>>, vector<1x1x16xf32>,
      %get3A_392 = vector.shape_cast %get3A_391 : vector<1x1x16xf32> to vector<16xf32>
      %mul3A_393 = arith.mulf %get3A_392, %get3A_182 : vector<16xf32>
      %add3A_394 = arith.addf %mul3A_386, %mul3A_393 : vector<16xf32>
      %swap3A_395 = arith.constant 1 : i32
      %swap3A_396 = arith.index_cast %swap3A_395 : i32 to index
      %swap3A_397 = arith.index_cast %scan3A_171 : i32 to index
      %swap3A_398 = arith.constant 144 : index
      %swap3A_399 = tpu.vector_load %arg12[%swap3A_396, %swap3A_397, %swap3A_398] {strides = array<i32>} : memref<2x32x768xf32, #tpu.memory_space<vmem>>, vector<1x1x16xf32>,
      %swap3A_400 = vector.shape_cast %swap3A_399 : vector<1x1x16xf32> to vector<16xf32>
      %swap3A_401 = vector.shape_cast %add3A_394 : vector<16xf32> to vector<1x1x16xf32>
      tpu.vector_store %arg12[%swap3A_396, %swap3A_397, %swap3A_398], %swap3A_401 {strides = array<i32>} : memref<2x32x768xf32, #tpu.memory_space<vmem>>, vector<1x1x16xf32>,
      %get3A_402 = arith.constant 1 : i32
      %get3A_403 = arith.index_cast %get3A_402 : i32 to index
      %get3A_404 = arith.index_cast %scan3A_171 : i32 to index
      %get3A_405 = arith.constant 160 : index
      %get3A_406 = tpu.vector_load %arg12[%get3A_403, %get3A_404, %get3A_405] {strides = array<i32>} : memref<2x32x768xf32, #tpu.memory_space<vmem>>, vector<1x1x16xf32>,
      %get3A_407 = vector.shape_cast %get3A_406 : vector<1x1x16xf32> to vector<16xf32>
      %mul3A_408 = arith.mulf %get3A_407, %get3A_176 : vector<16xf32>
      %get3A_409 = arith.constant 1 : i32
      %get3A_410 = arith.index_cast %get3A_409 : i32 to index
      %get3A_411 = arith.index_cast %scan3A_171 : i32 to index
      %get3A_412 = arith.constant 160 : index
      %get3A_413 = tpu.vector_load %arg13[%get3A_410, %get3A_411, %get3A_412] {strides = array<i32>} : memref<2x32x768xf32, #tpu.memory_space<vmem>>, vector<1x1x16xf32>,
      %get3A_414 = vector.shape_cast %get3A_413 : vector<1x1x16xf32> to vector<16xf32>
      %mul3A_415 = arith.mulf %get3A_414, %get3A_182 : vector<16xf32>
      %add3A_416 = arith.addf %mul3A_408, %mul3A_415 : vector<16xf32>
      %swap3A_417 = arith.constant 1 : i32
      %swap3A_418 = arith.index_cast %swap3A_417 : i32 to index
      %swap3A_419 = arith.index_cast %scan3A_171 : i32 to index
      %swap3A_420 = arith.constant 160 : index
      %swap3A_421 = tpu.vector_load %arg12[%swap3A_418, %swap3A_419, %swap3A_420] {strides = array<i32>} : memref<2x32x768xf32, #tpu.memory_space<vmem>>, vector<1x1x16xf32>,
      %swap3A_422 = vector.shape_cast %swap3A_421 : vector<1x1x16xf32> to vector<16xf32>
      %swap3A_423 = vector.shape_cast %add3A_416 : vector<16xf32> to vector<1x1x16xf32>
      tpu.vector_store %arg12[%swap3A_418, %swap3A_419, %swap3A_420], %swap3A_423 {strides = array<i32>} : memref<2x32x768xf32, #tpu.memory_space<vmem>>, vector<1x1x16xf32>,
      %get3A_424 = arith.constant 1 : i32
      %get3A_425 = arith.index_cast %get3A_424 : i32 to index
      %get3A_426 = arith.index_cast %scan3A_171 : i32 to index
      %get3A_427 = arith.constant 176 : index
      %get3A_428 = tpu.vector_load %arg12[%get3A_425, %get3A_426, %get3A_427] {strides = array<i32>} : memref<2x32x768xf32, #tpu.memory_space<vmem>>, vector<1x1x16xf32>,
      %get3A_429 = vector.shape_cast %get3A_428 : vector<1x1x16xf32> to vector<16xf32>
      %mul3A_430 = arith.mulf %get3A_429, %get3A_176 : vector<16xf32>
      %get3A_431 = arith.constant 1 : i32
      %get3A_432 = arith.index_cast %get3A_431 : i32 to index
      %get3A_433 = arith.index_cast %scan3A_171 : i32 to index
      %get3A_434 = arith.constant 176 : index
      %get3A_435 = tpu.vector_load %arg13[%get3A_432, %get3A_433, %get3A_434] {strides = array<i32>} : memref<2x32x768xf32, #tpu.memory_space<vmem>>, vector<1x1x16xf32>,
      %get3A_436 = vector.shape_cast %get3A_435 : vector<1x1x16xf32> to vector<16xf32>
      %mul3A_437 = arith.mulf %get3A_436, %get3A_182 : vector<16xf32>
      %add3A_438 = arith.addf %mul3A_430, %mul3A_437 : vector<16xf32>
      %swap3A_439 = arith.constant 1 : i32
      %swap3A_440 = arith.index_cast %swap3A_439 : i32 to index
      %swap3A_441 = arith.index_cast %scan3A_171 : i32 to index
      %swap3A_442 = arith.constant 176 : index
      %swap3A_443 = tpu.vector_load %arg12[%swap3A_440, %swap3A_441, %swap3A_442] {strides = array<i32>} : memref<2x32x768xf32, #tpu.memory_space<vmem>>, vector<1x1x16xf32>,
      %swap3A_444 = vector.shape_cast %swap3A_443 : vector<1x1x16xf32> to vector<16xf32>
      %swap3A_445 = vector.shape_cast %add3A_438 : vector<16xf32> to vector<1x1x16xf32>
      tpu.vector_store %arg12[%swap3A_440, %swap3A_441, %swap3A_442], %swap3A_445 {strides = array<i32>} : memref<2x32x768xf32, #tpu.memory_space<vmem>>, vector<1x1x16xf32>,
      %get3A_446 = arith.constant 1 : i32
      %get3A_447 = arith.index_cast %get3A_446 : i32 to index
      %get3A_448 = arith.index_cast %scan3A_171 : i32 to index
      %get3A_449 = arith.constant 192 : index
      %get3A_450 = tpu.vector_load %arg12[%get3A_447, %get3A_448, %get3A_449] {strides = array<i32>} : memref<2x32x768xf32, #tpu.memory_space<vmem>>, vector<1x1x16xf32>,
      %get3A_451 = vector.shape_cast %get3A_450 : vector<1x1x16xf32> to vector<16xf32>
      %mul3A_452 = arith.mulf %get3A_451, %get3A_176 : vector<16xf32>
      %get3A_453 = arith.constant 1 : i32
      %get3A_454 = arith.index_cast %get3A_453 : i32 to index
      %get3A_455 = arith.index_cast %scan3A_171 : i32 to index
      %get3A_456 = arith.constant 192 : index
      %get3A_457 = tpu.vector_load %arg13[%get3A_454, %get3A_455, %get3A_456] {strides = array<i32>} : memref<2x32x768xf32, #tpu.memory_space<vmem>>, vector<1x1x16xf32>,
      %get3A_458 = vector.shape_cast %get3A_457 : vector<1x1x16xf32> to vector<16xf32>
      %mul3A_459 = arith.mulf %get3A_458, %get3A_182 : vector<16xf32>
      %add3A_460 = arith.addf %mul3A_452, %mul3A_459 : vector<16xf32>
      %swap3A_461 = arith.constant 1 : i32
      %swap3A_462 = arith.index_cast %swap3A_461 : i32 to index
      %swap3A_463 = arith.index_cast %scan3A_171 : i32 to index
      %swap3A_464 = arith.constant 192 : index
      %swap3A_465 = tpu.vector_load %arg12[%swap3A_462, %swap3A_463, %swap3A_464] {strides = array<i32>} : memref<2x32x768xf32, #tpu.memory_space<vmem>>, vector<1x1x16xf32>,
      %swap3A_466 = vector.shape_cast %swap3A_465 : vector<1x1x16xf32> to vector<16xf32>
      %swap3A_467 = vector.shape_cast %add3A_460 : vector<16xf32> to vector<1x1x16xf32>
      tpu.vector_store %arg12[%swap3A_462, %swap3A_463, %swap3A_464], %swap3A_467 {strides = array<i32>} : memref<2x32x768xf32, #tpu.memory_space<vmem>>, vector<1x1x16xf32>,
      %get3A_468 = arith.constant 1 : i32
      %get3A_469 = arith.index_cast %get3A_468 : i32 to index
      %get3A_470 = arith.index_cast %scan3A_171 : i32 to index
      %get3A_471 = arith.constant 208 : index
      %get3A_472 = tpu.vector_load %arg12[%get3A_469, %get3A_470, %get3A_471] {strides = array<i32>} : memref<2x32x768xf32, #tpu.memory_space<vmem>>, vector<1x1x16xf32>,
      %get3A_473 = vector.shape_cast %get3A_472 : vector<1x1x16xf32> to vector<16xf32>
      %mul3A_474 = arith.mulf %get3A_473, %get3A_176 : vector<16xf32>
      %get3A_475 = arith.constant 1 : i32
      %get3A_476 = arith.index_cast %get3A_475 : i32 to index
      %get3A_477 = arith.index_cast %scan3A_171 : i32 to index
      %get3A_478 = arith.constant 208 : index
      %get3A_479 = tpu.vector_load %arg13[%get3A_476, %get3A_477, %get3A_478] {strides = array<i32>} : memref<2x32x768xf32, #tpu.memory_space<vmem>>, vector<1x1x16xf32>,
      %get3A_480 = vector.shape_cast %get3A_479 : vector<1x1x16xf32> to vector<16xf32>
      %mul3A_481 = arith.mulf %get3A_480, %get3A_182 : vector<16xf32>
      %add3A_482 = arith.addf %mul3A_474, %mul3A_481 : vector<16xf32>
      %swap3A_483 = arith.constant 1 : i32
      %swap3A_484 = arith.index_cast %swap3A_483 : i32 to index
      %swap3A_485 = arith.index_cast %scan3A_171 : i32 to index
      %swap3A_486 = arith.constant 208 : index
      %swap3A_487 = tpu.vector_load %arg12[%swap3A_484, %swap3A_485, %swap3A_486] {strides = array<i32>} : memref<2x32x768xf32, #tpu.memory_space<vmem>>, vector<1x1x16xf32>,
      %swap3A_488 = vector.shape_cast %swap3A_487 : vector<1x1x16xf32> to vector<16xf32>
      %swap3A_489 = vector.shape_cast %add3A_482 : vector<16xf32> to vector<1x1x16xf32>
      tpu.vector_store %arg12[%swap3A_484, %swap3A_485, %swap3A_486], %swap3A_489 {strides = array<i32>} : memref<2x32x768xf32, #tpu.memory_space<vmem>>, vector<1x1x16xf32>,
      %get3A_490 = arith.constant 1 : i32
      %get3A_491 = arith.index_cast %get3A_490 : i32 to index
      %get3A_492 = arith.index_cast %scan3A_171 : i32 to index
      %get3A_493 = arith.constant 224 : index
      %get3A_494 = tpu.vector_load %arg12[%get3A_491, %get3A_492, %get3A_493] {strides = array<i32>} : memref<2x32x768xf32, #tpu.memory_space<vmem>>, vector<1x1x16xf32>,
      %get3A_495 = vector.shape_cast %get3A_494 : vector<1x1x16xf32> to vector<16xf32>
      %mul3A_496 = arith.mulf %get3A_495, %get3A_176 : vector<16xf32>
      %get3A_497 = arith.constant 1 : i32
      %get3A_498 = arith.index_cast %get3A_497 : i32 to index
      %get3A_499 = arith.index_cast %scan3A_171 : i32 to index
      %get3A_500 = arith.constant 224 : index
      %get3A_501 = tpu.vector_load %arg13[%get3A_498, %get3A_499, %get3A_500] {strides = array<i32>} : memref<2x32x768xf32, #tpu.memory_space<vmem>>, vector<1x1x16xf32>,
      %get3A_502 = vector.shape_cast %get3A_501 : vector<1x1x16xf32> to vector<16xf32>
      %mul3A_503 = arith.mulf %get3A_502, %get3A_182 : vector<16xf32>
      %add3A_504 = arith.addf %mul3A_496, %mul3A_503 : vector<16xf32>
      %swap3A_505 = arith.constant 1 : i32
      %swap3A_506 = arith.index_cast %swap3A_505 : i32 to index
      %swap3A_507 = arith.index_cast %scan3A_171 : i32 to index
      %swap3A_508 = arith.constant 224 : index
      %swap3A_509 = tpu.vector_load %arg12[%swap3A_506, %swap3A_507, %swap3A_508] {strides = array<i32>} : memref<2x32x768xf32, #tpu.memory_space<vmem>>, vector<1x1x16xf32>,
      %swap3A_510 = vector.shape_cast %swap3A_509 : vector<1x1x16xf32> to vector<16xf32>
      %swap3A_511 = vector.shape_cast %add3A_504 : vector<16xf32> to vector<1x1x16xf32>
      tpu.vector_store %arg12[%swap3A_506, %swap3A_507, %swap3A_508], %swap3A_511 {strides = array<i32>} : memref<2x32x768xf32, #tpu.memory_space<vmem>>, vector<1x1x16xf32>,
      %get3A_512 = arith.constant 1 : i32
      %get3A_513 = arith.index_cast %get3A_512 : i32 to index
      %get3A_514 = arith.index_cast %scan3A_171 : i32 to index
      %get3A_515 = arith.constant 240 : index
      %get3A_516 = tpu.vector_load %arg12[%get3A_513, %get3A_514, %get3A_515] {strides = array<i32>} : memref<2x32x768xf32, #tpu.memory_space<vmem>>, vector<1x1x16xf32>,
      %get3A_517 = vector.shape_cast %get3A_516 : vector<1x1x16xf32> to vector<16xf32>
      %mul3A_518 = arith.mulf %get3A_517, %get3A_176 : vector<16xf32>
      %get3A_519 = arith.constant 1 : i32
      %get3A_520 = arith.index_cast %get3A_519 : i32 to index
      %get3A_521 = arith.index_cast %scan3A_171 : i32 to index
      %get3A_522 = arith.constant 240 : index
      %get3A_523 = tpu.vector_load %arg13[%get3A_520, %get3A_521, %get3A_522] {strides = array<i32>} : memref<2x32x768xf32, #tpu.memory_space<vmem>>, vector<1x1x16xf32>,
      %get3A_524 = vector.shape_cast %get3A_523 : vector<1x1x16xf32> to vector<16xf32>
      %mul3A_525 = arith.mulf %get3A_524, %get3A_182 : vector<16xf32>
      %add3A_526 = arith.addf %mul3A_518, %mul3A_525 : vector<16xf32>
      %swap3A_527 = arith.constant 1 : i32
      %swap3A_528 = arith.index_cast %swap3A_527 : i32 to index
      %swap3A_529 = arith.index_cast %scan3A_171 : i32 to index
      %swap3A_530 = arith.constant 240 : index
      %swap3A_531 = tpu.vector_load %arg12[%swap3A_528, %swap3A_529, %swap3A_530] {strides = array<i32>} : memref<2x32x768xf32, #tpu.memory_space<vmem>>, vector<1x1x16xf32>,
      %swap3A_532 = vector.shape_cast %swap3A_531 : vector<1x1x16xf32> to vector<16xf32>
      %swap3A_533 = vector.shape_cast %add3A_526 : vector<16xf32> to vector<1x1x16xf32>
      tpu.vector_store %arg12[%swap3A_528, %swap3A_529, %swap3A_530], %swap3A_533 {strides = array<i32>} : memref<2x32x768xf32, #tpu.memory_space<vmem>>, vector<1x1x16xf32>,
      %get3A_534 = arith.constant 1 : i32
      %get3A_535 = arith.index_cast %get3A_534 : i32 to index
      %get3A_536 = arith.index_cast %scan3A_171 : i32 to index
      %get3A_537 = arith.constant 256 : index
      %get3A_538 = tpu.vector_load %arg12[%get3A_535, %get3A_536, %get3A_537] {strides = array<i32>} : memref<2x32x768xf32, #tpu.memory_space<vmem>>, vector<1x1x16xf32>,
      %get3A_539 = vector.shape_cast %get3A_538 : vector<1x1x16xf32> to vector<16xf32>
      %mul3A_540 = arith.mulf %get3A_539, %get3A_176 : vector<16xf32>
      %get3A_541 = arith.constant 1 : i32
      %get3A_542 = arith.index_cast %get3A_541 : i32 to index
      %get3A_543 = arith.index_cast %scan3A_171 : i32 to index
      %get3A_544 = arith.constant 256 : index
      %get3A_545 = tpu.vector_load %arg13[%get3A_542, %get3A_543, %get3A_544] {strides = array<i32>} : memref<2x32x768xf32, #tpu.memory_space<vmem>>, vector<1x1x16xf32>,
      %get3A_546 = vector.shape_cast %get3A_545 : vector<1x1x16xf32> to vector<16xf32>
      %mul3A_547 = arith.mulf %get3A_546, %get3A_182 : vector<16xf32>
      %add3A_548 = arith.addf %mul3A_540, %mul3A_547 : vector<16xf32>
      %swap3A_549 = arith.constant 1 : i32
      %swap3A_550 = arith.index_cast %swap3A_549 : i32 to index
      %swap3A_551 = arith.index_cast %scan3A_171 : i32 to index
      %swap3A_552 = arith.constant 256 : index
      %swap3A_553 = tpu.vector_load %arg12[%swap3A_550, %swap3A_551, %swap3A_552] {strides = array<i32>} : memref<2x32x768xf32, #tpu.memory_space<vmem>>, vector<1x1x16xf32>,
      %swap3A_554 = vector.shape_cast %swap3A_553 : vector<1x1x16xf32> to vector<16xf32>
      %swap3A_555 = vector.shape_cast %add3A_548 : vector<16xf32> to vector<1x1x16xf32>
      tpu.vector_store %arg12[%swap3A_550, %swap3A_551, %swap3A_552], %swap3A_555 {strides = array<i32>} : memref<2x32x768xf32, #tpu.memory_space<vmem>>, vector<1x1x16xf32>,
      %get3A_556 = arith.constant 1 : i32
      %get3A_557 = arith.index_cast %get3A_556 : i32 to index
      %get3A_558 = arith.index_cast %scan3A_171 : i32 to index
      %get3A_559 = arith.constant 272 : index
      %get3A_560 = tpu.vector_load %arg12[%get3A_557, %get3A_558, %get3A_559] {strides = array<i32>} : memref<2x32x768xf32, #tpu.memory_space<vmem>>, vector<1x1x16xf32>,
      %get3A_561 = vector.shape_cast %get3A_560 : vector<1x1x16xf32> to vector<16xf32>
      %mul3A_562 = arith.mulf %get3A_561, %get3A_176 : vector<16xf32>
      %get3A_563 = arith.constant 1 : i32
      %get3A_564 = arith.index_cast %get3A_563 : i32 to index
      %get3A_565 = arith.index_cast %scan3A_171 : i32 to index
      %get3A_566 = arith.constant 272 : index
      %get3A_567 = tpu.vector_load %arg13[%get3A_564, %get3A_565, %get3A_566] {strides = array<i32>} : memref<2x32x768xf32, #tpu.memory_space<vmem>>, vector<1x1x16xf32>,
      %get3A_568 = vector.shape_cast %get3A_567 : vector<1x1x16xf32> to vector<16xf32>
      %mul3A_569 = arith.mulf %get3A_568, %get3A_182 : vector<16xf32>
      %add3A_570 = arith.addf %mul3A_562, %mul3A_569 : vector<16xf32>
      %swap3A_571 = arith.constant 1 : i32
      %swap3A_572 = arith.index_cast %swap3A_571 : i32 to index
      %swap3A_573 = arith.index_cast %scan3A_171 : i32 to index
      %swap3A_574 = arith.constant 272 : index
      %swap3A_575 = tpu.vector_load %arg12[%swap3A_572, %swap3A_573, %swap3A_574] {strides = array<i32>} : memref<2x32x768xf32, #tpu.memory_space<vmem>>, vector<1x1x16xf32>,
      %swap3A_576 = vector.shape_cast %swap3A_575 : vector<1x1x16xf32> to vector<16xf32>
      %swap3A_577 = vector.shape_cast %add3A_570 : vector<16xf32> to vector<1x1x16xf32>
      tpu.vector_store %arg12[%swap3A_572, %swap3A_573, %swap3A_574], %swap3A_577 {strides = array<i32>} : memref<2x32x768xf32, #tpu.memory_space<vmem>>, vector<1x1x16xf32>,
      %get3A_578 = arith.constant 1 : i32
      %get3A_579 = arith.index_cast %get3A_578 : i32 to index
      %get3A_580 = arith.index_cast %scan3A_171 : i32 to index
      %get3A_581 = arith.constant 288 : index
      %get3A_582 = tpu.vector_load %arg12[%get3A_579, %get3A_580, %get3A_581] {strides = array<i32>} : memref<2x32x768xf32, #tpu.memory_space<vmem>>, vector<1x1x16xf32>,
      %get3A_583 = vector.shape_cast %get3A_582 : vector<1x1x16xf32> to vector<16xf32>
      %mul3A_584 = arith.mulf %get3A_583, %get3A_176 : vector<16xf32>
      %get3A_585 = arith.constant 1 : i32
      %get3A_586 = arith.index_cast %get3A_585 : i32 to index
      %get3A_587 = arith.index_cast %scan3A_171 : i32 to index
      %get3A_588 = arith.constant 288 : index
      %get3A_589 = tpu.vector_load %arg13[%get3A_586, %get3A_587, %get3A_588] {strides = array<i32>} : memref<2x32x768xf32, #tpu.memory_space<vmem>>, vector<1x1x16xf32>,
      %get3A_590 = vector.shape_cast %get3A_589 : vector<1x1x16xf32> to vector<16xf32>
      %mul3A_591 = arith.mulf %get3A_590, %get3A_182 : vector<16xf32>
      %add3A_592 = arith.addf %mul3A_584, %mul3A_591 : vector<16xf32>
      %swap3A_593 = arith.constant 1 : i32
      %swap3A_594 = arith.index_cast %swap3A_593 : i32 to index
      %swap3A_595 = arith.index_cast %scan3A_171 : i32 to index
      %swap3A_596 = arith.constant 288 : index
      %swap3A_597 = tpu.vector_load %arg12[%swap3A_594, %swap3A_595, %swap3A_596] {strides = array<i32>} : memref<2x32x768xf32, #tpu.memory_space<vmem>>, vector<1x1x16xf32>,
      %swap3A_598 = vector.shape_cast %swap3A_597 : vector<1x1x16xf32> to vector<16xf32>
      %swap3A_599 = vector.shape_cast %add3A_592 : vector<16xf32> to vector<1x1x16xf32>
      tpu.vector_store %arg12[%swap3A_594, %swap3A_595, %swap3A_596], %swap3A_599 {strides = array<i32>} : memref<2x32x768xf32, #tpu.memory_space<vmem>>, vector<1x1x16xf32>,
      %get3A_600 = arith.constant 1 : i32
      %get3A_601 = arith.index_cast %get3A_600 : i32 to index
      %get3A_602 = arith.index_cast %scan3A_171 : i32 to index
      %get3A_603 = arith.constant 304 : index
      %get3A_604 = tpu.vector_load %arg12[%get3A_601, %get3A_602, %get3A_603] {strides = array<i32>} : memref<2x32x768xf32, #tpu.memory_space<vmem>>, vector<1x1x16xf32>,
      %get3A_605 = vector.shape_cast %get3A_604 : vector<1x1x16xf32> to vector<16xf32>
      %mul3A_606 = arith.mulf %get3A_605, %get3A_176 : vector<16xf32>
      %get3A_607 = arith.constant 1 : i32
      %get3A_608 = arith.index_cast %get3A_607 : i32 to index
      %get3A_609 = arith.index_cast %scan3A_171 : i32 to index
      %get3A_610 = arith.constant 304 : index
      %get3A_611 = tpu.vector_load %arg13[%get3A_608, %get3A_609, %get3A_610] {strides = array<i32>} : memref<2x32x768xf32, #tpu.memory_space<vmem>>, vector<1x1x16xf32>,
      %get3A_612 = vector.shape_cast %get3A_611 : vector<1x1x16xf32> to vector<16xf32>
      %mul3A_613 = arith.mulf %get3A_612, %get3A_182 : vector<16xf32>
      %add3A_614 = arith.addf %mul3A_606, %mul3A_613 : vector<16xf32>
      %swap3A_615 = arith.constant 1 : i32
      %swap3A_616 = arith.index_cast %swap3A_615 : i32 to index
      %swap3A_617 = arith.index_cast %scan3A_171 : i32 to index
      %swap3A_618 = arith.constant 304 : index
      %swap3A_619 = tpu.vector_load %arg12[%swap3A_616, %swap3A_617, %swap3A_618] {strides = array<i32>} : memref<2x32x768xf32, #tpu.memory_space<vmem>>, vector<1x1x16xf32>,
      %swap3A_620 = vector.shape_cast %swap3A_619 : vector<1x1x16xf32> to vector<16xf32>
      %swap3A_621 = vector.shape_cast %add3A_614 : vector<16xf32> to vector<1x1x16xf32>
      tpu.vector_store %arg12[%swap3A_616, %swap3A_617, %swap3A_618], %swap3A_621 {strides = array<i32>} : memref<2x32x768xf32, #tpu.memory_space<vmem>>, vector<1x1x16xf32>,
      %get3A_622 = arith.constant 1 : i32
      %get3A_623 = arith.index_cast %get3A_622 : i32 to index
      %get3A_624 = arith.index_cast %scan3A_171 : i32 to index
      %get3A_625 = arith.constant 320 : index
      %get3A_626 = tpu.vector_load %arg12[%get3A_623, %get3A_624, %get3A_625] {strides = array<i32>} : memref<2x32x768xf32, #tpu.memory_space<vmem>>, vector<1x1x16xf32>,
      %get3A_627 = vector.shape_cast %get3A_626 : vector<1x1x16xf32> to vector<16xf32>
      %mul3A_628 = arith.mulf %get3A_627, %get3A_176 : vector<16xf32>
      %get3A_629 = arith.constant 1 : i32
      %get3A_630 = arith.index_cast %get3A_629 : i32 to index
      %get3A_631 = arith.index_cast %scan3A_171 : i32 to index
      %get3A_632 = arith.constant 320 : index
      %get3A_633 = tpu.vector_load %arg13[%get3A_630, %get3A_631, %get3A_632] {strides = array<i32>} : memref<2x32x768xf32, #tpu.memory_space<vmem>>, vector<1x1x16xf32>,
      %get3A_634 = vector.shape_cast %get3A_633 : vector<1x1x16xf32> to vector<16xf32>
      %mul3A_635 = arith.mulf %get3A_634, %get3A_182 : vector<16xf32>
      %add3A_636 = arith.addf %mul3A_628, %mul3A_635 : vector<16xf32>
      %swap3A_637 = arith.constant 1 : i32
      %swap3A_638 = arith.index_cast %swap3A_637 : i32 to index
      %swap3A_639 = arith.index_cast %scan3A_171 : i32 to index
      %swap3A_640 = arith.constant 320 : index
      %swap3A_641 = tpu.vector_load %arg12[%swap3A_638, %swap3A_639, %swap3A_640] {strides = array<i32>} : memref<2x32x768xf32, #tpu.memory_space<vmem>>, vector<1x1x16xf32>,
      %swap3A_642 = vector.shape_cast %swap3A_641 : vector<1x1x16xf32> to vector<16xf32>
      %swap3A_643 = vector.shape_cast %add3A_636 : vector<16xf32> to vector<1x1x16xf32>
      tpu.vector_store %arg12[%swap3A_638, %swap3A_639, %swap3A_640], %swap3A_643 {strides = array<i32>} : memref<2x32x768xf32, #tpu.memory_space<vmem>>, vector<1x1x16xf32>,
      %get3A_644 = arith.constant 1 : i32
      %get3A_645 = arith.index_cast %get3A_644 : i32 to index
      %get3A_646 = arith.index_cast %scan3A_171 : i32 to index
      %get3A_647 = arith.constant 336 : index
      %get3A_648 = tpu.vector_load %arg12[%get3A_645, %get3A_646, %get3A_647] {strides = array<i32>} : memref<2x32x768xf32, #tpu.memory_space<vmem>>, vector<1x1x16xf32>,
      %get3A_649 = vector.shape_cast %get3A_648 : vector<1x1x16xf32> to vector<16xf32>
      %mul3A_650 = arith.mulf %get3A_649, %get3A_176 : vector<16xf32>
      %get3A_651 = arith.constant 1 : i32
      %get3A_652 = arith.index_cast %get3A_651 : i32 to index
      %get3A_653 = arith.index_cast %scan3A_171 : i32 to index
      %get3A_654 = arith.constant 336 : index
      %get3A_655 = tpu.vector_load %arg13[%get3A_652, %get3A_653, %get3A_654] {strides = array<i32>} : memref<2x32x768xf32, #tpu.memory_space<vmem>>, vector<1x1x16xf32>,
      %get3A_656 = vector.shape_cast %get3A_655 : vector<1x1x16xf32> to vector<16xf32>
      %mul3A_657 = arith.mulf %get3A_656, %get3A_182 : vector<16xf32>
      %add3A_658 = arith.addf %mul3A_650, %mul3A_657 : vector<16xf32>
      %swap3A_659 = arith.constant 1 : i32
      %swap3A_660 = arith.index_cast %swap3A_659 : i32 to index
      %swap3A_661 = arith.index_cast %scan3A_171 : i32 to index
      %swap3A_662 = arith.constant 336 : index
      %swap3A_663 = tpu.vector_load %arg12[%swap3A_660, %swap3A_661, %swap3A_662] {strides = array<i32>} : memref<2x32x768xf32, #tpu.memory_space<vmem>>, vector<1x1x16xf32>,
      %swap3A_664 = vector.shape_cast %swap3A_663 : vector<1x1x16xf32> to vector<16xf32>
      %swap3A_665 = vector.shape_cast %add3A_658 : vector<16xf32> to vector<1x1x16xf32>
      tpu.vector_store %arg12[%swap3A_660, %swap3A_661, %swap3A_662], %swap3A_665 {strides = array<i32>} : memref<2x32x768xf32, #tpu.memory_space<vmem>>, vector<1x1x16xf32>,
      %get3A_666 = arith.constant 1 : i32
      %get3A_667 = arith.index_cast %get3A_666 : i32 to index
      %get3A_668 = arith.index_cast %scan3A_171 : i32 to index
      %get3A_669 = arith.constant 352 : index
      %get3A_670 = tpu.vector_load %arg12[%get3A_667, %get3A_668, %get3A_669] {strides = array<i32>} : memref<2x32x768xf32, #tpu.memory_space<vmem>>, vector<1x1x16xf32>,
      %get3A_671 = vector.shape_cast %get3A_670 : vector<1x1x16xf32> to vector<16xf32>
      %mul3A_672 = arith.mulf %get3A_671, %get3A_176 : vector<16xf32>
      %get3A_673 = arith.constant 1 : i32
      %get3A_674 = arith.index_cast %get3A_673 : i32 to index
      %get3A_675 = arith.index_cast %scan3A_171 : i32 to index
      %get3A_676 = arith.constant 352 : index
      %get3A_677 = tpu.vector_load %arg13[%get3A_674, %get3A_675, %get3A_676] {strides = array<i32>} : memref<2x32x768xf32, #tpu.memory_space<vmem>>, vector<1x1x16xf32>,
      %get3A_678 = vector.shape_cast %get3A_677 : vector<1x1x16xf32> to vector<16xf32>
      %mul3A_679 = arith.mulf %get3A_678, %get3A_182 : vector<16xf32>
      %add3A_680 = arith.addf %mul3A_672, %mul3A_679 : vector<16xf32>
      %swap3A_681 = arith.constant 1 : i32
      %swap3A_682 = arith.index_cast %swap3A_681 : i32 to index
      %swap3A_683 = arith.index_cast %scan3A_171 : i32 to index
      %swap3A_684 = arith.constant 352 : index
      %swap3A_685 = tpu.vector_load %arg12[%swap3A_682, %swap3A_683, %swap3A_684] {strides = array<i32>} : memref<2x32x768xf32, #tpu.memory_space<vmem>>, vector<1x1x16xf32>,
      %swap3A_686 = vector.shape_cast %swap3A_685 : vector<1x1x16xf32> to vector<16xf32>
      %swap3A_687 = vector.shape_cast %add3A_680 : vector<16xf32> to vector<1x1x16xf32>
      tpu.vector_store %arg12[%swap3A_682, %swap3A_683, %swap3A_684], %swap3A_687 {strides = array<i32>} : memref<2x32x768xf32, #tpu.memory_space<vmem>>, vector<1x1x16xf32>,
      %get3A_688 = arith.constant 1 : i32
      %get3A_689 = arith.index_cast %get3A_688 : i32 to index
      %get3A_690 = arith.index_cast %scan3A_171 : i32 to index
      %get3A_691 = arith.constant 368 : index
      %get3A_692 = tpu.vector_load %arg12[%get3A_689, %get3A_690, %get3A_691] {strides = array<i32>} : memref<2x32x768xf32, #tpu.memory_space<vmem>>, vector<1x1x16xf32>,
      %get3A_693 = vector.shape_cast %get3A_692 : vector<1x1x16xf32> to vector<16xf32>
      %mul3A_694 = arith.mulf %get3A_693, %get3A_176 : vector<16xf32>
      %get3A_695 = arith.constant 1 : i32
      %get3A_696 = arith.index_cast %get3A_695 : i32 to index
      %get3A_697 = arith.index_cast %scan3A_171 : i32 to index
      %get3A_698 = arith.constant 368 : index
      %get3A_699 = tpu.vector_load %arg13[%get3A_696, %get3A_697, %get3A_698] {strides = array<i32>} : memref<2x32x768xf32, #tpu.memory_space<vmem>>, vector<1x1x16xf32>,
      %get3A_700 = vector.shape_cast %get3A_699 : vector<1x1x16xf32> to vector<16xf32>
      %mul3A_701 = arith.mulf %get3A_700, %get3A_182 : vector<16xf32>
      %add3A_702 = arith.addf %mul3A_694, %mul3A_701 : vector<16xf32>
      %swap3A_703 = arith.constant 1 : i32
      %swap3A_704 = arith.index_cast %swap3A_703 : i32 to index
      %swap3A_705 = arith.index_cast %scan3A_171 : i32 to index
      %swap3A_706 = arith.constant 368 : index
      %swap3A_707 = tpu.vector_load %arg12[%swap3A_704, %swap3A_705, %swap3A_706] {strides = array<i32>} : memref<2x32x768xf32, #tpu.memory_space<vmem>>, vector<1x1x16xf32>,
      %swap3A_708 = vector.shape_cast %swap3A_707 : vector<1x1x16xf32> to vector<16xf32>
      %swap3A_709 = vector.shape_cast %add3A_702 : vector<16xf32> to vector<1x1x16xf32>
      tpu.vector_store %arg12[%swap3A_704, %swap3A_705, %swap3A_706], %swap3A_709 {strides = array<i32>} : memref<2x32x768xf32, #tpu.memory_space<vmem>>, vector<1x1x16xf32>,
      %get3A_710 = arith.constant 1 : i32
      %get3A_711 = arith.index_cast %get3A_710 : i32 to index
      %get3A_712 = arith.index_cast %scan3A_171 : i32 to index
      %get3A_713 = arith.constant 384 : index
      %get3A_714 = tpu.vector_load %arg12[%get3A_711, %get3A_712, %get3A_713] {strides = array<i32>} : memref<2x32x768xf32, #tpu.memory_space<vmem>>, vector<1x1x16xf32>,
      %get3A_715 = vector.shape_cast %get3A_714 : vector<1x1x16xf32> to vector<16xf32>
      %mul3A_716 = arith.mulf %get3A_715, %get3A_176 : vector<16xf32>
      %get3A_717 = arith.constant 1 : i32
      %get3A_718 = arith.index_cast %get3A_717 : i32 to index
      %get3A_719 = arith.index_cast %scan3A_171 : i32 to index
      %get3A_720 = arith.constant 384 : index
      %get3A_721 = tpu.vector_load %arg13[%get3A_718, %get3A_719, %get3A_720] {strides = array<i32>} : memref<2x32x768xf32, #tpu.memory_space<vmem>>, vector<1x1x16xf32>,
      %get3A_722 = vector.shape_cast %get3A_721 : vector<1x1x16xf32> to vector<16xf32>
      %mul3A_723 = arith.mulf %get3A_722, %get3A_182 : vector<16xf32>
      %add3A_724 = arith.addf %mul3A_716, %mul3A_723 : vector<16xf32>
      %swap3A_725 = arith.constant 1 : i32
      %swap3A_726 = arith.index_cast %swap3A_725 : i32 to index
      %swap3A_727 = arith.index_cast %scan3A_171 : i32 to index
      %swap3A_728 = arith.constant 384 : index
      %swap3A_729 = tpu.vector_load %arg12[%swap3A_726, %swap3A_727, %swap3A_728] {strides = array<i32>} : memref<2x32x768xf32, #tpu.memory_space<vmem>>, vector<1x1x16xf32>,
      %swap3A_730 = vector.shape_cast %swap3A_729 : vector<1x1x16xf32> to vector<16xf32>
      %swap3A_731 = vector.shape_cast %add3A_724 : vector<16xf32> to vector<1x1x16xf32>
      tpu.vector_store %arg12[%swap3A_726, %swap3A_727, %swap3A_728], %swap3A_731 {strides = array<i32>} : memref<2x32x768xf32, #tpu.memory_space<vmem>>, vector<1x1x16xf32>,
      %get3A_732 = arith.constant 1 : i32
      %get3A_733 = arith.index_cast %get3A_732 : i32 to index
      %get3A_734 = arith.index_cast %scan3A_171 : i32 to index
      %get3A_735 = arith.constant 400 : index
      %get3A_736 = tpu.vector_load %arg12[%get3A_733, %get3A_734, %get3A_735] {strides = array<i32>} : memref<2x32x768xf32, #tpu.memory_space<vmem>>, vector<1x1x16xf32>,
      %get3A_737 = vector.shape_cast %get3A_736 : vector<1x1x16xf32> to vector<16xf32>
      %mul3A_738 = arith.mulf %get3A_737, %get3A_176 : vector<16xf32>
      %get3A_739 = arith.constant 1 : i32
      %get3A_740 = arith.index_cast %get3A_739 : i32 to index
      %get3A_741 = arith.index_cast %scan3A_171 : i32 to index
      %get3A_742 = arith.constant 400 : index
      %get3A_743 = tpu.vector_load %arg13[%get3A_740, %get3A_741, %get3A_742] {strides = array<i32>} : memref<2x32x768xf32, #tpu.memory_space<vmem>>, vector<1x1x16xf32>,
      %get3A_744 = vector.shape_cast %get3A_743 : vector<1x1x16xf32> to vector<16xf32>
      %mul3A_745 = arith.mulf %get3A_744, %get3A_182 : vector<16xf32>
      %add3A_746 = arith.addf %mul3A_738, %mul3A_745 : vector<16xf32>
      %swap3A_747 = arith.constant 1 : i32
      %swap3A_748 = arith.index_cast %swap3A_747 : i32 to index
      %swap3A_749 = arith.index_cast %scan3A_171 : i32 to index
      %swap3A_750 = arith.constant 400 : index
      %swap3A_751 = tpu.vector_load %arg12[%swap3A_748, %swap3A_749, %swap3A_750] {strides = array<i32>} : memref<2x32x768xf32, #tpu.memory_space<vmem>>, vector<1x1x16xf32>,
      %swap3A_752 = vector.shape_cast %swap3A_751 : vector<1x1x16xf32> to vector<16xf32>
      %swap3A_753 = vector.shape_cast %add3A_746 : vector<16xf32> to vector<1x1x16xf32>
      tpu.vector_store %arg12[%swap3A_748, %swap3A_749, %swap3A_750], %swap3A_753 {strides = array<i32>} : memref<2x32x768xf32, #tpu.memory_space<vmem>>, vector<1x1x16xf32>,
      %get3A_754 = arith.constant 1 : i32
      %get3A_755 = arith.index_cast %get3A_754 : i32 to index
      %get3A_756 = arith.index_cast %scan3A_171 : i32 to index
      %get3A_757 = arith.constant 416 : index
      %get3A_758 = tpu.vector_load %arg12[%get3A_755, %get3A_756, %get3A_757] {strides = array<i32>} : memref<2x32x768xf32, #tpu.memory_space<vmem>>, vector<1x1x16xf32>,
      %get3A_759 = vector.shape_cast %get3A_758 : vector<1x1x16xf32> to vector<16xf32>
      %mul3A_760 = arith.mulf %get3A_759, %get3A_176 : vector<16xf32>
      %get3A_761 = arith.constant 1 : i32
      %get3A_762 = arith.index_cast %get3A_761 : i32 to index
      %get3A_763 = arith.index_cast %scan3A_171 : i32 to index
      %get3A_764 = arith.constant 416 : index
      %get3A_765 = tpu.vector_load %arg13[%get3A_762, %get3A_763, %get3A_764] {strides = array<i32>} : memref<2x32x768xf32, #tpu.memory_space<vmem>>, vector<1x1x16xf32>,
      %get3A_766 = vector.shape_cast %get3A_765 : vector<1x1x16xf32> to vector<16xf32>
      %mul3A_767 = arith.mulf %get3A_766, %get3A_182 : vector<16xf32>
      %add3A_768 = arith.addf %mul3A_760, %mul3A_767 : vector<16xf32>
      %swap3A_769 = arith.constant 1 : i32
      %swap3A_770 = arith.index_cast %swap3A_769 : i32 to index
      %swap3A_771 = arith.index_cast %scan3A_171 : i32 to index
      %swap3A_772 = arith.constant 416 : index
      %swap3A_773 = tpu.vector_load %arg12[%swap3A_770, %swap3A_771, %swap3A_772] {strides = array<i32>} : memref<2x32x768xf32, #tpu.memory_space<vmem>>, vector<1x1x16xf32>,
      %swap3A_774 = vector.shape_cast %swap3A_773 : vector<1x1x16xf32> to vector<16xf32>
      %swap3A_775 = vector.shape_cast %add3A_768 : vector<16xf32> to vector<1x1x16xf32>
      tpu.vector_store %arg12[%swap3A_770, %swap3A_771, %swap3A_772], %swap3A_775 {strides = array<i32>} : memref<2x32x768xf32, #tpu.memory_space<vmem>>, vector<1x1x16xf32>,
      %get3A_776 = arith.constant 1 : i32
      %get3A_777 = arith.index_cast %get3A_776 : i32 to index
      %get3A_778 = arith.index_cast %scan3A_171 : i32 to index
      %get3A_779 = arith.constant 432 : index
      %get3A_780 = tpu.vector_load %arg12[%get3A_777, %get3A_778, %get3A_779] {strides = array<i32>} : memref<2x32x768xf32, #tpu.memory_space<vmem>>, vector<1x1x16xf32>,
      %get3A_781 = vector.shape_cast %get3A_780 : vector<1x1x16xf32> to vector<16xf32>
      %mul3A_782 = arith.mulf %get3A_781, %get3A_176 : vector<16xf32>
      %get3A_783 = arith.constant 1 : i32
      %get3A_784 = arith.index_cast %get3A_783 : i32 to index
      %get3A_785 = arith.index_cast %scan3A_171 : i32 to index
      %get3A_786 = arith.constant 432 : index
      %get3A_787 = tpu.vector_load %arg13[%get3A_784, %get3A_785, %get3A_786] {strides = array<i32>} : memref<2x32x768xf32, #tpu.memory_space<vmem>>, vector<1x1x16xf32>,
      %get3A_788 = vector.shape_cast %get3A_787 : vector<1x1x16xf32> to vector<16xf32>
      %mul3A_789 = arith.mulf %get3A_788, %get3A_182 : vector<16xf32>
      %add3A_790 = arith.addf %mul3A_782, %mul3A_789 : vector<16xf32>
      %swap3A_791 = arith.constant 1 : i32
      %swap3A_792 = arith.index_cast %swap3A_791 : i32 to index
      %swap3A_793 = arith.index_cast %scan3A_171 : i32 to index
      %swap3A_794 = arith.constant 432 : index
      %swap3A_795 = tpu.vector_load %arg12[%swap3A_792, %swap3A_793, %swap3A_794] {strides = array<i32>} : memref<2x32x768xf32, #tpu.memory_space<vmem>>, vector<1x1x16xf32>,
      %swap3A_796 = vector.shape_cast %swap3A_795 : vector<1x1x16xf32> to vector<16xf32>
      %swap3A_797 = vector.shape_cast %add3A_790 : vector<16xf32> to vector<1x1x16xf32>
      tpu.vector_store %arg12[%swap3A_792, %swap3A_793, %swap3A_794], %swap3A_797 {strides = array<i32>} : memref<2x32x768xf32, #tpu.memory_space<vmem>>, vector<1x1x16xf32>,
      %get3A_798 = arith.constant 1 : i32
      %get3A_799 = arith.index_cast %get3A_798 : i32 to index
      %get3A_800 = arith.index_cast %scan3A_171 : i32 to index
      %get3A_801 = arith.constant 448 : index
      %get3A_802 = tpu.vector_load %arg12[%get3A_799, %get3A_800, %get3A_801] {strides = array<i32>} : memref<2x32x768xf32, #tpu.memory_space<vmem>>, vector<1x1x16xf32>,
      %get3A_803 = vector.shape_cast %get3A_802 : vector<1x1x16xf32> to vector<16xf32>
      %mul3A_804 = arith.mulf %get3A_803, %get3A_176 : vector<16xf32>
      %get3A_805 = arith.constant 1 : i32
      %get3A_806 = arith.index_cast %get3A_805 : i32 to index
      %get3A_807 = arith.index_cast %scan3A_171 : i32 to index
      %get3A_808 = arith.constant 448 : index
      %get3A_809 = tpu.vector_load %arg13[%get3A_806, %get3A_807, %get3A_808] {strides = array<i32>} : memref<2x32x768xf32, #tpu.memory_space<vmem>>, vector<1x1x16xf32>,
      %get3A_810 = vector.shape_cast %get3A_809 : vector<1x1x16xf32> to vector<16xf32>
      %mul3A_811 = arith.mulf %get3A_810, %get3A_182 : vector<16xf32>
      %add3A_812 = arith.addf %mul3A_804, %mul3A_811 : vector<16xf32>
      %swap3A_813 = arith.constant 1 : i32
      %swap3A_814 = arith.index_cast %swap3A_813 : i32 to index
      %swap3A_815 = arith.index_cast %scan3A_171 : i32 to index
      %swap3A_816 = arith.constant 448 : index
      %swap3A_817 = tpu.vector_load %arg12[%swap3A_814, %swap3A_815, %swap3A_816] {strides = array<i32>} : memref<2x32x768xf32, #tpu.memory_space<vmem>>, vector<1x1x16xf32>,
      %swap3A_818 = vector.shape_cast %swap3A_817 : vector<1x1x16xf32> to vector<16xf32>
      %swap3A_819 = vector.shape_cast %add3A_812 : vector<16xf32> to vector<1x1x16xf32>
      tpu.vector_store %arg12[%swap3A_814, %swap3A_815, %swap3A_816], %swap3A_819 {strides = array<i32>} : memref<2x32x768xf32, #tpu.memory_space<vmem>>, vector<1x1x16xf32>,
      %get3A_820 = arith.constant 1 : i32
      %get3A_821 = arith.index_cast %get3A_820 : i32 to index
      %get3A_822 = arith.index_cast %scan3A_171 : i32 to index
      %get3A_823 = arith.constant 464 : index
      %get3A_824 = tpu.vector_load %arg12[%get3A_821, %get3A_822, %get3A_823] {strides = array<i32>} : memref<2x32x768xf32, #tpu.memory_space<vmem>>, vector<1x1x16xf32>,
      %get3A_825 = vector.shape_cast %get3A_824 : vector<1x1x16xf32> to vector<16xf32>
      %mul3A_826 = arith.mulf %get3A_825, %get3A_176 : vector<16xf32>
      %get3A_827 = arith.constant 1 : i32
      %get3A_828 = arith.index_cast %get3A_827 : i32 to index
      %get3A_829 = arith.index_cast %scan3A_171 : i32 to index
      %get3A_830 = arith.constant 464 : index
      %get3A_831 = tpu.vector_load %arg13[%get3A_828, %get3A_829, %get3A_830] {strides = array<i32>} : memref<2x32x768xf32, #tpu.memory_space<vmem>>, vector<1x1x16xf32>,
      %get3A_832 = vector.shape_cast %get3A_831 : vector<1x1x16xf32> to vector<16xf32>
      %mul3A_833 = arith.mulf %get3A_832, %get3A_182 : vector<16xf32>
      %add3A_834 = arith.addf %mul3A_826, %mul3A_833 : vector<16xf32>
      %swap3A_835 = arith.constant 1 : i32
      %swap3A_836 = arith.index_cast %swap3A_835 : i32 to index
      %swap3A_837 = arith.index_cast %scan3A_171 : i32 to index
      %swap3A_838 = arith.constant 464 : index
      %swap3A_839 = tpu.vector_load %arg12[%swap3A_836, %swap3A_837, %swap3A_838] {strides = array<i32>} : memref<2x32x768xf32, #tpu.memory_space<vmem>>, vector<1x1x16xf32>,
      %swap3A_840 = vector.shape_cast %swap3A_839 : vector<1x1x16xf32> to vector<16xf32>
      %swap3A_841 = vector.shape_cast %add3A_834 : vector<16xf32> to vector<1x1x16xf32>
      tpu.vector_store %arg12[%swap3A_836, %swap3A_837, %swap3A_838], %swap3A_841 {strides = array<i32>} : memref<2x32x768xf32, #tpu.memory_space<vmem>>, vector<1x1x16xf32>,
      %get3A_842 = arith.constant 1 : i32
      %get3A_843 = arith.index_cast %get3A_842 : i32 to index
      %get3A_844 = arith.index_cast %scan3A_171 : i32 to index
      %get3A_845 = arith.constant 480 : index
      %get3A_846 = tpu.vector_load %arg12[%get3A_843, %get3A_844, %get3A_845] {strides = array<i32>} : memref<2x32x768xf32, #tpu.memory_space<vmem>>, vector<1x1x16xf32>,
      %get3A_847 = vector.shape_cast %get3A_846 : vector<1x1x16xf32> to vector<16xf32>
      %mul3A_848 = arith.mulf %get3A_847, %get3A_176 : vector<16xf32>
      %get3A_849 = arith.constant 1 : i32
      %get3A_850 = arith.index_cast %get3A_849 : i32 to index
      %get3A_851 = arith.index_cast %scan3A_171 : i32 to index
      %get3A_852 = arith.constant 480 : index
      %get3A_853 = tpu.vector_load %arg13[%get3A_850, %get3A_851, %get3A_852] {strides = array<i32>} : memref<2x32x768xf32, #tpu.memory_space<vmem>>, vector<1x1x16xf32>,
      %get3A_854 = vector.shape_cast %get3A_853 : vector<1x1x16xf32> to vector<16xf32>
      %mul3A_855 = arith.mulf %get3A_854, %get3A_182 : vector<16xf32>
      %add3A_856 = arith.addf %mul3A_848, %mul3A_855 : vector<16xf32>
      %swap3A_857 = arith.constant 1 : i32
      %swap3A_858 = arith.index_cast %swap3A_857 : i32 to index
      %swap3A_859 = arith.index_cast %scan3A_171 : i32 to index
      %swap3A_860 = arith.constant 480 : index
      %swap3A_861 = tpu.vector_load %arg12[%swap3A_858, %swap3A_859, %swap3A_860] {strides = array<i32>} : memref<2x32x768xf32, #tpu.memory_space<vmem>>, vector<1x1x16xf32>,
      %swap3A_862 = vector.shape_cast %swap3A_861 : vector<1x1x16xf32> to vector<16xf32>
      %swap3A_863 = vector.shape_cast %add3A_856 : vector<16xf32> to vector<1x1x16xf32>
      tpu.vector_store %arg12[%swap3A_858, %swap3A_859, %swap3A_860], %swap3A_863 {strides = array<i32>} : memref<2x32x768xf32, #tpu.memory_space<vmem>>, vector<1x1x16xf32>,
      %get3A_864 = arith.constant 1 : i32
      %get3A_865 = arith.index_cast %get3A_864 : i32 to index
      %get3A_866 = arith.index_cast %scan3A_171 : i32 to index
      %get3A_867 = arith.constant 496 : index
      %get3A_868 = tpu.vector_load %arg12[%get3A_865, %get3A_866, %get3A_867] {strides = array<i32>} : memref<2x32x768xf32, #tpu.memory_space<vmem>>, vector<1x1x16xf32>,
      %get3A_869 = vector.shape_cast %get3A_868 : vector<1x1x16xf32> to vector<16xf32>
      %mul3A_870 = arith.mulf %get3A_869, %get3A_176 : vector<16xf32>
      %get3A_871 = arith.constant 1 : i32
      %get3A_872 = arith.index_cast %get3A_871 : i32 to index
      %get3A_873 = arith.index_cast %scan3A_171 : i32 to index
      %get3A_874 = arith.constant 496 : index
      %get3A_875 = tpu.vector_load %arg13[%get3A_872, %get3A_873, %get3A_874] {strides = array<i32>} : memref<2x32x768xf32, #tpu.memory_space<vmem>>, vector<1x1x16xf32>,
      %get3A_876 = vector.shape_cast %get3A_875 : vector<1x1x16xf32> to vector<16xf32>
      %mul3A_877 = arith.mulf %get3A_876, %get3A_182 : vector<16xf32>
      %add3A_878 = arith.addf %mul3A_870, %mul3A_877 : vector<16xf32>
      %swap3A_879 = arith.constant 1 : i32
      %swap3A_880 = arith.index_cast %swap3A_879 : i32 to index
      %swap3A_881 = arith.index_cast %scan3A_171 : i32 to index
      %swap3A_882 = arith.constant 496 : index
      %swap3A_883 = tpu.vector_load %arg12[%swap3A_880, %swap3A_881, %swap3A_882] {strides = array<i32>} : memref<2x32x768xf32, #tpu.memory_space<vmem>>, vector<1x1x16xf32>,
      %swap3A_884 = vector.shape_cast %swap3A_883 : vector<1x1x16xf32> to vector<16xf32>
      %swap3A_885 = vector.shape_cast %add3A_878 : vector<16xf32> to vector<1x1x16xf32>
      tpu.vector_store %arg12[%swap3A_880, %swap3A_881, %swap3A_882], %swap3A_885 {strides = array<i32>} : memref<2x32x768xf32, #tpu.memory_space<vmem>>, vector<1x1x16xf32>,
      %get3A_886 = arith.constant 1 : i32
      %get3A_887 = arith.index_cast %get3A_886 : i32 to index
      %get3A_888 = arith.index_cast %scan3A_171 : i32 to index
      %get3A_889 = arith.constant 512 : index
      %get3A_890 = tpu.vector_load %arg12[%get3A_887, %get3A_888, %get3A_889] {strides = array<i32>} : memref<2x32x768xf32, #tpu.memory_space<vmem>>, vector<1x1x16xf32>,
      %get3A_891 = vector.shape_cast %get3A_890 : vector<1x1x16xf32> to vector<16xf32>
      %mul3A_892 = arith.mulf %get3A_891, %get3A_176 : vector<16xf32>
      %get3A_893 = arith.constant 1 : i32
      %get3A_894 = arith.index_cast %get3A_893 : i32 to index
      %get3A_895 = arith.index_cast %scan3A_171 : i32 to index
      %get3A_896 = arith.constant 512 : index
      %get3A_897 = tpu.vector_load %arg13[%get3A_894, %get3A_895, %get3A_896] {strides = array<i32>} : memref<2x32x768xf32, #tpu.memory_space<vmem>>, vector<1x1x16xf32>,
      %get3A_898 = vector.shape_cast %get3A_897 : vector<1x1x16xf32> to vector<16xf32>
      %mul3A_899 = arith.mulf %get3A_898, %get3A_182 : vector<16xf32>
      %add3A_900 = arith.addf %mul3A_892, %mul3A_899 : vector<16xf32>
      %swap3A_901 = arith.constant 1 : i32
      %swap3A_902 = arith.index_cast %swap3A_901 : i32 to index
      %swap3A_903 = arith.index_cast %scan3A_171 : i32 to index
      %swap3A_904 = arith.constant 512 : index
      %swap3A_905 = tpu.vector_load %arg12[%swap3A_902, %swap3A_903, %swap3A_904] {strides = array<i32>} : memref<2x32x768xf32, #tpu.memory_space<vmem>>, vector<1x1x16xf32>,
      %swap3A_906 = vector.shape_cast %swap3A_905 : vector<1x1x16xf32> to vector<16xf32>
      %swap3A_907 = vector.shape_cast %add3A_900 : vector<16xf32> to vector<1x1x16xf32>
      tpu.vector_store %arg12[%swap3A_902, %swap3A_903, %swap3A_904], %swap3A_907 {strides = array<i32>} : memref<2x32x768xf32, #tpu.memory_space<vmem>>, vector<1x1x16xf32>,
      %get3A_908 = arith.constant 1 : i32
      %get3A_909 = arith.index_cast %get3A_908 : i32 to index
      %get3A_910 = arith.index_cast %scan3A_171 : i32 to index
      %get3A_911 = arith.constant 528 : index
      %get3A_912 = tpu.vector_load %arg12[%get3A_909, %get3A_910, %get3A_911] {strides = array<i32>} : memref<2x32x768xf32, #tpu.memory_space<vmem>>, vector<1x1x16xf32>,
      %get3A_913 = vector.shape_cast %get3A_912 : vector<1x1x16xf32> to vector<16xf32>
      %mul3A_914 = arith.mulf %get3A_913, %get3A_176 : vector<16xf32>
      %get3A_915 = arith.constant 1 : i32
      %get3A_916 = arith.index_cast %get3A_915 : i32 to index
      %get3A_917 = arith.index_cast %scan3A_171 : i32 to index
      %get3A_918 = arith.constant 528 : index
      %get3A_919 = tpu.vector_load %arg13[%get3A_916, %get3A_917, %get3A_918] {strides = array<i32>} : memref<2x32x768xf32, #tpu.memory_space<vmem>>, vector<1x1x16xf32>,
      %get3A_920 = vector.shape_cast %get3A_919 : vector<1x1x16xf32> to vector<16xf32>
      %mul3A_921 = arith.mulf %get3A_920, %get3A_182 : vector<16xf32>
      %add3A_922 = arith.addf %mul3A_914, %mul3A_921 : vector<16xf32>
      %swap3A_923 = arith.constant 1 : i32
      %swap3A_924 = arith.index_cast %swap3A_923 : i32 to index
      %swap3A_925 = arith.index_cast %scan3A_171 : i32 to index
      %swap3A_926 = arith.constant 528 : index
      %swap3A_927 = tpu.vector_load %arg12[%swap3A_924, %swap3A_925, %swap3A_926] {strides = array<i32>} : memref<2x32x768xf32, #tpu.memory_space<vmem>>, vector<1x1x16xf32>,
      %swap3A_928 = vector.shape_cast %swap3A_927 : vector<1x1x16xf32> to vector<16xf32>
      %swap3A_929 = vector.shape_cast %add3A_922 : vector<16xf32> to vector<1x1x16xf32>
      tpu.vector_store %arg12[%swap3A_924, %swap3A_925, %swap3A_926], %swap3A_929 {strides = array<i32>} : memref<2x32x768xf32, #tpu.memory_space<vmem>>, vector<1x1x16xf32>,
      %get3A_930 = arith.constant 1 : i32
      %get3A_931 = arith.index_cast %get3A_930 : i32 to index
      %get3A_932 = arith.index_cast %scan3A_171 : i32 to index
      %get3A_933 = arith.constant 544 : index
      %get3A_934 = tpu.vector_load %arg12[%get3A_931, %get3A_932, %get3A_933] {strides = array<i32>} : memref<2x32x768xf32, #tpu.memory_space<vmem>>, vector<1x1x16xf32>,
      %get3A_935 = vector.shape_cast %get3A_934 : vector<1x1x16xf32> to vector<16xf32>
      %mul3A_936 = arith.mulf %get3A_935, %get3A_176 : vector<16xf32>
      %get3A_937 = arith.constant 1 : i32
      %get3A_938 = arith.index_cast %get3A_937 : i32 to index
      %get3A_939 = arith.index_cast %scan3A_171 : i32 to index
      %get3A_940 = arith.constant 544 : index
      %get3A_941 = tpu.vector_load %arg13[%get3A_938, %get3A_939, %get3A_940] {strides = array<i32>} : memref<2x32x768xf32, #tpu.memory_space<vmem>>, vector<1x1x16xf32>,
      %get3A_942 = vector.shape_cast %get3A_941 : vector<1x1x16xf32> to vector<16xf32>
      %mul3A_943 = arith.mulf %get3A_942, %get3A_182 : vector<16xf32>
      %add3A_944 = arith.addf %mul3A_936, %mul3A_943 : vector<16xf32>
      %swap3A_945 = arith.constant 1 : i32
      %swap3A_946 = arith.index_cast %swap3A_945 : i32 to index
      %swap3A_947 = arith.index_cast %scan3A_171 : i32 to index
      %swap3A_948 = arith.constant 544 : index
      %swap3A_949 = tpu.vector_load %arg12[%swap3A_946, %swap3A_947, %swap3A_948] {strides = array<i32>} : memref<2x32x768xf32, #tpu.memory_space<vmem>>, vector<1x1x16xf32>,
      %swap3A_950 = vector.shape_cast %swap3A_949 : vector<1x1x16xf32> to vector<16xf32>
      %swap3A_951 = vector.shape_cast %add3A_944 : vector<16xf32> to vector<1x1x16xf32>
      tpu.vector_store %arg12[%swap3A_946, %swap3A_947, %swap3A_948], %swap3A_951 {strides = array<i32>} : memref<2x32x768xf32, #tpu.memory_space<vmem>>, vector<1x1x16xf32>,
      %get3A_952 = arith.constant 1 : i32
      %get3A_953 = arith.index_cast %get3A_952 : i32 to index
      %get3A_954 = arith.index_cast %scan3A_171 : i32 to index
      %get3A_955 = arith.constant 560 : index
      %get3A_956 = tpu.vector_load %arg12[%get3A_953, %get3A_954, %get3A_955] {strides = array<i32>} : memref<2x32x768xf32, #tpu.memory_space<vmem>>, vector<1x1x16xf32>,
      %get3A_957 = vector.shape_cast %get3A_956 : vector<1x1x16xf32> to vector<16xf32>
      %mul3A_958 = arith.mulf %get3A_957, %get3A_176 : vector<16xf32>
      %get3A_959 = arith.constant 1 : i32
      %get3A_960 = arith.index_cast %get3A_959 : i32 to index
      %get3A_961 = arith.index_cast %scan3A_171 : i32 to index
      %get3A_962 = arith.constant 560 : index
      %get3A_963 = tpu.vector_load %arg13[%get3A_960, %get3A_961, %get3A_962] {strides = array<i32>} : memref<2x32x768xf32, #tpu.memory_space<vmem>>, vector<1x1x16xf32>,
      %get3A_964 = vector.shape_cast %get3A_963 : vector<1x1x16xf32> to vector<16xf32>
      %mul3A_965 = arith.mulf %get3A_964, %get3A_182 : vector<16xf32>
      %add3A_966 = arith.addf %mul3A_958, %mul3A_965 : vector<16xf32>
      %swap3A_967 = arith.constant 1 : i32
      %swap3A_968 = arith.index_cast %swap3A_967 : i32 to index
      %swap3A_969 = arith.index_cast %scan3A_171 : i32 to index
      %swap3A_970 = arith.constant 560 : index
      %swap3A_971 = tpu.vector_load %arg12[%swap3A_968, %swap3A_969, %swap3A_970] {strides = array<i32>} : memref<2x32x768xf32, #tpu.memory_space<vmem>>, vector<1x1x16xf32>,
      %swap3A_972 = vector.shape_cast %swap3A_971 : vector<1x1x16xf32> to vector<16xf32>
      %swap3A_973 = vector.shape_cast %add3A_966 : vector<16xf32> to vector<1x1x16xf32>
      tpu.vector_store %arg12[%swap3A_968, %swap3A_969, %swap3A_970], %swap3A_973 {strides = array<i32>} : memref<2x32x768xf32, #tpu.memory_space<vmem>>, vector<1x1x16xf32>,
      %get3A_974 = arith.constant 1 : i32
      %get3A_975 = arith.index_cast %get3A_974 : i32 to index
      %get3A_976 = arith.index_cast %scan3A_171 : i32 to index
      %get3A_977 = arith.constant 576 : index
      %get3A_978 = tpu.vector_load %arg12[%get3A_975, %get3A_976, %get3A_977] {strides = array<i32>} : memref<2x32x768xf32, #tpu.memory_space<vmem>>, vector<1x1x16xf32>,
      %get3A_979 = vector.shape_cast %get3A_978 : vector<1x1x16xf32> to vector<16xf32>
      %mul3A_980 = arith.mulf %get3A_979, %get3A_176 : vector<16xf32>
      %get3A_981 = arith.constant 1 : i32
      %get3A_982 = arith.index_cast %get3A_981 : i32 to index
      %get3A_983 = arith.index_cast %scan3A_171 : i32 to index
      %get3A_984 = arith.constant 576 : index
      %get3A_985 = tpu.vector_load %arg13[%get3A_982, %get3A_983, %get3A_984] {strides = array<i32>} : memref<2x32x768xf32, #tpu.memory_space<vmem>>, vector<1x1x16xf32>,
      %get3A_986 = vector.shape_cast %get3A_985 : vector<1x1x16xf32> to vector<16xf32>
      %mul3A_987 = arith.mulf %get3A_986, %get3A_182 : vector<16xf32>
      %add3A_988 = arith.addf %mul3A_980, %mul3A_987 : vector<16xf32>
      %swap3A_989 = arith.constant 1 : i32
      %swap3A_990 = arith.index_cast %swap3A_989 : i32 to index
      %swap3A_991 = arith.index_cast %scan3A_171 : i32 to index
      %swap3A_992 = arith.constant 576 : index
      %swap3A_993 = tpu.vector_load %arg12[%swap3A_990, %swap3A_991, %swap3A_992] {strides = array<i32>} : memref<2x32x768xf32, #tpu.memory_space<vmem>>, vector<1x1x16xf32>,
      %swap3A_994 = vector.shape_cast %swap3A_993 : vector<1x1x16xf32> to vector<16xf32>
      %swap3A_995 = vector.shape_cast %add3A_988 : vector<16xf32> to vector<1x1x16xf32>
      tpu.vector_store %arg12[%swap3A_990, %swap3A_991, %swap3A_992], %swap3A_995 {strides = array<i32>} : memref<2x32x768xf32, #tpu.memory_space<vmem>>, vector<1x1x16xf32>,
      %get3A_996 = arith.constant 1 : i32
      %get3A_997 = arith.index_cast %get3A_996 : i32 to index
      %get3A_998 = arith.index_cast %scan3A_171 : i32 to index
      %get3A_999 = arith.constant 592 : index
      %get3A_1000 = tpu.vector_load %arg12[%get3A_997, %get3A_998, %get3A_999] {strides = array<i32>} : memref<2x32x768xf32, #tpu.memory_space<vmem>>, vector<1x1x16xf32>,
      %get3A_1001 = vector.shape_cast %get3A_1000 : vector<1x1x16xf32> to vector<16xf32>
      %mul3A_1002 = arith.mulf %get3A_1001, %get3A_176 : vector<16xf32>
      %get3A_1003 = arith.constant 1 : i32
      %get3A_1004 = arith.index_cast %get3A_1003 : i32 to index
      %get3A_1005 = arith.index_cast %scan3A_171 : i32 to index
      %get3A_1006 = arith.constant 592 : index
      %get3A_1007 = tpu.vector_load %arg13[%get3A_1004, %get3A_1005, %get3A_1006] {strides = array<i32>} : memref<2x32x768xf32, #tpu.memory_space<vmem>>, vector<1x1x16xf32>,
      %get3A_1008 = vector.shape_cast %get3A_1007 : vector<1x1x16xf32> to vector<16xf32>
      %mul3A_1009 = arith.mulf %get3A_1008, %get3A_182 : vector<16xf32>
      %add3A_1010 = arith.addf %mul3A_1002, %mul3A_1009 : vector<16xf32>
      %swap3A_1011 = arith.constant 1 : i32
      %swap3A_1012 = arith.index_cast %swap3A_1011 : i32 to index
      %swap3A_1013 = arith.index_cast %scan3A_171 : i32 to index
      %swap3A_1014 = arith.constant 592 : index
      %swap3A_1015 = tpu.vector_load %arg12[%swap3A_1012, %swap3A_1013, %swap3A_1014] {strides = array<i32>} : memref<2x32x768xf32, #tpu.memory_space<vmem>>, vector<1x1x16xf32>,
      %swap3A_1016 = vector.shape_cast %swap3A_1015 : vector<1x1x16xf32> to vector<16xf32>
      %swap3A_1017 = vector.shape_cast %add3A_1010 : vector<16xf32> to vector<1x1x16xf32>
      tpu.vector_store %arg12[%swap3A_1012, %swap3A_1013, %swap3A_1014], %swap3A_1017 {strides = array<i32>} : memref<2x32x768xf32, #tpu.memory_space<vmem>>, vector<1x1x16xf32>,
      %get3A_1018 = arith.constant 1 : i32
      %get3A_1019 = arith.index_cast %get3A_1018 : i32 to index
      %get3A_1020 = arith.index_cast %scan3A_171 : i32 to index
      %get3A_1021 = arith.constant 608 : index
      %get3A_1022 = tpu.vector_load %arg12[%get3A_1019, %get3A_1020, %get3A_1021] {strides = array<i32>} : memref<2x32x768xf32, #tpu.memory_space<vmem>>, vector<1x1x16xf32>,
      %get3A_1023 = vector.shape_cast %get3A_1022 : vector<1x1x16xf32> to vector<16xf32>
      %mul3A_1024 = arith.mulf %get3A_1023, %get3A_176 : vector<16xf32>
      %get3A_1025 = arith.constant 1 : i32
      %get3A_1026 = arith.index_cast %get3A_1025 : i32 to index
      %get3A_1027 = arith.index_cast %scan3A_171 : i32 to index
      %get3A_1028 = arith.constant 608 : index
      %get3A_1029 = tpu.vector_load %arg13[%get3A_1026, %get3A_1027, %get3A_1028] {strides = array<i32>} : memref<2x32x768xf32, #tpu.memory_space<vmem>>, vector<1x1x16xf32>,
      %get3A_1030 = vector.shape_cast %get3A_1029 : vector<1x1x16xf32> to vector<16xf32>
      %mul3A_1031 = arith.mulf %get3A_1030, %get3A_182 : vector<16xf32>
      %add3A_1032 = arith.addf %mul3A_1024, %mul3A_1031 : vector<16xf32>
      %swap3A_1033 = arith.constant 1 : i32
      %swap3A_1034 = arith.index_cast %swap3A_1033 : i32 to index
      %swap3A_1035 = arith.index_cast %scan3A_171 : i32 to index
      %swap3A_1036 = arith.constant 608 : index
      %swap3A_1037 = tpu.vector_load %arg12[%swap3A_1034, %swap3A_1035, %swap3A_1036] {strides = array<i32>} : memref<2x32x768xf32, #tpu.memory_space<vmem>>, vector<1x1x16xf32>,
      %swap3A_1038 = vector.shape_cast %swap3A_1037 : vector<1x1x16xf32> to vector<16xf32>
      %swap3A_1039 = vector.shape_cast %add3A_1032 : vector<16xf32> to vector<1x1x16xf32>
      tpu.vector_store %arg12[%swap3A_1034, %swap3A_1035, %swap3A_1036], %swap3A_1039 {strides = array<i32>} : memref<2x32x768xf32, #tpu.memory_space<vmem>>, vector<1x1x16xf32>,
      %get3A_1040 = arith.constant 1 : i32
      %get3A_1041 = arith.index_cast %get3A_1040 : i32 to index
      %get3A_1042 = arith.index_cast %scan3A_171 : i32 to index
      %get3A_1043 = arith.constant 624 : index
      %get3A_1044 = tpu.vector_load %arg12[%get3A_1041, %get3A_1042, %get3A_1043] {strides = array<i32>} : memref<2x32x768xf32, #tpu.memory_space<vmem>>, vector<1x1x16xf32>,
      %get3A_1045 = vector.shape_cast %get3A_1044 : vector<1x1x16xf32> to vector<16xf32>
      %mul3A_1046 = arith.mulf %get3A_1045, %get3A_176 : vector<16xf32>
      %get3A_1047 = arith.constant 1 : i32
      %get3A_1048 = arith.index_cast %get3A_1047 : i32 to index
      %get3A_1049 = arith.index_cast %scan3A_171 : i32 to index
      %get3A_1050 = arith.constant 624 : index
      %get3A_1051 = tpu.vector_load %arg13[%get3A_1048, %get3A_1049, %get3A_1050] {strides = array<i32>} : memref<2x32x768xf32, #tpu.memory_space<vmem>>, vector<1x1x16xf32>,
      %get3A_1052 = vector.shape_cast %get3A_1051 : vector<1x1x16xf32> to vector<16xf32>
      %mul3A_1053 = arith.mulf %get3A_1052, %get3A_182 : vector<16xf32>
      %add3A_1054 = arith.addf %mul3A_1046, %mul3A_1053 : vector<16xf32>
      %swap3A_1055 = arith.constant 1 : i32
      %swap3A_1056 = arith.index_cast %swap3A_1055 : i32 to index
      %swap3A_1057 = arith.index_cast %scan3A_171 : i32 to index
      %swap3A_1058 = arith.constant 624 : index
      %swap3A_1059 = tpu.vector_load %arg12[%swap3A_1056, %swap3A_1057, %swap3A_1058] {strides = array<i32>} : memref<2x32x768xf32, #tpu.memory_space<vmem>>, vector<1x1x16xf32>,
      %swap3A_1060 = vector.shape_cast %swap3A_1059 : vector<1x1x16xf32> to vector<16xf32>
      %swap3A_1061 = vector.shape_cast %add3A_1054 : vector<16xf32> to vector<1x1x16xf32>
      tpu.vector_store %arg12[%swap3A_1056, %swap3A_1057, %swap3A_1058], %swap3A_1061 {strides = array<i32>} : memref<2x32x768xf32, #tpu.memory_space<vmem>>, vector<1x1x16xf32>,
      %get3A_1062 = arith.constant 1 : i32
      %get3A_1063 = arith.index_cast %get3A_1062 : i32 to index
      %get3A_1064 = arith.index_cast %scan3A_171 : i32 to index
      %get3A_1065 = arith.constant 640 : index
      %get3A_1066 = tpu.vector_load %arg12[%get3A_1063, %get3A_1064, %get3A_1065] {strides = array<i32>} : memref<2x32x768xf32, #tpu.memory_space<vmem>>, vector<1x1x16xf32>,
      %get3A_1067 = vector.shape_cast %get3A_1066 : vector<1x1x16xf32> to vector<16xf32>
      %mul3A_1068 = arith.mulf %get3A_1067, %get3A_176 : vector<16xf32>
      %get3A_1069 = arith.constant 1 : i32
      %get3A_1070 = arith.index_cast %get3A_1069 : i32 to index
      %get3A_1071 = arith.index_cast %scan3A_171 : i32 to index
      %get3A_1072 = arith.constant 640 : index
      %get3A_1073 = tpu.vector_load %arg13[%get3A_1070, %get3A_1071, %get3A_1072] {strides = array<i32>} : memref<2x32x768xf32, #tpu.memory_space<vmem>>, vector<1x1x16xf32>,
      %get3A_1074 = vector.shape_cast %get3A_1073 : vector<1x1x16xf32> to vector<16xf32>
      %mul3A_1075 = arith.mulf %get3A_1074, %get3A_182 : vector<16xf32>
      %add3A_1076 = arith.addf %mul3A_1068, %mul3A_1075 : vector<16xf32>
      %swap3A_1077 = arith.constant 1 : i32
      %swap3A_1078 = arith.index_cast %swap3A_1077 : i32 to index
      %swap3A_1079 = arith.index_cast %scan3A_171 : i32 to index
      %swap3A_1080 = arith.constant 640 : index
      %swap3A_1081 = tpu.vector_load %arg12[%swap3A_1078, %swap3A_1079, %swap3A_1080] {strides = array<i32>} : memref<2x32x768xf32, #tpu.memory_space<vmem>>, vector<1x1x16xf32>,
      %swap3A_1082 = vector.shape_cast %swap3A_1081 : vector<1x1x16xf32> to vector<16xf32>
      %swap3A_1083 = vector.shape_cast %add3A_1076 : vector<16xf32> to vector<1x1x16xf32>
      tpu.vector_store %arg12[%swap3A_1078, %swap3A_1079, %swap3A_1080], %swap3A_1083 {strides = array<i32>} : memref<2x32x768xf32, #tpu.memory_space<vmem>>, vector<1x1x16xf32>,
      %get3A_1084 = arith.constant 1 : i32
      %get3A_1085 = arith.index_cast %get3A_1084 : i32 to index
      %get3A_1086 = arith.index_cast %scan3A_171 : i32 to index
      %get3A_1087 = arith.constant 656 : index
      %get3A_1088 = tpu.vector_load %arg12[%get3A_1085, %get3A_1086, %get3A_1087] {strides = array<i32>} : memref<2x32x768xf32, #tpu.memory_space<vmem>>, vector<1x1x16xf32>,
      %get3A_1089 = vector.shape_cast %get3A_1088 : vector<1x1x16xf32> to vector<16xf32>
      %mul3A_1090 = arith.mulf %get3A_1089, %get3A_176 : vector<16xf32>
      %get3A_1091 = arith.constant 1 : i32
      %get3A_1092 = arith.index_cast %get3A_1091 : i32 to index
      %get3A_1093 = arith.index_cast %scan3A_171 : i32 to index
      %get3A_1094 = arith.constant 656 : index
      %get3A_1095 = tpu.vector_load %arg13[%get3A_1092, %get3A_1093, %get3A_1094] {strides = array<i32>} : memref<2x32x768xf32, #tpu.memory_space<vmem>>, vector<1x1x16xf32>,
      %get3A_1096 = vector.shape_cast %get3A_1095 : vector<1x1x16xf32> to vector<16xf32>
      %mul3A_1097 = arith.mulf %get3A_1096, %get3A_182 : vector<16xf32>
      %add3A_1098 = arith.addf %mul3A_1090, %mul3A_1097 : vector<16xf32>
      %swap3A_1099 = arith.constant 1 : i32
      %swap3A_1100 = arith.index_cast %swap3A_1099 : i32 to index
      %swap3A_1101 = arith.index_cast %scan3A_171 : i32 to index
      %swap3A_1102 = arith.constant 656 : index
      %swap3A_1103 = tpu.vector_load %arg12[%swap3A_1100, %swap3A_1101, %swap3A_1102] {strides = array<i32>} : memref<2x32x768xf32, #tpu.memory_space<vmem>>, vector<1x1x16xf32>,
      %swap3A_1104 = vector.shape_cast %swap3A_1103 : vector<1x1x16xf32> to vector<16xf32>
      %swap3A_1105 = vector.shape_cast %add3A_1098 : vector<16xf32> to vector<1x1x16xf32>
      tpu.vector_store %arg12[%swap3A_1100, %swap3A_1101, %swap3A_1102], %swap3A_1105 {strides = array<i32>} : memref<2x32x768xf32, #tpu.memory_space<vmem>>, vector<1x1x16xf32>,
      %get3A_1106 = arith.constant 1 : i32
      %get3A_1107 = arith.index_cast %get3A_1106 : i32 to index
      %get3A_1108 = arith.index_cast %scan3A_171 : i32 to index
      %get3A_1109 = arith.constant 672 : index
      %get3A_1110 = tpu.vector_load %arg12[%get3A_1107, %get3A_1108, %get3A_1109] {strides = array<i32>} : memref<2x32x768xf32, #tpu.memory_space<vmem>>, vector<1x1x16xf32>,
      %get3A_1111 = vector.shape_cast %get3A_1110 : vector<1x1x16xf32> to vector<16xf32>
      %mul3A_1112 = arith.mulf %get3A_1111, %get3A_176 : vector<16xf32>
      %get3A_1113 = arith.constant 1 : i32
      %get3A_1114 = arith.index_cast %get3A_1113 : i32 to index
      %get3A_1115 = arith.index_cast %scan3A_171 : i32 to index
      %get3A_1116 = arith.constant 672 : index
      %get3A_1117 = tpu.vector_load %arg13[%get3A_1114, %get3A_1115, %get3A_1116] {strides = array<i32>} : memref<2x32x768xf32, #tpu.memory_space<vmem>>, vector<1x1x16xf32>,
      %get3A_1118 = vector.shape_cast %get3A_1117 : vector<1x1x16xf32> to vector<16xf32>
      %mul3A_1119 = arith.mulf %get3A_1118, %get3A_182 : vector<16xf32>
      %add3A_1120 = arith.addf %mul3A_1112, %mul3A_1119 : vector<16xf32>
      %swap3A_1121 = arith.constant 1 : i32
      %swap3A_1122 = arith.index_cast %swap3A_1121 : i32 to index
      %swap3A_1123 = arith.index_cast %scan3A_171 : i32 to index
      %swap3A_1124 = arith.constant 672 : index
      %swap3A_1125 = tpu.vector_load %arg12[%swap3A_1122, %swap3A_1123, %swap3A_1124] {strides = array<i32>} : memref<2x32x768xf32, #tpu.memory_space<vmem>>, vector<1x1x16xf32>,
      %swap3A_1126 = vector.shape_cast %swap3A_1125 : vector<1x1x16xf32> to vector<16xf32>
      %swap3A_1127 = vector.shape_cast %add3A_1120 : vector<16xf32> to vector<1x1x16xf32>
      tpu.vector_store %arg12[%swap3A_1122, %swap3A_1123, %swap3A_1124], %swap3A_1127 {strides = array<i32>} : memref<2x32x768xf32, #tpu.memory_space<vmem>>, vector<1x1x16xf32>,
      %get3A_1128 = arith.constant 1 : i32
      %get3A_1129 = arith.index_cast %get3A_1128 : i32 to index
      %get3A_1130 = arith.index_cast %scan3A_171 : i32 to index
      %get3A_1131 = arith.constant 688 : index
      %get3A_1132 = tpu.vector_load %arg12[%get3A_1129, %get3A_1130, %get3A_1131] {strides = array<i32>} : memref<2x32x768xf32, #tpu.memory_space<vmem>>, vector<1x1x16xf32>,
      %get3A_1133 = vector.shape_cast %get3A_1132 : vector<1x1x16xf32> to vector<16xf32>
      %mul3A_1134 = arith.mulf %get3A_1133, %get3A_176 : vector<16xf32>
      %get3A_1135 = arith.constant 1 : i32
      %get3A_1136 = arith.index_cast %get3A_1135 : i32 to index
      %get3A_1137 = arith.index_cast %scan3A_171 : i32 to index
      %get3A_1138 = arith.constant 688 : index
      %get3A_1139 = tpu.vector_load %arg13[%get3A_1136, %get3A_1137, %get3A_1138] {strides = array<i32>} : memref<2x32x768xf32, #tpu.memory_space<vmem>>, vector<1x1x16xf32>,
      %get3A_1140 = vector.shape_cast %get3A_1139 : vector<1x1x16xf32> to vector<16xf32>
      %mul3A_1141 = arith.mulf %get3A_1140, %get3A_182 : vector<16xf32>
      %add3A_1142 = arith.addf %mul3A_1134, %mul3A_1141 : vector<16xf32>
      %swap3A_1143 = arith.constant 1 : i32
      %swap3A_1144 = arith.index_cast %swap3A_1143 : i32 to index
      %swap3A_1145 = arith.index_cast %scan3A_171 : i32 to index
      %swap3A_1146 = arith.constant 688 : index
      %swap3A_1147 = tpu.vector_load %arg12[%swap3A_1144, %swap3A_1145, %swap3A_1146] {strides = array<i32>} : memref<2x32x768xf32, #tpu.memory_space<vmem>>, vector<1x1x16xf32>,
      %swap3A_1148 = vector.shape_cast %swap3A_1147 : vector<1x1x16xf32> to vector<16xf32>
      %swap3A_1149 = vector.shape_cast %add3A_1142 : vector<16xf32> to vector<1x1x16xf32>
      tpu.vector_store %arg12[%swap3A_1144, %swap3A_1145, %swap3A_1146], %swap3A_1149 {strides = array<i32>} : memref<2x32x768xf32, #tpu.memory_space<vmem>>, vector<1x1x16xf32>,
      %get3A_1150 = arith.constant 1 : i32
      %get3A_1151 = arith.index_cast %get3A_1150 : i32 to index
      %get3A_1152 = arith.index_cast %scan3A_171 : i32 to index
      %get3A_1153 = arith.constant 704 : index
      %get3A_1154 = tpu.vector_load %arg12[%get3A_1151, %get3A_1152, %get3A_1153] {strides = array<i32>} : memref<2x32x768xf32, #tpu.memory_space<vmem>>, vector<1x1x16xf32>,
      %get3A_1155 = vector.shape_cast %get3A_1154 : vector<1x1x16xf32> to vector<16xf32>
      %mul3A_1156 = arith.mulf %get3A_1155, %get3A_176 : vector<16xf32>
      %get3A_1157 = arith.constant 1 : i32
      %get3A_1158 = arith.index_cast %get3A_1157 : i32 to index
      %get3A_1159 = arith.index_cast %scan3A_171 : i32 to index
      %get3A_1160 = arith.constant 704 : index
      %get3A_1161 = tpu.vector_load %arg13[%get3A_1158, %get3A_1159, %get3A_1160] {strides = array<i32>} : memref<2x32x768xf32, #tpu.memory_space<vmem>>, vector<1x1x16xf32>,
      %get3A_1162 = vector.shape_cast %get3A_1161 : vector<1x1x16xf32> to vector<16xf32>
      %mul3A_1163 = arith.mulf %get3A_1162, %get3A_182 : vector<16xf32>
      %add3A_1164 = arith.addf %mul3A_1156, %mul3A_1163 : vector<16xf32>
      %swap3A_1165 = arith.constant 1 : i32
      %swap3A_1166 = arith.index_cast %swap3A_1165 : i32 to index
      %swap3A_1167 = arith.index_cast %scan3A_171 : i32 to index
      %swap3A_1168 = arith.constant 704 : index
      %swap3A_1169 = tpu.vector_load %arg12[%swap3A_1166, %swap3A_1167, %swap3A_1168] {strides = array<i32>} : memref<2x32x768xf32, #tpu.memory_space<vmem>>, vector<1x1x16xf32>,
      %swap3A_1170 = vector.shape_cast %swap3A_1169 : vector<1x1x16xf32> to vector<16xf32>
      %swap3A_1171 = vector.shape_cast %add3A_1164 : vector<16xf32> to vector<1x1x16xf32>
      tpu.vector_store %arg12[%swap3A_1166, %swap3A_1167, %swap3A_1168], %swap3A_1171 {strides = array<i32>} : memref<2x32x768xf32, #tpu.memory_space<vmem>>, vector<1x1x16xf32>,
      %get3A_1172 = arith.constant 1 : i32
      %get3A_1173 = arith.index_cast %get3A_1172 : i32 to index
      %get3A_1174 = arith.index_cast %scan3A_171 : i32 to index
      %get3A_1175 = arith.constant 720 : index
      %get3A_1176 = tpu.vector_load %arg12[%get3A_1173, %get3A_1174, %get3A_1175] {strides = array<i32>} : memref<2x32x768xf32, #tpu.memory_space<vmem>>, vector<1x1x16xf32>,
      %get3A_1177 = vector.shape_cast %get3A_1176 : vector<1x1x16xf32> to vector<16xf32>
      %mul3A_1178 = arith.mulf %get3A_1177, %get3A_176 : vector<16xf32>
      %get3A_1179 = arith.constant 1 : i32
      %get3A_1180 = arith.index_cast %get3A_1179 : i32 to index
      %get3A_1181 = arith.index_cast %scan3A_171 : i32 to index
      %get3A_1182 = arith.constant 720 : index
      %get3A_1183 = tpu.vector_load %arg13[%get3A_1180, %get3A_1181, %get3A_1182] {strides = array<i32>} : memref<2x32x768xf32, #tpu.memory_space<vmem>>, vector<1x1x16xf32>,
      %get3A_1184 = vector.shape_cast %get3A_1183 : vector<1x1x16xf32> to vector<16xf32>
      %mul3A_1185 = arith.mulf %get3A_1184, %get3A_182 : vector<16xf32>
      %add3A_1186 = arith.addf %mul3A_1178, %mul3A_1185 : vector<16xf32>
      %swap3A_1187 = arith.constant 1 : i32
      %swap3A_1188 = arith.index_cast %swap3A_1187 : i32 to index
      %swap3A_1189 = arith.index_cast %scan3A_171 : i32 to index
      %swap3A_1190 = arith.constant 720 : index
      %swap3A_1191 = tpu.vector_load %arg12[%swap3A_1188, %swap3A_1189, %swap3A_1190] {strides = array<i32>} : memref<2x32x768xf32, #tpu.memory_space<vmem>>, vector<1x1x16xf32>,
      %swap3A_1192 = vector.shape_cast %swap3A_1191 : vector<1x1x16xf32> to vector<16xf32>
      %swap3A_1193 = vector.shape_cast %add3A_1186 : vector<16xf32> to vector<1x1x16xf32>
      tpu.vector_store %arg12[%swap3A_1188, %swap3A_1189, %swap3A_1190], %swap3A_1193 {strides = array<i32>} : memref<2x32x768xf32, #tpu.memory_space<vmem>>, vector<1x1x16xf32>,
      %get3A_1194 = arith.constant 1 : i32
      %get3A_1195 = arith.index_cast %get3A_1194 : i32 to index
      %get3A_1196 = arith.index_cast %scan3A_171 : i32 to index
      %get3A_1197 = arith.constant 736 : index
      %get3A_1198 = tpu.vector_load %arg12[%get3A_1195, %get3A_1196, %get3A_1197] {strides = array<i32>} : memref<2x32x768xf32, #tpu.memory_space<vmem>>, vector<1x1x16xf32>,
      %get3A_1199 = vector.shape_cast %get3A_1198 : vector<1x1x16xf32> to vector<16xf32>
      %mul3A_1200 = arith.mulf %get3A_1199, %get3A_176 : vector<16xf32>
      %get3A_1201 = arith.constant 1 : i32
      %get3A_1202 = arith.index_cast %get3A_1201 : i32 to index
      %get3A_1203 = arith.index_cast %scan3A_171 : i32 to index
      %get3A_1204 = arith.constant 736 : index
      %get3A_1205 = tpu.vector_load %arg13[%get3A_1202, %get3A_1203, %get3A_1204] {strides = array<i32>} : memref<2x32x768xf32, #tpu.memory_space<vmem>>, vector<1x1x16xf32>,
      %get3A_1206 = vector.shape_cast %get3A_1205 : vector<1x1x16xf32> to vector<16xf32>
      %mul3A_1207 = arith.mulf %get3A_1206, %get3A_182 : vector<16xf32>
      %add3A_1208 = arith.addf %mul3A_1200, %mul3A_1207 : vector<16xf32>
      %swap3A_1209 = arith.constant 1 : i32
      %swap3A_1210 = arith.index_cast %swap3A_1209 : i32 to index
      %swap3A_1211 = arith.index_cast %scan3A_171 : i32 to index
      %swap3A_1212 = arith.constant 736 : index
      %swap3A_1213 = tpu.vector_load %arg12[%swap3A_1210, %swap3A_1211, %swap3A_1212] {strides = array<i32>} : memref<2x32x768xf32, #tpu.memory_space<vmem>>, vector<1x1x16xf32>,
      %swap3A_1214 = vector.shape_cast %swap3A_1213 : vector<1x1x16xf32> to vector<16xf32>
      %swap3A_1215 = vector.shape_cast %add3A_1208 : vector<16xf32> to vector<1x1x16xf32>
      tpu.vector_store %arg12[%swap3A_1210, %swap3A_1211, %swap3A_1212], %swap3A_1215 {strides = array<i32>} : memref<2x32x768xf32, #tpu.memory_space<vmem>>, vector<1x1x16xf32>,
      %get3A_1216 = arith.constant 1 : i32
      %get3A_1217 = arith.index_cast %get3A_1216 : i32 to index
      %get3A_1218 = arith.index_cast %scan3A_171 : i32 to index
      %get3A_1219 = arith.constant 752 : index
      %get3A_1220 = tpu.vector_load %arg12[%get3A_1217, %get3A_1218, %get3A_1219] {strides = array<i32>} : memref<2x32x768xf32, #tpu.memory_space<vmem>>, vector<1x1x16xf32>,
      %get3A_1221 = vector.shape_cast %get3A_1220 : vector<1x1x16xf32> to vector<16xf32>
      %mul3A_1222 = arith.mulf %get3A_1221, %get3A_176 : vector<16xf32>
      %get3A_1223 = arith.constant 1 : i32
      %get3A_1224 = arith.index_cast %get3A_1223 : i32 to index
      %get3A_1225 = arith.index_cast %scan3A_171 : i32 to index
      %get3A_1226 = arith.constant 752 : index
      %get3A_1227 = tpu.vector_load %arg13[%get3A_1224, %get3A_1225, %get3A_1226] {strides = array<i32>} : memref<2x32x768xf32, #tpu.memory_space<vmem>>, vector<1x1x16xf32>,
      %get3A_1228 = vector.shape_cast %get3A_1227 : vector<1x1x16xf32> to vector<16xf32>
      %mul3A_1229 = arith.mulf %get3A_1228, %get3A_182 : vector<16xf32>
      %add3A_1230 = arith.addf %mul3A_1222, %mul3A_1229 : vector<16xf32>
      %swap3A_1231 = arith.constant 1 : i32
      %swap3A_1232 = arith.index_cast %swap3A_1231 : i32 to index
      %swap3A_1233 = arith.index_cast %scan3A_171 : i32 to index
      %swap3A_1234 = arith.constant 752 : index
      %swap3A_1235 = tpu.vector_load %arg12[%swap3A_1232, %swap3A_1233, %swap3A_1234] {strides = array<i32>} : memref<2x32x768xf32, #tpu.memory_space<vmem>>, vector<1x1x16xf32>,
      %swap3A_1236 = vector.shape_cast %swap3A_1235 : vector<1x1x16xf32> to vector<16xf32>
      %swap3A_1237 = vector.shape_cast %add3A_1230 : vector<16xf32> to vector<1x1x16xf32>
      tpu.vector_store %arg12[%swap3A_1232, %swap3A_1233, %swap3A_1234], %swap3A_1237 {strides = array<i32>} : memref<2x32x768xf32, #tpu.memory_space<vmem>>, vector<1x1x16xf32>,
    }
    %scan3A_129 = arith.constant 32 : i32
    %add3A_130 = arith.constant 32 : i32
    %add3A_131 = arith.addi %mul3A_2, %add3A_130 : i32
    %dma_start3A_132 = arith.constant 1 : i32
    %dma_start3A_133 = arith.constant 0 : i32
    %dma_start3A_134 = arith.constant 0 : i32
    %dma_start3A_135 = tpu.memref_slice %arg12[%dma_start3A_132, %dma_start3A_133, %dma_start3A_134] : memref<2x32x768xf32, #tpu.memory_space<vmem>> -> memref<1x32x768xf32, #tpu.memory_space<vmem>>
    %dma_start3A_136 = tpu.memref_squeeze %dma_start3A_135 : memref<1x32x768xf32, #tpu.memory_space<vmem>> -> memref<32x768xf32, #tpu.memory_space<vmem>>
    %dma_start3A_137 = arith.constant 0 : i32
    %dma_start3A_138 = tpu.memref_slice %arg7[%add3A_131, %dma_start3A_137] : memref<2048x768xf32, #tpu.memory_space<hbm>> -> memref<32x768xf32, #tpu.memory_space<hbm>>
    %dma_start3A_139 = arith.constant 0 : i32
    %dma_start3A_140 = tpu.memref_slice %arg7[%add3A_131, %dma_start3A_139] : memref<2048x768xf32, #tpu.memory_space<hbm>> -> memref<32x768xf32, #tpu.memory_space<hbm>>
    %dma_start3A_141 = arith.constant 0 : i32
    %dma_start3A_142 = arith.constant 0 : i32
    %dma_start3A_143 = tpu.memref_slice %arg12[%dma_start3A_132, %dma_start3A_141, %dma_start3A_142] : memref<2x32x768xf32, #tpu.memory_space<vmem>> -> memref<1x32x768xf32, #tpu.memory_space<vmem>>
    %dma_start3A_144 = tpu.memref_squeeze %dma_start3A_143 : memref<1x32x768xf32, #tpu.memory_space<vmem>> -> memref<32x768xf32, #tpu.memory_space<vmem>>
    tpu.enqueue_dma source(%dma_start3A_144 : memref<32x768xf32, #tpu.memory_space<vmem>>) target(%dma_start3A_140 : memref<32x768xf32, #tpu.memory_space<hbm>>) target_semaphore(%arg16 : memref<!tpu.dma_semaphore, #tpu.memory_space<semaphore_mem>>)
    %dma_wait3A_145 = arith.constant 0 : i32
    %dma_wait3A_146 = arith.constant 0 : i32
    %dma_wait3A_147 = arith.constant 0 : i32
    %dma_wait3A_148 = tpu.memref_slice %arg12[%dma_wait3A_145, %dma_wait3A_146, %dma_wait3A_147] : memref<2x32x768xf32, #tpu.memory_space<vmem>> -> memref<1x32x768xf32, #tpu.memory_space<vmem>>
    %dma_wait3A_149 = tpu.memref_squeeze %dma_wait3A_148 : memref<1x32x768xf32, #tpu.memory_space<vmem>> -> memref<32x768xf32, #tpu.memory_space<vmem>>
    %dma_wait3A_150 = arith.constant 0 : i32
    %dma_wait3A_151 = tpu.memref_slice %arg7[%add3A_86, %dma_wait3A_150] : memref<2048x768xf32, #tpu.memory_space<hbm>> -> memref<32x768xf32, #tpu.memory_space<hbm>>
    %dma_wait3A_152 = arith.constant 0 : i32
    %dma_wait3A_153 = tpu.memref_slice %arg7[%add3A_86, %dma_wait3A_152] : memref<2048x768xf32, #tpu.memory_space<hbm>> -> memref<32x768xf32, #tpu.memory_space<hbm>>
    %dma_wait3A_154 = arith.constant 0 : i32
    %dma_wait3A_155 = arith.constant 0 : i32
    %dma_wait3A_156 = tpu.memref_slice %arg12[%dma_wait3A_145, %dma_wait3A_154, %dma_wait3A_155] : memref<2x32x768xf32, #tpu.memory_space<vmem>> -> memref<1x32x768xf32, #tpu.memory_space<vmem>>
    %dma_wait3A_157 = tpu.memref_squeeze %dma_wait3A_156 : memref<1x32x768xf32, #tpu.memory_space<vmem>> -> memref<32x768xf32, #tpu.memory_space<vmem>>
    tpu.wait_dma2 semaphore(%arg16 : memref<!tpu.dma_semaphore, #tpu.memory_space<semaphore_mem>>) src(%dma_wait3A_157 : memref<32x768xf32, #tpu.memory_space<vmem>>) dst(%dma_wait3A_153 : memref<32x768xf32, #tpu.memory_space<hbm>>)
    %dma_wait3A_158 = arith.constant 1 : i32
    %dma_wait3A_159 = arith.constant 0 : i32
    %dma_wait3A_160 = arith.constant 0 : i32
    %dma_wait3A_161 = tpu.memref_slice %arg12[%dma_wait3A_158, %dma_wait3A_159, %dma_wait3A_160] : memref<2x32x768xf32, #tpu.memory_space<vmem>> -> memref<1x32x768xf32, #tpu.memory_space<vmem>>
    %dma_wait3A_162 = tpu.memref_squeeze %dma_wait3A_161 : memref<1x32x768xf32, #tpu.memory_space<vmem>> -> memref<32x768xf32, #tpu.memory_space<vmem>>
    %dma_wait3A_163 = arith.constant 0 : i32
    %dma_wait3A_164 = tpu.memref_slice %arg7[%add3A_131, %dma_wait3A_163] : memref<2048x768xf32, #tpu.memory_space<hbm>> -> memref<32x768xf32, #tpu.memory_space<hbm>>
    %dma_wait3A_165 = arith.constant 0 : i32
    %dma_wait3A_166 = tpu.memref_slice %arg7[%add3A_131, %dma_wait3A_165] : memref<2048x768xf32, #tpu.memory_space<hbm>> -> memref<32x768xf32, #tpu.memory_space<hbm>>
    %dma_wait3A_167 = arith.constant 0 : i32
    %dma_wait3A_168 = arith.constant 0 : i32
    %dma_wait3A_169 = tpu.memref_slice %arg12[%dma_wait3A_158, %dma_wait3A_167, %dma_wait3A_168] : memref<2x32x768xf32, #tpu.memory_space<vmem>> -> memref<1x32x768xf32, #tpu.memory_space<vmem>>
    %dma_wait3A_170 = tpu.memref_squeeze %dma_wait3A_169 : memref<1x32x768xf32, #tpu.memory_space<vmem>> -> memref<32x768xf32, #tpu.memory_space<vmem>>
    tpu.wait_dma2 semaphore(%arg16 : memref<!tpu.dma_semaphore, #tpu.memory_space<semaphore_mem>>) src(%dma_wait3A_170 : memref<32x768xf32, #tpu.memory_space<vmem>>) dst(%dma_wait3A_166 : memref<32x768xf32, #tpu.memory_space<hbm>>)
    return
  }
}

#map = affine_map<(d0, d1) -> (0, 0)>
#map1 = affine_map<(d0, d1) -> (0)>
module attributes {stable_mosaic.version = 14 : i64} {
  func.func @_dispatch_body(%arg0: i32, %arg1: i32, %arg2: memref<2048x768xf32, #tpu.memory_space<hbm>>, %arg3: memref<2048xi32, #tpu.memory_space<hbm>>, %arg4: memref<2048xi32, #tpu.memory_space<hbm>>, %arg5: memref<7680x768xf32, #tpu.memory_space<hbm>>, %arg6: memref<4x32xi32, #tpu.memory_space<vmem>>, %arg7: memref<4x32x768xf32, #tpu.memory_space<vmem>>, %arg8: memref<!tpu.dma_semaphore, #tpu.memory_space<semaphore_mem>>, %arg9: memref<!tpu.dma_semaphore, #tpu.memory_space<semaphore_mem>>, %arg10: memref<!tpu.dma_semaphore, #tpu.memory_space<semaphore_mem>>, %arg11: memref<!tpu.dma_semaphore, #tpu.memory_space<semaphore_mem>>, %arg12: memref<!tpu.dma_semaphore, #tpu.memory_space<semaphore_mem>>) attributes {dimension_semantics = [#tpu.dimension_semantics<core_parallel>, #tpu.dimension_semantics<subcore_parallel>], iteration_bounds = array<i64: 2, 16>, scalar_prefetch = 0 : i64, scratch_operands = 7 : i64, tpu.core_type = #tpu.core_type<sc_vector_subcore>, window_params = [{transform_indices = #map}, {transform_indices = #map1}, {transform_indices = #map1}, {transform_indices = #map}]} {
    %mul3A = arith.constant 2 : i32
    %mul3A_0 = arith.muli %arg1, %mul3A : i32
    %add3A = arith.addi %mul3A_0, %arg0 : i32
    %mul3A_1 = arith.constant 128 : i32
    %mul3A_2 = arith.muli %add3A, %mul3A_1 : i32
    %rem3A = arith.constant 2048 : i32
    %rem3A_3 = arith.remsi %mul3A_2, %rem3A : i32
    %lt3A = arith.constant 16 : i32
    %lt3A_4 = arith.cmpi slt, %add3A, %lt3A : i32
    %add3A_5 = arith.constant 0 : i32
    %add3A_6 = arith.addi %rem3A_3, %add3A_5 : i32
    %dma_start3A = arith.constant 0 : i32
    %dma_start3A_7 = arith.constant 0 : i32
    %dma_start3A_8 = arith.constant 0 : i32
    %dma_start3A_9 = tpu.memref_slice %arg7[%dma_start3A, %dma_start3A_7, %dma_start3A_8] : memref<4x32x768xf32, #tpu.memory_space<vmem>> -> memref<1x32x768xf32, #tpu.memory_space<vmem>>
    %dma_start3A_10 = tpu.memref_squeeze %dma_start3A_9 : memref<1x32x768xf32, #tpu.memory_space<vmem>> -> memref<32x768xf32, #tpu.memory_space<vmem>>
    %dma_start3A_11 = arith.constant 0 : i32
    %dma_start3A_12 = tpu.memref_slice %arg2[%add3A_6, %dma_start3A_11] : memref<2048x768xf32, #tpu.memory_space<hbm>> -> memref<32x768xf32, #tpu.memory_space<hbm>>
    %dma_start3A_13 = arith.constant 0 : i32
    %dma_start3A_14 = arith.constant 0 : i32
    %dma_start3A_15 = tpu.memref_slice %arg7[%dma_start3A, %dma_start3A_13, %dma_start3A_14] : memref<4x32x768xf32, #tpu.memory_space<vmem>> -> memref<1x32x768xf32, #tpu.memory_space<vmem>>
    %dma_start3A_16 = tpu.memref_squeeze %dma_start3A_15 : memref<1x32x768xf32, #tpu.memory_space<vmem>> -> memref<32x768xf32, #tpu.memory_space<vmem>>
    %dma_start3A_17 = arith.constant 0 : i32
    %dma_start3A_18 = tpu.memref_slice %arg2[%add3A_6, %dma_start3A_17] : memref<2048x768xf32, #tpu.memory_space<hbm>> -> memref<32x768xf32, #tpu.memory_space<hbm>>
    tpu.enqueue_dma source(%dma_start3A_18 : memref<32x768xf32, #tpu.memory_space<hbm>>) target(%dma_start3A_16 : memref<32x768xf32, #tpu.memory_space<vmem>>) target_semaphore(%arg8 : memref<!tpu.dma_semaphore, #tpu.memory_space<semaphore_mem>>)
    %add3A_19 = arith.constant 32 : i32
    %add3A_20 = arith.addi %rem3A_3, %add3A_19 : i32
    %dma_start3A_21 = arith.constant 1 : i32
    %dma_start3A_22 = arith.constant 0 : i32
    %dma_start3A_23 = arith.constant 0 : i32
    %dma_start3A_24 = tpu.memref_slice %arg7[%dma_start3A_21, %dma_start3A_22, %dma_start3A_23] : memref<4x32x768xf32, #tpu.memory_space<vmem>> -> memref<1x32x768xf32, #tpu.memory_space<vmem>>
    %dma_start3A_25 = tpu.memref_squeeze %dma_start3A_24 : memref<1x32x768xf32, #tpu.memory_space<vmem>> -> memref<32x768xf32, #tpu.memory_space<vmem>>
    %dma_start3A_26 = arith.constant 0 : i32
    %dma_start3A_27 = tpu.memref_slice %arg2[%add3A_20, %dma_start3A_26] : memref<2048x768xf32, #tpu.memory_space<hbm>> -> memref<32x768xf32, #tpu.memory_space<hbm>>
    %dma_start3A_28 = arith.constant 0 : i32
    %dma_start3A_29 = arith.constant 0 : i32
    %dma_start3A_30 = tpu.memref_slice %arg7[%dma_start3A_21, %dma_start3A_28, %dma_start3A_29] : memref<4x32x768xf32, #tpu.memory_space<vmem>> -> memref<1x32x768xf32, #tpu.memory_space<vmem>>
    %dma_start3A_31 = tpu.memref_squeeze %dma_start3A_30 : memref<1x32x768xf32, #tpu.memory_space<vmem>> -> memref<32x768xf32, #tpu.memory_space<vmem>>
    %dma_start3A_32 = arith.constant 0 : i32
    %dma_start3A_33 = tpu.memref_slice %arg2[%add3A_20, %dma_start3A_32] : memref<2048x768xf32, #tpu.memory_space<hbm>> -> memref<32x768xf32, #tpu.memory_space<hbm>>
    tpu.enqueue_dma source(%dma_start3A_33 : memref<32x768xf32, #tpu.memory_space<hbm>>) target(%dma_start3A_31 : memref<32x768xf32, #tpu.memory_space<vmem>>) target_semaphore(%arg9 : memref<!tpu.dma_semaphore, #tpu.memory_space<semaphore_mem>>)
    %add3A_34 = arith.constant 64 : i32
    %add3A_35 = arith.addi %rem3A_3, %add3A_34 : i32
    %dma_start3A_36 = arith.constant 2 : i32
    %dma_start3A_37 = arith.constant 0 : i32
    %dma_start3A_38 = arith.constant 0 : i32
    %dma_start3A_39 = tpu.memref_slice %arg7[%dma_start3A_36, %dma_start3A_37, %dma_start3A_38] : memref<4x32x768xf32, #tpu.memory_space<vmem>> -> memref<1x32x768xf32, #tpu.memory_space<vmem>>
    %dma_start3A_40 = tpu.memref_squeeze %dma_start3A_39 : memref<1x32x768xf32, #tpu.memory_space<vmem>> -> memref<32x768xf32, #tpu.memory_space<vmem>>
    %dma_start3A_41 = arith.constant 0 : i32
    %dma_start3A_42 = tpu.memref_slice %arg2[%add3A_35, %dma_start3A_41] : memref<2048x768xf32, #tpu.memory_space<hbm>> -> memref<32x768xf32, #tpu.memory_space<hbm>>
    %dma_start3A_43 = arith.constant 0 : i32
    %dma_start3A_44 = arith.constant 0 : i32
    %dma_start3A_45 = tpu.memref_slice %arg7[%dma_start3A_36, %dma_start3A_43, %dma_start3A_44] : memref<4x32x768xf32, #tpu.memory_space<vmem>> -> memref<1x32x768xf32, #tpu.memory_space<vmem>>
    %dma_start3A_46 = tpu.memref_squeeze %dma_start3A_45 : memref<1x32x768xf32, #tpu.memory_space<vmem>> -> memref<32x768xf32, #tpu.memory_space<vmem>>
    %dma_start3A_47 = arith.constant 0 : i32
    %dma_start3A_48 = tpu.memref_slice %arg2[%add3A_35, %dma_start3A_47] : memref<2048x768xf32, #tpu.memory_space<hbm>> -> memref<32x768xf32, #tpu.memory_space<hbm>>
    tpu.enqueue_dma source(%dma_start3A_48 : memref<32x768xf32, #tpu.memory_space<hbm>>) target(%dma_start3A_46 : memref<32x768xf32, #tpu.memory_space<vmem>>) target_semaphore(%arg10 : memref<!tpu.dma_semaphore, #tpu.memory_space<semaphore_mem>>)
    %add3A_49 = arith.constant 96 : i32
    %add3A_50 = arith.addi %rem3A_3, %add3A_49 : i32
    %dma_start3A_51 = arith.constant 3 : i32
    %dma_start3A_52 = arith.constant 0 : i32
    %dma_start3A_53 = arith.constant 0 : i32
    %dma_start3A_54 = tpu.memref_slice %arg7[%dma_start3A_51, %dma_start3A_52, %dma_start3A_53] : memref<4x32x768xf32, #tpu.memory_space<vmem>> -> memref<1x32x768xf32, #tpu.memory_space<vmem>>
    %dma_start3A_55 = tpu.memref_squeeze %dma_start3A_54 : memref<1x32x768xf32, #tpu.memory_space<vmem>> -> memref<32x768xf32, #tpu.memory_space<vmem>>
    %dma_start3A_56 = arith.constant 0 : i32
    %dma_start3A_57 = tpu.memref_slice %arg2[%add3A_50, %dma_start3A_56] : memref<2048x768xf32, #tpu.memory_space<hbm>> -> memref<32x768xf32, #tpu.memory_space<hbm>>
    %dma_start3A_58 = arith.constant 0 : i32
    %dma_start3A_59 = arith.constant 0 : i32
    %dma_start3A_60 = tpu.memref_slice %arg7[%dma_start3A_51, %dma_start3A_58, %dma_start3A_59] : memref<4x32x768xf32, #tpu.memory_space<vmem>> -> memref<1x32x768xf32, #tpu.memory_space<vmem>>
    %dma_start3A_61 = tpu.memref_squeeze %dma_start3A_60 : memref<1x32x768xf32, #tpu.memory_space<vmem>> -> memref<32x768xf32, #tpu.memory_space<vmem>>
    %dma_start3A_62 = arith.constant 0 : i32
    %dma_start3A_63 = tpu.memref_slice %arg2[%add3A_50, %dma_start3A_62] : memref<2048x768xf32, #tpu.memory_space<hbm>> -> memref<32x768xf32, #tpu.memory_space<hbm>>
    tpu.enqueue_dma source(%dma_start3A_63 : memref<32x768xf32, #tpu.memory_space<hbm>>) target(%dma_start3A_61 : memref<32x768xf32, #tpu.memory_space<vmem>>) target_semaphore(%arg11 : memref<!tpu.dma_semaphore, #tpu.memory_space<semaphore_mem>>)
    %convert_element_type3A = arith.extui %lt3A_4 : i1 to i32
    %cond3A = arith.constant 0 : i32
    %cond3A_64 = arith.cmpi ne, %convert_element_type3A, %cond3A : i32
    scf.if %cond3A_64 {
      %add3A_216 = arith.constant 0 : i32
      %add3A_217 = arith.addi %rem3A_3, %add3A_216 : i32
      %run_scoped3A = arith.constant 0 : i32
      "tpu.region"() ({
        %run_scoped3A_227 = tpu.sem_alloc : memref<!tpu.dma_semaphore, #tpu.memory_space<semaphore_mem>>
        %dma_start3A_228 = arith.constant 0 : i32
        %dma_start3A_229 = tpu.memref_slice %arg6[%run_scoped3A, %dma_start3A_228] : memref<4x32xi32, #tpu.memory_space<vmem>> -> memref<1x32xi32, #tpu.memory_space<vmem>>
        %dma_start3A_230 = tpu.memref_squeeze %dma_start3A_229 : memref<1x32xi32, #tpu.memory_space<vmem>> -> memref<32xi32, #tpu.memory_space<vmem>>
        %dma_start3A_231 = tpu.memref_slice %arg3[%add3A_217] : memref<2048xi32, #tpu.memory_space<hbm>> -> memref<32xi32, #tpu.memory_space<hbm>>
        %dma_start3A_232 = arith.constant 0 : i32
        %dma_start3A_233 = tpu.memref_slice %arg6[%run_scoped3A, %dma_start3A_232] : memref<4x32xi32, #tpu.memory_space<vmem>> -> memref<1x32xi32, #tpu.memory_space<vmem>>
        %dma_start3A_234 = tpu.memref_squeeze %dma_start3A_233 : memref<1x32xi32, #tpu.memory_space<vmem>> -> memref<32xi32, #tpu.memory_space<vmem>>
        %dma_start3A_235 = tpu.memref_slice %arg3[%add3A_217] : memref<2048xi32, #tpu.memory_space<hbm>> -> memref<32xi32, #tpu.memory_space<hbm>>
        tpu.enqueue_dma source(%dma_start3A_235 : memref<32xi32, #tpu.memory_space<hbm>>) target(%dma_start3A_234 : memref<32xi32, #tpu.memory_space<vmem>>) target_semaphore(%run_scoped3A_227 : memref<!tpu.dma_semaphore, #tpu.memory_space<semaphore_mem>>)
        %dma_wait3A_236 = arith.constant 0 : i32
        %dma_wait3A_237 = tpu.memref_slice %arg6[%run_scoped3A, %dma_wait3A_236] : memref<4x32xi32, #tpu.memory_space<vmem>> -> memref<1x32xi32, #tpu.memory_space<vmem>>
        %dma_wait3A_238 = tpu.memref_squeeze %dma_wait3A_237 : memref<1x32xi32, #tpu.memory_space<vmem>> -> memref<32xi32, #tpu.memory_space<vmem>>
        %dma_wait3A_239 = tpu.memref_slice %arg3[%add3A_217] : memref<2048xi32, #tpu.memory_space<hbm>> -> memref<32xi32, #tpu.memory_space<hbm>>
        %dma_wait3A_240 = arith.constant 0 : i32
        %dma_wait3A_241 = tpu.memref_slice %arg6[%run_scoped3A, %dma_wait3A_240] : memref<4x32xi32, #tpu.memory_space<vmem>> -> memref<1x32xi32, #tpu.memory_space<vmem>>
        %dma_wait3A_242 = tpu.memref_squeeze %dma_wait3A_241 : memref<1x32xi32, #tpu.memory_space<vmem>> -> memref<32xi32, #tpu.memory_space<vmem>>
        %dma_wait3A_243 = tpu.memref_slice %arg3[%add3A_217] : memref<2048xi32, #tpu.memory_space<hbm>> -> memref<32xi32, #tpu.memory_space<hbm>>
        tpu.wait_dma2 semaphore(%run_scoped3A_227 : memref<!tpu.dma_semaphore, #tpu.memory_space<semaphore_mem>>) src(%dma_wait3A_243 : memref<32xi32, #tpu.memory_space<hbm>>) dst(%dma_wait3A_242 : memref<32xi32, #tpu.memory_space<vmem>>)
        tpu.yield
      }) : () -> ()
      %add3A_218 = arith.constant 32 : i32
      %add3A_219 = arith.addi %rem3A_3, %add3A_218 : i32
      %run_scoped3A_220 = arith.constant 1 : i32
      "tpu.region"() ({
        %run_scoped3A_227 = tpu.sem_alloc : memref<!tpu.dma_semaphore, #tpu.memory_space<semaphore_mem>>
        %dma_start3A_228 = arith.constant 0 : i32
        %dma_start3A_229 = tpu.memref_slice %arg6[%run_scoped3A_220, %dma_start3A_228] : memref<4x32xi32, #tpu.memory_space<vmem>> -> memref<1x32xi32, #tpu.memory_space<vmem>>
        %dma_start3A_230 = tpu.memref_squeeze %dma_start3A_229 : memref<1x32xi32, #tpu.memory_space<vmem>> -> memref<32xi32, #tpu.memory_space<vmem>>
        %dma_start3A_231 = tpu.memref_slice %arg3[%add3A_219] : memref<2048xi32, #tpu.memory_space<hbm>> -> memref<32xi32, #tpu.memory_space<hbm>>
        %dma_start3A_232 = arith.constant 0 : i32
        %dma_start3A_233 = tpu.memref_slice %arg6[%run_scoped3A_220, %dma_start3A_232] : memref<4x32xi32, #tpu.memory_space<vmem>> -> memref<1x32xi32, #tpu.memory_space<vmem>>
        %dma_start3A_234 = tpu.memref_squeeze %dma_start3A_233 : memref<1x32xi32, #tpu.memory_space<vmem>> -> memref<32xi32, #tpu.memory_space<vmem>>
        %dma_start3A_235 = tpu.memref_slice %arg3[%add3A_219] : memref<2048xi32, #tpu.memory_space<hbm>> -> memref<32xi32, #tpu.memory_space<hbm>>
        tpu.enqueue_dma source(%dma_start3A_235 : memref<32xi32, #tpu.memory_space<hbm>>) target(%dma_start3A_234 : memref<32xi32, #tpu.memory_space<vmem>>) target_semaphore(%run_scoped3A_227 : memref<!tpu.dma_semaphore, #tpu.memory_space<semaphore_mem>>)
        %dma_wait3A_236 = arith.constant 0 : i32
        %dma_wait3A_237 = tpu.memref_slice %arg6[%run_scoped3A_220, %dma_wait3A_236] : memref<4x32xi32, #tpu.memory_space<vmem>> -> memref<1x32xi32, #tpu.memory_space<vmem>>
        %dma_wait3A_238 = tpu.memref_squeeze %dma_wait3A_237 : memref<1x32xi32, #tpu.memory_space<vmem>> -> memref<32xi32, #tpu.memory_space<vmem>>
        %dma_wait3A_239 = tpu.memref_slice %arg3[%add3A_219] : memref<2048xi32, #tpu.memory_space<hbm>> -> memref<32xi32, #tpu.memory_space<hbm>>
        %dma_wait3A_240 = arith.constant 0 : i32
        %dma_wait3A_241 = tpu.memref_slice %arg6[%run_scoped3A_220, %dma_wait3A_240] : memref<4x32xi32, #tpu.memory_space<vmem>> -> memref<1x32xi32, #tpu.memory_space<vmem>>
        %dma_wait3A_242 = tpu.memref_squeeze %dma_wait3A_241 : memref<1x32xi32, #tpu.memory_space<vmem>> -> memref<32xi32, #tpu.memory_space<vmem>>
        %dma_wait3A_243 = tpu.memref_slice %arg3[%add3A_219] : memref<2048xi32, #tpu.memory_space<hbm>> -> memref<32xi32, #tpu.memory_space<hbm>>
        tpu.wait_dma2 semaphore(%run_scoped3A_227 : memref<!tpu.dma_semaphore, #tpu.memory_space<semaphore_mem>>) src(%dma_wait3A_243 : memref<32xi32, #tpu.memory_space<hbm>>) dst(%dma_wait3A_242 : memref<32xi32, #tpu.memory_space<vmem>>)
        tpu.yield
      }) : () -> ()
      %add3A_221 = arith.constant 64 : i32
      %add3A_222 = arith.addi %rem3A_3, %add3A_221 : i32
      %run_scoped3A_223 = arith.constant 2 : i32
      "tpu.region"() ({
        %run_scoped3A_227 = tpu.sem_alloc : memref<!tpu.dma_semaphore, #tpu.memory_space<semaphore_mem>>
        %dma_start3A_228 = arith.constant 0 : i32
        %dma_start3A_229 = tpu.memref_slice %arg6[%run_scoped3A_223, %dma_start3A_228] : memref<4x32xi32, #tpu.memory_space<vmem>> -> memref<1x32xi32, #tpu.memory_space<vmem>>
        %dma_start3A_230 = tpu.memref_squeeze %dma_start3A_229 : memref<1x32xi32, #tpu.memory_space<vmem>> -> memref<32xi32, #tpu.memory_space<vmem>>
        %dma_start3A_231 = tpu.memref_slice %arg3[%add3A_222] : memref<2048xi32, #tpu.memory_space<hbm>> -> memref<32xi32, #tpu.memory_space<hbm>>
        %dma_start3A_232 = arith.constant 0 : i32
        %dma_start3A_233 = tpu.memref_slice %arg6[%run_scoped3A_223, %dma_start3A_232] : memref<4x32xi32, #tpu.memory_space<vmem>> -> memref<1x32xi32, #tpu.memory_space<vmem>>
        %dma_start3A_234 = tpu.memref_squeeze %dma_start3A_233 : memref<1x32xi32, #tpu.memory_space<vmem>> -> memref<32xi32, #tpu.memory_space<vmem>>
        %dma_start3A_235 = tpu.memref_slice %arg3[%add3A_222] : memref<2048xi32, #tpu.memory_space<hbm>> -> memref<32xi32, #tpu.memory_space<hbm>>
        tpu.enqueue_dma source(%dma_start3A_235 : memref<32xi32, #tpu.memory_space<hbm>>) target(%dma_start3A_234 : memref<32xi32, #tpu.memory_space<vmem>>) target_semaphore(%run_scoped3A_227 : memref<!tpu.dma_semaphore, #tpu.memory_space<semaphore_mem>>)
        %dma_wait3A_236 = arith.constant 0 : i32
        %dma_wait3A_237 = tpu.memref_slice %arg6[%run_scoped3A_223, %dma_wait3A_236] : memref<4x32xi32, #tpu.memory_space<vmem>> -> memref<1x32xi32, #tpu.memory_space<vmem>>
        %dma_wait3A_238 = tpu.memref_squeeze %dma_wait3A_237 : memref<1x32xi32, #tpu.memory_space<vmem>> -> memref<32xi32, #tpu.memory_space<vmem>>
        %dma_wait3A_239 = tpu.memref_slice %arg3[%add3A_222] : memref<2048xi32, #tpu.memory_space<hbm>> -> memref<32xi32, #tpu.memory_space<hbm>>
        %dma_wait3A_240 = arith.constant 0 : i32
        %dma_wait3A_241 = tpu.memref_slice %arg6[%run_scoped3A_223, %dma_wait3A_240] : memref<4x32xi32, #tpu.memory_space<vmem>> -> memref<1x32xi32, #tpu.memory_space<vmem>>
        %dma_wait3A_242 = tpu.memref_squeeze %dma_wait3A_241 : memref<1x32xi32, #tpu.memory_space<vmem>> -> memref<32xi32, #tpu.memory_space<vmem>>
        %dma_wait3A_243 = tpu.memref_slice %arg3[%add3A_222] : memref<2048xi32, #tpu.memory_space<hbm>> -> memref<32xi32, #tpu.memory_space<hbm>>
        tpu.wait_dma2 semaphore(%run_scoped3A_227 : memref<!tpu.dma_semaphore, #tpu.memory_space<semaphore_mem>>) src(%dma_wait3A_243 : memref<32xi32, #tpu.memory_space<hbm>>) dst(%dma_wait3A_242 : memref<32xi32, #tpu.memory_space<vmem>>)
        tpu.yield
      }) : () -> ()
      %add3A_224 = arith.constant 96 : i32
      %add3A_225 = arith.addi %rem3A_3, %add3A_224 : i32
      %run_scoped3A_226 = arith.constant 3 : i32
      "tpu.region"() ({
        %run_scoped3A_227 = tpu.sem_alloc : memref<!tpu.dma_semaphore, #tpu.memory_space<semaphore_mem>>
        %dma_start3A_228 = arith.constant 0 : i32
        %dma_start3A_229 = tpu.memref_slice %arg6[%run_scoped3A_226, %dma_start3A_228] : memref<4x32xi32, #tpu.memory_space<vmem>> -> memref<1x32xi32, #tpu.memory_space<vmem>>
        %dma_start3A_230 = tpu.memref_squeeze %dma_start3A_229 : memref<1x32xi32, #tpu.memory_space<vmem>> -> memref<32xi32, #tpu.memory_space<vmem>>
        %dma_start3A_231 = tpu.memref_slice %arg3[%add3A_225] : memref<2048xi32, #tpu.memory_space<hbm>> -> memref<32xi32, #tpu.memory_space<hbm>>
        %dma_start3A_232 = arith.constant 0 : i32
        %dma_start3A_233 = tpu.memref_slice %arg6[%run_scoped3A_226, %dma_start3A_232] : memref<4x32xi32, #tpu.memory_space<vmem>> -> memref<1x32xi32, #tpu.memory_space<vmem>>
        %dma_start3A_234 = tpu.memref_squeeze %dma_start3A_233 : memref<1x32xi32, #tpu.memory_space<vmem>> -> memref<32xi32, #tpu.memory_space<vmem>>
        %dma_start3A_235 = tpu.memref_slice %arg3[%add3A_225] : memref<2048xi32, #tpu.memory_space<hbm>> -> memref<32xi32, #tpu.memory_space<hbm>>
        tpu.enqueue_dma source(%dma_start3A_235 : memref<32xi32, #tpu.memory_space<hbm>>) target(%dma_start3A_234 : memref<32xi32, #tpu.memory_space<vmem>>) target_semaphore(%run_scoped3A_227 : memref<!tpu.dma_semaphore, #tpu.memory_space<semaphore_mem>>)
        %dma_wait3A_236 = arith.constant 0 : i32
        %dma_wait3A_237 = tpu.memref_slice %arg6[%run_scoped3A_226, %dma_wait3A_236] : memref<4x32xi32, #tpu.memory_space<vmem>> -> memref<1x32xi32, #tpu.memory_space<vmem>>
        %dma_wait3A_238 = tpu.memref_squeeze %dma_wait3A_237 : memref<1x32xi32, #tpu.memory_space<vmem>> -> memref<32xi32, #tpu.memory_space<vmem>>
        %dma_wait3A_239 = tpu.memref_slice %arg3[%add3A_225] : memref<2048xi32, #tpu.memory_space<hbm>> -> memref<32xi32, #tpu.memory_space<hbm>>
        %dma_wait3A_240 = arith.constant 0 : i32
        %dma_wait3A_241 = tpu.memref_slice %arg6[%run_scoped3A_226, %dma_wait3A_240] : memref<4x32xi32, #tpu.memory_space<vmem>> -> memref<1x32xi32, #tpu.memory_space<vmem>>
        %dma_wait3A_242 = tpu.memref_squeeze %dma_wait3A_241 : memref<1x32xi32, #tpu.memory_space<vmem>> -> memref<32xi32, #tpu.memory_space<vmem>>
        %dma_wait3A_243 = tpu.memref_slice %arg3[%add3A_225] : memref<2048xi32, #tpu.memory_space<hbm>> -> memref<32xi32, #tpu.memory_space<hbm>>
        tpu.wait_dma2 semaphore(%run_scoped3A_227 : memref<!tpu.dma_semaphore, #tpu.memory_space<semaphore_mem>>) src(%dma_wait3A_243 : memref<32xi32, #tpu.memory_space<hbm>>) dst(%dma_wait3A_242 : memref<32xi32, #tpu.memory_space<vmem>>)
        tpu.yield
      }) : () -> ()
    } else {
    }
    %not3A = arith.constant true
    %not3A_65 = arith.xori %lt3A_4, %not3A : i1
    %convert_element_type3A_66 = arith.extui %not3A_65 : i1 to i32
    %cond3A_67 = arith.constant 0 : i32
    %cond3A_68 = arith.cmpi ne, %convert_element_type3A_66, %cond3A_67 : i32
    scf.if %cond3A_68 {
      %add3A_216 = arith.constant 0 : i32
      %add3A_217 = arith.addi %rem3A_3, %add3A_216 : i32
      %run_scoped3A = arith.constant 0 : i32
      "tpu.region"() ({
        %run_scoped3A_227 = tpu.sem_alloc : memref<!tpu.dma_semaphore, #tpu.memory_space<semaphore_mem>>
        %dma_start3A_228 = arith.constant 0 : i32
        %dma_start3A_229 = tpu.memref_slice %arg6[%run_scoped3A, %dma_start3A_228] : memref<4x32xi32, #tpu.memory_space<vmem>> -> memref<1x32xi32, #tpu.memory_space<vmem>>
        %dma_start3A_230 = tpu.memref_squeeze %dma_start3A_229 : memref<1x32xi32, #tpu.memory_space<vmem>> -> memref<32xi32, #tpu.memory_space<vmem>>
        %dma_start3A_231 = tpu.memref_slice %arg4[%add3A_217] : memref<2048xi32, #tpu.memory_space<hbm>> -> memref<32xi32, #tpu.memory_space<hbm>>
        %dma_start3A_232 = arith.constant 0 : i32
        %dma_start3A_233 = tpu.memref_slice %arg6[%run_scoped3A, %dma_start3A_232] : memref<4x32xi32, #tpu.memory_space<vmem>> -> memref<1x32xi32, #tpu.memory_space<vmem>>
        %dma_start3A_234 = tpu.memref_squeeze %dma_start3A_233 : memref<1x32xi32, #tpu.memory_space<vmem>> -> memref<32xi32, #tpu.memory_space<vmem>>
        %dma_start3A_235 = tpu.memref_slice %arg4[%add3A_217] : memref<2048xi32, #tpu.memory_space<hbm>> -> memref<32xi32, #tpu.memory_space<hbm>>
        tpu.enqueue_dma source(%dma_start3A_235 : memref<32xi32, #tpu.memory_space<hbm>>) target(%dma_start3A_234 : memref<32xi32, #tpu.memory_space<vmem>>) target_semaphore(%run_scoped3A_227 : memref<!tpu.dma_semaphore, #tpu.memory_space<semaphore_mem>>)
        %dma_wait3A_236 = arith.constant 0 : i32
        %dma_wait3A_237 = tpu.memref_slice %arg6[%run_scoped3A, %dma_wait3A_236] : memref<4x32xi32, #tpu.memory_space<vmem>> -> memref<1x32xi32, #tpu.memory_space<vmem>>
        %dma_wait3A_238 = tpu.memref_squeeze %dma_wait3A_237 : memref<1x32xi32, #tpu.memory_space<vmem>> -> memref<32xi32, #tpu.memory_space<vmem>>
        %dma_wait3A_239 = tpu.memref_slice %arg4[%add3A_217] : memref<2048xi32, #tpu.memory_space<hbm>> -> memref<32xi32, #tpu.memory_space<hbm>>
        %dma_wait3A_240 = arith.constant 0 : i32
        %dma_wait3A_241 = tpu.memref_slice %arg6[%run_scoped3A, %dma_wait3A_240] : memref<4x32xi32, #tpu.memory_space<vmem>> -> memref<1x32xi32, #tpu.memory_space<vmem>>
        %dma_wait3A_242 = tpu.memref_squeeze %dma_wait3A_241 : memref<1x32xi32, #tpu.memory_space<vmem>> -> memref<32xi32, #tpu.memory_space<vmem>>
        %dma_wait3A_243 = tpu.memref_slice %arg4[%add3A_217] : memref<2048xi32, #tpu.memory_space<hbm>> -> memref<32xi32, #tpu.memory_space<hbm>>
        tpu.wait_dma2 semaphore(%run_scoped3A_227 : memref<!tpu.dma_semaphore, #tpu.memory_space<semaphore_mem>>) src(%dma_wait3A_243 : memref<32xi32, #tpu.memory_space<hbm>>) dst(%dma_wait3A_242 : memref<32xi32, #tpu.memory_space<vmem>>)
        tpu.yield
      }) : () -> ()
      %add3A_218 = arith.constant 32 : i32
      %add3A_219 = arith.addi %rem3A_3, %add3A_218 : i32
      %run_scoped3A_220 = arith.constant 1 : i32
      "tpu.region"() ({
        %run_scoped3A_227 = tpu.sem_alloc : memref<!tpu.dma_semaphore, #tpu.memory_space<semaphore_mem>>
        %dma_start3A_228 = arith.constant 0 : i32
        %dma_start3A_229 = tpu.memref_slice %arg6[%run_scoped3A_220, %dma_start3A_228] : memref<4x32xi32, #tpu.memory_space<vmem>> -> memref<1x32xi32, #tpu.memory_space<vmem>>
        %dma_start3A_230 = tpu.memref_squeeze %dma_start3A_229 : memref<1x32xi32, #tpu.memory_space<vmem>> -> memref<32xi32, #tpu.memory_space<vmem>>
        %dma_start3A_231 = tpu.memref_slice %arg4[%add3A_219] : memref<2048xi32, #tpu.memory_space<hbm>> -> memref<32xi32, #tpu.memory_space<hbm>>
        %dma_start3A_232 = arith.constant 0 : i32
        %dma_start3A_233 = tpu.memref_slice %arg6[%run_scoped3A_220, %dma_start3A_232] : memref<4x32xi32, #tpu.memory_space<vmem>> -> memref<1x32xi32, #tpu.memory_space<vmem>>
        %dma_start3A_234 = tpu.memref_squeeze %dma_start3A_233 : memref<1x32xi32, #tpu.memory_space<vmem>> -> memref<32xi32, #tpu.memory_space<vmem>>
        %dma_start3A_235 = tpu.memref_slice %arg4[%add3A_219] : memref<2048xi32, #tpu.memory_space<hbm>> -> memref<32xi32, #tpu.memory_space<hbm>>
        tpu.enqueue_dma source(%dma_start3A_235 : memref<32xi32, #tpu.memory_space<hbm>>) target(%dma_start3A_234 : memref<32xi32, #tpu.memory_space<vmem>>) target_semaphore(%run_scoped3A_227 : memref<!tpu.dma_semaphore, #tpu.memory_space<semaphore_mem>>)
        %dma_wait3A_236 = arith.constant 0 : i32
        %dma_wait3A_237 = tpu.memref_slice %arg6[%run_scoped3A_220, %dma_wait3A_236] : memref<4x32xi32, #tpu.memory_space<vmem>> -> memref<1x32xi32, #tpu.memory_space<vmem>>
        %dma_wait3A_238 = tpu.memref_squeeze %dma_wait3A_237 : memref<1x32xi32, #tpu.memory_space<vmem>> -> memref<32xi32, #tpu.memory_space<vmem>>
        %dma_wait3A_239 = tpu.memref_slice %arg4[%add3A_219] : memref<2048xi32, #tpu.memory_space<hbm>> -> memref<32xi32, #tpu.memory_space<hbm>>
        %dma_wait3A_240 = arith.constant 0 : i32
        %dma_wait3A_241 = tpu.memref_slice %arg6[%run_scoped3A_220, %dma_wait3A_240] : memref<4x32xi32, #tpu.memory_space<vmem>> -> memref<1x32xi32, #tpu.memory_space<vmem>>
        %dma_wait3A_242 = tpu.memref_squeeze %dma_wait3A_241 : memref<1x32xi32, #tpu.memory_space<vmem>> -> memref<32xi32, #tpu.memory_space<vmem>>
        %dma_wait3A_243 = tpu.memref_slice %arg4[%add3A_219] : memref<2048xi32, #tpu.memory_space<hbm>> -> memref<32xi32, #tpu.memory_space<hbm>>
        tpu.wait_dma2 semaphore(%run_scoped3A_227 : memref<!tpu.dma_semaphore, #tpu.memory_space<semaphore_mem>>) src(%dma_wait3A_243 : memref<32xi32, #tpu.memory_space<hbm>>) dst(%dma_wait3A_242 : memref<32xi32, #tpu.memory_space<vmem>>)
        tpu.yield
      }) : () -> ()
      %add3A_221 = arith.constant 64 : i32
      %add3A_222 = arith.addi %rem3A_3, %add3A_221 : i32
      %run_scoped3A_223 = arith.constant 2 : i32
      "tpu.region"() ({
        %run_scoped3A_227 = tpu.sem_alloc : memref<!tpu.dma_semaphore, #tpu.memory_space<semaphore_mem>>
        %dma_start3A_228 = arith.constant 0 : i32
        %dma_start3A_229 = tpu.memref_slice %arg6[%run_scoped3A_223, %dma_start3A_228] : memref<4x32xi32, #tpu.memory_space<vmem>> -> memref<1x32xi32, #tpu.memory_space<vmem>>
        %dma_start3A_230 = tpu.memref_squeeze %dma_start3A_229 : memref<1x32xi32, #tpu.memory_space<vmem>> -> memref<32xi32, #tpu.memory_space<vmem>>
        %dma_start3A_231 = tpu.memref_slice %arg4[%add3A_222] : memref<2048xi32, #tpu.memory_space<hbm>> -> memref<32xi32, #tpu.memory_space<hbm>>
        %dma_start3A_232 = arith.constant 0 : i32
        %dma_start3A_233 = tpu.memref_slice %arg6[%run_scoped3A_223, %dma_start3A_232] : memref<4x32xi32, #tpu.memory_space<vmem>> -> memref<1x32xi32, #tpu.memory_space<vmem>>
        %dma_start3A_234 = tpu.memref_squeeze %dma_start3A_233 : memref<1x32xi32, #tpu.memory_space<vmem>> -> memref<32xi32, #tpu.memory_space<vmem>>
        %dma_start3A_235 = tpu.memref_slice %arg4[%add3A_222] : memref<2048xi32, #tpu.memory_space<hbm>> -> memref<32xi32, #tpu.memory_space<hbm>>
        tpu.enqueue_dma source(%dma_start3A_235 : memref<32xi32, #tpu.memory_space<hbm>>) target(%dma_start3A_234 : memref<32xi32, #tpu.memory_space<vmem>>) target_semaphore(%run_scoped3A_227 : memref<!tpu.dma_semaphore, #tpu.memory_space<semaphore_mem>>)
        %dma_wait3A_236 = arith.constant 0 : i32
        %dma_wait3A_237 = tpu.memref_slice %arg6[%run_scoped3A_223, %dma_wait3A_236] : memref<4x32xi32, #tpu.memory_space<vmem>> -> memref<1x32xi32, #tpu.memory_space<vmem>>
        %dma_wait3A_238 = tpu.memref_squeeze %dma_wait3A_237 : memref<1x32xi32, #tpu.memory_space<vmem>> -> memref<32xi32, #tpu.memory_space<vmem>>
        %dma_wait3A_239 = tpu.memref_slice %arg4[%add3A_222] : memref<2048xi32, #tpu.memory_space<hbm>> -> memref<32xi32, #tpu.memory_space<hbm>>
        %dma_wait3A_240 = arith.constant 0 : i32
        %dma_wait3A_241 = tpu.memref_slice %arg6[%run_scoped3A_223, %dma_wait3A_240] : memref<4x32xi32, #tpu.memory_space<vmem>> -> memref<1x32xi32, #tpu.memory_space<vmem>>
        %dma_wait3A_242 = tpu.memref_squeeze %dma_wait3A_241 : memref<1x32xi32, #tpu.memory_space<vmem>> -> memref<32xi32, #tpu.memory_space<vmem>>
        %dma_wait3A_243 = tpu.memref_slice %arg4[%add3A_222] : memref<2048xi32, #tpu.memory_space<hbm>> -> memref<32xi32, #tpu.memory_space<hbm>>
        tpu.wait_dma2 semaphore(%run_scoped3A_227 : memref<!tpu.dma_semaphore, #tpu.memory_space<semaphore_mem>>) src(%dma_wait3A_243 : memref<32xi32, #tpu.memory_space<hbm>>) dst(%dma_wait3A_242 : memref<32xi32, #tpu.memory_space<vmem>>)
        tpu.yield
      }) : () -> ()
      %add3A_224 = arith.constant 96 : i32
      %add3A_225 = arith.addi %rem3A_3, %add3A_224 : i32
      %run_scoped3A_226 = arith.constant 3 : i32
      "tpu.region"() ({
        %run_scoped3A_227 = tpu.sem_alloc : memref<!tpu.dma_semaphore, #tpu.memory_space<semaphore_mem>>
        %dma_start3A_228 = arith.constant 0 : i32
        %dma_start3A_229 = tpu.memref_slice %arg6[%run_scoped3A_226, %dma_start3A_228] : memref<4x32xi32, #tpu.memory_space<vmem>> -> memref<1x32xi32, #tpu.memory_space<vmem>>
        %dma_start3A_230 = tpu.memref_squeeze %dma_start3A_229 : memref<1x32xi32, #tpu.memory_space<vmem>> -> memref<32xi32, #tpu.memory_space<vmem>>
        %dma_start3A_231 = tpu.memref_slice %arg4[%add3A_225] : memref<2048xi32, #tpu.memory_space<hbm>> -> memref<32xi32, #tpu.memory_space<hbm>>
        %dma_start3A_232 = arith.constant 0 : i32
        %dma_start3A_233 = tpu.memref_slice %arg6[%run_scoped3A_226, %dma_start3A_232] : memref<4x32xi32, #tpu.memory_space<vmem>> -> memref<1x32xi32, #tpu.memory_space<vmem>>
        %dma_start3A_234 = tpu.memref_squeeze %dma_start3A_233 : memref<1x32xi32, #tpu.memory_space<vmem>> -> memref<32xi32, #tpu.memory_space<vmem>>
        %dma_start3A_235 = tpu.memref_slice %arg4[%add3A_225] : memref<2048xi32, #tpu.memory_space<hbm>> -> memref<32xi32, #tpu.memory_space<hbm>>
        tpu.enqueue_dma source(%dma_start3A_235 : memref<32xi32, #tpu.memory_space<hbm>>) target(%dma_start3A_234 : memref<32xi32, #tpu.memory_space<vmem>>) target_semaphore(%run_scoped3A_227 : memref<!tpu.dma_semaphore, #tpu.memory_space<semaphore_mem>>)
        %dma_wait3A_236 = arith.constant 0 : i32
        %dma_wait3A_237 = tpu.memref_slice %arg6[%run_scoped3A_226, %dma_wait3A_236] : memref<4x32xi32, #tpu.memory_space<vmem>> -> memref<1x32xi32, #tpu.memory_space<vmem>>
        %dma_wait3A_238 = tpu.memref_squeeze %dma_wait3A_237 : memref<1x32xi32, #tpu.memory_space<vmem>> -> memref<32xi32, #tpu.memory_space<vmem>>
        %dma_wait3A_239 = tpu.memref_slice %arg4[%add3A_225] : memref<2048xi32, #tpu.memory_space<hbm>> -> memref<32xi32, #tpu.memory_space<hbm>>
        %dma_wait3A_240 = arith.constant 0 : i32
        %dma_wait3A_241 = tpu.memref_slice %arg6[%run_scoped3A_226, %dma_wait3A_240] : memref<4x32xi32, #tpu.memory_space<vmem>> -> memref<1x32xi32, #tpu.memory_space<vmem>>
        %dma_wait3A_242 = tpu.memref_squeeze %dma_wait3A_241 : memref<1x32xi32, #tpu.memory_space<vmem>> -> memref<32xi32, #tpu.memory_space<vmem>>
        %dma_wait3A_243 = tpu.memref_slice %arg4[%add3A_225] : memref<2048xi32, #tpu.memory_space<hbm>> -> memref<32xi32, #tpu.memory_space<hbm>>
        tpu.wait_dma2 semaphore(%run_scoped3A_227 : memref<!tpu.dma_semaphore, #tpu.memory_space<semaphore_mem>>) src(%dma_wait3A_243 : memref<32xi32, #tpu.memory_space<hbm>>) dst(%dma_wait3A_242 : memref<32xi32, #tpu.memory_space<vmem>>)
        tpu.yield
      }) : () -> ()
    } else {
    }
    %dma_wait3A = arith.constant 0 : i32
    %dma_wait3A_69 = arith.constant 0 : i32
    %dma_wait3A_70 = arith.constant 0 : i32
    %dma_wait3A_71 = tpu.memref_slice %arg7[%dma_wait3A, %dma_wait3A_69, %dma_wait3A_70] : memref<4x32x768xf32, #tpu.memory_space<vmem>> -> memref<1x32x768xf32, #tpu.memory_space<vmem>>
    %dma_wait3A_72 = tpu.memref_squeeze %dma_wait3A_71 : memref<1x32x768xf32, #tpu.memory_space<vmem>> -> memref<32x768xf32, #tpu.memory_space<vmem>>
    %dma_wait3A_73 = arith.constant 0 : i32
    %dma_wait3A_74 = tpu.memref_slice %arg2[%add3A_6, %dma_wait3A_73] : memref<2048x768xf32, #tpu.memory_space<hbm>> -> memref<32x768xf32, #tpu.memory_space<hbm>>
    %dma_wait3A_75 = arith.constant 0 : i32
    %dma_wait3A_76 = arith.constant 0 : i32
    %dma_wait3A_77 = tpu.memref_slice %arg7[%dma_wait3A, %dma_wait3A_75, %dma_wait3A_76] : memref<4x32x768xf32, #tpu.memory_space<vmem>> -> memref<1x32x768xf32, #tpu.memory_space<vmem>>
    %dma_wait3A_78 = tpu.memref_squeeze %dma_wait3A_77 : memref<1x32x768xf32, #tpu.memory_space<vmem>> -> memref<32x768xf32, #tpu.memory_space<vmem>>
    %dma_wait3A_79 = arith.constant 0 : i32
    %dma_wait3A_80 = tpu.memref_slice %arg2[%add3A_6, %dma_wait3A_79] : memref<2048x768xf32, #tpu.memory_space<hbm>> -> memref<32x768xf32, #tpu.memory_space<hbm>>
    tpu.wait_dma2 semaphore(%arg8 : memref<!tpu.dma_semaphore, #tpu.memory_space<semaphore_mem>>) src(%dma_wait3A_80 : memref<32x768xf32, #tpu.memory_space<hbm>>) dst(%dma_wait3A_78 : memref<32x768xf32, #tpu.memory_space<vmem>>)
    %dma_start3A_81 = arith.constant 0 : i32
    %dma_start3A_82 = arith.constant 0 : i32
    %dma_start3A_83 = arith.constant 0 : i32
    %dma_start3A_84 = arith.constant 0 : i32
    %dma_start3A_85 = tpu.memref_slice %arg7[%dma_start3A_81, %dma_start3A_83, %dma_start3A_84] : memref<4x32x768xf32, #tpu.memory_space<vmem>> -> memref<1x32x768xf32, #tpu.memory_space<vmem>>
    %dma_start3A_86 = tpu.memref_squeeze %dma_start3A_85 : memref<1x32x768xf32, #tpu.memory_space<vmem>> -> memref<32x768xf32, #tpu.memory_space<vmem>>
    %dma_start3A_87 = arith.constant 0 : i32
    %dma_start3A_88 = tpu.memref_slice %arg6[%dma_start3A_82, %dma_start3A_87] : memref<4x32xi32, #tpu.memory_space<vmem>> -> memref<1x32xi32, #tpu.memory_space<vmem>>
    %dma_start3A_89 = tpu.memref_squeeze %dma_start3A_88 : memref<1x32xi32, #tpu.memory_space<vmem>> -> memref<32xi32, #tpu.memory_space<vmem>>
    %dma_start3A_90 = arith.constant 0 : i32
    %dma_start3A_91 = arith.constant 0 : i32
    %dma_start3A_92 = tpu.memref_slice %arg5[%dma_start3A_90, %dma_start3A_91] : memref<7680x768xf32, #tpu.memory_space<hbm>> -> memref<7680x768xf32, #tpu.memory_space<hbm>>
    tpu.enqueue_indirect_dma source(%dma_start3A_86 : memref<32x768xf32, #tpu.memory_space<vmem>>) target(%dma_start3A_92 : memref<7680x768xf32, #tpu.memory_space<hbm>>) offsets(%dma_start3A_89 : memref<32xi32, #tpu.memory_space<vmem>>) semaphore(%arg12 : memref<!tpu.dma_semaphore, #tpu.memory_space<semaphore_mem>>)
    %dma_wait3A_93 = arith.constant 1 : i32
    %dma_wait3A_94 = arith.constant 0 : i32
    %dma_wait3A_95 = arith.constant 0 : i32
    %dma_wait3A_96 = tpu.memref_slice %arg7[%dma_wait3A_93, %dma_wait3A_94, %dma_wait3A_95] : memref<4x32x768xf32, #tpu.memory_space<vmem>> -> memref<1x32x768xf32, #tpu.memory_space<vmem>>
    %dma_wait3A_97 = tpu.memref_squeeze %dma_wait3A_96 : memref<1x32x768xf32, #tpu.memory_space<vmem>> -> memref<32x768xf32, #tpu.memory_space<vmem>>
    %dma_wait3A_98 = arith.constant 0 : i32
    %dma_wait3A_99 = tpu.memref_slice %arg2[%add3A_20, %dma_wait3A_98] : memref<2048x768xf32, #tpu.memory_space<hbm>> -> memref<32x768xf32, #tpu.memory_space<hbm>>
    %dma_wait3A_100 = arith.constant 0 : i32
    %dma_wait3A_101 = arith.constant 0 : i32
    %dma_wait3A_102 = tpu.memref_slice %arg7[%dma_wait3A_93, %dma_wait3A_100, %dma_wait3A_101] : memref<4x32x768xf32, #tpu.memory_space<vmem>> -> memref<1x32x768xf32, #tpu.memory_space<vmem>>
    %dma_wait3A_103 = tpu.memref_squeeze %dma_wait3A_102 : memref<1x32x768xf32, #tpu.memory_space<vmem>> -> memref<32x768xf32, #tpu.memory_space<vmem>>
    %dma_wait3A_104 = arith.constant 0 : i32
    %dma_wait3A_105 = tpu.memref_slice %arg2[%add3A_20, %dma_wait3A_104] : memref<2048x768xf32, #tpu.memory_space<hbm>> -> memref<32x768xf32, #tpu.memory_space<hbm>>
    tpu.wait_dma2 semaphore(%arg9 : memref<!tpu.dma_semaphore, #tpu.memory_space<semaphore_mem>>) src(%dma_wait3A_105 : memref<32x768xf32, #tpu.memory_space<hbm>>) dst(%dma_wait3A_103 : memref<32x768xf32, #tpu.memory_space<vmem>>)
    %dma_start3A_106 = arith.constant 1 : i32
    %dma_start3A_107 = arith.constant 1 : i32
    %dma_start3A_108 = arith.constant 0 : i32
    %dma_start3A_109 = arith.constant 0 : i32
    %dma_start3A_110 = tpu.memref_slice %arg7[%dma_start3A_106, %dma_start3A_108, %dma_start3A_109] : memref<4x32x768xf32, #tpu.memory_space<vmem>> -> memref<1x32x768xf32, #tpu.memory_space<vmem>>
    %dma_start3A_111 = tpu.memref_squeeze %dma_start3A_110 : memref<1x32x768xf32, #tpu.memory_space<vmem>> -> memref<32x768xf32, #tpu.memory_space<vmem>>
    %dma_start3A_112 = arith.constant 0 : i32
    %dma_start3A_113 = tpu.memref_slice %arg6[%dma_start3A_107, %dma_start3A_112] : memref<4x32xi32, #tpu.memory_space<vmem>> -> memref<1x32xi32, #tpu.memory_space<vmem>>
    %dma_start3A_114 = tpu.memref_squeeze %dma_start3A_113 : memref<1x32xi32, #tpu.memory_space<vmem>> -> memref<32xi32, #tpu.memory_space<vmem>>
    %dma_start3A_115 = arith.constant 0 : i32
    %dma_start3A_116 = arith.constant 0 : i32
    %dma_start3A_117 = tpu.memref_slice %arg5[%dma_start3A_115, %dma_start3A_116] : memref<7680x768xf32, #tpu.memory_space<hbm>> -> memref<7680x768xf32, #tpu.memory_space<hbm>>
    tpu.enqueue_indirect_dma source(%dma_start3A_111 : memref<32x768xf32, #tpu.memory_space<vmem>>) target(%dma_start3A_117 : memref<7680x768xf32, #tpu.memory_space<hbm>>) offsets(%dma_start3A_114 : memref<32xi32, #tpu.memory_space<vmem>>) semaphore(%arg12 : memref<!tpu.dma_semaphore, #tpu.memory_space<semaphore_mem>>)
    %dma_wait3A_118 = arith.constant 2 : i32
    %dma_wait3A_119 = arith.constant 0 : i32
    %dma_wait3A_120 = arith.constant 0 : i32
    %dma_wait3A_121 = tpu.memref_slice %arg7[%dma_wait3A_118, %dma_wait3A_119, %dma_wait3A_120] : memref<4x32x768xf32, #tpu.memory_space<vmem>> -> memref<1x32x768xf32, #tpu.memory_space<vmem>>
    %dma_wait3A_122 = tpu.memref_squeeze %dma_wait3A_121 : memref<1x32x768xf32, #tpu.memory_space<vmem>> -> memref<32x768xf32, #tpu.memory_space<vmem>>
    %dma_wait3A_123 = arith.constant 0 : i32
    %dma_wait3A_124 = tpu.memref_slice %arg2[%add3A_35, %dma_wait3A_123] : memref<2048x768xf32, #tpu.memory_space<hbm>> -> memref<32x768xf32, #tpu.memory_space<hbm>>
    %dma_wait3A_125 = arith.constant 0 : i32
    %dma_wait3A_126 = arith.constant 0 : i32
    %dma_wait3A_127 = tpu.memref_slice %arg7[%dma_wait3A_118, %dma_wait3A_125, %dma_wait3A_126] : memref<4x32x768xf32, #tpu.memory_space<vmem>> -> memref<1x32x768xf32, #tpu.memory_space<vmem>>
    %dma_wait3A_128 = tpu.memref_squeeze %dma_wait3A_127 : memref<1x32x768xf32, #tpu.memory_space<vmem>> -> memref<32x768xf32, #tpu.memory_space<vmem>>
    %dma_wait3A_129 = arith.constant 0 : i32
    %dma_wait3A_130 = tpu.memref_slice %arg2[%add3A_35, %dma_wait3A_129] : memref<2048x768xf32, #tpu.memory_space<hbm>> -> memref<32x768xf32, #tpu.memory_space<hbm>>
    tpu.wait_dma2 semaphore(%arg10 : memref<!tpu.dma_semaphore, #tpu.memory_space<semaphore_mem>>) src(%dma_wait3A_130 : memref<32x768xf32, #tpu.memory_space<hbm>>) dst(%dma_wait3A_128 : memref<32x768xf32, #tpu.memory_space<vmem>>)
    %dma_start3A_131 = arith.constant 2 : i32
    %dma_start3A_132 = arith.constant 2 : i32
    %dma_start3A_133 = arith.constant 0 : i32
    %dma_start3A_134 = arith.constant 0 : i32
    %dma_start3A_135 = tpu.memref_slice %arg7[%dma_start3A_131, %dma_start3A_133, %dma_start3A_134] : memref<4x32x768xf32, #tpu.memory_space<vmem>> -> memref<1x32x768xf32, #tpu.memory_space<vmem>>
    %dma_start3A_136 = tpu.memref_squeeze %dma_start3A_135 : memref<1x32x768xf32, #tpu.memory_space<vmem>> -> memref<32x768xf32, #tpu.memory_space<vmem>>
    %dma_start3A_137 = arith.constant 0 : i32
    %dma_start3A_138 = tpu.memref_slice %arg6[%dma_start3A_132, %dma_start3A_137] : memref<4x32xi32, #tpu.memory_space<vmem>> -> memref<1x32xi32, #tpu.memory_space<vmem>>
    %dma_start3A_139 = tpu.memref_squeeze %dma_start3A_138 : memref<1x32xi32, #tpu.memory_space<vmem>> -> memref<32xi32, #tpu.memory_space<vmem>>
    %dma_start3A_140 = arith.constant 0 : i32
    %dma_start3A_141 = arith.constant 0 : i32
    %dma_start3A_142 = tpu.memref_slice %arg5[%dma_start3A_140, %dma_start3A_141] : memref<7680x768xf32, #tpu.memory_space<hbm>> -> memref<7680x768xf32, #tpu.memory_space<hbm>>
    tpu.enqueue_indirect_dma source(%dma_start3A_136 : memref<32x768xf32, #tpu.memory_space<vmem>>) target(%dma_start3A_142 : memref<7680x768xf32, #tpu.memory_space<hbm>>) offsets(%dma_start3A_139 : memref<32xi32, #tpu.memory_space<vmem>>) semaphore(%arg12 : memref<!tpu.dma_semaphore, #tpu.memory_space<semaphore_mem>>)
    %dma_wait3A_143 = arith.constant 3 : i32
    %dma_wait3A_144 = arith.constant 0 : i32
    %dma_wait3A_145 = arith.constant 0 : i32
    %dma_wait3A_146 = tpu.memref_slice %arg7[%dma_wait3A_143, %dma_wait3A_144, %dma_wait3A_145] : memref<4x32x768xf32, #tpu.memory_space<vmem>> -> memref<1x32x768xf32, #tpu.memory_space<vmem>>
    %dma_wait3A_147 = tpu.memref_squeeze %dma_wait3A_146 : memref<1x32x768xf32, #tpu.memory_space<vmem>> -> memref<32x768xf32, #tpu.memory_space<vmem>>
    %dma_wait3A_148 = arith.constant 0 : i32
    %dma_wait3A_149 = tpu.memref_slice %arg2[%add3A_50, %dma_wait3A_148] : memref<2048x768xf32, #tpu.memory_space<hbm>> -> memref<32x768xf32, #tpu.memory_space<hbm>>
    %dma_wait3A_150 = arith.constant 0 : i32
    %dma_wait3A_151 = arith.constant 0 : i32
    %dma_wait3A_152 = tpu.memref_slice %arg7[%dma_wait3A_143, %dma_wait3A_150, %dma_wait3A_151] : memref<4x32x768xf32, #tpu.memory_space<vmem>> -> memref<1x32x768xf32, #tpu.memory_space<vmem>>
    %dma_wait3A_153 = tpu.memref_squeeze %dma_wait3A_152 : memref<1x32x768xf32, #tpu.memory_space<vmem>> -> memref<32x768xf32, #tpu.memory_space<vmem>>
    %dma_wait3A_154 = arith.constant 0 : i32
    %dma_wait3A_155 = tpu.memref_slice %arg2[%add3A_50, %dma_wait3A_154] : memref<2048x768xf32, #tpu.memory_space<hbm>> -> memref<32x768xf32, #tpu.memory_space<hbm>>
    tpu.wait_dma2 semaphore(%arg11 : memref<!tpu.dma_semaphore, #tpu.memory_space<semaphore_mem>>) src(%dma_wait3A_155 : memref<32x768xf32, #tpu.memory_space<hbm>>) dst(%dma_wait3A_153 : memref<32x768xf32, #tpu.memory_space<vmem>>)
    %dma_start3A_156 = arith.constant 3 : i32
    %dma_start3A_157 = arith.constant 3 : i32
    %dma_start3A_158 = arith.constant 0 : i32
    %dma_start3A_159 = arith.constant 0 : i32
    %dma_start3A_160 = tpu.memref_slice %arg7[%dma_start3A_156, %dma_start3A_158, %dma_start3A_159] : memref<4x32x768xf32, #tpu.memory_space<vmem>> -> memref<1x32x768xf32, #tpu.memory_space<vmem>>
    %dma_start3A_161 = tpu.memref_squeeze %dma_start3A_160 : memref<1x32x768xf32, #tpu.memory_space<vmem>> -> memref<32x768xf32, #tpu.memory_space<vmem>>
    %dma_start3A_162 = arith.constant 0 : i32
    %dma_start3A_163 = tpu.memref_slice %arg6[%dma_start3A_157, %dma_start3A_162] : memref<4x32xi32, #tpu.memory_space<vmem>> -> memref<1x32xi32, #tpu.memory_space<vmem>>
    %dma_start3A_164 = tpu.memref_squeeze %dma_start3A_163 : memref<1x32xi32, #tpu.memory_space<vmem>> -> memref<32xi32, #tpu.memory_space<vmem>>
    %dma_start3A_165 = arith.constant 0 : i32
    %dma_start3A_166 = arith.constant 0 : i32
    %dma_start3A_167 = tpu.memref_slice %arg5[%dma_start3A_165, %dma_start3A_166] : memref<7680x768xf32, #tpu.memory_space<hbm>> -> memref<7680x768xf32, #tpu.memory_space<hbm>>
    tpu.enqueue_indirect_dma source(%dma_start3A_161 : memref<32x768xf32, #tpu.memory_space<vmem>>) target(%dma_start3A_167 : memref<7680x768xf32, #tpu.memory_space<hbm>>) offsets(%dma_start3A_164 : memref<32xi32, #tpu.memory_space<vmem>>) semaphore(%arg12 : memref<!tpu.dma_semaphore, #tpu.memory_space<semaphore_mem>>)
    %dma_wait3A_168 = arith.constant 0 : i32
    %dma_wait3A_169 = arith.constant 0 : i32
    %dma_wait3A_170 = arith.constant 0 : i32
    %dma_wait3A_171 = arith.constant 0 : i32
    %dma_wait3A_172 = tpu.memref_slice %arg7[%dma_wait3A_168, %dma_wait3A_170, %dma_wait3A_171] : memref<4x32x768xf32, #tpu.memory_space<vmem>> -> memref<1x32x768xf32, #tpu.memory_space<vmem>>
    %dma_wait3A_173 = tpu.memref_squeeze %dma_wait3A_172 : memref<1x32x768xf32, #tpu.memory_space<vmem>> -> memref<32x768xf32, #tpu.memory_space<vmem>>
    %dma_wait3A_174 = arith.constant 0 : i32
    %dma_wait3A_175 = tpu.memref_slice %arg6[%dma_wait3A_169, %dma_wait3A_174] : memref<4x32xi32, #tpu.memory_space<vmem>> -> memref<1x32xi32, #tpu.memory_space<vmem>>
    %dma_wait3A_176 = tpu.memref_squeeze %dma_wait3A_175 : memref<1x32xi32, #tpu.memory_space<vmem>> -> memref<32xi32, #tpu.memory_space<vmem>>
    %dma_wait3A_177 = arith.constant 0 : i32
    %dma_wait3A_178 = arith.constant 0 : i32
    %dma_wait3A_179 = tpu.memref_slice %arg5[%dma_wait3A_177, %dma_wait3A_178] : memref<7680x768xf32, #tpu.memory_space<hbm>> -> memref<7680x768xf32, #tpu.memory_space<hbm>>
    tpu.wait_indirect_dma semaphore(%arg12 : memref<!tpu.dma_semaphore, #tpu.memory_space<semaphore_mem>>) src(%dma_wait3A_173 : memref<32x768xf32, #tpu.memory_space<vmem>>) dst(%dma_wait3A_179 : memref<7680x768xf32, #tpu.memory_space<hbm>>)
    %dma_wait3A_180 = arith.constant 1 : i32
    %dma_wait3A_181 = arith.constant 1 : i32
    %dma_wait3A_182 = arith.constant 0 : i32
    %dma_wait3A_183 = arith.constant 0 : i32
    %dma_wait3A_184 = tpu.memref_slice %arg7[%dma_wait3A_180, %dma_wait3A_182, %dma_wait3A_183] : memref<4x32x768xf32, #tpu.memory_space<vmem>> -> memref<1x32x768xf32, #tpu.memory_space<vmem>>
    %dma_wait3A_185 = tpu.memref_squeeze %dma_wait3A_184 : memref<1x32x768xf32, #tpu.memory_space<vmem>> -> memref<32x768xf32, #tpu.memory_space<vmem>>
    %dma_wait3A_186 = arith.constant 0 : i32
    %dma_wait3A_187 = tpu.memref_slice %arg6[%dma_wait3A_181, %dma_wait3A_186] : memref<4x32xi32, #tpu.memory_space<vmem>> -> memref<1x32xi32, #tpu.memory_space<vmem>>
    %dma_wait3A_188 = tpu.memref_squeeze %dma_wait3A_187 : memref<1x32xi32, #tpu.memory_space<vmem>> -> memref<32xi32, #tpu.memory_space<vmem>>
    %dma_wait3A_189 = arith.constant 0 : i32
    %dma_wait3A_190 = arith.constant 0 : i32
    %dma_wait3A_191 = tpu.memref_slice %arg5[%dma_wait3A_189, %dma_wait3A_190] : memref<7680x768xf32, #tpu.memory_space<hbm>> -> memref<7680x768xf32, #tpu.memory_space<hbm>>
    tpu.wait_indirect_dma semaphore(%arg12 : memref<!tpu.dma_semaphore, #tpu.memory_space<semaphore_mem>>) src(%dma_wait3A_185 : memref<32x768xf32, #tpu.memory_space<vmem>>) dst(%dma_wait3A_191 : memref<7680x768xf32, #tpu.memory_space<hbm>>)
    %dma_wait3A_192 = arith.constant 2 : i32
    %dma_wait3A_193 = arith.constant 2 : i32
    %dma_wait3A_194 = arith.constant 0 : i32
    %dma_wait3A_195 = arith.constant 0 : i32
    %dma_wait3A_196 = tpu.memref_slice %arg7[%dma_wait3A_192, %dma_wait3A_194, %dma_wait3A_195] : memref<4x32x768xf32, #tpu.memory_space<vmem>> -> memref<1x32x768xf32, #tpu.memory_space<vmem>>
    %dma_wait3A_197 = tpu.memref_squeeze %dma_wait3A_196 : memref<1x32x768xf32, #tpu.memory_space<vmem>> -> memref<32x768xf32, #tpu.memory_space<vmem>>
    %dma_wait3A_198 = arith.constant 0 : i32
    %dma_wait3A_199 = tpu.memref_slice %arg6[%dma_wait3A_193, %dma_wait3A_198] : memref<4x32xi32, #tpu.memory_space<vmem>> -> memref<1x32xi32, #tpu.memory_space<vmem>>
    %dma_wait3A_200 = tpu.memref_squeeze %dma_wait3A_199 : memref<1x32xi32, #tpu.memory_space<vmem>> -> memref<32xi32, #tpu.memory_space<vmem>>
    %dma_wait3A_201 = arith.constant 0 : i32
    %dma_wait3A_202 = arith.constant 0 : i32
    %dma_wait3A_203 = tpu.memref_slice %arg5[%dma_wait3A_201, %dma_wait3A_202] : memref<7680x768xf32, #tpu.memory_space<hbm>> -> memref<7680x768xf32, #tpu.memory_space<hbm>>
    tpu.wait_indirect_dma semaphore(%arg12 : memref<!tpu.dma_semaphore, #tpu.memory_space<semaphore_mem>>) src(%dma_wait3A_197 : memref<32x768xf32, #tpu.memory_space<vmem>>) dst(%dma_wait3A_203 : memref<7680x768xf32, #tpu.memory_space<hbm>>)
    %dma_wait3A_204 = arith.constant 3 : i32
    %dma_wait3A_205 = arith.constant 3 : i32
    %dma_wait3A_206 = arith.constant 0 : i32
    %dma_wait3A_207 = arith.constant 0 : i32
    %dma_wait3A_208 = tpu.memref_slice %arg7[%dma_wait3A_204, %dma_wait3A_206, %dma_wait3A_207] : memref<4x32x768xf32, #tpu.memory_space<vmem>> -> memref<1x32x768xf32, #tpu.memory_space<vmem>>
    %dma_wait3A_209 = tpu.memref_squeeze %dma_wait3A_208 : memref<1x32x768xf32, #tpu.memory_space<vmem>> -> memref<32x768xf32, #tpu.memory_space<vmem>>
    %dma_wait3A_210 = arith.constant 0 : i32
    %dma_wait3A_211 = tpu.memref_slice %arg6[%dma_wait3A_205, %dma_wait3A_210] : memref<4x32xi32, #tpu.memory_space<vmem>> -> memref<1x32xi32, #tpu.memory_space<vmem>>
    %dma_wait3A_212 = tpu.memref_squeeze %dma_wait3A_211 : memref<1x32xi32, #tpu.memory_space<vmem>> -> memref<32xi32, #tpu.memory_space<vmem>>
    %dma_wait3A_213 = arith.constant 0 : i32
    %dma_wait3A_214 = arith.constant 0 : i32
    %dma_wait3A_215 = tpu.memref_slice %arg5[%dma_wait3A_213, %dma_wait3A_214] : memref<7680x768xf32, #tpu.memory_space<hbm>> -> memref<7680x768xf32, #tpu.memory_space<hbm>>
    tpu.wait_indirect_dma semaphore(%arg12 : memref<!tpu.dma_semaphore, #tpu.memory_space<semaphore_mem>>) src(%dma_wait3A_209 : memref<32x768xf32, #tpu.memory_space<vmem>>) dst(%dma_wait3A_215 : memref<7680x768xf32, #tpu.memory_space<hbm>>)
    return
  }
}

module attributes {stable_mosaic.version = 14 : i64} {
  func.func @_routing_body(%arg0: memref<2048x768xf32, #tpu.memory_space<vmem>>, %arg1: memref<8x768xf32, #tpu.memory_space<vmem>>, %arg2: memref<2048x1xi32, #tpu.memory_space<vmem>>, %arg3: memref<2048x1xi32, #tpu.memory_space<vmem>>, %arg4: memref<2048x16xf32, #tpu.memory_space<vmem>>, %arg5: memref<2048x16xf32, #tpu.memory_space<vmem>>, %arg6: memref<128x1xi32, #tpu.memory_space<vmem>>) attributes {dimension_semantics = [], scalar_prefetch = 0 : i64, scratch_operands = 0 : i64, tpu.core_type = #tpu.core_type<tc>} {
    %get3A = arith.constant 0 : index
    %get3A_0 = arith.constant 0 : index
    %get3A_1 = vector.load %arg0[%get3A, %get3A_0] : memref<2048x768xf32, #tpu.memory_space<vmem>>, vector<2048x768xf32>
    %get3A_2 = arith.constant 0 : index
    %get3A_3 = arith.constant 0 : index
    %get3A_4 = vector.load %arg1[%get3A_2, %get3A_3] : memref<8x768xf32, #tpu.memory_space<vmem>>, vector<8x768xf32>
    %dot_general3A = arith.constant dense<0.000000e+00> : vector<2048x8xf32>
    %dot_general3A_5 = tpu.matmul %get3A_1, %get3A_4, %dot_general3A {dimension_numbers = #tpu.dot_dimension_numbers<[1], [1], [0], [0], [0, 0, 1, 0], [], []>, transpose_lhs_hint = false} : vector<2048x768xf32>, vector<8x768xf32>, vector<2048x8xf32> -> vector<2048x8xf32>
    %iota3A = tpu.iota {dimensions = array<i32: 1>} : vector<2048x8xi32>
    %reduce_max3A = arith.constant dense<0xFF800000> : vector<2048xf32>
    %reduce_max3A_6 = vector.multi_reduction <maximumf>, %dot_general3A_5, %reduce_max3A [1] : vector<2048x8xf32> to vector<2048xf32>
    %broadcast_in_dim3A = vector.shape_cast %reduce_max3A_6 : vector<2048xf32> to vector<2048x1xf32>
    %eq3A = vector.broadcast %broadcast_in_dim3A : vector<2048x1xf32> to vector<2048x8xf32>
    %eq3A_7 = arith.cmpf oeq, %dot_general3A_5, %eq3A : vector<2048x8xf32>
    %jit3A = arith.constant 8 : i32
    %broadcast_in_dim3A_8 = vector.broadcast %jit3A : i32 to vector<2048x8xi32>
    %select_n3A = arith.select %eq3A_7, %iota3A, %broadcast_in_dim3A_8 : vector<2048x8xi1>, vector<2048x8xi32>
    %reduce_min3A = arith.constant dense<2147483647> : vector<2048xi32>
    %reduce_min3A_9 = vector.multi_reduction <minsi>, %select_n3A, %reduce_min3A [1] : vector<2048x8xi32> to vector<2048xi32>
    %broadcast_in_dim3A_10 = vector.shape_cast %reduce_min3A_9 : vector<2048xi32> to vector<2048x1xi32>
    %eq3A_11 = vector.broadcast %broadcast_in_dim3A_10 : vector<2048x1xi32> to vector<2048x8xi32>
    %eq3A_12 = arith.cmpi eq, %iota3A, %eq3A_11 : vector<2048x8xi32>
    %jit3A_13 = arith.constant 0xFF800000 : f32
    %broadcast_in_dim3A_14 = vector.broadcast %jit3A_13 : f32 to vector<2048x8xf32>
    %select_n3A_15 = arith.select %eq3A_12, %broadcast_in_dim3A_14, %dot_general3A_5 : vector<2048x8xi1>, vector<2048x8xf32>
    %reduce_max3A_16 = arith.constant dense<0xFF800000> : vector<2048xf32>
    %reduce_max3A_17 = vector.multi_reduction <maximumf>, %select_n3A_15, %reduce_max3A_16 [1] : vector<2048x8xf32> to vector<2048xf32>
    %broadcast_in_dim3A_18 = vector.shape_cast %reduce_max3A_17 : vector<2048xf32> to vector<2048x1xf32>
    %eq3A_19 = vector.broadcast %broadcast_in_dim3A_18 : vector<2048x1xf32> to vector<2048x8xf32>
    %eq3A_20 = arith.cmpf oeq, %select_n3A_15, %eq3A_19 : vector<2048x8xf32>
    %jit3A_21 = arith.constant 8 : i32
    %broadcast_in_dim3A_22 = vector.broadcast %jit3A_21 : i32 to vector<2048x8xi32>
    %select_n3A_23 = arith.select %eq3A_20, %iota3A, %broadcast_in_dim3A_22 : vector<2048x8xi1>, vector<2048x8xi32>
    %reduce_min3A_24 = arith.constant dense<2147483647> : vector<2048xi32>
    %reduce_min3A_25 = vector.multi_reduction <minsi>, %select_n3A_23, %reduce_min3A_24 [1] : vector<2048x8xi32> to vector<2048xi32>
    %broadcast_in_dim3A_26 = vector.shape_cast %reduce_min3A_25 : vector<2048xi32> to vector<2048x1xi32>
    %sub3A = arith.subf %broadcast_in_dim3A_18, %broadcast_in_dim3A : vector<2048x1xf32>
    %exp3A = math.exp %sub3A : vector<2048x1xf32>
    %add3A = arith.constant 1.000000e+00 : f32
    %add3A_27 = vector.broadcast %add3A : f32 to vector<2048x1xf32>
    %add3A_28 = arith.addf %add3A_27, %exp3A : vector<2048x1xf32>
    %div3A = arith.constant 1.000000e+00 : f32
    %div3A_29 = vector.broadcast %div3A : f32 to vector<2048x1xf32>
    %div3A_30 = arith.divf %div3A_29, %add3A_28 : vector<2048x1xf32>
    %add3A_31 = arith.constant 1.000000e+00 : f32
    %add3A_32 = vector.broadcast %add3A_31 : f32 to vector<2048x1xf32>
    %add3A_33 = arith.addf %add3A_32, %exp3A : vector<2048x1xf32>
    %div3A_34 = arith.divf %exp3A, %add3A_33 : vector<2048x1xf32>
    %eq3A_35 = vector.broadcast %broadcast_in_dim3A_10 : vector<2048x1xi32> to vector<2048x8xi32>
    %eq3A_36 = arith.cmpi eq, %iota3A, %eq3A_35 : vector<2048x8xi32>
    %convert_element_type3A = arith.extui %eq3A_36 : vector<2048x8xi1> to vector<2048x8xi32>
    %convert_element_type3A_37 = arith.sitofp %convert_element_type3A : vector<2048x8xi32> to vector<2048x8xf32>
    %eq3A_38 = vector.broadcast %broadcast_in_dim3A_26 : vector<2048x1xi32> to vector<2048x8xi32>
    %eq3A_39 = arith.cmpi eq, %iota3A, %eq3A_38 : vector<2048x8xi32>
    %convert_element_type3A_40 = arith.extui %eq3A_39 : vector<2048x8xi1> to vector<2048x8xi32>
    %convert_element_type3A_41 = arith.sitofp %convert_element_type3A_40 : vector<2048x8xi32> to vector<2048x8xf32>
    %iota3A_42 = tpu.iota {dimensions = array<i32: 0>} : vector<512x512xi32>
    %iota3A_43 = tpu.iota {dimensions = array<i32: 1>} : vector<512x512xi32>
    %lt3A = arith.cmpi slt, %iota3A_43, %iota3A_42 : vector<512x512xi32>
    %convert_element_type3A_44 = arith.extui %lt3A : vector<512x512xi1> to vector<512x512xi32>
    %convert_element_type3A_45 = arith.sitofp %convert_element_type3A_44 : vector<512x512xi32> to vector<512x512xf32>
    %broadcast_in_dim3A_46 = arith.constant 0.000000e+00 : f32
    %broadcast_in_dim3A_47 = vector.broadcast %broadcast_in_dim3A_46 : f32 to vector<1x8xf32>
    %slice3A = vector.extract_strided_slice %convert_element_type3A_37 {offsets = [0, 0], sizes = [512, 8], strides = [1, 1]} : vector<2048x8xf32> to vector<512x8xf32>
    %dot_general3A_48 = arith.constant dense<0.000000e+00> : vector<512x8xf32>
    %dot_general3A_49 = tpu.matmul %convert_element_type3A_45, %slice3A, %dot_general3A_48 {dimension_numbers = #tpu.dot_dimension_numbers<[1], [0], [0], [1], [0, 0, 1, 1], [], []>, transpose_lhs_hint = false} : vector<512x512xf32>, vector<512x8xf32>, vector<512x8xf32> -> vector<512x8xf32>
    %add3A_50 = vector.broadcast %broadcast_in_dim3A_47 : vector<1x8xf32> to vector<512x8xf32>
    %add3A_51 = arith.addf %dot_general3A_49, %add3A_50 : vector<512x8xf32>
    %reduce_sum3A = arith.constant dense<0.000000e+00> : vector<8xf32>
    %reduce_sum3A_52 = vector.multi_reduction <add>, %slice3A, %reduce_sum3A [0] : vector<512x8xf32> to vector<8xf32>
    %broadcast_in_dim3A_53 = vector.shape_cast %reduce_sum3A_52 : vector<8xf32> to vector<1x8xf32>
    %add3A_54 = arith.addf %broadcast_in_dim3A_47, %broadcast_in_dim3A_53 : vector<1x8xf32>
    %slice3A_55 = vector.extract_strided_slice %convert_element_type3A_37 {offsets = [512, 0], sizes = [512, 8], strides = [1, 1]} : vector<2048x8xf32> to vector<512x8xf32>
    %dot_general3A_56 = arith.constant dense<0.000000e+00> : vector<512x8xf32>
    %dot_general3A_57 = tpu.matmul %convert_element_type3A_45, %slice3A_55, %dot_general3A_56 {dimension_numbers = #tpu.dot_dimension_numbers<[1], [0], [0], [1], [0, 0, 1, 1], [], []>, transpose_lhs_hint = false} : vector<512x512xf32>, vector<512x8xf32>, vector<512x8xf32> -> vector<512x8xf32>
    %add3A_58 = vector.broadcast %add3A_54 : vector<1x8xf32> to vector<512x8xf32>
    %add3A_59 = arith.addf %dot_general3A_57, %add3A_58 : vector<512x8xf32>
    %reduce_sum3A_60 = arith.constant dense<0.000000e+00> : vector<8xf32>
    %reduce_sum3A_61 = vector.multi_reduction <add>, %slice3A_55, %reduce_sum3A_60 [0] : vector<512x8xf32> to vector<8xf32>
    %broadcast_in_dim3A_62 = vector.shape_cast %reduce_sum3A_61 : vector<8xf32> to vector<1x8xf32>
    %add3A_63 = arith.addf %add3A_54, %broadcast_in_dim3A_62 : vector<1x8xf32>
    %slice3A_64 = vector.extract_strided_slice %convert_element_type3A_37 {offsets = [1024, 0], sizes = [512, 8], strides = [1, 1]} : vector<2048x8xf32> to vector<512x8xf32>
    %dot_general3A_65 = arith.constant dense<0.000000e+00> : vector<512x8xf32>
    %dot_general3A_66 = tpu.matmul %convert_element_type3A_45, %slice3A_64, %dot_general3A_65 {dimension_numbers = #tpu.dot_dimension_numbers<[1], [0], [0], [1], [0, 0, 1, 1], [], []>, transpose_lhs_hint = false} : vector<512x512xf32>, vector<512x8xf32>, vector<512x8xf32> -> vector<512x8xf32>
    %add3A_67 = vector.broadcast %add3A_63 : vector<1x8xf32> to vector<512x8xf32>
    %add3A_68 = arith.addf %dot_general3A_66, %add3A_67 : vector<512x8xf32>
    %reduce_sum3A_69 = arith.constant dense<0.000000e+00> : vector<8xf32>
    %reduce_sum3A_70 = vector.multi_reduction <add>, %slice3A_64, %reduce_sum3A_69 [0] : vector<512x8xf32> to vector<8xf32>
    %broadcast_in_dim3A_71 = vector.shape_cast %reduce_sum3A_70 : vector<8xf32> to vector<1x8xf32>
    %add3A_72 = arith.addf %add3A_63, %broadcast_in_dim3A_71 : vector<1x8xf32>
    %slice3A_73 = vector.extract_strided_slice %convert_element_type3A_37 {offsets = [1536, 0], sizes = [512, 8], strides = [1, 1]} : vector<2048x8xf32> to vector<512x8xf32>
    %dot_general3A_74 = arith.constant dense<0.000000e+00> : vector<512x8xf32>
    %dot_general3A_75 = tpu.matmul %convert_element_type3A_45, %slice3A_73, %dot_general3A_74 {dimension_numbers = #tpu.dot_dimension_numbers<[1], [0], [0], [1], [0, 0, 1, 1], [], []>, transpose_lhs_hint = false} : vector<512x512xf32>, vector<512x8xf32>, vector<512x8xf32> -> vector<512x8xf32>
    %add3A_76 = vector.broadcast %add3A_72 : vector<1x8xf32> to vector<512x8xf32>
    %add3A_77 = arith.addf %dot_general3A_75, %add3A_76 : vector<512x8xf32>
    %reduce_sum3A_78 = arith.constant dense<0.000000e+00> : vector<8xf32>
    %reduce_sum3A_79 = vector.multi_reduction <add>, %slice3A_73, %reduce_sum3A_78 [0] : vector<512x8xf32> to vector<8xf32>
    %broadcast_in_dim3A_80 = vector.shape_cast %reduce_sum3A_79 : vector<8xf32> to vector<1x8xf32>
    %add3A_81 = arith.addf %add3A_72, %broadcast_in_dim3A_80 : vector<1x8xf32>
    %slice3A_82 = vector.extract_strided_slice %convert_element_type3A_41 {offsets = [0, 0], sizes = [512, 8], strides = [1, 1]} : vector<2048x8xf32> to vector<512x8xf32>
    %dot_general3A_83 = arith.constant dense<0.000000e+00> : vector<512x8xf32>
    %dot_general3A_84 = tpu.matmul %convert_element_type3A_45, %slice3A_82, %dot_general3A_83 {dimension_numbers = #tpu.dot_dimension_numbers<[1], [0], [0], [1], [0, 0, 1, 1], [], []>, transpose_lhs_hint = false} : vector<512x512xf32>, vector<512x8xf32>, vector<512x8xf32> -> vector<512x8xf32>
    %add3A_85 = vector.broadcast %add3A_81 : vector<1x8xf32> to vector<512x8xf32>
    %add3A_86 = arith.addf %dot_general3A_84, %add3A_85 : vector<512x8xf32>
    %reduce_sum3A_87 = arith.constant dense<0.000000e+00> : vector<8xf32>
    %reduce_sum3A_88 = vector.multi_reduction <add>, %slice3A_82, %reduce_sum3A_87 [0] : vector<512x8xf32> to vector<8xf32>
    %broadcast_in_dim3A_89 = vector.shape_cast %reduce_sum3A_88 : vector<8xf32> to vector<1x8xf32>
    %add3A_90 = arith.addf %add3A_81, %broadcast_in_dim3A_89 : vector<1x8xf32>
    %slice3A_91 = vector.extract_strided_slice %convert_element_type3A_41 {offsets = [512, 0], sizes = [512, 8], strides = [1, 1]} : vector<2048x8xf32> to vector<512x8xf32>
    %dot_general3A_92 = arith.constant dense<0.000000e+00> : vector<512x8xf32>
    %dot_general3A_93 = tpu.matmul %convert_element_type3A_45, %slice3A_91, %dot_general3A_92 {dimension_numbers = #tpu.dot_dimension_numbers<[1], [0], [0], [1], [0, 0, 1, 1], [], []>, transpose_lhs_hint = false} : vector<512x512xf32>, vector<512x8xf32>, vector<512x8xf32> -> vector<512x8xf32>
    %add3A_94 = vector.broadcast %add3A_90 : vector<1x8xf32> to vector<512x8xf32>
    %add3A_95 = arith.addf %dot_general3A_93, %add3A_94 : vector<512x8xf32>
    %reduce_sum3A_96 = arith.constant dense<0.000000e+00> : vector<8xf32>
    %reduce_sum3A_97 = vector.multi_reduction <add>, %slice3A_91, %reduce_sum3A_96 [0] : vector<512x8xf32> to vector<8xf32>
    %broadcast_in_dim3A_98 = vector.shape_cast %reduce_sum3A_97 : vector<8xf32> to vector<1x8xf32>
    %add3A_99 = arith.addf %add3A_90, %broadcast_in_dim3A_98 : vector<1x8xf32>
    %slice3A_100 = vector.extract_strided_slice %convert_element_type3A_41 {offsets = [1024, 0], sizes = [512, 8], strides = [1, 1]} : vector<2048x8xf32> to vector<512x8xf32>
    %dot_general3A_101 = arith.constant dense<0.000000e+00> : vector<512x8xf32>
    %dot_general3A_102 = tpu.matmul %convert_element_type3A_45, %slice3A_100, %dot_general3A_101 {dimension_numbers = #tpu.dot_dimension_numbers<[1], [0], [0], [1], [0, 0, 1, 1], [], []>, transpose_lhs_hint = false} : vector<512x512xf32>, vector<512x8xf32>, vector<512x8xf32> -> vector<512x8xf32>
    %add3A_103 = vector.broadcast %add3A_99 : vector<1x8xf32> to vector<512x8xf32>
    %add3A_104 = arith.addf %dot_general3A_102, %add3A_103 : vector<512x8xf32>
    %reduce_sum3A_105 = arith.constant dense<0.000000e+00> : vector<8xf32>
    %reduce_sum3A_106 = vector.multi_reduction <add>, %slice3A_100, %reduce_sum3A_105 [0] : vector<512x8xf32> to vector<8xf32>
    %broadcast_in_dim3A_107 = vector.shape_cast %reduce_sum3A_106 : vector<8xf32> to vector<1x8xf32>
    %add3A_108 = arith.addf %add3A_99, %broadcast_in_dim3A_107 : vector<1x8xf32>
    %slice3A_109 = vector.extract_strided_slice %convert_element_type3A_41 {offsets = [1536, 0], sizes = [512, 8], strides = [1, 1]} : vector<2048x8xf32> to vector<512x8xf32>
    %dot_general3A_110 = arith.constant dense<0.000000e+00> : vector<512x8xf32>
    %dot_general3A_111 = tpu.matmul %convert_element_type3A_45, %slice3A_109, %dot_general3A_110 {dimension_numbers = #tpu.dot_dimension_numbers<[1], [0], [0], [1], [0, 0, 1, 1], [], []>, transpose_lhs_hint = false} : vector<512x512xf32>, vector<512x8xf32>, vector<512x8xf32> -> vector<512x8xf32>
    %add3A_112 = vector.broadcast %add3A_108 : vector<1x8xf32> to vector<512x8xf32>
    %add3A_113 = arith.addf %dot_general3A_111, %add3A_112 : vector<512x8xf32>
    %reduce_sum3A_114 = arith.constant dense<0.000000e+00> : vector<8xf32>
    %reduce_sum3A_115 = vector.multi_reduction <add>, %slice3A_109, %reduce_sum3A_114 [0] : vector<512x8xf32> to vector<8xf32>
    %broadcast_in_dim3A_116 = vector.shape_cast %reduce_sum3A_115 : vector<8xf32> to vector<1x8xf32>
    %add3A_117 = arith.addf %add3A_108, %broadcast_in_dim3A_116 : vector<1x8xf32>
    %concatenate3A = tpu.concatenate %add3A_51, %add3A_59, %add3A_68, %add3A_77 in 0 : vector<512x8xf32>, vector<512x8xf32>, vector<512x8xf32>, vector<512x8xf32> -> vector<2048x8xf32>
    %concatenate3A_118 = tpu.concatenate %add3A_86, %add3A_95, %add3A_104, %add3A_113 in 0 : vector<512x8xf32>, vector<512x8xf32>, vector<512x8xf32>, vector<512x8xf32> -> vector<2048x8xf32>
    %add3A_119 = arith.constant 5.110000e+02 : f32
    %add3A_120 = vector.broadcast %add3A_119 : f32 to vector<1x8xf32>
    %add3A_121 = arith.addf %add3A_117, %add3A_120 : vector<1x8xf32>
    %mul3A = arith.constant 0.001953125 : f32
    %mul3A_122 = vector.broadcast %mul3A : f32 to vector<1x8xf32>
    %mul3A_123 = arith.mulf %add3A_121, %mul3A_122 : vector<1x8xf32>
    %floor3A = math.floor %mul3A_123 : vector<1x8xf32>
    %mul3A_124 = arith.constant 5.120000e+02 : f32
    %mul3A_125 = vector.broadcast %mul3A_124 : f32 to vector<1x8xf32>
    %mul3A_126 = arith.mulf %floor3A, %mul3A_125 : vector<1x8xf32>
    %iota3A_127 = tpu.iota {dimensions = array<i32: 0>} : vector<8x8xi32>
    %iota3A_128 = tpu.iota {dimensions = array<i32: 1>} : vector<8x8xi32>
    %lt3A_129 = arith.cmpi slt, %iota3A_127, %iota3A_128 : vector<8x8xi32>
    %convert_element_type3A_130 = arith.extui %lt3A_129 : vector<8x8xi1> to vector<8x8xi32>
    %convert_element_type3A_131 = arith.sitofp %convert_element_type3A_130 : vector<8x8xi32> to vector<8x8xf32>
    %dot_general3A_132 = arith.constant dense<0.000000e+00> : vector<1x8xf32>
    %dot_general3A_133 = tpu.matmul %mul3A_126, %convert_element_type3A_131, %dot_general3A_132 {dimension_numbers = #tpu.dot_dimension_numbers<[1], [0], [0], [1], [0, 0, 1, 1], [], []>, transpose_lhs_hint = false} : vector<1x8xf32>, vector<8x8xf32>, vector<1x8xf32> -> vector<1x8xf32>
    %add3A_134 = arith.addf %dot_general3A_133, %mul3A_126 : vector<1x8xf32>
    %add3A_135 = vector.broadcast %dot_general3A_133 : vector<1x8xf32> to vector<2048x8xf32>
    %add3A_136 = arith.addf %concatenate3A, %add3A_135 : vector<2048x8xf32>
    %mul3A_137 = arith.mulf %convert_element_type3A_37, %add3A_136 : vector<2048x8xf32>
    %reduce_sum3A_138 = arith.constant dense<0.000000e+00> : vector<2048xf32>
    %reduce_sum3A_139 = vector.multi_reduction <add>, %mul3A_137, %reduce_sum3A_138 [1] : vector<2048x8xf32> to vector<2048xf32>
    %broadcast_in_dim3A_140 = vector.shape_cast %reduce_sum3A_139 : vector<2048xf32> to vector<2048x1xf32>
    %add3A_141 = vector.broadcast %dot_general3A_133 : vector<1x8xf32> to vector<2048x8xf32>
    %add3A_142 = arith.addf %concatenate3A_118, %add3A_141 : vector<2048x8xf32>
    %mul3A_143 = arith.mulf %convert_element_type3A_41, %add3A_142 : vector<2048x8xf32>
    %reduce_sum3A_144 = arith.constant dense<0.000000e+00> : vector<2048xf32>
    %reduce_sum3A_145 = vector.multi_reduction <add>, %mul3A_143, %reduce_sum3A_144 [1] : vector<2048x8xf32> to vector<2048xf32>
    %broadcast_in_dim3A_146 = vector.shape_cast %reduce_sum3A_145 : vector<2048xf32> to vector<2048x1xf32>
    %convert_element_type3A_147 = arith.fptosi %broadcast_in_dim3A_140 : vector<2048x1xf32> to vector<2048x1xi32>
    %swap3A = arith.constant 0 : index
    %swap3A_148 = arith.constant 0 : index
    %swap3A_149 = vector.load %arg2[%swap3A, %swap3A_148] : memref<2048x1xi32, #tpu.memory_space<vmem>>, vector<2048x1xi32>
    tpu.vector_store %arg2[%swap3A, %swap3A_148], %convert_element_type3A_147 {strides = array<i32>} : memref<2048x1xi32, #tpu.memory_space<vmem>>, vector<2048x1xi32>,
    %convert_element_type3A_150 = arith.fptosi %broadcast_in_dim3A_146 : vector<2048x1xf32> to vector<2048x1xi32>
    %swap3A_151 = arith.constant 0 : index
    %swap3A_152 = arith.constant 0 : index
    %swap3A_153 = vector.load %arg3[%swap3A_151, %swap3A_152] : memref<2048x1xi32, #tpu.memory_space<vmem>>, vector<2048x1xi32>
    tpu.vector_store %arg3[%swap3A_151, %swap3A_152], %convert_element_type3A_150 {strides = array<i32>} : memref<2048x1xi32, #tpu.memory_space<vmem>>, vector<2048x1xi32>,
    %broadcast_in_dim3A_154 = arith.constant 1.000000e+00 : f32
    %broadcast_in_dim3A_155 = vector.broadcast %broadcast_in_dim3A_154 : f32 to vector<1x16xf32>
    %mul3A_156 = vector.broadcast %div3A_30 : vector<2048x1xf32> to vector<2048x16xf32>
    %mul3A_157 = vector.broadcast %broadcast_in_dim3A_155 : vector<1x16xf32> to vector<2048x16xf32>
    %mul3A_158 = arith.mulf %mul3A_156, %mul3A_157 : vector<2048x16xf32>
    %swap3A_159 = arith.constant 0 : index
    %swap3A_160 = arith.constant 0 : index
    %swap3A_161 = vector.load %arg4[%swap3A_159, %swap3A_160] : memref<2048x16xf32, #tpu.memory_space<vmem>>, vector<2048x16xf32>
    tpu.vector_store %arg4[%swap3A_159, %swap3A_160], %mul3A_158 {strides = array<i32>} : memref<2048x16xf32, #tpu.memory_space<vmem>>, vector<2048x16xf32>,
    %mul3A_162 = vector.broadcast %div3A_34 : vector<2048x1xf32> to vector<2048x16xf32>
    %mul3A_163 = vector.broadcast %broadcast_in_dim3A_155 : vector<1x16xf32> to vector<2048x16xf32>
    %mul3A_164 = arith.mulf %mul3A_162, %mul3A_163 : vector<2048x16xf32>
    %swap3A_165 = arith.constant 0 : index
    %swap3A_166 = arith.constant 0 : index
    %swap3A_167 = vector.load %arg5[%swap3A_165, %swap3A_166] : memref<2048x16xf32, #tpu.memory_space<vmem>>, vector<2048x16xf32>
    tpu.vector_store %arg5[%swap3A_165, %swap3A_166], %mul3A_164 {strides = array<i32>} : memref<2048x16xf32, #tpu.memory_space<vmem>>, vector<2048x16xf32>,
    %reduce_sum3A_168 = arith.constant dense<0.000000e+00> : vector<1xf32>
    %reduce_sum3A_169 = vector.multi_reduction <add>, %mul3A_126, %reduce_sum3A_168 [1] : vector<1x8xf32> to vector<1xf32>
    %broadcast_in_dim3A_170 = vector.shape_cast %reduce_sum3A_169 : vector<1xf32> to vector<1x1xf32>
    %mul3A_171 = arith.constant 0.001953125 : f32
    %mul3A_172 = vector.broadcast %mul3A_171 : f32 to vector<1x1xf32>
    %mul3A_173 = arith.mulf %broadcast_in_dim3A_170, %mul3A_172 : vector<1x1xf32>
    %iota3A_174 = tpu.iota {dimensions = array<i32: 0>} : vector<128x1xi32>
    %mul3A_175 = arith.constant 512 : i32
    %mul3A_176 = vector.broadcast %mul3A_175 : i32 to vector<128x1xi32>
    %mul3A_177 = arith.muli %iota3A_174, %mul3A_176 : vector<128x1xi32>
    %convert_element_type3A_178 = arith.sitofp %mul3A_177 : vector<128x1xi32> to vector<128x1xf32>
    %le3A = vector.broadcast %add3A_134 : vector<1x8xf32> to vector<128x8xf32>
    %le3A_179 = vector.broadcast %convert_element_type3A_178 : vector<128x1xf32> to vector<128x8xf32>
    %le3A_180 = arith.cmpf ole, %le3A, %le3A_179 : vector<128x8xf32>
    %convert_element_type3A_181 = arith.extui %le3A_180 : vector<128x8xi1> to vector<128x8xi32>
    %convert_element_type3A_182 = arith.sitofp %convert_element_type3A_181 : vector<128x8xi32> to vector<128x8xf32>
    %reduce_sum3A_183 = arith.constant dense<0.000000e+00> : vector<128xf32>
    %reduce_sum3A_184 = vector.multi_reduction <add>, %convert_element_type3A_182, %reduce_sum3A_183 [1] : vector<128x8xf32> to vector<128xf32>
    %broadcast_in_dim3A_185 = vector.shape_cast %reduce_sum3A_184 : vector<128xf32> to vector<128x1xf32>
    %min3A = arith.constant 7.000000e+00 : f32
    %min3A_186 = vector.broadcast %min3A : f32 to vector<128x1xf32>
    %min3A_187 = arith.minimumf %broadcast_in_dim3A_185, %min3A_186 : vector<128x1xf32>
    %eq3A_188 = arith.constant 64 : i32
    %eq3A_189 = vector.broadcast %eq3A_188 : i32 to vector<128x1xi32>
    %eq3A_190 = arith.cmpi eq, %iota3A_174, %eq3A_189 : vector<128x1xi32>
    %broadcast_in_dim3A_191 = vector.shape_cast %mul3A_173 : vector<1x1xf32> to vector<1x1xf32>
    %broadcast_in_dim3A_192 = vector.broadcast %broadcast_in_dim3A_191 : vector<1x1xf32> to vector<128x1xf32>
    %select_n3A_193 = arith.select %eq3A_190, %broadcast_in_dim3A_192, %min3A_187 : vector<128x1xi1>, vector<128x1xf32>
    %convert_element_type3A_194 = arith.fptosi %select_n3A_193 : vector<128x1xf32> to vector<128x1xi32>
    %swap3A_195 = arith.constant 0 : index
    %swap3A_196 = arith.constant 0 : index
    %swap3A_197 = vector.load %arg6[%swap3A_195, %swap3A_196] : memref<128x1xi32, #tpu.memory_space<vmem>>, vector<128x1xi32>
    tpu.vector_store %arg6[%swap3A_195, %swap3A_196], %convert_element_type3A_194 {strides = array<i32>} : memref<128x1xi32, #tpu.memory_space<vmem>>, vector<128x1xi32>,
    return
  }
}

module attributes {stable_mosaic.version = 14 : i64} {
  func.func @_ffn_body(%arg0: i32, %arg1: memref<128xi32, #tpu.memory_space<smem>>, %arg2: memref<512x768xf32, #tpu.memory_space<vmem>>, %arg3: memref<1x768x768xf32, #tpu.memory_space<vmem>>, %arg4: memref<1x768x768xf32, #tpu.memory_space<vmem>>, %arg5: memref<1x768x768xf32, #tpu.memory_space<vmem>>, %arg6: memref<512x768xf32, #tpu.memory_space<vmem>>) attributes {dimension_semantics = [#tpu.dimension_semantics<arbitrary>], iteration_bounds = array<i64: 15>, scalar_prefetch = 1 : i64, scratch_operands = 0 : i64, tpu.core_type = #tpu.core_type<tc>, window_params = [{transform_indices = @transform_0, window_bounds = array<i64: 512, 768>}, {transform_indices = @transform_1, window_bounds = array<i64: 1, 768, 768>}, {transform_indices = @transform_2, window_bounds = array<i64: 1, 768, 768>}, {transform_indices = @transform_3, window_bounds = array<i64: 1, 768, 768>}, {transform_indices = @transform_4, window_bounds = array<i64: 512, 768>}]} {
    %get3A = arith.constant 64 : index
    %get3A_0 = memref.load %arg1[%get3A] : memref<128xi32, #tpu.memory_space<smem>>
    %lt3A = arith.cmpi slt, %arg0, %get3A_0 : i32
    %convert_element_type3A = arith.extui %lt3A : i1 to i32
    %cond3A = arith.constant 0 : i32
    %cond3A_1 = arith.cmpi ne, %convert_element_type3A, %cond3A : i32
    scf.if %cond3A_1 {
      %get3A_2 = arith.constant 0 : index
      %get3A_3 = arith.constant 0 : index
      %get3A_4 = vector.load %arg2[%get3A_2, %get3A_3] : memref<512x768xf32, #tpu.memory_space<vmem>>, vector<512x768xf32>
      %get3A_5 = arith.constant 0 : index
      %get3A_6 = arith.constant 0 : index
      %get3A_7 = arith.constant 0 : index
      %get3A_8 = vector.load %arg3[%get3A_5, %get3A_6, %get3A_7] : memref<1x768x768xf32, #tpu.memory_space<vmem>>, vector<1x768x768xf32>
      %get3A_9 = vector.shape_cast %get3A_8 : vector<1x768x768xf32> to vector<768x768xf32>
      %dot_general3A = arith.constant dense<0.000000e+00> : vector<512x768xf32>
      %dot_general3A_10 = tpu.matmul %get3A_4, %get3A_9, %dot_general3A {dimension_numbers = #tpu.dot_dimension_numbers<[1], [1], [0], [0], [0, 0, 1, 0], [], []>, transpose_lhs_hint = false} : vector<512x768xf32>, vector<768x768xf32>, vector<512x768xf32> -> vector<512x768xf32>
      %get3A_11 = arith.constant 0 : index
      %get3A_12 = arith.constant 0 : index
      %get3A_13 = arith.constant 0 : index
      %get3A_14 = vector.load %arg4[%get3A_11, %get3A_12, %get3A_13] : memref<1x768x768xf32, #tpu.memory_space<vmem>>, vector<1x768x768xf32>
      %get3A_15 = vector.shape_cast %get3A_14 : vector<1x768x768xf32> to vector<768x768xf32>
      %dot_general3A_16 = arith.constant dense<0.000000e+00> : vector<512x768xf32>
      %dot_general3A_17 = tpu.matmul %get3A_4, %get3A_15, %dot_general3A_16 {dimension_numbers = #tpu.dot_dimension_numbers<[1], [1], [0], [0], [0, 0, 1, 0], [], []>, transpose_lhs_hint = false} : vector<512x768xf32>, vector<768x768xf32>, vector<512x768xf32> -> vector<512x768xf32>
      %neg3A = arith.constant 0.000000e+00 : f32
      %neg3A_18 = vector.broadcast %neg3A : f32 to vector<512x768xf32>
      %neg3A_19 = arith.subf %neg3A_18, %dot_general3A_10 : vector<512x768xf32>
      %exp3A = math.exp %neg3A_19 : vector<512x768xf32>
      %add3A = arith.constant 1.000000e+00 : f32
      %add3A_20 = vector.broadcast %add3A : f32 to vector<512x768xf32>
      %add3A_21 = arith.addf %add3A_20, %exp3A : vector<512x768xf32>
      %div3A = arith.constant 1.000000e+00 : f32
      %div3A_22 = vector.broadcast %div3A : f32 to vector<512x768xf32>
      %div3A_23 = arith.divf %div3A_22, %add3A_21 : vector<512x768xf32>
      %mul3A = arith.mulf %dot_general3A_10, %div3A_23 : vector<512x768xf32>
      %mul3A_24 = arith.mulf %mul3A, %dot_general3A_17 : vector<512x768xf32>
      %get3A_25 = arith.constant 0 : index
      %get3A_26 = arith.constant 0 : index
      %get3A_27 = arith.constant 0 : index
      %get3A_28 = vector.load %arg5[%get3A_25, %get3A_26, %get3A_27] : memref<1x768x768xf32, #tpu.memory_space<vmem>>, vector<1x768x768xf32>
      %get3A_29 = vector.shape_cast %get3A_28 : vector<1x768x768xf32> to vector<768x768xf32>
      %dot_general3A_30 = arith.constant dense<0.000000e+00> : vector<512x768xf32>
      %dot_general3A_31 = tpu.matmul %mul3A_24, %get3A_29, %dot_general3A_30 {dimension_numbers = #tpu.dot_dimension_numbers<[1], [1], [0], [0], [0, 0, 1, 0], [], []>, transpose_lhs_hint = false} : vector<512x768xf32>, vector<768x768xf32>, vector<512x768xf32> -> vector<512x768xf32>
      %swap3A = arith.constant 0 : index
      %swap3A_32 = arith.constant 0 : index
      %swap3A_33 = vector.load %arg6[%swap3A, %swap3A_32] : memref<512x768xf32, #tpu.memory_space<vmem>>, vector<512x768xf32>
      tpu.vector_store %arg6[%swap3A, %swap3A_32], %dot_general3A_31 {strides = array<i32>} : memref<512x768xf32, #tpu.memory_space<vmem>>, vector<512x768xf32>,
    } else {
    }
    return
  }
  func.func @transform_0(%arg0: i32, %arg1: memref<128xi32, #tpu.memory_space<smem>>) -> (i32, i32) {
    %get3A = arith.constant 64 : index
    %get3A_0 = memref.load %arg1[%get3A] : memref<128xi32, #tpu.memory_space<smem>>
    %sub3A = arith.constant 1 : i32
    %sub3A_1 = arith.subi %get3A_0, %sub3A : i32
    %min3A = arith.minsi %arg0, %sub3A_1 : i32
    %c0_i32 = arith.constant 0 : i32
    %c0_i32_2 = arith.constant 0 : i32
    return %min3A, %c0_i32 : i32, i32
  }
  func.func @transform_1(%arg0: i32, %arg1: memref<128xi32, #tpu.memory_space<smem>>) -> (i32, i32, i32) {
    %get3A = arith.constant 64 : index
    %get3A_0 = memref.load %arg1[%get3A] : memref<128xi32, #tpu.memory_space<smem>>
    %sub3A = arith.constant 1 : i32
    %sub3A_1 = arith.subi %get3A_0, %sub3A : i32
    %min3A = arith.minsi %arg0, %sub3A_1 : i32
    %get3A_2 = arith.index_cast %min3A : i32 to index
    %get3A_3 = memref.load %arg1[%get3A_2] : memref<128xi32, #tpu.memory_space<smem>>
    %c0_i32 = arith.constant 0 : i32
    %c0_i32_4 = arith.constant 0 : i32
    %c0_i32_5 = arith.constant 0 : i32
    return %get3A_3, %c0_i32, %c0_i32_4 : i32, i32, i32
  }
  func.func @transform_2(%arg0: i32, %arg1: memref<128xi32, #tpu.memory_space<smem>>) -> (i32, i32, i32) {
    %get3A = arith.constant 64 : index
    %get3A_0 = memref.load %arg1[%get3A] : memref<128xi32, #tpu.memory_space<smem>>
    %sub3A = arith.constant 1 : i32
    %sub3A_1 = arith.subi %get3A_0, %sub3A : i32
    %min3A = arith.minsi %arg0, %sub3A_1 : i32
    %get3A_2 = arith.index_cast %min3A : i32 to index
    %get3A_3 = memref.load %arg1[%get3A_2] : memref<128xi32, #tpu.memory_space<smem>>
    %c0_i32 = arith.constant 0 : i32
    %c0_i32_4 = arith.constant 0 : i32
    %c0_i32_5 = arith.constant 0 : i32
    return %get3A_3, %c0_i32, %c0_i32_4 : i32, i32, i32
  }
  func.func @transform_3(%arg0: i32, %arg1: memref<128xi32, #tpu.memory_space<smem>>) -> (i32, i32, i32) {
    %get3A = arith.constant 64 : index
    %get3A_0 = memref.load %arg1[%get3A] : memref<128xi32, #tpu.memory_space<smem>>
    %sub3A = arith.constant 1 : i32
    %sub3A_1 = arith.subi %get3A_0, %sub3A : i32
    %min3A = arith.minsi %arg0, %sub3A_1 : i32
    %get3A_2 = arith.index_cast %min3A : i32 to index
    %get3A_3 = memref.load %arg1[%get3A_2] : memref<128xi32, #tpu.memory_space<smem>>
    %c0_i32 = arith.constant 0 : i32
    %c0_i32_4 = arith.constant 0 : i32
    %c0_i32_5 = arith.constant 0 : i32
    return %get3A_3, %c0_i32, %c0_i32_4 : i32, i32, i32
  }
  func.func @transform_4(%arg0: i32, %arg1: memref<128xi32, #tpu.memory_space<smem>>) -> (i32, i32) {
    %get3A = arith.constant 64 : index
    %get3A_0 = memref.load %arg1[%get3A] : memref<128xi32, #tpu.memory_space<smem>>
    %sub3A = arith.constant 1 : i32
    %sub3A_1 = arith.subi %get3A_0, %sub3A : i32
    %min3A = arith.minsi %arg0, %sub3A_1 : i32
    %c0_i32 = arith.constant 0 : i32
    %c0_i32_2 = arith.constant 0 : i32
    return %min3A, %c0_i32 : i32, i32
  }
}

</mosaic_0001>

<sc_bundles>
// kernel: kernel.6.cloned.1.call-start
scs
__scs_entry_jumppad:
0x0: {  	(pc) =	sbr.rel $0x88, $3  }
0x1: {  	(tag) =	ssettag $0x0;
	lr =	simm.s32 $0x1  }
0x2: {  	[smem:$0x3F9C] =	sst lr;
	_ =	strace $0xD0000000  }
0x3: {  	_ = 	snop  }
0x4: {  	_ = 	snop  }
0x5: {  	_ = 	snop  }
0x6: {  	_ = 	snop  }
0x7: {  	_ = 	snop  }
__scs_overlays_trampoline_lowered:
0x8: {  	[smem:$0x3FAB] =	sst s0  }
0x9: {  	[smem:$0x3FAC] =	sst s1  }
0xa: {  	[smem:$0x3FAD] =	sst s2  }
0xb: {  	[smem:$0x3FAE] =	sst s3  }
0xc: {  	[smem:$0x3FAF] =	sst s4  }
0xd: {  	[smem:$0x3FB0] =	sst s5  }
0xe: {  	[smem:$0x3FB1] =	sst s6  }
0xf: {  	[smem:$0x3FB2] =	sst s7  }
0x10: {  	[smem:$0x3FB3] =	sst s8  }
0x11: {  	[smem:$0x3FB4] =	sst s9;
	s0 =	simm.s32 @!p0 $0x0  }
0x12: {  	s1 =	sld [smem:$0x3F9A];
	s0 =	simm.s32 @p0 $0x1  }
0x13: {  	[smem:$0x3FB5] =	sst s0;
	s0 =	simm.s32 @!p1 $0x0  }
0x14: {  	s2 =	sld [smem:$0x3F99];
	s0 =	simm.s32 @p1 $0x1  }
0x15: {  	[smem:$0x3FB6] =	sst s0;
	s0 =	simm.s32 @!p2 $0x0  }
0x16: {  	s3 =	sld [smem:$0x3FDB];
	s0 =	simm.s32 @p2 $0x1  }
0x17: {  	s4 =	simm.s32 $0x1BF5;
	[smem:$0x3FB8] =	sst s0  }
0x18: {  	s0 =	sld [smem:$0x3F9B];
	_ =	swait.ge [sflag:s4], $0x0  }
0x19: {  	s7 =	sld [smem:$0x3F9C]  }
0x1a: {  	s8 =	sadd.s32 $0xFFFFE003, lr  }
0x1b: {  	s9 =	sadd.s32 $0xFFFFFEF7, lr;
	s5 =	simm.s32 $0xFFFFFFFF;
	p2 =	slt.u32 s8, $0xFFFFF086  }
0x1c: {  	p1 =	slt.u32 s9, $0xF7A;
	s5 =	simm.s32 @!p2 $0x0  }
0x1d: {  	s5 =	simm.s32 @p1 $0x1;
	p0 =	seq.s32 s7, s2  }
0x1e: {  	s7 =	smul.u32 @!p0 $0xF7A, s2;
	p2 =	seq.s32 @!p0 s5, $0x0  }
0x1f: {  	s9 =	smul.u32 $0xF7A, s1;
	s8 =	simm.s32 @!p0 $0x1BF5;
	p2 =	por !p2, p0  }
0x20: {  	[sflag:s8] =	ssyncset.s32 @!p0 $0xFFFFF086;
	s6 =	sadd.s32 @!p0 s3, s7;
	s7 =	simm.s32 @!p0 $0x108  }
0x21: {  	s3 =	sadd.s32 s3, s9;
	s6 =	sadd.s32 @!p0 $0x88, s6;
	s7 =	simm.s32 @p2 $0x1082  }
0x22: {  	[simem:s7], [sflag:s8] =	dma.local @!p0 [hbm:s6], $0xF7A  }
0x23: {  	s9 =	sor.u32 $0xD0000000, s2;
	s6 =	simm.s32 $0x108;
	_ =	swait.ge @!p0 [sflag:s8], $0x0  }
0x24: {  	s3 =	sadd.s32 $0x88, s3;
	s6 =	simm.s32 @!p1 $0x1082;
	[sflag:s4] =	ssyncset.s32 $0xFFFFF086  }
0x25: {  	[simem:s6], [sflag:s4] =	dma.local [hbm:s3], $0xF7A  }
0x26: {  	[smem:$0x3F9C] =	sst s1;
	(tag) =	ssettag s2;
	_ =	strace s9  }
0x27: {  	s1 =	sld [smem:$0x3FAC]  }
0x28: {  	s2 =	sld [smem:$0x3FAD]  }
0x29: {  	s4 =	sld [smem:$0x3FAF]  }
0x2a: {  	p0 =	seq.s32 s5, $0x0;
	s5 =	sld [smem:$0x3FB0]  }
0x2b: {  	s6 =	sld [smem:$0x3FB1]  }
0x2c: {  	s7 =	sld [smem:$0x3FB2]  }
0x2d: {  	s3 =	simm.s32 $0x108;
	s8 =	sld [smem:$0x3FB3]  }
0x2e: {  	s3 =	simm.s32 @!p0 $0x1082;
	s9 =	sld [smem:$0x3FB4]  }
0x2f: {  	lr =	sadd.s32 s0, s3;
	s0 =	sld [smem:$0x3FAB]  }
0x30: {  	s3 =	sld [smem:$0x3FAE]  }
0x31: {  	[smem:$0x3FB7] =	sst s10  }
0x32: {  	s10 =	sld [smem:$0x3FB5];
	_ =	sdelay $0x3  }
0x33: {  	p0 =	seq.s32 s10, $0x1;
	s10 =	sld [smem:$0x3FB7];
	_ =	sdelay $0x3  }
0x34: {  	[smem:$0x3FB7] =	sst s10  }
0x35: {  	s10 =	sld [smem:$0x3FB6];
	_ =	sdelay $0x3  }
0x36: {  	p1 =	seq.s32 s10, $0x1;
	s10 =	sld [smem:$0x3FB7];
	_ =	sdelay $0x3  }
0x37: {  	[smem:$0x3FB7] =	sst s10  }
0x38: {  	s10 =	sld [smem:$0x3FB8]  }
0x39: {  	_ = 	snop;
	(pc) =	sbr.ind lr, $3  }
0x3a: {  	_ = 	snop  }
0x3b: {  	_ = 	snop  }
0x3c: {  	p2 =	seq.s32 s10, $0x1;
	s10 =	sld [smem:$0x3FB7]  }
0x3d: {  	_ =	shalt  }
0x3e: {  	_ =	shalt  }
0x3f: {  	_ =	shalt  }
0x40: {  	_ =	shalt  }
0x41: {  	_ =	shalt  }
0x42: {  	_ =	shalt  }
0x43: {  	_ =	shalt  }
0x44: {  	_ =	shalt  }
0x45: {  	_ =	shalt  }
0x46: {  	_ =	shalt  }
0x47: {  	_ =	shalt  }
0x48: {  	_ =	shalt  }
0x49: {  	_ =	shalt  }
0x4a: {  	_ =	shalt  }
0x4b: {  	_ =	shalt  }
0x4c: {  	_ =	shalt  }
0x4d: {  	_ =	shalt  }
0x4e: {  	_ =	shalt  }
0x4f: {  	_ =	shalt  }
0x50: {  	_ =	shalt  }
0x51: {  	_ =	shalt  }
0x52: {  	_ =	shalt  }
0x53: {  	_ =	shalt  }
0x54: {  	_ =	shalt  }
0x55: {  	_ =	shalt  }
0x56: {  	_ =	shalt  }
0x57: {  	_ =	shalt  }
0x58: {  	_ =	shalt  }
0x59: {  	_ =	shalt  }
0x5a: {  	_ =	shalt  }
0x5b: {  	_ =	shalt  }
0x5c: {  	_ =	shalt  }
0x5d: {  	_ =	shalt  }
0x5e: {  	_ =	shalt  }
0x5f: {  	_ =	shalt  }
0x60: {  	_ =	shalt  }
0x61: {  	_ =	shalt  }
0x62: {  	_ =	shalt  }
0x63: {  	_ =	shalt  }
0x64: {  	_ =	shalt  }
0x65: {  	_ =	shalt  }
0x66: {  	_ =	shalt  }
0x67: {  	_ =	shalt  }
0x68: {  	_ =	shalt  }
0x69: {  	_ =	shalt  }
0x6a: {  	_ =	shalt  }
0x6b: {  	_ =	shalt  }
0x6c: {  	_ =	shalt  }
0x6d: {  	_ =	shalt  }
0x6e: {  	_ =	shalt  }
0x6f: {  	_ =	shalt  }
0x70: {  	_ =	shalt  }
0x71: {  	_ =	shalt  }
0x72: {  	_ =	shalt  }
0x73: {  	_ =	shalt  }
0x74: {  	_ =	shalt  }
0x75: {  	_ =	shalt  }
0x76: {  	_ =	shalt  }
0x77: {  	_ =	shalt  }
0x78: {  	_ =	shalt  }
0x79: {  	_ =	shalt  }
0x7a: {  	_ =	shalt  }
0x7b: {  	_ =	shalt  }
0x7c: {  	_ =	shalt  }
0x7d: {  	_ =	shalt  }
0x7e: {  	_ =	shalt  }
0x7f: {  	_ =	shalt  }
0x80: {  	_ =	shalt  }
0x81: {  	_ =	shalt  }
0x82: {  	_ =	shalt  }
0x83: {  	_ =	shalt  }
0x84: {  	_ =	shalt  }
0x85: {  	_ =	shalt  }
0x86: {  	_ =	shalt  }
0x87: {  	_ =	shalt  }
.Lfunc_end0:
.L_simem_size_0:
called_computation_lowered:
.L_overlay_start_0:
0x88: {  	s2 =	sld [smem:$0x3FD9]  }
0x89: {  	s3 =	sld [smem:$0x3FFE];
	_ =	sdelay $0x1  }
0x8a: {  	s1 =	srdreg.scid  }
0x8b: {  	s0 =	sand.u32 $0x1, s1  }
0x8c: {  	s17 =	sshll.u32 s0, $0xA;
	s2 =	sadd.s32 s3, s2  }
0x8d: {  	s2 =	sadd.s32 s2, s17  }
0x8e: {  	[smem:$0x3FC3] =	sst s2  }
0x8f: {  	_ = 	snop  }
0x90: {  	s2 =	sld [smem:$0x3FC9];
	(tm) =	ssettm $0x1  }
0x91: {  	s18 =	sld [smem:$0x3FFB];
	_ =	sdelay $0x3  }
0x92: {  	_ =	strace s18  }
0x93: {  	s3 =	sld [smem:$0x3FFC];
	_ =	sdelay $0x3  }
0x94: {  	_ =	strace s3  }
0x95: {  	s3 =	sld [smem:$0x3FFD];
	_ =	sdelay $0x3  }
0x96: {  	_ =	strace s3  }
0x97: {  	_ =	strace $0x8FFFFFFF  }
0x98: {  	s19 =	sld [smem:$0x3FDB];
	_ =	sdelay $0x1  }
0x99: {  	s4 =	simm.s32 $_scs_section_size  }
0x9a: {  	s5 =	simm.s32 $_size__tile_overlayer_lowered;
	s6 =	simm.s32 $_tile_overlayer_lowered  }
0x9b: {  	s22 =	simm.s32 $0x1BFF;
	s21 =	sshll.u32 s6, $0x1;
	s3 =	sadd.s32 s4, s19  }
0x9c: {  	s7 =	simm.s32 $0x0;
	s20 =	sshll.u32 s5, $0x1;
	s5 =	sadd.s32 s21, s3  }
0x9d: {  	[timem:s7], [sflag:s22] =	dma.local [hbm:s5], s20  }
0x9e: {  	_ =	swait.ge [sflag:s22], s20  }
0x9f: {  	s4 =	ssub.s32 $0x0, s20;
	[sflag:s22] =	ssyncset.done $0x0  }
0xa0: {  	[sflag:s22] =	ssyncadd.s32 s4;
	_ =	sdelay $0x1  }
0xa1: {  	s23 =	simm.s32 $0x1B8B  }
0xa2: {  	_ =	swait.ge [sflag:s23], $0x1  }
0xa3: {  	[sflag:s23] =	ssyncset.done $0x0  }
0xa4: {  	s25 =	simm.s32 $0x1B8E;
	s24 =	sld [smem:$0x3FFE];
	[sflag:s23] =	ssyncadd.s32 $0xFFFFFFFF  }
0xa5: {  	s26 =	simm.s32 $execute0_lowered;
	[smem:$0x3FD2] =	sst s25  }
0xa6: {  	s5 =	sshll.u32 s26, $0x1;
	_ =	strace $0x80000046;
	[dreg:$0x1] =	wrdreg $0xFFFFFFFF  }
0xa7: {  	s28 =	simm.s32 $_size_execute0_lowered;
	s3 =	sadd.s32 s3, s5;
	[dreg:$0x0] =	wrdreg $0x0  }
0xa8: {  	s5 =	sshll.u32 s28, $0x1;
	[dreg:$0x2] =	wrdreg s3  }
0xa9: {  	[dreg:$0x3] =	wrdreg s5  }
0xaa: {  	[dreg:$0x4] =	wrdreg $0xC0  }
0xab: {  	_ =	task [dreg:s7], $0x5FFFF  }
0xac: {  	[dreg:$0x1] =	wrdreg $0xFFFFFFFF  }
0xad: {  	[dreg:$0x0] =	wrdreg $0x60  }
0xae: {  	[dreg:$0x2] =	wrdreg s2  }
0xaf: {  	[dreg:$0x3] =	wrdreg s24  }
0xb0: {  	[dreg:$0x4] =	wrdreg $0x9  }
0xb1: {  	_ =	task.clear_ibuf [dreg:s7], $0x5FFFF;
	_ =	strace $0x90000046  }
0xb2: {  	s29 =	simm.s32 $0x9;
	_ =	strace $0x80000048  }
0xb3: {  	_ =	swait.ge [sflag:s29], $0x1  }
0xb4: {  	[sflag:s29] =	ssyncadd.s32 $0xFFFFFFFF  }
0xb5: {  	_ =	strace $0x90000048  }
0xb6: {  	_ =	sfence  }
0xb7: {  	s30 =	sld [smem:$0x0];
	_ =	sdelay $0x2  }
0xb8: {  	s31 =	sshll.u32 s1, $0xD;
	s1 =	sshrl.u32 s1, $0x2  }
0xb9: {  	s3 =	sand.u32 $0x4000, s31;
	s1 =	sadd.s32 s1, s30  }
0xba: {  	s0 =	sor.u32 s3, s0;
	s1 =	sshll.u32 s1, $0x11  }
0xbb: {  	s0 =	sor.u32 s1, s0  }
0xbc: {  	s0 =	sadd.s32 $0x8F2B, s0  }
0xbd: {  	[sflag:s0] =	ssyncadd.remote.s32 $0x1  }
0xbe: {  	_ =	sfence.sel $0xFFFF  }
0xbf: {  	[dreg:$0x0] =	wrdreg $0xFFFFFFFF;
	(pc) =	sbr.abs _section_cstart, $3  }
0xc0: {  	[dreg:$0x1] =	wrdreg $0xFFFFFFFF  }
0xc1: {  	_ =	task.clear_ibuf [dreg:s7], $0x2FFFF;
	_ =	strace $0x9FFFFFFF  }
0xc2: {  	(tm) =	ssettm $0x7FFFFFFF  }
0xc3: {  	_ =	shalt  }
tec
execute0_lowered:
.L_overlay_start_1:
0x0: {  	(tag) =	ssettag $0x1  }
0x1: {  	s1 =	srdreg.scid;
	s0 =	stileid.u32  }
0x2: {  	s3 =	rddreg [dreg:$0x0];
	s4 =	sand.u32 $0x1, s1;
	s2 =	sshll.u32 s0, $0x5  }
0x3: {  	s1 =	rddreg [dreg:$0x1];
	s6 =	sand.u32 $0xE0, s2;
	s2 =	simm.s32 $0x0  }
0x4: {  	s17 =	simm.s32 $0x80;
	[smem:$0x7FF] =	sst s2  }
0x5: {  	s18 =	simm.s32 $0x100;
	_ =	strace $0x80000047;
	[dreg:$0xb] =	wrdreg s17  }
0x6: {  	s12 =	simm.s32 $0x11600;
	s19 =	simm.s32 $0x180;
	[dreg:$0xc] =	wrdreg s18  }
0x7: {  	s20 =	simm.s32 $0xA00;
	s21 =	simm.s32 $0x1200;
	[dreg:$0xd] =	wrdreg s19  }
0x8: {  	s22 =	simm.s32 $0x1A00;
	s23 =	simm.s32 $0x2200;
	[dreg:$0xe] =	wrdreg s20  }
0x9: {  	s24 =	simm.s32 $0x2A00;
	s25 =	simm.s32 $0x3200;
	[dreg:$0xf] =	wrdreg s21  }
0xa: {  	s26 =	simm.s32 $0x3A00;
	p0 =	slt.u32 s0, $0x8;
	[dreg:$0x10] =	wrdreg s22  }
0xb: {  	s5 =	sshll.u32 s4, $0x4;
	s12 =	simm.s32 @!p0 $0x11800;
	[dreg:$0x11] =	wrdreg s23  }
0xc: {  	s5 =	sor.u32 s5, s6;
	s12 =	sadd.s32 s12, s1;
	[dreg:$0x12] =	wrdreg s24  }
0xd: {  	s6 =	smul.u32 $0x300, s5;
	s7 =	sor.u32 $0x4, s5;
	[dreg:$0x13] =	wrdreg s25  }
0xe: {  	s9 =	sor.u32 $0x8, s5;
	s13 =	sadd.s32 s12, s5;
	[dreg:$0x14] =	wrdreg s26  }
0xf: {  	s10 =	sor.u32 $0xC, s5;
	s5 =	simm.s32 $0x4A00;
	[dreg:$0xa] =	wrdreg s13  }
0x10: {  	s17 =	simm.s32 $0xAA00;
	[dreg:$0x16] =	wrdreg s5  }
0x11: {  	s18 =	simm.s32 $0xB200;
	[smem:$0x7F4] =	sst s17  }
0x12: {  	s28 =	simm.s32 $0x16200;
	s19 =	simm.s32 $0xBA00;
	[smem:$0x7F5] =	sst s18  }
0x13: {  	s29 =	simm.s32 $0x16A00;
	s20 =	simm.s32 $0xCA00;
	[smem:$0x7F6] =	sst s19  }
0x14: {  	s30 =	simm.s32 $0x17200;
	s21 =	simm.s32 $0xD200;
	[smem:$0x7F7] =	sst s20  }
0x15: {  	s31 =	simm.s32 $0x17A00;
	s22 =	simm.s32 $0xDA00;
	[smem:$0x7F8] =	sst s21  }
0x16: {  	s4 =	ssub.s32 $0x2, s4;
	s23 =	simm.s32 $0xE200;
	[smem:$0x7F9] =	sst s22  }
0x17: {  	s24 =	simm.s32 $0xEA00;
	s8 =	smul.u32 $0x300, s7;
	[smem:$0x7FA] =	sst s23  }
0x18: {  	s25 =	simm.s32 $0xF200;
	s0 =	smul.u32 $0x300, s9;
	[smem:$0x7FB] =	sst s24  }
0x19: {  	s26 =	simm.s32 $0xFA00;
	s11 =	smul.u32 $0x300, s10;
	[smem:$0x7FC] =	sst s25  }
0x1a: {  	s14 =	sadd.s32 s12, s7;
	s15 =	sadd.s32 s12, s9;
	[smem:$0x7FD] =	sst s26  }
0x1b: {  	s16 =	sadd.s32 s12, s10;
	s7 =	simm.s32 $0x5A00;
	[dreg:$0x7] =	wrdreg s14  }
0x1c: {  	s9 =	simm.s32 $0x7200;
	s10 =	simm.s32 $0x7A00;
	[dreg:$0x8] =	wrdreg s15  }
0x1d: {  	s12 =	simm.s32 $0x8A00;
	s13 =	sshrl.u32 s4, $0x1;
	[dreg:$0x9] =	wrdreg s16  }
0x1e: {  	s5 =	sadd.s32 $0x11C00, s1;
	s17 =	simm.s32 $0x11200;
	[dreg:$0x18] =	wrdreg s7  }
0x1f: {  	s18 =	simm.s32 $0x11A00;
	s19 =	simm.s32 $0x4;
	[dreg:$0x1a] =	wrdreg s9  }
0x20: {  	s20 =	simm.s32 $0x12A00;
	s21 =	simm.s32 $0x13200;
	[dreg:$0x1b] =	wrdreg s10  }
0x21: {  	s22 =	simm.s32 $0x13A00;
	s6 =	sadd.s32 s3, s6;
	[dreg:$0x1d] =	wrdreg s12  }
0x22: {  	s23 =	simm.s32 $0x14200;
	s14 =	simm.s32 $0x9200;
	[dreg:$0x3] =	wrdreg s6  }
0x23: {  	s24 =	simm.s32 $0x14A00;
	s15 =	simm.s32 $0x9A00;
	[dreg:$0x1e] =	wrdreg s14  }
0x24: {  	s25 =	simm.s32 $0x15200;
	s16 =	simm.s32 $0xA200;
	[dreg:$0x1f] =	wrdreg s15  }
0x25: {  	s26 =	simm.s32 $0x15A00;
	s8 =	sadd.s32 s3, s8;
	[smem:$0x7F3] =	sst s16  }
0x26: {  	s7 =	simm.s32 $0x200;
	s6 =	sadd.s32 s3, s0;
	[dreg:$0x4] =	wrdreg s8  }
0x27: {  	s9 =	simm.s32 $0xC200;
	s3 =	sadd.s32 s3, s11;
	[dreg:$0x5] =	wrdreg s6  }
0x28: {  	s10 =	simm.s32 $0x12200;
	s0 =	simm.s32 $0x4200;
	[dreg:$0x6] =	wrdreg s3  }
0x29: {  	s12 =	simm.s32 $0x1;
	s11 =	simm.s32 $0x8200;
	[dreg:$0x15] =	wrdreg s0  }
0x2a: {  	s14 =	simm.s32 $0x3;
	s6 =	simm.s32 $0x5200;
	[dreg:$0x1c] =	wrdreg s11  }
0x2b: {  	s16 =	simm.s32 $0x10A00;
	s8 =	simm.s32 $0x6A00;
	[dreg:$0x17] =	wrdreg s6  }
0x2c: {  	v2 =	vlaneseq.u32;
	s3 =	sadd.s32 $0x11A00, s1;
	s11 =	simm.s32 $0x6;
	[dreg:$0x19] =	wrdreg s8  }
0x2d: {  	vm0 =	vmmov $0xffff;
	v1 =	vshrl.u32 v2, $0x3;
	s6 =	ssub.s32 s4, s13;
	s4 =	sadd.s32 $0x11B00, s1;
	s8 =	simm.s32 $0x6200  }
0x2e: {  	v0 =	vand.u32 $0x7, v2;
	v2 =	vor.u32 $0x8, v2;
	v1 =	vmul.u32 $0x8, v1;
	s13 =	simm.s32 $0x2;
	s1 =	simm.s32 $0x5;
	s6 =	smax.u32 s6, $0x1  }
.LBB2_1:
0x2f: {  	s0 =	rddreg [dreg:$0x3]  }
0x30: {  	[tilespmem:s7], [sflag:$0x1] =	stream.linear.gather [hbm4b:s0+s2], $0x6000, $0x38;
	[tilespmem:$0x18200] =	vst v63  }
0x31: {  	s15 =	rddreg [dreg:$0x4]  }
0x32: {  	[tilespmem:s8], [sflag:$0x2] =	stream.linear.gather [hbm4b:s15+s2], $0x6000, $0x38;
	[tilespmem:$0x18200] =	vst v63  }
0x33: {  	s0 =	rddreg [dreg:$0x5]  }
0x34: {  	[tilespmem:s9], [sflag:$0x3] =	stream.linear.gather [hbm4b:s0+s2], $0x6000, $0x38;
	[tilespmem:$0x18200] =	vst v63  }
0x35: {  	s15 =	rddreg [dreg:$0x6]  }
0x36: {  	[tilespmem:s10], [sflag:$0x4] =	stream.linear.gather [hbm4b:s15+s2], $0x6000, $0x38;
	[tilespmem:$0x18200] =	vst v63  }
0x37: {  	s0 =	rddreg [dreg:$0xa]  }
0x38: {  	[tilespmem:s2], [sflag:$0x6] =	stream.linear.gather [hbm4b:s0+s2], $0x20, $0x38;
	[tilespmem:$0x18200] =	vst v63  }
0x39: {  	_ =	swait.ge [sflag:s11], $0x20  }
0x3a: {  	s0 =	rddreg [dreg:$0x7];
	[sflag:s11] =	ssyncset.done $0x0  }
0x3b: {  	s15 =	rddreg [dreg:$0xb];
	[sflag:s11] =	ssyncadd.s32 $0xFFFFFFE0  }
0x3c: {  	[tilespmem:s15], [sflag:$0x6] =	stream.linear.gather [hbm4b:s0+s2], $0x20, $0x38;
	[tilespmem:$0x18200] =	vst v63  }
0x3d: {  	_ =	swait.ge [sflag:s11], $0x20  }
0x3e: {  	s0 =	rddreg [dreg:$0x8];
	[sflag:s11] =	ssyncset.done $0x0  }
0x3f: {  	s15 =	rddreg [dreg:$0xc];
	[sflag:s11] =	ssyncadd.s32 $0xFFFFFFE0  }
0x40: {  	[tilespmem:s15], [sflag:$0x6] =	stream.linear.gather [hbm4b:s0+s2], $0x20, $0x38;
	[tilespmem:$0x18200] =	vst v63  }
0x41: {  	_ =	swait.ge [sflag:s11], $0x20  }
0x42: {  	s0 =	rddreg [dreg:$0x9];
	[sflag:s11] =	ssyncset.done $0x0  }
0x43: {  	s15 =	rddreg [dreg:$0xd];
	[sflag:s11] =	ssyncadd.s32 $0xFFFFFFE0  }
0x44: {  	[tilespmem:s15], [sflag:$0x6] =	stream.linear.gather [hbm4b:s0+s2], $0x20, $0x38;
	[tilespmem:$0x18200] =	vst v63  }
0x45: {  	_ =	swait.ge [sflag:s11], $0x20  }
0x46: {  	[sflag:s11] =	ssyncset.done $0x0  }
0x47: {  	[sflag:s11] =	ssyncadd.s32 $0xFFFFFFE0  }
0x48: {  	_ =	swait.ge [sflag:s12], $0x6000  }
0x49: {  	[sflag:s12] =	ssyncset.done $0x0  }
0x4a: {  	[sflag:s12] =	ssyncadd.s32 $0xFFFFA000  }
0x4b: {  	v3 =	vld [tilespmem:$0x0];
	_ =	sdelay $0x4  }
0x4c: {  	v4 =	vshrl.u32 v3, $0x3  }
0x4d: {  	v4 =	vmul.u32 $0x30, v4  }
0x4e: {  	v3 =	vand.u32 $0x7, v3  }
0x4f: {  	v3 =	vor.u32 v3, v4  }
0x50: {  	v4 =	vperm.xlane v3, v0;
	_ =	sdelay $0x1  }
0x51: {  	v4 =	vadd.s32 v1, v4;
	_ =	sdelay $0x3  }
0x52: {  	v3 =	vperm.xlane v3, v2  }
0x53: {  	[hbm4b:s3+s2] =	stream.indirect_vreg.scatter [tilespmem:s7], [sflag:$0x5], $0x80, v4, vm0, $0xb8;
	[tilespmem:$0x18200] =	vst v63  }
0x54: {  	s0 =	rddreg [dreg:$0xe];
	v3 =	vadd.s32 v1, v3  }
0x55: {  	[hbm4b:s4+s2] =	stream.indirect_vreg.scatter [tilespmem:s0], [sflag:$0x5], $0x80, v4, vm0, $0xb8;
	[tilespmem:$0x18200] =	vst v63  }
0x56: {  	s15 =	rddreg [dreg:$0xf]  }
0x57: {  	[hbm4b:s5+s2] =	stream.indirect_vreg.scatter [tilespmem:s15], [sflag:$0x5], $0x80, v4, vm0, $0xb8;
	[tilespmem:$0x18200] =	vst v63  }
0x58: {  	s0 =	rddreg [dreg:$0x10]  }
0x59: {  	[hbm4b:s3+s2] =	stream.indirect_vreg.scatter [tilespmem:s0], [sflag:$0x5], $0x80, v3, vm0, $0xb8;
	[tilespmem:$0x18200] =	vst v63  }
0x5a: {  	s15 =	rddreg [dreg:$0x11]  }
0x5b: {  	[hbm4b:s4+s2] =	stream.indirect_vreg.scatter [tilespmem:s15], [sflag:$0x5], $0x80, v3, vm0, $0xb8;
	[tilespmem:$0x18200] =	vst v63  }
0x5c: {  	s0 =	rddreg [dreg:$0x12]  }
0x5d: {  	[hbm4b:s5+s2] =	stream.indirect_vreg.scatter [tilespmem:s0], [sflag:$0x5], $0x80, v3, vm0, $0xb8;
	[tilespmem:$0x18200] =	vst v63  }
0x5e: {  	v3 =	vld [tilespmem:$0x10];
	_ =	sdelay $0x4  }
0x5f: {  	v57 =	vshrl.u32 v3, $0x3  }
0x60: {  	v4 =	vmul.u32 $0x30, v57  }
0x61: {  	v3 =	vand.u32 $0x7, v3  }
0x62: {  	v3 =	vor.u32 v3, v4  }
0x63: {  	v4 =	vperm.xlane v3, v0;
	_ =	sdelay $0x1  }
0x64: {  	v4 =	vadd.s32 v1, v4;
	_ =	sdelay $0x3  }
0x65: {  	s0 =	rddreg [dreg:$0x13];
	v3 =	vperm.xlane v3, v2  }
0x66: {  	[hbm4b:s3+s2] =	stream.indirect_vreg.scatter [tilespmem:s0], [sflag:$0x5], $0x80, v4, vm0, $0xb8;
	[tilespmem:$0x18200] =	vst v63  }
0x67: {  	s15 =	rddreg [dreg:$0x14];
	v3 =	vadd.s32 v1, v3  }
0x68: {  	[hbm4b:s4+s2] =	stream.indirect_vreg.scatter [tilespmem:s15], [sflag:$0x5], $0x80, v4, vm0, $0xb8;
	[tilespmem:$0x18200] =	vst v63  }
0x69: {  	s0 =	rddreg [dreg:$0x15]  }
0x6a: {  	[hbm4b:s5+s2] =	stream.indirect_vreg.scatter [tilespmem:s0], [sflag:$0x5], $0x80, v4, vm0, $0xb8;
	[tilespmem:$0x18200] =	vst v63  }
0x6b: {  	s15 =	rddreg [dreg:$0x16]  }
0x6c: {  	[hbm4b:s3+s2] =	stream.indirect_vreg.scatter [tilespmem:s15], [sflag:$0x5], $0x80, v3, vm0, $0xb8;
	[tilespmem:$0x18200] =	vst v63  }
0x6d: {  	s0 =	rddreg [dreg:$0x17]  }
0x6e: {  	[hbm4b:s4+s2] =	stream.indirect_vreg.scatter [tilespmem:s0], [sflag:$0x5], $0x80, v3, vm0, $0xb8;
	[tilespmem:$0x18200] =	vst v63  }
0x6f: {  	s15 =	rddreg [dreg:$0x18]  }
0x70: {  	[hbm4b:s5+s2] =	stream.indirect_vreg.scatter [tilespmem:s15], [sflag:$0x5], $0x80, v3, vm0, $0xb8;
	[tilespmem:$0x18200] =	vst v63  }
0x71: {  	_ =	swait.ge [sflag:s13], $0x6000  }
0x72: {  	[sflag:s13] =	ssyncset.done $0x0  }
0x73: {  	[sflag:s13] =	ssyncadd.s32 $0xFFFFA000  }
0x74: {  	v3 =	vld [tilespmem:$0x80];
	_ =	sdelay $0x4  }
0x75: {  	v58 =	vshrl.u32 v3, $0x3  }
0x76: {  	v4 =	vmul.u32 $0x30, v58  }
0x77: {  	v3 =	vand.u32 $0x7, v3  }
0x78: {  	v3 =	vor.u32 v3, v4  }
0x79: {  	v4 =	vperm.xlane v3, v0;
	_ =	sdelay $0x1  }
0x7a: {  	v4 =	vadd.s32 v1, v4;
	_ =	sdelay $0x3  }
0x7b: {  	v3 =	vperm.xlane v3, v2  }
0x7c: {  	[hbm4b:s3+s2] =	stream.indirect_vreg.scatter [tilespmem:s8], [sflag:$0x5], $0x80, v4, vm0, $0xb8;
	[tilespmem:$0x18200] =	vst v63  }
0x7d: {  	s0 =	rddreg [dreg:$0x19];
	v3 =	vadd.s32 v1, v3  }
0x7e: {  	[hbm4b:s4+s2] =	stream.indirect_vreg.scatter [tilespmem:s0], [sflag:$0x5], $0x80, v4, vm0, $0xb8;
	[tilespmem:$0x18200] =	vst v63  }
0x7f: {  	s15 =	rddreg [dreg:$0x1a]  }
0x80: {  	[hbm4b:s5+s2] =	stream.indirect_vreg.scatter [tilespmem:s15], [sflag:$0x5], $0x80, v4, vm0, $0xb8;
	[tilespmem:$0x18200] =	vst v63  }
0x81: {  	s0 =	rddreg [dreg:$0x1b]  }
0x82: {  	[hbm4b:s3+s2] =	stream.indirect_vreg.scatter [tilespmem:s0], [sflag:$0x5], $0x80, v3, vm0, $0xb8;
	[tilespmem:$0x18200] =	vst v63  }
0x83: {  	s15 =	rddreg [dreg:$0x1c]  }
0x84: {  	[hbm4b:s4+s2] =	stream.indirect_vreg.scatter [tilespmem:s15], [sflag:$0x5], $0x80, v3, vm0, $0xb8;
	[tilespmem:$0x18200] =	vst v63  }
0x85: {  	s0 =	rddreg [dreg:$0x1d]  }
0x86: {  	[hbm4b:s5+s2] =	stream.indirect_vreg.scatter [tilespmem:s0], [sflag:$0x5], $0x80, v3, vm0, $0xb8;
	[tilespmem:$0x18200] =	vst v63  }
0x87: {  	v3 =	vld [tilespmem:$0x90];
	_ =	sdelay $0x4  }
0x88: {  	v59 =	vshrl.u32 v3, $0x3  }
0x89: {  	v4 =	vmul.u32 $0x30, v59  }
0x8a: {  	v3 =	vand.u32 $0x7, v3  }
0x8b: {  	v3 =	vor.u32 v3, v4  }
0x8c: {  	v4 =	vperm.xlane v3, v0;
	_ =	sdelay $0x1  }
0x8d: {  	v4 =	vadd.s32 v1, v4;
	_ =	sdelay $0x2  }
0x8e: {  	s15 =	rddreg [dreg:$0x1f]  }
0x8f: {  	s0 =	rddreg [dreg:$0x1e];
	v3 =	vperm.xlane v3, v2  }
0x90: {  	[hbm4b:s3+s2] =	stream.indirect_vreg.scatter [tilespmem:s0], [sflag:$0x5], $0x80, v4, vm0, $0xb8;
	[tilespmem:$0x18200] =	vst v63  }
0x91: {  	v3 =	vadd.s32 v1, v3;
	s0 =	sld [smem:$0x7F3]  }
0x92: {  	[hbm4b:s4+s2] =	stream.indirect_vreg.scatter [tilespmem:s15], [sflag:$0x5], $0x80, v4, vm0, $0xb8;
	[tilespmem:$0x18200] =	vst v63  }
0x93: {  	s15 =	sld [smem:$0x7F4]  }
0x94: {  	[hbm4b:s5+s2] =	stream.indirect_vreg.scatter [tilespmem:s0], [sflag:$0x5], $0x80, v4, vm0, $0xb8;
	[tilespmem:$0x18200] =	vst v63  }
0x95: {  	s0 =	sld [smem:$0x7F5]  }
0x96: {  	[hbm4b:s3+s2] =	stream.indirect_vreg.scatter [tilespmem:s15], [sflag:$0x5], $0x80, v3, vm0, $0xb8;
	[tilespmem:$0x18200] =	vst v63  }
0x97: {  	s15 =	sld [smem:$0x7F6]  }
0x98: {  	[hbm4b:s4+s2] =	stream.indirect_vreg.scatter [tilespmem:s0], [sflag:$0x5], $0x80, v3, vm0, $0xb8;
	[tilespmem:$0x18200] =	vst v63  }
0x99: {  	_ = 	snop  }
0x9a: {  	[hbm4b:s5+s2] =	stream.indirect_vreg.scatter [tilespmem:s15], [sflag:$0x5], $0x80, v3, vm0, $0xb8;
	[tilespmem:$0x18200] =	vst v63  }
0x9b: {  	_ =	swait.ge [sflag:s14], $0x6000  }
0x9c: {  	[sflag:s14] =	ssyncset.done $0x0  }
0x9d: {  	[sflag:s14] =	ssyncadd.s32 $0xFFFFA000  }
0x9e: {  	v3 =	vld [tilespmem:$0x100];
	_ =	sdelay $0x4  }
0x9f: {  	v60 =	vshrl.u32 v3, $0x3  }
0xa0: {  	v4 =	vmul.u32 $0x30, v60  }
0xa1: {  	v3 =	vand.u32 $0x7, v3  }
0xa2: {  	v3 =	vor.u32 v3, v4  }
0xa3: {  	v4 =	vperm.xlane v3, v0;
	_ =	sdelay $0x1  }
0xa4: {  	v4 =	vadd.s32 v1, v4;
	_ =	sdelay $0x3  }
0xa5: {  	s0 =	sld [smem:$0x7F7];
	v3 =	vperm.xlane v3, v2  }
0xa6: {  	[hbm4b:s3+s2] =	stream.indirect_vreg.scatter [tilespmem:s9], [sflag:$0x5], $0x80, v4, vm0, $0xb8;
	[tilespmem:$0x18200] =	vst v63  }
0xa7: {  	s15 =	sld [smem:$0x7F8];
	v3 =	vadd.s32 v1, v3  }
0xa8: {  	[hbm4b:s4+s2] =	stream.indirect_vreg.scatter [tilespmem:s0], [sflag:$0x5], $0x80, v4, vm0, $0xb8;
	[tilespmem:$0x18200] =	vst v63  }
0xa9: {  	s0 =	sld [smem:$0x7F9]  }
0xaa: {  	[hbm4b:s5+s2] =	stream.indirect_vreg.scatter [tilespmem:s15], [sflag:$0x5], $0x80, v4, vm0, $0xb8;
	[tilespmem:$0x18200] =	vst v63  }
0xab: {  	s15 =	sld [smem:$0x7FA]  }
0xac: {  	[hbm4b:s3+s2] =	stream.indirect_vreg.scatter [tilespmem:s0], [sflag:$0x5], $0x80, v3, vm0, $0xb8;
	[tilespmem:$0x18200] =	vst v63  }
0xad: {  	s0 =	sld [smem:$0x7FB]  }
0xae: {  	[hbm4b:s4+s2] =	stream.indirect_vreg.scatter [tilespmem:s15], [sflag:$0x5], $0x80, v3, vm0, $0xb8;
	[tilespmem:$0x18200] =	vst v63  }
0xaf: {  	_ = 	snop  }
0xb0: {  	[hbm4b:s5+s2] =	stream.indirect_vreg.scatter [tilespmem:s0], [sflag:$0x5], $0x80, v3, vm0, $0xb8;
	[tilespmem:$0x18200] =	vst v63  }
0xb1: {  	v3 =	vld [tilespmem:$0x110];
	_ =	sdelay $0x4  }
0xb2: {  	v61 =	vshrl.u32 v3, $0x3  }
0xb3: {  	v4 =	vmul.u32 $0x30, v61  }
0xb4: {  	v3 =	vand.u32 $0x7, v3  }
0xb5: {  	v3 =	vor.u32 v3, v4  }
0xb6: {  	v4 =	vperm.xlane v3, v0;
	_ =	sdelay $0x1  }
0xb7: {  	v4 =	vadd.s32 v1, v4;
	_ =	sdelay $0x1  }
0xb8: {  	s0 =	sld [smem:$0x7FC];
	_ =	sdelay $0x1  }
0xb9: {  	s15 =	sld [smem:$0x7FD];
	v3 =	vperm.xlane v3, v2  }
0xba: {  	[hbm4b:s3+s2] =	stream.indirect_vreg.scatter [tilespmem:s0], [sflag:$0x5], $0x80, v4, vm0, $0xb8;
	[tilespmem:$0x18200] =	vst v63  }
0xbb: {  	v3 =	vadd.s32 v1, v3  }
0xbc: {  	[hbm4b:s4+s2] =	stream.indirect_vreg.scatter [tilespmem:s15], [sflag:$0x5], $0x80, v4, vm0, $0xb8;
	[tilespmem:$0x18200] =	vst v63  }
0xbd: {  	s15 =	simm.s32 $0x10200  }
0xbe: {  	[hbm4b:s5+s2] =	stream.indirect_vreg.scatter [tilespmem:s15], [sflag:$0x5], $0x80, v4, vm0, $0xb8;
	[tilespmem:$0x18200] =	vst v63  }
0xbf: {  	_ = 	snop  }
0xc0: {  	[hbm4b:s3+s2] =	stream.indirect_vreg.scatter [tilespmem:s16], [sflag:$0x5], $0x80, v3, vm0, $0xb8;
	[tilespmem:$0x18200] =	vst v63  }
0xc1: {  	_ = 	snop  }
0xc2: {  	[hbm4b:s4+s2] =	stream.indirect_vreg.scatter [tilespmem:s17], [sflag:$0x5], $0x80, v3, vm0, $0xb8;
	[tilespmem:$0x18200] =	vst v63  }
0xc3: {  	_ = 	snop  }
0xc4: {  	[hbm4b:s5+s2] =	stream.indirect_vreg.scatter [tilespmem:s18], [sflag:$0x5], $0x80, v3, vm0, $0xb8;
	[tilespmem:$0x18200] =	vst v63  }
0xc5: {  	_ =	swait.ge [sflag:s19], $0x6000  }
0xc6: {  	[sflag:s19] =	ssyncset.done $0x0  }
0xc7: {  	[sflag:s19] =	ssyncadd.s32 $0xFFFFA000  }
0xc8: {  	v3 =	vld [tilespmem:$0x180];
	_ =	sdelay $0x4  }
0xc9: {  	v62 =	vshrl.u32 v3, $0x3  }
0xca: {  	v4 =	vmul.u32 $0x30, v62  }
0xcb: {  	v3 =	vand.u32 $0x7, v3  }
0xcc: {  	v3 =	vor.u32 v3, v4  }
0xcd: {  	v4 =	vperm.xlane v3, v0;
	_ =	sdelay $0x1  }
0xce: {  	v4 =	vadd.s32 v1, v4;
	_ =	sdelay $0x3  }
0xcf: {  	v3 =	vperm.xlane v3, v2  }
0xd0: {  	[hbm4b:s3+s2] =	stream.indirect_vreg.scatter [tilespmem:s10], [sflag:$0x5], $0x80, v4, vm0, $0xb8;
	[tilespmem:$0x18200] =	vst v63  }
0xd1: {  	v3 =	vadd.s32 v1, v3  }
0xd2: {  	[hbm4b:s4+s2] =	stream.indirect_vreg.scatter [tilespmem:s20], [sflag:$0x5], $0x80, v4, vm0, $0xb8;
	[tilespmem:$0x18200] =	vst v63  }
0xd3: {  	_ = 	snop  }
0xd4: {  	[hbm4b:s5+s2] =	stream.indirect_vreg.scatter [tilespmem:s21], [sflag:$0x5], $0x80, v4, vm0, $0xb8;
	[tilespmem:$0x18200] =	vst v63  }
0xd5: {  	_ = 	snop  }
0xd6: {  	[hbm4b:s3+s2] =	stream.indirect_vreg.scatter [tilespmem:s22], [sflag:$0x5], $0x80, v3, vm0, $0xb8;
	[tilespmem:$0x18200] =	vst v63  }
0xd7: {  	_ = 	snop  }
0xd8: {  	[hbm4b:s4+s2] =	stream.indirect_vreg.scatter [tilespmem:s23], [sflag:$0x5], $0x80, v3, vm0, $0xb8;
	[tilespmem:$0x18200] =	vst v63  }
0xd9: {  	_ = 	snop  }
0xda: {  	[hbm4b:s5+s2] =	stream.indirect_vreg.scatter [tilespmem:s24], [sflag:$0x5], $0x80, v3, vm0, $0xb8;
	[tilespmem:$0x18200] =	vst v63  }
0xdb: {  	v3 =	vld [tilespmem:$0x190];
	_ =	sdelay $0x4  }
0xdc: {  	v63 =	vshrl.u32 v3, $0x3  }
0xdd: {  	v4 =	vmul.u32 $0x30, v63  }
0xde: {  	v3 =	vand.u32 $0x7, v3  }
0xdf: {  	v3 =	vor.u32 v3, v4  }
0xe0: {  	v4 =	vperm.xlane v3, v0;
	_ =	sdelay $0x1  }
0xe1: {  	v4 =	vadd.s32 v1, v4;
	_ =	sdelay $0x3  }
0xe2: {  	v3 =	vperm.xlane v3, v2  }
0xe3: {  	[hbm4b:s3+s2] =	stream.indirect_vreg.scatter [tilespmem:s25], [sflag:$0x5], $0x80, v4, vm0, $0xb8;
	[tilespmem:$0x18200] =	vst v63  }
0xe4: {  	v3 =	vadd.s32 v1, v3  }
0xe5: {  	[hbm4b:s4+s2] =	stream.indirect_vreg.scatter [tilespmem:s26], [sflag:$0x5], $0x80, v4, vm0, $0xb8;
	[tilespmem:$0x18200] =	vst v63  }
0xe6: {  	_ = 	snop  }
0xe7: {  	[hbm4b:s5+s2] =	stream.indirect_vreg.scatter [tilespmem:s28], [sflag:$0x5], $0x80, v4, vm0, $0xb8;
	[tilespmem:$0x18200] =	vst v63  }
0xe8: {  	_ = 	snop  }
0xe9: {  	[hbm4b:s3+s2] =	stream.indirect_vreg.scatter [tilespmem:s29], [sflag:$0x5], $0x80, v3, vm0, $0xb8;
	[tilespmem:$0x18200] =	vst v63  }
0xea: {  	_ = 	snop  }
0xeb: {  	[hbm4b:s4+s2] =	stream.indirect_vreg.scatter [tilespmem:s30], [sflag:$0x5], $0x80, v3, vm0, $0xb8;
	[tilespmem:$0x18200] =	vst v63  }
0xec: {  	_ = 	snop  }
0xed: {  	[hbm4b:s5+s2] =	stream.indirect_vreg.scatter [tilespmem:s31], [sflag:$0x5], $0x80, v3, vm0, $0xb8;
	[tilespmem:$0x18200] =	vst v63  }
0xee: {  	_ =	swait.ge [sflag:s1], $0x6000  }
0xef: {  	[sflag:s1] =	ssyncset.done $0x0  }
0xf0: {  	[sflag:s1] =	ssyncadd.s32 $0xFFFFA000  }
0xf1: {  	_ =	swait.ge [sflag:s1], $0x6000  }
0xf2: {  	[sflag:s1] =	ssyncset.done $0x0  }
0xf3: {  	[sflag:s1] =	ssyncadd.s32 $0xFFFFA000  }
0xf4: {  	p0 =	sne.s32 s6, $0x1;
	_ =	swait.ge [sflag:s1], $0x6000  }
.Ltmp0:
0xf5: {  	[sflag:s1] =	ssyncset.done $0x0;
	(pc) =	sbr.rel @p0 .LBB2_1-.Ltmp0, $4  }
0xf6: {  	[sflag:s1] =	ssyncadd.s32 $0xFFFFA000  }
0xf7: {  	_ =	swait.ge [sflag:s1], $0x6000  }
0xf8: {  	[sflag:s1] =	ssyncset.done $0x0  }
0xf9: {  	s6 =	sadd.s32 $0xFFFFFFFF, s6;
	[sflag:s1] =	ssyncadd.s32 $0xFFFFA000  }
0xfa: {  	_ =	sfence.sel $0x180000  }
0xfb: {  	[bflag:$0x0] =	sbarrier.arrive $0xFFFF  }
0xfc: {  	_ =	strace $0x90000047  }
0xfd: {  	s0 =	stileid.u32;
	[bflag:$0x2] =	sbarrier.arrive $0xFFFF  }
0xfe: {  	p0 =	sne.s32 s0, $0x0;
	s0 =	rddreg [dreg:$0x2]  }
0xff: {  	s0 =	sadd.s32 @!p0 $0x100000, s0  }
0x100: {  	[sflag:s0] =	ssyncadd.tile.s32 @!p0 $0x1;
	_ =	shalt  }
.Lfunc_end2:
_tile_overlayer_lowered:
.L_overlay_start_2:
0x101: {  	(tag) =	ssettag $0x2  }
0x102: {  	s0 =	rddreg [dreg:$0x0];
	s2 =	stileid.u32  }
0x103: {  	s1 =	rddreg [dreg:$0x1];
	p0 =	sne.s32 s2, $0x0  }
0x104: {  	s3 =	rddreg [dreg:$0x2];
	[bflag:$0x3] =	sbarrier.arrive $0xFFFF;
	s2 =	simm.s32 @!p0 $0x1C06  }
0x105: {  	[timem:s3], [sflag:s2] =	dma.local @!p0 [hbm:s0], s1  }
0x106: {  	s0 =	simm.s32 @!p0 $0x6  }
0x107: {  	_ =	swait.ge @!p0 [sflag:s0], s1  }
0x108: {  	s1 =	ssub.s32 @!p0 $0x0, s1;
	[sflag:s0] =	ssyncset.done @!p0 $0x0  }
0x109: {  	[sflag:s0] =	ssyncadd.s32 @!p0 s1  }
0x10a: {  	[bflag:$0x3] =	sbarrier.arrive $0xFFFF  }
0x10b: {  	_ =	shalt  }

// kernel: kernel.9.cloned.1.call-start
scs
__scs_entry_jumppad:
0x0: {  	(pc) =	sbr.rel $0x88, $3  }
0x1: {  	(tag) =	ssettag $0x0;
	lr =	simm.s32 $0x1  }
0x2: {  	[smem:$0x3F9C] =	sst lr;
	_ =	strace $0xD0000000  }
0x3: {  	_ = 	snop  }
0x4: {  	_ = 	snop  }
0x5: {  	_ = 	snop  }
0x6: {  	_ = 	snop  }
0x7: {  	_ = 	snop  }
__scs_overlays_trampoline_lowered:
0x8: {  	[smem:$0x3FAB] =	sst s0  }
0x9: {  	[smem:$0x3FAC] =	sst s1  }
0xa: {  	[smem:$0x3FAD] =	sst s2  }
0xb: {  	[smem:$0x3FAE] =	sst s3  }
0xc: {  	[smem:$0x3FAF] =	sst s4  }
0xd: {  	[smem:$0x3FB0] =	sst s5  }
0xe: {  	[smem:$0x3FB1] =	sst s6  }
0xf: {  	[smem:$0x3FB2] =	sst s7  }
0x10: {  	[smem:$0x3FB3] =	sst s8  }
0x11: {  	[smem:$0x3FB4] =	sst s9;
	s0 =	simm.s32 @!p0 $0x0  }
0x12: {  	s1 =	sld [smem:$0x3F9A];
	s0 =	simm.s32 @p0 $0x1  }
0x13: {  	[smem:$0x3FB5] =	sst s0;
	s0 =	simm.s32 @!p1 $0x0  }
0x14: {  	s2 =	sld [smem:$0x3F99];
	s0 =	simm.s32 @p1 $0x1  }
0x15: {  	[smem:$0x3FB6] =	sst s0;
	s0 =	simm.s32 @!p2 $0x0  }
0x16: {  	s3 =	sld [smem:$0x3FDB];
	s0 =	simm.s32 @p2 $0x1  }
0x17: {  	s4 =	simm.s32 $0x1BF5;
	[smem:$0x3FB8] =	sst s0  }
0x18: {  	s0 =	sld [smem:$0x3F9B];
	_ =	swait.ge [sflag:s4], $0x0  }
0x19: {  	s7 =	sld [smem:$0x3F9C]  }
0x1a: {  	s8 =	sadd.s32 $0xFFFFE003, lr  }
0x1b: {  	s9 =	sadd.s32 $0xFFFFFEF7, lr;
	s5 =	simm.s32 $0xFFFFFFFF;
	p2 =	slt.u32 s8, $0xFFFFF086  }
0x1c: {  	p1 =	slt.u32 s9, $0xF7A;
	s5 =	simm.s32 @!p2 $0x0  }
0x1d: {  	s5 =	simm.s32 @p1 $0x1;
	p0 =	seq.s32 s7, s2  }
0x1e: {  	s7 =	smul.u32 @!p0 $0xF7A, s2;
	p2 =	seq.s32 @!p0 s5, $0x0  }
0x1f: {  	s9 =	smul.u32 $0xF7A, s1;
	s8 =	simm.s32 @!p0 $0x1BF5;
	p2 =	por !p2, p0  }
0x20: {  	[sflag:s8] =	ssyncset.s32 @!p0 $0xFFFFF086;
	s6 =	sadd.s32 @!p0 s3, s7;
	s7 =	simm.s32 @!p0 $0x108  }
0x21: {  	s3 =	sadd.s32 s3, s9;
	s6 =	sadd.s32 @!p0 $0x88, s6;
	s7 =	simm.s32 @p2 $0x1082  }
0x22: {  	[simem:s7], [sflag:s8] =	dma.local @!p0 [hbm:s6], $0xF7A  }
0x23: {  	s9 =	sor.u32 $0xD0000000, s2;
	s6 =	simm.s32 $0x108;
	_ =	swait.ge @!p0 [sflag:s8], $0x0  }
0x24: {  	s3 =	sadd.s32 $0x88, s3;
	s6 =	simm.s32 @!p1 $0x1082;
	[sflag:s4] =	ssyncset.s32 $0xFFFFF086  }
0x25: {  	[simem:s6], [sflag:s4] =	dma.local [hbm:s3], $0xF7A  }
0x26: {  	[smem:$0x3F9C] =	sst s1;
	(tag) =	ssettag s2;
	_ =	strace s9  }
0x27: {  	s1 =	sld [smem:$0x3FAC]  }
0x28: {  	s2 =	sld [smem:$0x3FAD]  }
0x29: {  	s4 =	sld [smem:$0x3FAF]  }
0x2a: {  	p0 =	seq.s32 s5, $0x0;
	s5 =	sld [smem:$0x3FB0]  }
0x2b: {  	s6 =	sld [smem:$0x3FB1]  }
0x2c: {  	s7 =	sld [smem:$0x3FB2]  }
0x2d: {  	s3 =	simm.s32 $0x108;
	s8 =	sld [smem:$0x3FB3]  }
0x2e: {  	s3 =	simm.s32 @!p0 $0x1082;
	s9 =	sld [smem:$0x3FB4]  }
0x2f: {  	lr =	sadd.s32 s0, s3;
	s0 =	sld [smem:$0x3FAB]  }
0x30: {  	s3 =	sld [smem:$0x3FAE]  }
0x31: {  	[smem:$0x3FB7] =	sst s10  }
0x32: {  	s10 =	sld [smem:$0x3FB5];
	_ =	sdelay $0x3  }
0x33: {  	p0 =	seq.s32 s10, $0x1;
	s10 =	sld [smem:$0x3FB7];
	_ =	sdelay $0x3  }
0x34: {  	[smem:$0x3FB7] =	sst s10  }
0x35: {  	s10 =	sld [smem:$0x3FB6];
	_ =	sdelay $0x3  }
0x36: {  	p1 =	seq.s32 s10, $0x1;
	s10 =	sld [smem:$0x3FB7];
	_ =	sdelay $0x3  }
0x37: {  	[smem:$0x3FB7] =	sst s10  }
0x38: {  	s10 =	sld [smem:$0x3FB8]  }
0x39: {  	_ = 	snop;
	(pc) =	sbr.ind lr, $3  }
0x3a: {  	_ = 	snop  }
0x3b: {  	_ = 	snop  }
0x3c: {  	p2 =	seq.s32 s10, $0x1;
	s10 =	sld [smem:$0x3FB7]  }
0x3d: {  	_ =	shalt  }
0x3e: {  	_ =	shalt  }
0x3f: {  	_ =	shalt  }
0x40: {  	_ =	shalt  }
0x41: {  	_ =	shalt  }
0x42: {  	_ =	shalt  }
0x43: {  	_ =	shalt  }
0x44: {  	_ =	shalt  }
0x45: {  	_ =	shalt  }
0x46: {  	_ =	shalt  }
0x47: {  	_ =	shalt  }
0x48: {  	_ =	shalt  }
0x49: {  	_ =	shalt  }
0x4a: {  	_ =	shalt  }
0x4b: {  	_ =	shalt  }
0x4c: {  	_ =	shalt  }
0x4d: {  	_ =	shalt  }
0x4e: {  	_ =	shalt  }
0x4f: {  	_ =	shalt  }
0x50: {  	_ =	shalt  }
0x51: {  	_ =	shalt  }
0x52: {  	_ =	shalt  }
0x53: {  	_ =	shalt  }
0x54: {  	_ =	shalt  }
0x55: {  	_ =	shalt  }
0x56: {  	_ =	shalt  }
0x57: {  	_ =	shalt  }
0x58: {  	_ =	shalt  }
0x59: {  	_ =	shalt  }
0x5a: {  	_ =	shalt  }
0x5b: {  	_ =	shalt  }
0x5c: {  	_ =	shalt  }
0x5d: {  	_ =	shalt  }
0x5e: {  	_ =	shalt  }
0x5f: {  	_ =	shalt  }
0x60: {  	_ =	shalt  }
0x61: {  	_ =	shalt  }
0x62: {  	_ =	shalt  }
0x63: {  	_ =	shalt  }
0x64: {  	_ =	shalt  }
0x65: {  	_ =	shalt  }
0x66: {  	_ =	shalt  }
0x67: {  	_ =	shalt  }
0x68: {  	_ =	shalt  }
0x69: {  	_ =	shalt  }
0x6a: {  	_ =	shalt  }
0x6b: {  	_ =	shalt  }
0x6c: {  	_ =	shalt  }
0x6d: {  	_ =	shalt  }
0x6e: {  	_ =	shalt  }
0x6f: {  	_ =	shalt  }
0x70: {  	_ =	shalt  }
0x71: {  	_ =	shalt  }
0x72: {  	_ =	shalt  }
0x73: {  	_ =	shalt  }
0x74: {  	_ =	shalt  }
0x75: {  	_ =	shalt  }
0x76: {  	_ =	shalt  }
0x77: {  	_ =	shalt  }
0x78: {  	_ =	shalt  }
0x79: {  	_ =	shalt  }
0x7a: {  	_ =	shalt  }
0x7b: {  	_ =	shalt  }
0x7c: {  	_ =	shalt  }
0x7d: {  	_ =	shalt  }
0x7e: {  	_ =	shalt  }
0x7f: {  	_ =	shalt  }
0x80: {  	_ =	shalt  }
0x81: {  	_ =	shalt  }
0x82: {  	_ =	shalt  }
0x83: {  	_ =	shalt  }
0x84: {  	_ =	shalt  }
0x85: {  	_ =	shalt  }
0x86: {  	_ =	shalt  }
0x87: {  	_ =	shalt  }
.Lfunc_end0:
.L_simem_size_0:
called_computation.1_lowered:
.L_overlay_start_0:
0x88: {  	s2 =	sld [smem:$0x3FD9]  }
0x89: {  	s3 =	sld [smem:$0x3FFE];
	_ =	sdelay $0x1  }
0x8a: {  	s1 =	srdreg.scid  }
0x8b: {  	s0 =	sand.u32 $0x1, s1  }
0x8c: {  	s17 =	sshll.u32 s0, $0xA;
	s2 =	sadd.s32 s3, s2  }
0x8d: {  	s2 =	sadd.s32 s2, s17  }
0x8e: {  	[smem:$0x3FC3] =	sst s2  }
0x8f: {  	_ = 	snop  }
0x90: {  	s2 =	sld [smem:$0x3FD0];
	(tm) =	ssettm $0x1  }
0x91: {  	s18 =	sld [smem:$0x3FFB];
	_ =	sdelay $0x3  }
0x92: {  	_ =	strace s18  }
0x93: {  	s3 =	sld [smem:$0x3FFC];
	_ =	sdelay $0x3  }
0x94: {  	_ =	strace s3  }
0x95: {  	s3 =	sld [smem:$0x3FFD];
	_ =	sdelay $0x3  }
0x96: {  	_ =	strace s3  }
0x97: {  	_ =	strace $0x8FFFFFFF  }
0x98: {  	s19 =	sld [smem:$0x3FDB];
	_ =	sdelay $0x1  }
0x99: {  	s4 =	simm.s32 $_scs_section_size  }
0x9a: {  	s5 =	simm.s32 $_size__tile_overlayer_lowered;
	s6 =	simm.s32 $_tile_overlayer_lowered  }
0x9b: {  	s22 =	simm.s32 $0x1BFF;
	s21 =	sshll.u32 s6, $0x1;
	s3 =	sadd.s32 s4, s19  }
0x9c: {  	s7 =	simm.s32 $0x0;
	s20 =	sshll.u32 s5, $0x1;
	s5 =	sadd.s32 s21, s3  }
0x9d: {  	[timem:s7], [sflag:s22] =	dma.local [hbm:s5], s20  }
0x9e: {  	_ =	swait.ge [sflag:s22], s20  }
0x9f: {  	s4 =	ssub.s32 $0x0, s20;
	[sflag:s22] =	ssyncset.done $0x0  }
0xa0: {  	[sflag:s22] =	ssyncadd.s32 s4;
	_ =	sdelay $0x1  }
0xa1: {  	s23 =	simm.s32 $0x1B8B  }
0xa2: {  	_ =	swait.ge [sflag:s23], $0x1  }
0xa3: {  	[sflag:s23] =	ssyncset.done $0x0  }
0xa4: {  	s25 =	simm.s32 $0x1B8E;
	s24 =	sld [smem:$0x3FFE];
	[sflag:s23] =	ssyncadd.s32 $0xFFFFFFFF  }
0xa5: {  	s26 =	simm.s32 $execute0_lowered;
	[smem:$0x3FD2] =	sst s25  }
0xa6: {  	s5 =	sshll.u32 s26, $0x1;
	_ =	strace $0x80000049;
	[dreg:$0x1] =	wrdreg $0xFFFFFFFF  }
0xa7: {  	s28 =	simm.s32 $_size_execute0_lowered;
	s3 =	sadd.s32 s3, s5;
	[dreg:$0x0] =	wrdreg $0x0  }
0xa8: {  	s5 =	sshll.u32 s28, $0x1;
	[dreg:$0x2] =	wrdreg s3  }
0xa9: {  	[dreg:$0x3] =	wrdreg s5  }
0xaa: {  	[dreg:$0x4] =	wrdreg $0xC0  }
0xab: {  	_ =	task [dreg:s7], $0x5FFFF  }
0xac: {  	[dreg:$0x1] =	wrdreg $0xFFFFFFFF  }
0xad: {  	[dreg:$0x0] =	wrdreg $0x60  }
0xae: {  	[dreg:$0x2] =	wrdreg s24  }
0xaf: {  	[dreg:$0x3] =	wrdreg s2  }
0xb0: {  	[dreg:$0x4] =	wrdreg $0x9  }
0xb1: {  	_ =	task.clear_ibuf [dreg:s7], $0x5FFFF;
	_ =	strace $0x90000049  }
0xb2: {  	s29 =	simm.s32 $0x9;
	_ =	strace $0x8000004B  }
0xb3: {  	_ =	swait.ge [sflag:s29], $0x1  }
0xb4: {  	[sflag:s29] =	ssyncadd.s32 $0xFFFFFFFF  }
0xb5: {  	_ =	strace $0x9000004B  }
0xb6: {  	_ =	sfence  }
0xb7: {  	s30 =	sld [smem:$0x0];
	_ =	sdelay $0x2  }
0xb8: {  	s31 =	sshll.u32 s1, $0xD;
	s1 =	sshrl.u32 s1, $0x2  }
0xb9: {  	s3 =	sand.u32 $0x4000, s31;
	s1 =	sadd.s32 s1, s30  }
0xba: {  	s0 =	sor.u32 s3, s0;
	s1 =	sshll.u32 s1, $0x11  }
0xbb: {  	s0 =	sor.u32 s1, s0  }
0xbc: {  	s0 =	sadd.s32 $0x8F2B, s0  }
0xbd: {  	[sflag:s0] =	ssyncadd.remote.s32 $0x1  }
0xbe: {  	_ =	sfence.sel $0xFFFF  }
0xbf: {  	[dreg:$0x0] =	wrdreg $0xFFFFFFFF;
	(pc) =	sbr.abs _section_cstart, $3  }
0xc0: {  	[dreg:$0x1] =	wrdreg $0xFFFFFFFF  }
0xc1: {  	_ =	task.clear_ibuf [dreg:s7], $0x2FFFF;
	_ =	strace $0x9FFFFFFF  }
0xc2: {  	(tm) =	ssettm $0x7FFFFFFF  }
0xc3: {  	_ =	shalt  }
tec
execute0_lowered:
.L_overlay_start_1:
0x0: {  	(tag) =	ssettag $0x1  }
0x1: {  	s0 =	rddreg [dreg:$0x0]  }
0x2: {  	s2 =	rddreg [dreg:$0x1];
	s1 =	simm.s32 $0x0  }
0x3: {  	s4 =	srdreg.scid;
	s5 =	stileid.u32;
	s15 =	simm.s32 $0x4  }
0x4: {  	s17 =	simm.s32 $0x4200;
	s28 =	simm.s32 $0xA200;
	s16 =	simm.s32 $0x1AA00  }
0x5: {  	s18 =	simm.s32 $0x1B200;
	s19 =	simm.s32 $0x1BA00;
	s20 =	simm.s32 $0x1  }
0x6: {  	s21 =	simm.s32 $0x2;
	s22 =	simm.s32 $0x3;
	s23 =	simm.s32 $0x0  }
0x7: {  	[smem:$0x7FF] =	sst s1;
	s3 =	sadd.s32 $0xC5A00, s0;
	s4 =	sand.u32 $0x1, s4  }
0x8: {  	s8 =	sadd.s32 $0x11600, s0;
	s5 =	sshll.u32 s5, $0x7;
	s6 =	sshll.u32 s4, $0x6  }
0x9: {  	s9 =	sadd.s32 $0x11800, s0;
	s4 =	ssub.s32 $0x2, s4;
	s5 =	sor.u32 s6, s5  }
0xa: {  	_ =	strace $0x8000004A;
	s7 =	sshrl.u32 s4, $0x1;
	s6 =	sshll.u32 s5, $0x4  }
0xb: {  	s10 =	sshrl.u32 s5, $0x3;
	s14 =	ssub.s32 s4, s7;
	s7 =	sadd.s32 $0xC5C00, s0  }
0xc: {  	s11 =	sadd.s32 s6, s0;
	s4 =	sadd.s32 s8, s10;
	s5 =	sadd.s32 s9, s10  }
0xd: {  	s12 =	sor.u32 $0x4, s10;
	s13 =	smul.u32 $0x300, s10;
	s6 =	sadd.s32 $0xC5B00, s0  }
0xe: {  	v2 =	vlaneseq.u32;
	s14 =	smax.u32 s14, $0x1;
	s31 =	smul.u32 $0x300, s12;
	s8 =	sadd.s32 s8, s12  }
0xf: {  	vm0 =	vmmov $0xffff;
	v1 =	vshrl.u32 v2, $0x3;
	s9 =	sadd.s32 s9, s12;
	s10 =	sadd.s32 $0x1600, s11;
	s11 =	sadd.s32 $0x9600, s11  }
0x10: {  	v0 =	vand.u32 $0x7, v2;
	v2 =	vor.u32 $0x8, v2;
	v1 =	vmul.u32 $0x8, v1;
	s12 =	sadd.s32 s2, s13;
	s13 =	sadd.s32 s2, s31;
	s2 =	simm.s32 $0x1A200  }
.LBB2_1:
0x11: {  	[tilespmem:s1], [sflag:$0x4] =	stream.linear.gather [hbm4b:s4+s1], $0x20, $0x38;
	[tilespmem:$0x1C200] =	vst v63  }
0x12: {  	_ =	swait.ge [sflag:s15], $0x20  }
0x13: {  	[sflag:s15] =	ssyncset.done $0x0  }
0x14: {  	s0 =	simm.s32 $0x100;
	[sflag:s15] =	ssyncadd.s32 $0xFFFFFFE0  }
0x15: {  	[tilespmem:s0], [sflag:$0x4] =	stream.linear.gather [hbm4b:s5+s1], $0x20, $0x38;
	[tilespmem:$0x1C200] =	vst v63  }
0x16: {  	_ =	swait.ge [sflag:s15], $0x20  }
0x17: {  	[sflag:s15] =	ssyncset.done $0x0  }
0x18: {  	[sflag:s15] =	ssyncadd.s32 $0xFFFFFFE0  }
0x19: {  	v3 =	vld [tilespmem:$0x0];
	_ =	sdelay $0x4  }
0x1a: {  	v4 =	vshrl.u32 v3, $0x3  }
0x1b: {  	v4 =	vmul.u32 $0x30, v4  }
0x1c: {  	v3 =	vand.u32 $0x7, v3  }
0x1d: {  	v3 =	vor.u32 v3, v4  }
0x1e: {  	v4 =	vperm.xlane v3, v0;
	_ =	sdelay $0x1  }
0x1f: {  	v4 =	vadd.s32 v1, v4;
	_ =	sdelay $0x3  }
0x20: {  	v3 =	vperm.xlane v3, v2  }
0x21: {  	[tilespmem:s17], [sflag:$0x1] =	stream.indirect_vreg.gather [hbm4b:s3+s1], $0x80, v4, vm0, $0xb8;
	[tilespmem:$0x1C200] =	vst v63  }
0x22: {  	s31 =	simm.s32 $0x4A00;
	v3 =	vadd.s32 v1, v3  }
0x23: {  	[tilespmem:s31], [sflag:$0x1] =	stream.indirect_vreg.gather [hbm4b:s6+s1], $0x80, v4, vm0, $0xb8;
	[tilespmem:$0x1C200] =	vst v63  }
0x24: {  	s24 =	simm.s32 $0x5200  }
0x25: {  	[tilespmem:s24], [sflag:$0x1] =	stream.indirect_vreg.gather [hbm4b:s7+s1], $0x80, v4, vm0, $0xb8;
	[tilespmem:$0x1C200] =	vst v63  }
0x26: {  	s25 =	simm.s32 $0x5A00  }
0x27: {  	[tilespmem:s25], [sflag:$0x1] =	stream.indirect_vreg.gather [hbm4b:s3+s1], $0x80, v3, vm0, $0xb8;
	[tilespmem:$0x1C200] =	vst v63  }
0x28: {  	s26 =	simm.s32 $0x6200  }
0x29: {  	[tilespmem:s26], [sflag:$0x1] =	stream.indirect_vreg.gather [hbm4b:s6+s1], $0x80, v3, vm0, $0xb8;
	[tilespmem:$0x1C200] =	vst v63  }
0x2a: {  	s31 =	simm.s32 $0x6A00  }
0x2b: {  	[tilespmem:s31], [sflag:$0x1] =	stream.indirect_vreg.gather [hbm4b:s7+s1], $0x80, v3, vm0, $0xb8;
	[tilespmem:$0x1C200] =	vst v63  }
0x2c: {  	v3 =	vld [tilespmem:$0x10];
	_ =	sdelay $0x4  }
0x2d: {  	v4 =	vshrl.u32 v3, $0x3  }
0x2e: {  	v4 =	vmul.u32 $0x30, v4  }
0x2f: {  	v3 =	vand.u32 $0x7, v3  }
0x30: {  	v3 =	vor.u32 v3, v4  }
0x31: {  	v4 =	vperm.xlane v3, v0;
	_ =	sdelay $0x1  }
0x32: {  	v4 =	vadd.s32 v1, v4;
	_ =	sdelay $0x3  }
0x33: {  	s24 =	simm.s32 $0x7200;
	v3 =	vperm.xlane v3, v2  }
0x34: {  	[tilespmem:s24], [sflag:$0x1] =	stream.indirect_vreg.gather [hbm4b:s3+s1], $0x80, v4, vm0, $0xb8;
	[tilespmem:$0x1C200] =	vst v63  }
0x35: {  	s25 =	simm.s32 $0x7A00;
	v3 =	vadd.s32 v1, v3  }
0x36: {  	[tilespmem:s25], [sflag:$0x1] =	stream.indirect_vreg.gather [hbm4b:s6+s1], $0x80, v4, vm0, $0xb8;
	[tilespmem:$0x1C200] =	vst v63  }
0x37: {  	s26 =	simm.s32 $0x8200  }
0x38: {  	[tilespmem:s26], [sflag:$0x1] =	stream.indirect_vreg.gather [hbm4b:s7+s1], $0x80, v4, vm0, $0xb8;
	[tilespmem:$0x1C200] =	vst v63  }
0x39: {  	s31 =	simm.s32 $0x8A00  }
0x3a: {  	[tilespmem:s31], [sflag:$0x1] =	stream.indirect_vreg.gather [hbm4b:s3+s1], $0x80, v3, vm0, $0xb8;
	[tilespmem:$0x1C200] =	vst v63  }
0x3b: {  	s24 =	simm.s32 $0x9200  }
0x3c: {  	[tilespmem:s24], [sflag:$0x1] =	stream.indirect_vreg.gather [hbm4b:s6+s1], $0x80, v3, vm0, $0xb8;
	[tilespmem:$0x1C200] =	vst v63  }
0x3d: {  	s25 =	simm.s32 $0x9A00  }
0x3e: {  	[tilespmem:s25], [sflag:$0x1] =	stream.indirect_vreg.gather [hbm4b:s7+s1], $0x80, v3, vm0, $0xb8;
	[tilespmem:$0x1C200] =	vst v63  }
0x3f: {  	v3 =	vld [tilespmem:$0x100];
	_ =	sdelay $0x4  }
0x40: {  	v4 =	vshrl.u32 v3, $0x3  }
0x41: {  	v4 =	vmul.u32 $0x30, v4  }
0x42: {  	v3 =	vand.u32 $0x7, v3  }
0x43: {  	v3 =	vor.u32 v3, v4  }
0x44: {  	v4 =	vperm.xlane v3, v0;
	_ =	sdelay $0x1  }
0x45: {  	v4 =	vadd.s32 v1, v4;
	_ =	sdelay $0x3  }
0x46: {  	s26 =	simm.s32 $0x10200;
	v3 =	vperm.xlane v3, v2  }
0x47: {  	[tilespmem:s26], [sflag:$0x2] =	stream.indirect_vreg.gather [hbm4b:s3+s1], $0x80, v4, vm0, $0xb8;
	[tilespmem:$0x1C200] =	vst v63  }
0x48: {  	s31 =	simm.s32 $0x10A00;
	v3 =	vadd.s32 v1, v3  }
0x49: {  	[tilespmem:s31], [sflag:$0x2] =	stream.indirect_vreg.gather [hbm4b:s6+s1], $0x80, v4, vm0, $0xb8;
	[tilespmem:$0x1C200] =	vst v63  }
0x4a: {  	s24 =	simm.s32 $0x11200  }
0x4b: {  	[tilespmem:s24], [sflag:$0x2] =	stream.indirect_vreg.gather [hbm4b:s7+s1], $0x80, v4, vm0, $0xb8;
	[tilespmem:$0x1C200] =	vst v63  }
0x4c: {  	s25 =	simm.s32 $0x11A00  }
0x4d: {  	[tilespmem:s25], [sflag:$0x2] =	stream.indirect_vreg.gather [hbm4b:s3+s1], $0x80, v3, vm0, $0xb8;
	[tilespmem:$0x1C200] =	vst v63  }
0x4e: {  	s26 =	simm.s32 $0x12200  }
0x4f: {  	[tilespmem:s26], [sflag:$0x2] =	stream.indirect_vreg.gather [hbm4b:s6+s1], $0x80, v3, vm0, $0xb8;
	[tilespmem:$0x1C200] =	vst v63  }
0x50: {  	s31 =	simm.s32 $0x12A00  }
0x51: {  	[tilespmem:s31], [sflag:$0x2] =	stream.indirect_vreg.gather [hbm4b:s7+s1], $0x80, v3, vm0, $0xb8;
	[tilespmem:$0x1C200] =	vst v63  }
0x52: {  	v3 =	vld [tilespmem:$0x110];
	_ =	sdelay $0x4  }
0x53: {  	v4 =	vshrl.u32 v3, $0x3  }
0x54: {  	v4 =	vmul.u32 $0x30, v4  }
0x55: {  	v3 =	vand.u32 $0x7, v3  }
0x56: {  	v3 =	vor.u32 v3, v4  }
0x57: {  	v4 =	vperm.xlane v3, v0;
	_ =	sdelay $0x1  }
0x58: {  	v4 =	vadd.s32 v1, v4;
	_ =	sdelay $0x3  }
0x59: {  	s24 =	simm.s32 $0x13200;
	v3 =	vperm.xlane v3, v2  }
0x5a: {  	[tilespmem:s24], [sflag:$0x2] =	stream.indirect_vreg.gather [hbm4b:s3+s1], $0x80, v4, vm0, $0xb8;
	[tilespmem:$0x1C200] =	vst v63  }
0x5b: {  	s25 =	simm.s32 $0x13A00;
	v3 =	vadd.s32 v1, v3  }
0x5c: {  	[tilespmem:s25], [sflag:$0x2] =	stream.indirect_vreg.gather [hbm4b:s6+s1], $0x80, v4, vm0, $0xb8;
	[tilespmem:$0x1C200] =	vst v63  }
0x5d: {  	s26 =	simm.s32 $0x14200  }
0x5e: {  	[tilespmem:s26], [sflag:$0x2] =	stream.indirect_vreg.gather [hbm4b:s7+s1], $0x80, v4, vm0, $0xb8;
	[tilespmem:$0x1C200] =	vst v63  }
0x5f: {  	s31 =	simm.s32 $0x14A00  }
0x60: {  	[tilespmem:s31], [sflag:$0x2] =	stream.indirect_vreg.gather [hbm4b:s3+s1], $0x80, v3, vm0, $0xb8;
	[tilespmem:$0x1C200] =	vst v63  }
0x61: {  	s24 =	simm.s32 $0x15200  }
0x62: {  	[tilespmem:s24], [sflag:$0x2] =	stream.indirect_vreg.gather [hbm4b:s6+s1], $0x80, v3, vm0, $0xb8;
	[tilespmem:$0x1C200] =	vst v63  }
0x63: {  	s25 =	simm.s32 $0x15A00  }
0x64: {  	[tilespmem:s25], [sflag:$0x2] =	stream.indirect_vreg.gather [hbm4b:s7+s1], $0x80, v3, vm0, $0xb8;
	[tilespmem:$0x1C200] =	vst v63  }
0x65: {  	s26 =	simm.s32 $0x80  }
0x66: {  	[tilespmem:s26], [sflag:$0x4] =	stream.linear.gather [hbm4b:s8+s1], $0x20, $0x38;
	[tilespmem:$0x1C200] =	vst v63  }
0x67: {  	_ =	swait.ge [sflag:s15], $0x20  }
0x68: {  	[sflag:s15] =	ssyncset.done $0x0  }
0x69: {  	s31 =	simm.s32 $0x180;
	[sflag:s15] =	ssyncadd.s32 $0xFFFFFFE0  }
0x6a: {  	[tilespmem:s31], [sflag:$0x4] =	stream.linear.gather [hbm4b:s9+s1], $0x20, $0x38;
	[tilespmem:$0x1C200] =	vst v63  }
0x6b: {  	_ =	swait.ge [sflag:s15], $0x20  }
0x6c: {  	[sflag:s15] =	ssyncset.done $0x0  }
0x6d: {  	[sflag:s15] =	ssyncadd.s32 $0xFFFFFFE0  }
0x6e: {  	v3 =	vld [tilespmem:$0x80];
	_ =	sdelay $0x4  }
0x6f: {  	v4 =	vshrl.u32 v3, $0x3  }
0x70: {  	v4 =	vmul.u32 $0x30, v4  }
0x71: {  	v3 =	vand.u32 $0x7, v3  }
0x72: {  	v3 =	vor.u32 v3, v4  }
0x73: {  	v4 =	vperm.xlane v3, v0;
	_ =	sdelay $0x1  }
0x74: {  	v4 =	vadd.s32 v1, v4;
	_ =	sdelay $0x3  }
0x75: {  	v3 =	vperm.xlane v3, v2  }
0x76: {  	[tilespmem:s28], [sflag:$0x1] =	stream.indirect_vreg.gather [hbm4b:s3+s1], $0x80, v4, vm0, $0xb8;
	[tilespmem:$0x1C200] =	vst v63  }
0x77: {  	s24 =	simm.s32 $0xAA00;
	v3 =	vadd.s32 v1, v3  }
0x78: {  	[tilespmem:s24], [sflag:$0x1] =	stream.indirect_vreg.gather [hbm4b:s6+s1], $0x80, v4, vm0, $0xb8;
	[tilespmem:$0x1C200] =	vst v63  }
0x79: {  	s25 =	simm.s32 $0xB200  }
0x7a: {  	[tilespmem:s25], [sflag:$0x1] =	stream.indirect_vreg.gather [hbm4b:s7+s1], $0x80, v4, vm0, $0xb8;
	[tilespmem:$0x1C200] =	vst v63  }
0x7b: {  	s26 =	simm.s32 $0xBA00  }
0x7c: {  	[tilespmem:s26], [sflag:$0x1] =	stream.indirect_vreg.gather [hbm4b:s3+s1], $0x80, v3, vm0, $0xb8;
	[tilespmem:$0x1C200] =	vst v63  }
0x7d: {  	s31 =	simm.s32 $0xC200  }
0x7e: {  	[tilespmem:s31], [sflag:$0x1] =	stream.indirect_vreg.gather [hbm4b:s6+s1], $0x80, v3, vm0, $0xb8;
	[tilespmem:$0x1C200] =	vst v63  }
0x7f: {  	s24 =	simm.s32 $0xCA00  }
0x80: {  	[tilespmem:s24], [sflag:$0x1] =	stream.indirect_vreg.gather [hbm4b:s7+s1], $0x80, v3, vm0, $0xb8;
	[tilespmem:$0x1C200] =	vst v63  }
0x81: {  	v3 =	vld [tilespmem:$0x90];
	_ =	sdelay $0x4  }
0x82: {  	v4 =	vshrl.u32 v3, $0x3  }
0x83: {  	v4 =	vmul.u32 $0x30, v4  }
0x84: {  	v3 =	vand.u32 $0x7, v3  }
0x85: {  	v3 =	vor.u32 v3, v4  }
0x86: {  	v4 =	vperm.xlane v3, v0;
	_ =	sdelay $0x1  }
0x87: {  	v4 =	vadd.s32 v1, v4;
	_ =	sdelay $0x3  }
0x88: {  	s25 =	simm.s32 $0xD200;
	v3 =	vperm.xlane v3, v2  }
0x89: {  	[tilespmem:s25], [sflag:$0x1] =	stream.indirect_vreg.gather [hbm4b:s3+s1], $0x80, v4, vm0, $0xb8;
	[tilespmem:$0x1C200] =	vst v63  }
0x8a: {  	s26 =	simm.s32 $0xDA00;
	v3 =	vadd.s32 v1, v3  }
0x8b: {  	[tilespmem:s26], [sflag:$0x1] =	stream.indirect_vreg.gather [hbm4b:s6+s1], $0x80, v4, vm0, $0xb8;
	[tilespmem:$0x1C200] =	vst v63  }
0x8c: {  	s31 =	simm.s32 $0xE200  }
0x8d: {  	[tilespmem:s31], [sflag:$0x1] =	stream.indirect_vreg.gather [hbm4b:s7+s1], $0x80, v4, vm0, $0xb8;
	[tilespmem:$0x1C200] =	vst v63  }
0x8e: {  	s24 =	simm.s32 $0xEA00  }
0x8f: {  	[tilespmem:s24], [sflag:$0x1] =	stream.indirect_vreg.gather [hbm4b:s3+s1], $0x80, v3, vm0, $0xb8;
	[tilespmem:$0x1C200] =	vst v63  }
0x90: {  	s25 =	simm.s32 $0xF200  }
0x91: {  	[tilespmem:s25], [sflag:$0x1] =	stream.indirect_vreg.gather [hbm4b:s6+s1], $0x80, v3, vm0, $0xb8;
	[tilespmem:$0x1C200] =	vst v63  }
0x92: {  	s26 =	simm.s32 $0xFA00  }
0x93: {  	[tilespmem:s26], [sflag:$0x1] =	stream.indirect_vreg.gather [hbm4b:s7+s1], $0x80, v3, vm0, $0xb8;
	[tilespmem:$0x1C200] =	vst v63  }
0x94: {  	v3 =	vld [tilespmem:$0x180];
	_ =	sdelay $0x4  }
0x95: {  	v4 =	vshrl.u32 v3, $0x3  }
0x96: {  	v4 =	vmul.u32 $0x30, v4  }
0x97: {  	v3 =	vand.u32 $0x7, v3  }
0x98: {  	v3 =	vor.u32 v3, v4  }
0x99: {  	v4 =	vperm.xlane v3, v0;
	_ =	sdelay $0x1  }
0x9a: {  	v4 =	vadd.s32 v1, v4;
	_ =	sdelay $0x3  }
0x9b: {  	s31 =	simm.s32 $0x16200;
	v3 =	vperm.xlane v3, v2  }
0x9c: {  	[tilespmem:s31], [sflag:$0x2] =	stream.indirect_vreg.gather [hbm4b:s3+s1], $0x80, v4, vm0, $0xb8;
	[tilespmem:$0x1C200] =	vst v63  }
0x9d: {  	s24 =	simm.s32 $0x16A00;
	v3 =	vadd.s32 v1, v3  }
0x9e: {  	[tilespmem:s24], [sflag:$0x2] =	stream.indirect_vreg.gather [hbm4b:s6+s1], $0x80, v4, vm0, $0xb8;
	[tilespmem:$0x1C200] =	vst v63  }
0x9f: {  	s25 =	simm.s32 $0x17200  }
0xa0: {  	[tilespmem:s25], [sflag:$0x2] =	stream.indirect_vreg.gather [hbm4b:s7+s1], $0x80, v4, vm0, $0xb8;
	[tilespmem:$0x1C200] =	vst v63  }
0xa1: {  	s26 =	simm.s32 $0x17A00  }
0xa2: {  	[tilespmem:s26], [sflag:$0x2] =	stream.indirect_vreg.gather [hbm4b:s3+s1], $0x80, v3, vm0, $0xb8;
	[tilespmem:$0x1C200] =	vst v63  }
0xa3: {  	s31 =	simm.s32 $0x18200  }
0xa4: {  	[tilespmem:s31], [sflag:$0x2] =	stream.indirect_vreg.gather [hbm4b:s6+s1], $0x80, v3, vm0, $0xb8;
	[tilespmem:$0x1C200] =	vst v63  }
0xa5: {  	s24 =	simm.s32 $0x18A00  }
0xa6: {  	[tilespmem:s24], [sflag:$0x2] =	stream.indirect_vreg.gather [hbm4b:s7+s1], $0x80, v3, vm0, $0xb8;
	[tilespmem:$0x1C200] =	vst v63  }
0xa7: {  	v3 =	vld [tilespmem:$0x190];
	_ =	sdelay $0x4  }
0xa8: {  	v4 =	vshrl.u32 v3, $0x3  }
0xa9: {  	v4 =	vmul.u32 $0x30, v4  }
0xaa: {  	v3 =	vand.u32 $0x7, v3  }
0xab: {  	v3 =	vor.u32 v3, v4  }
0xac: {  	v4 =	vperm.xlane v3, v0;
	_ =	sdelay $0x1  }
0xad: {  	v4 =	vadd.s32 v1, v4;
	_ =	sdelay $0x3  }
0xae: {  	s25 =	simm.s32 $0x19200;
	v3 =	vperm.xlane v3, v2  }
0xaf: {  	[tilespmem:s25], [sflag:$0x2] =	stream.indirect_vreg.gather [hbm4b:s3+s1], $0x80, v4, vm0, $0xb8;
	[tilespmem:$0x1C200] =	vst v63  }
0xb0: {  	s26 =	simm.s32 $0x19A00;
	v3 =	vadd.s32 v1, v3  }
0xb1: {  	[tilespmem:s26], [sflag:$0x2] =	stream.indirect_vreg.gather [hbm4b:s6+s1], $0x80, v4, vm0, $0xb8;
	[tilespmem:$0x1C200] =	vst v63  }
0xb2: {  	_ = 	snop  }
0xb3: {  	[tilespmem:s2], [sflag:$0x2] =	stream.indirect_vreg.gather [hbm4b:s7+s1], $0x80, v4, vm0, $0xb8;
	[tilespmem:$0x1C200] =	vst v63  }
0xb4: {  	_ = 	snop  }
0xb5: {  	[tilespmem:s16], [sflag:$0x2] =	stream.indirect_vreg.gather [hbm4b:s3+s1], $0x80, v3, vm0, $0xb8;
	[tilespmem:$0x1C200] =	vst v63  }
0xb6: {  	_ = 	snop  }
0xb7: {  	[tilespmem:s18], [sflag:$0x2] =	stream.indirect_vreg.gather [hbm4b:s6+s1], $0x80, v3, vm0, $0xb8;
	[tilespmem:$0x1C200] =	vst v63  }
0xb8: {  	_ = 	snop  }
0xb9: {  	[tilespmem:s19], [sflag:$0x2] =	stream.indirect_vreg.gather [hbm4b:s7+s1], $0x80, v3, vm0, $0xb8;
	[tilespmem:$0x1C200] =	vst v63  }
0xba: {  	s24 =	simm.s32 $0x200  }
0xbb: {  	[tilespmem:s24], [sflag:$0x4] =	stream.linear.gather [hbm4b:s10+s1], $0x2000, $0x38;
	[tilespmem:$0x1C200] =	vst v63  }
0xbc: {  	_ =	swait.ge [sflag:s15], $0x2000  }
0xbd: {  	[sflag:s15] =	ssyncset.done $0x0  }
0xbe: {  	s25 =	simm.s32 $0x2200;
	[sflag:s15] =	ssyncadd.s32 $0xFFFFE000  }
0xbf: {  	[tilespmem:s25], [sflag:$0x4] =	stream.linear.gather [hbm4b:s11+s1], $0x2000, $0x38;
	[tilespmem:$0x1C200] =	vst v63  }
0xc0: {  	_ =	swait.ge [sflag:s15], $0x2000  }
0xc1: {  	[sflag:s15] =	ssyncset.done $0x0  }
0xc2: {  	[sflag:s15] =	ssyncadd.s32 $0xFFFFE000  }
0xc3: {  	_ =	swait.ge [sflag:s20], $0x6000  }
0xc4: {  	[sflag:s20] =	ssyncset.done $0x0  }
0xc5: {  	s26 =	simm.s32 $0x0;
	[sflag:s20] =	ssyncadd.s32 $0xFFFFA000  }
0xc6: {  	s26 =	smul.u32 $0x1800, s26;
	_ =	swait.ge [sflag:s21], $0x6000  }
0xc7: {  	s29 =	sand.u32 $0x380, s1;
	[sflag:s21] =	ssyncset.done $0x0  }
0xc8: {  	s30 =	sor.u32 s29, s26;
	[sflag:s21] =	ssyncadd.s32 $0xFFFFA000  }
0xc9: {  	v4 =	vld [tilespmem:s30+$0x4210]  }
0xca: {  	v3 =	vld [tilespmem:s30+$0x10210]  }
0xcb: {  	v6 =	vld [tilespmem:s30+$0x4220]  }
0xcc: {  	v5 =	vld [tilespmem:s30+$0x10220]  }
0xcd: {  	v10 =	vld [tilespmem:s30+$0x4230]  }
0xce: {  	v9 =	vld [tilespmem:s30+$0x10230]  }
0xcf: {  	v12 =	vld [tilespmem:s30+$0x4240]  }
0xd0: {  	v11 =	vld [tilespmem:s30+$0x10240]  }
0xd1: {  	v13 =	vld [tilespmem:s30+$0x4260]  }
0xd2: {  	v14 =	vld [tilespmem:s30+$0x4270]  }
0xd3: {  	v15 =	vld [tilespmem:s30+$0x4600]  }
0xd4: {  	v16 =	vld [tilespmem:s30+$0x4610]  }
0xd5: {  	v17 =	vld [tilespmem:s30+$0x4620]  }
0xd6: {  	v18 =	vld [tilespmem:s30+$0x4630]  }
0xd7: {  	v19 =	vld [tilespmem:s30+$0x4640]  }
0xd8: {  	v20 =	vld [tilespmem:s30+$0x4650]  }
0xd9: {  	v21 =	vld [tilespmem:s30+$0x4660]  }
0xda: {  	v22 =	vld [tilespmem:s30+$0x4670]  }
0xdb: {  	v23 =	vld [tilespmem:s30+$0x4A00]  }
0xdc: {  	v24 =	vld [tilespmem:s30+$0x4A10]  }
0xdd: {  	v25 =	vld [tilespmem:s30+$0x4A20]  }
0xde: {  	v26 =	vld [tilespmem:s30+$0x4A30]  }
0xdf: {  	v27 =	vld [tilespmem:s30+$0x4A40]  }
0xe0: {  	v28 =	vld [tilespmem:s30+$0x4A50]  }
0xe1: {  	v29 =	vld [tilespmem:s30+$0x4A60]  }
0xe2: {  	v30 =	vld [tilespmem:s30+$0x4A70]  }
0xe3: {  	v31 =	vld [tilespmem:s30+$0x4E00]  }
0xe4: {  	v32 =	vld [tilespmem:s30+$0x4E10]  }
0xe5: {  	v33 =	vld [tilespmem:s30+$0x4E20]  }
0xe6: {  	v34 =	vld [tilespmem:s30+$0x4E30]  }
0xe7: {  	v35 =	vld [tilespmem:s30+$0x4E40]  }
0xe8: {  	v36 =	vld [tilespmem:s30+$0x4E50]  }
0xe9: {  	v37 =	vld [tilespmem:s30+$0x4E60]  }
0xea: {  	v38 =	vld [tilespmem:s30+$0x4E70]  }
0xeb: {  	v39 =	vld [tilespmem:s30+$0x5200]  }
0xec: {  	v40 =	vld [tilespmem:s30+$0x5210]  }
0xed: {  	v41 =	vld [tilespmem:s30+$0x5220]  }
0xee: {  	v42 =	vld [tilespmem:s30+$0x5230]  }
0xef: {  	v43 =	vld [tilespmem:s30+$0x5240]  }
0xf0: {  	v44 =	vld [tilespmem:s30+$0x5250]  }
0xf1: {  	v45 =	vld [tilespmem:s30+$0x5260]  }
0xf2: {  	v46 =	vld [tilespmem:s30+$0x5600]  }
0xf3: {  	v47 =	vld [tilespmem:s30+$0x5610]  }
0xf4: {  	v48 =	vld [tilespmem:s30+$0x11610]  }
0xf5: {  	v49 =	vld [tilespmem:s30+$0x11630]  }
0xf6: {  	v50 =	vld [tilespmem:s30+$0x5630]  }
0xf7: {  	v51 =	vld [tilespmem:s30+$0x5620]  }
0xf8: {  	v7 =	vld [tilespmem:s24+$0x0]  }
0xf9: {  	v8 =	vld [tilespmem:s25+$0x0]  }
0xfa: {  	v52 =	vld [tilespmem:s30+$0x11620]  }
0xfb: {  	v53 =	vld [tilespmem:s30+$0x11600]  }
0xfc: {  	v54 =	vld [tilespmem:s30+$0x5270]  }
0xfd: {  	v55 =	vld [tilespmem:s30+$0x11270];
	v50 =	vmul.f32 v50, v7  }
0xfe: {  	v56 =	vld [tilespmem:s30+$0x11260];
	v49 =	vmul.f32 v49, v8;
	v51 =	vmul.f32 v51, v7  }
0xff: {  	v57 =	vld [tilespmem:s30+$0x11250];
	v52 =	vmul.f32 v52, v8;
	v47 =	vmul.f32 v47, v7  }
0x100: {  	v61 =	vld [tilespmem:s30+$0x11200];
	v48 =	vmul.f32 v48, v8;
	v46 =	vmul.f32 v46, v7  }
0x101: {  	v58 =	vld [tilespmem:s30+$0x11240];
	v62 =	vmul.f32 v53, v8;
	v63 =	vmul.f32 v54, v7;
	v49 =	vadd.f32 v49, v50  }
0x102: {  	v53 =	vld [tilespmem:s30+$0x11230];
	v59 =	vmul.f32 v55, v8;
	v45 =	vmul.f32 v45, v7;
	v51 =	vadd.f32 v52, v51  }
0x103: {  	v60 =	vmul.f32 v56, v8;
	v44 =	vmul.f32 v44, v7;
	v56 =	vld [tilespmem:s30+$0x10E60];
	v47 =	vadd.f32 v48, v47;
	[tilespmem:s30+$0x5630] =	vst v49  }
0x104: {  	v43 =	vmul.f32 v43, v7;
	v39 =	vmul.f32 v39, v7;
	v55 =	vld [tilespmem:s30+$0x10A70];
	v46 =	vadd.f32 v62, v46;
	[tilespmem:s30+$0x5620] =	vst v51  }
0x105: {  	v61 =	vmul.f32 v61, v8;
	v12 =	vmul.f32 v12, v7;
	v48 =	vld [tilespmem:s30+$0x11220];
	v52 =	vadd.f32 v59, v63;
	[tilespmem:s30+$0x5610] =	vst v47  }
0x106: {  	v11 =	vmul.f32 v11, v8;
	v63 =	vmul.f32 v58, v8;
	v45 =	vadd.f32 v60, v45;
	v58 =	vld [tilespmem:s30+$0x10E50];
	[tilespmem:s30+$0x5600] =	vst v46  }
0x107: {  	v42 =	vmul.f32 v42, v7;
	v62 =	vmul.f32 v57, v8;
	v59 =	vld [tilespmem:s30+$0x10E40];
	v39 =	vadd.f32 v61, v39;
	[tilespmem:s30+$0x5270] =	vst v52  }
0x108: {  	v41 =	vmul.f32 v41, v7;
	v40 =	vmul.f32 v40, v7;
	v60 =	vld [tilespmem:s30+$0x10E30];
	v11 =	vadd.f32 v11, v12;
	[tilespmem:s30+$0x5260] =	vst v45  }
0x109: {  	v38 =	vmul.f32 v38, v7;
	v61 =	vld [tilespmem:s30+$0x10A10];
	v44 =	vadd.f32 v62, v44;
	[tilespmem:s30+$0x5200] =	vst v39;
	v57 =	vmul.f32 v53, v8  }
0x10a: {  	v37 =	vmul.f32 v37, v7;
	v49 =	vld [tilespmem:s30+$0x11210];
	v43 =	vadd.f32 v63, v43;
	[tilespmem:s30+$0x4240] =	vst v11;
	v46 =	vmul.f32 v56, v8  }
0x10b: {  	v36 =	vmul.f32 v36, v7;
	v47 =	vld [tilespmem:s30+$0x10E70];
	[tilespmem:s30+$0x5250] =	vst v44;
	v48 =	vmul.f32 v48, v8;
	v42 =	vadd.f32 v57, v42  }
0x10c: {  	v35 =	vmul.f32 v35, v7;
	v62 =	vld [tilespmem:s30+$0x10E20];
	[tilespmem:s30+$0x5240] =	vst v43;
	v54 =	vmul.f32 v58, v8;
	v37 =	vadd.f32 v46, v37  }
0x10d: {  	v34 =	vmul.f32 v34, v7;
	v63 =	vld [tilespmem:s30+$0x10E10];
	v45 =	vmul.f32 v59, v8;
	v41 =	vadd.f32 v48, v41;
	[tilespmem:s30+$0x5230] =	vst v42  }
0x10e: {  	v33 =	vmul.f32 v33, v7;
	v56 =	vld [tilespmem:s30+$0x10A60];
	v44 =	vmul.f32 v60, v8;
	v36 =	vadd.f32 v54, v36;
	[tilespmem:s30+$0x4E60] =	vst v37  }
0x10f: {  	v32 =	vmul.f32 v32, v7;
	v53 =	vld [tilespmem:s30+$0x10E00];
	v49 =	vmul.f32 v49, v8;
	v35 =	vadd.f32 v45, v35;
	[tilespmem:s30+$0x5220] =	vst v41  }
0x110: {  	v6 =	vmul.f32 v6, v7;
	v12 =	vld [tilespmem:s30+$0x5660];
	v47 =	vmul.f32 v47, v8;
	v34 =	vadd.f32 v44, v34;
	[tilespmem:s30+$0x4E50] =	vst v36  }
0x111: {  	v5 =	vmul.f32 v5, v8;
	v58 =	vld [tilespmem:s30+$0x10A40];
	v43 =	vmul.f32 v62, v8;
	v40 =	vadd.f32 v49, v40;
	[tilespmem:s30+$0x4E40] =	vst v35  }
0x112: {  	v29 =	vmul.f32 v29, v7;
	v59 =	vld [tilespmem:s30+$0x10A30];
	v42 =	vmul.f32 v63, v8;
	v38 =	vadd.f32 v47, v38;
	[tilespmem:s30+$0x4E30] =	vst v34  }
0x113: {  	v5 =	vadd.f32 v5, v6;
	v6 =	vld [tilespmem:s30+$0x4200];
	v39 =	vmul.f32 v56, v8;
	v33 =	vadd.f32 v43, v33;
	[tilespmem:s30+$0x5210] =	vst v40  }
0x114: {  	v31 =	vmul.f32 v31, v7;
	v60 =	vld [tilespmem:s30+$0x10A20];
	v41 =	vmul.f32 v53, v8;
	v32 =	vadd.f32 v42, v32;
	[tilespmem:s30+$0x4E70] =	vst v38  }
0x115: {  	v24 =	vmul.f32 v24, v7;
	v57 =	vld [tilespmem:s30+$0x10A50];
	v34 =	vmul.f32 v61, v8;
	v29 =	vadd.f32 v39, v29;
	[tilespmem:s30+$0x4E20] =	vst v33  }
0x116: {  	v27 =	vmul.f32 v27, v7;
	v62 =	vld [tilespmem:s30+$0x10A00];
	v37 =	vmul.f32 v58, v8;
	v31 =	vadd.f32 v41, v31;
	[tilespmem:s30+$0x4E10] =	vst v32  }
0x117: {  	v26 =	vmul.f32 v26, v7;
	v63 =	vld [tilespmem:s30+$0x10670];
	v36 =	vmul.f32 v59, v8;
	v24 =	vadd.f32 v34, v24;
	[tilespmem:s30+$0x4A60] =	vst v29  }
0x118: {  	v30 =	vmul.f32 v30, v7;
	v40 =	vmul.f32 v55, v8;
	v27 =	vadd.f32 v37, v27;
	v29 =	vld [tilespmem:s30+$0x10640];
	[tilespmem:s30+$0x4E00] =	vst v31  }
0x119: {  	v25 =	vmul.f32 v25, v7;
	v35 =	vmul.f32 v60, v8;
	v26 =	vadd.f32 v36, v26;
	v31 =	vld [tilespmem:s30+$0x10660];
	[tilespmem:s30+$0x4A10] =	vst v24  }
0x11a: {  	v28 =	vmul.f32 v28, v7;
	v38 =	vmul.f32 v57, v8;
	v30 =	vadd.f32 v40, v30;
	v24 =	vld [tilespmem:s30+$0x10270];
	[tilespmem:s30+$0x4A40] =	vst v27  }
0x11b: {  	v23 =	vmul.f32 v23, v7;
	v33 =	vmul.f32 v62, v8;
	v25 =	vadd.f32 v35, v25;
	v27 =	vld [tilespmem:s30+$0x10620];
	[tilespmem:s30+$0x4A30] =	vst v26  }
0x11c: {  	v22 =	vmul.f32 v22, v7;
	v32 =	vmul.f32 v63, v8;
	v28 =	vadd.f32 v38, v28;
	[tilespmem:s30+$0x4A70] =	vst v30;
	v30 =	vld [tilespmem:s30+$0x10650]  }
0x11d: {  	v19 =	vmul.f32 v19, v7;
	v23 =	vadd.f32 v33, v23;
	[tilespmem:s30+$0x4A20] =	vst v25;
	v25 =	vld [tilespmem:s30+$0x10600];
	v29 =	vmul.f32 v29, v8  }
0x11e: {  	v21 =	vmul.f32 v21, v7;
	v22 =	vadd.f32 v32, v22;
	[tilespmem:s30+$0x4A50] =	vst v28;
	v28 =	vld [tilespmem:s30+$0x10630];
	v31 =	vmul.f32 v31, v8  }
0x11f: {  	v14 =	vmul.f32 v14, v7;
	[tilespmem:s30+$0x4A00] =	vst v23;
	v23 =	vld [tilespmem:s30+$0x10260];
	v24 =	vmul.f32 v24, v8;
	v19 =	vadd.f32 v29, v19  }
0x120: {  	v17 =	vmul.f32 v17, v7;
	v26 =	vld [tilespmem:s30+$0x10610];
	[tilespmem:s30+$0x4670] =	vst v22;
	v27 =	vmul.f32 v27, v8;
	v21 =	vadd.f32 v31, v21  }
0x121: {  	v20 =	vmul.f32 v20, v7;
	v22 =	vld [tilespmem:s30+$0x4250];
	v30 =	vmul.f32 v30, v8;
	v14 =	vadd.f32 v24, v14;
	[tilespmem:s30+$0x4640] =	vst v19  }
0x122: {  	v15 =	vmul.f32 v15, v7;
	v25 =	vmul.f32 v25, v8;
	v17 =	vadd.f32 v27, v17;
	v19 =	vld [tilespmem:s30+$0x11650];
	[tilespmem:s30+$0x4660] =	vst v21  }
0x123: {  	v18 =	vmul.f32 v18, v7;
	v28 =	vmul.f32 v28, v8;
	v20 =	vadd.f32 v30, v20;
	v21 =	vld [tilespmem:s30+$0x10250];
	[tilespmem:s30+$0x4270] =	vst v14  }
0x124: {  	v13 =	vmul.f32 v13, v7;
	v23 =	vmul.f32 v23, v8;
	v15 =	vadd.f32 v25, v15;
	[tilespmem:s30+$0x4620] =	vst v17;
	v17 =	vld [tilespmem:s30+$0x5640]  }
0x125: {  	v16 =	vmul.f32 v16, v7;
	v26 =	vmul.f32 v26, v8;
	v18 =	vadd.f32 v28, v18;
	[tilespmem:s30+$0x4650] =	vst v20;
	v20 =	vld [tilespmem:s30+$0x11640]  }
0x126: {  	v10 =	vmul.f32 v10, v7;
	v9 =	vmul.f32 v9, v8;
	v13 =	vadd.f32 v23, v13;
	[tilespmem:s30+$0x4600] =	vst v15;
	v15 =	vld [tilespmem:s30+$0x5650]  }
0x127: {  	v4 =	vmul.f32 v4, v7;
	v3 =	vmul.f32 v3, v8;
	v16 =	vadd.f32 v26, v16;
	[tilespmem:s30+$0x4630] =	vst v18;
	v18 =	vld [tilespmem:s30+$0x11660]  }
0x128: {  	v9 =	vadd.f32 v9, v10;
	v10 =	vmul.f32 v22, v7;
	v14 =	vld [tilespmem:s30+$0x5670];
	[tilespmem:s30+$0x4260] =	vst v13;
	v13 =	vmul.f32 v21, v8  }
0x129: {  	v3 =	vadd.f32 v3, v4;
	[tilespmem:s30+$0x4610] =	vst v16;
	v16 =	vld [tilespmem:s30+$0x11670]  }
0x12a: {  	s31 =	simm.s32 $0x0;
	[tilespmem:s30+$0x4230] =	vst v9;
	v9 =	vld [tilespmem:s30+$0x10200];
	v11 =	vmul.f32 v17, v7;
	v17 =	vmul.f32 v20, v8;
	v4 =	vadd.f32 v13, v10  }
0x12b: {  	s26 =	smul.u32 $0x1800, s31;
	s29 =	simm.s32 $0x80;
	[tilespmem:s30+$0x4220] =	vst v5;
	v5 =	vmul.f32 v15, v7;
	v10 =	vmul.f32 v19, v8  }
0x12c: {  	s31 =	sand.u32 $0x380, s29;
	v11 =	vadd.f32 v17, v11;
	[tilespmem:s30+$0x4250] =	vst v4;
	v4 =	vmul.f32 v12, v7;
	v12 =	vmul.f32 v18, v8  }
0x12d: {  	s26 =	sor.u32 s31, s26;
	[tilespmem:s30+$0x4210] =	vst v3;
	v5 =	vadd.f32 v10, v5  }
0x12e: {  	v3 =	vld [tilespmem:s26+$0x4210];
	v10 =	vmul.f32 v14, v7;
	[tilespmem:s30+$0x5640] =	vst v11;
	v11 =	vmul.f32 v16, v8;
	v12 =	vadd.f32 v12, v4  }
0x12f: {  	v7 =	vmul.f32 v6, v7;
	v8 =	vmul.f32 v9, v8;
	v4 =	vld [tilespmem:s26+$0x10210];
	[tilespmem:s30+$0x5650] =	vst v5  }
0x130: {  	v9 =	vadd.f32 v11, v10;
	v6 =	vld [tilespmem:s26+$0x4220];
	[tilespmem:s30+$0x5660] =	vst v12  }
0x131: {  	v7 =	vadd.f32 v8, v7;
	v5 =	vld [tilespmem:s26+$0x10220]  }
0x132: {  	v8 =	vld [tilespmem:s26+$0x4230];
	[tilespmem:s30+$0x5670] =	vst v9  }
0x133: {  	v18 =	vld [tilespmem:s26+$0x4630];
	[tilespmem:s30+$0x4200] =	vst v7  }
0x134: {  	v7 =	vld [tilespmem:s26+$0x10230]  }
0x135: {  	v10 =	vld [tilespmem:s26+$0x4240]  }
0x136: {  	v9 =	vld [tilespmem:s26+$0x10240]  }
0x137: {  	v12 =	vld [tilespmem:s26+$0x4250]  }
0x138: {  	v11 =	vld [tilespmem:s26+$0x10250]  }
0x139: {  	v13 =	vld [tilespmem:s26+$0x4260]  }
0x13a: {  	v14 =	vld [tilespmem:s26+$0x4270]  }
0x13b: {  	v15 =	vld [tilespmem:s26+$0x4600]  }
0x13c: {  	v16 =	vld [tilespmem:s26+$0x4610]  }
0x13d: {  	v17 =	vld [tilespmem:s26+$0x4620]  }
0x13e: {  	v19 =	vld [tilespmem:s26+$0x4640]  }
0x13f: {  	v20 =	vld [tilespmem:s26+$0x4650]  }
0x140: {  	v21 =	vld [tilespmem:s26+$0x4660]  }
0x141: {  	v22 =	vld [tilespmem:s26+$0x4670]  }
0x142: {  	v23 =	vld [tilespmem:s26+$0x4A00]  }
0x143: {  	v24 =	vld [tilespmem:s26+$0x4A10]  }
0x144: {  	v25 =	vld [tilespmem:s26+$0x4A20]  }
0x145: {  	v26 =	vld [tilespmem:s26+$0x4A30]  }
0x146: {  	v27 =	vld [tilespmem:s26+$0x4A40]  }
0x147: {  	v28 =	vld [tilespmem:s26+$0x4A50]  }
0x148: {  	v29 =	vld [tilespmem:s26+$0x4A60]  }
0x149: {  	v30 =	vld [tilespmem:s26+$0x4A70]  }
0x14a: {  	v31 =	vld [tilespmem:s26+$0x4E00]  }
0x14b: {  	v34 =	vld [tilespmem:s26+$0x4E10]  }
0x14c: {  	v35 =	vld [tilespmem:s26+$0x4E20]  }
0x14d: {  	v36 =	vld [tilespmem:s26+$0x4E30]  }
0x14e: {  	v37 =	vld [tilespmem:s26+$0x4E40]  }
0x14f: {  	v38 =	vld [tilespmem:s26+$0x4E50]  }
0x150: {  	v39 =	vld [tilespmem:s26+$0x4E60]  }
0x151: {  	v40 =	vld [tilespmem:s26+$0x4E70]  }
0x152: {  	v41 =	vld [tilespmem:s26+$0x5200]  }
0x153: {  	v42 =	vld [tilespmem:s26+$0x5210]  }
0x154: {  	v43 =	vld [tilespmem:s26+$0x5220]  }
0x155: {  	v44 =	vld [tilespmem:s26+$0x5230]  }
0x156: {  	v45 =	vld [tilespmem:s26+$0x5240]  }
0x157: {  	v46 =	vld [tilespmem:s26+$0x5250]  }
0x158: {  	v47 =	vld [tilespmem:s26+$0x5260]  }
0x159: {  	v48 =	vld [tilespmem:s26+$0x5600]  }
0x15a: {  	v50 =	vld [tilespmem:s26+$0x5610]  }
0x15b: {  	v49 =	vld [tilespmem:s26+$0x11610]  }
0x15c: {  	s30 =	simm.s32 $0x2;
	v51 =	vld [tilespmem:s26+$0x11630]  }
.LBB2_2:
0x15d: {  	p0 =	sne.s32 s30, $0x1F;
	v52 =	vld [tilespmem:s26+$0x5630]  }
0x15e: {  	s24 =	sadd.s32 $0x80, s24;
	v53 =	vld [tilespmem:s26+$0x5620]  }
0x15f: {  	s25 =	sadd.s32 $0x80, s25;
	v33 =	vld [tilespmem:s24+$0x0]  }
0x160: {  	v32 =	vld [tilespmem:s25+$0x0]  }
0x161: {  	v54 =	vld [tilespmem:s26+$0x11620]  }
0x162: {  	v55 =	vld [tilespmem:s26+$0x11600]  }
0x163: {  	v56 =	vld [tilespmem:s26+$0x5270]  }
0x164: {  	v57 =	vld [tilespmem:s26+$0x11270];
	v50 =	vmul.f32 v50, v33;
	v53 =	vmul.f32 v53, v33  }
0x165: {  	v52 =	vmul.f32 v52, v33;
	v58 =	vld [tilespmem:s26+$0x11260];
	v51 =	vmul.f32 v51, v32  }
0x166: {  	v49 =	vmul.f32 v49, v32;
	v59 =	vld [tilespmem:s26+$0x11250];
	v54 =	vmul.f32 v54, v32  }
0x167: {  	v48 =	vmul.f32 v48, v33;
	v60 =	vld [tilespmem:s26+$0x11240];
	v55 =	vmul.f32 v55, v32;
	v51 =	vadd.f32 v51, v52  }
0x168: {  	v49 =	vadd.f32 v49, v50;
	v52 =	vld [tilespmem:s26+$0x11230];
	v56 =	vmul.f32 v56, v33;
	v50 =	vadd.f32 v54, v53  }
0x169: {  	v47 =	vmul.f32 v47, v33;
	v53 =	vld [tilespmem:s26+$0x11220];
	v54 =	vmul.f32 v57, v32;
	v48 =	vadd.f32 v55, v48;
	[tilespmem:s26+$0x5630] =	vst v51  }
0x16a: {  	v46 =	vmul.f32 v46, v33;
	v51 =	vld [tilespmem:s26+$0x11210];
	v55 =	vmul.f32 v58, v32;
	[tilespmem:s26+$0x5620] =	vst v50  }
0x16b: {  	v45 =	vmul.f32 v45, v33;
	v50 =	vld [tilespmem:s26+$0x11200];
	v57 =	vmul.f32 v59, v32;
	v54 =	vadd.f32 v54, v56;
	[tilespmem:s26+$0x5610] =	vst v49  }
0x16c: {  	v44 =	vmul.f32 v44, v33;
	v49 =	vld [tilespmem:s26+$0x10E70];
	v56 =	vmul.f32 v60, v32;
	v47 =	vadd.f32 v55, v47;
	[tilespmem:s26+$0x5600] =	vst v48  }
0x16d: {  	v43 =	vmul.f32 v43, v33;
	v48 =	vld [tilespmem:s26+$0x10E60];
	v52 =	vmul.f32 v52, v32;
	v46 =	vadd.f32 v57, v46;
	[tilespmem:s26+$0x5270] =	vst v54  }
0x16e: {  	v42 =	vmul.f32 v42, v33;
	v54 =	vld [tilespmem:s26+$0x10E50];
	v53 =	vmul.f32 v53, v32;
	v45 =	vadd.f32 v56, v45;
	[tilespmem:s26+$0x5260] =	vst v47  }
0x16f: {  	v41 =	vmul.f32 v41, v33;
	v47 =	vld [tilespmem:s26+$0x10E40];
	v51 =	vmul.f32 v51, v32;
	v44 =	vadd.f32 v52, v44;
	[tilespmem:s26+$0x5250] =	vst v46  }
0x170: {  	v40 =	vmul.f32 v40, v33;
	v46 =	vld [tilespmem:s26+$0x10E30];
	v50 =	vmul.f32 v50, v32;
	v43 =	vadd.f32 v53, v43;
	[tilespmem:s26+$0x5240] =	vst v45  }
0x171: {  	v39 =	vmul.f32 v39, v33;
	v45 =	vld [tilespmem:s26+$0x10E20];
	v49 =	vmul.f32 v49, v32;
	v42 =	vadd.f32 v51, v42;
	[tilespmem:s26+$0x5230] =	vst v44  }
0x172: {  	v38 =	vmul.f32 v38, v33;
	v44 =	vld [tilespmem:s26+$0x10E10];
	v48 =	vmul.f32 v48, v32;
	v41 =	vadd.f32 v50, v41;
	[tilespmem:s26+$0x5220] =	vst v43  }
0x173: {  	v37 =	vmul.f32 v37, v33;
	v43 =	vld [tilespmem:s26+$0x10E00];
	v50 =	vmul.f32 v54, v32;
	v40 =	vadd.f32 v49, v40;
	[tilespmem:s26+$0x5210] =	vst v42  }
0x174: {  	v36 =	vmul.f32 v36, v33;
	v42 =	vld [tilespmem:s26+$0x10A70];
	v47 =	vmul.f32 v47, v32;
	v39 =	vadd.f32 v48, v39;
	[tilespmem:s26+$0x5200] =	vst v41  }
0x175: {  	v35 =	vmul.f32 v35, v33;
	v41 =	vld [tilespmem:s26+$0x10A60];
	v46 =	vmul.f32 v46, v32;
	v38 =	vadd.f32 v50, v38;
	[tilespmem:s26+$0x4E70] =	vst v40  }
0x176: {  	v34 =	vmul.f32 v34, v33;
	v40 =	vld [tilespmem:s26+$0x10A50];
	v45 =	vmul.f32 v45, v32;
	v37 =	vadd.f32 v47, v37;
	[tilespmem:s26+$0x4E60] =	vst v39  }
0x177: {  	v31 =	vmul.f32 v31, v33;
	v39 =	vld [tilespmem:s26+$0x10A40];
	v44 =	vmul.f32 v44, v32;
	v36 =	vadd.f32 v46, v36;
	[tilespmem:s26+$0x4E50] =	vst v38  }
0x178: {  	v30 =	vmul.f32 v30, v33;
	v38 =	vld [tilespmem:s26+$0x10A30];
	v43 =	vmul.f32 v43, v32;
	v35 =	vadd.f32 v45, v35;
	[tilespmem:s26+$0x4E40] =	vst v37  }
0x179: {  	v29 =	vmul.f32 v29, v33;
	v37 =	vld [tilespmem:s26+$0x10A20];
	v42 =	vmul.f32 v42, v32;
	v34 =	vadd.f32 v44, v34;
	[tilespmem:s26+$0x4E30] =	vst v36  }
0x17a: {  	v28 =	vmul.f32 v28, v33;
	v36 =	vld [tilespmem:s26+$0x10A10];
	v41 =	vmul.f32 v41, v32;
	v31 =	vadd.f32 v43, v31;
	[tilespmem:s26+$0x4E20] =	vst v35  }
0x17b: {  	v27 =	vmul.f32 v27, v33;
	v35 =	vld [tilespmem:s26+$0x10A00];
	v40 =	vmul.f32 v40, v32;
	v30 =	vadd.f32 v42, v30;
	[tilespmem:s26+$0x4E10] =	vst v34  }
0x17c: {  	v26 =	vmul.f32 v26, v33;
	v34 =	vld [tilespmem:s26+$0x10670];
	v39 =	vmul.f32 v39, v32;
	v29 =	vadd.f32 v41, v29;
	[tilespmem:s26+$0x4E00] =	vst v31  }
0x17d: {  	v25 =	vmul.f32 v25, v33;
	v31 =	vld [tilespmem:s26+$0x10660];
	v38 =	vmul.f32 v38, v32;
	v28 =	vadd.f32 v40, v28;
	[tilespmem:s26+$0x4A70] =	vst v30  }
0x17e: {  	v24 =	vmul.f32 v24, v33;
	v30 =	vld [tilespmem:s26+$0x10650];
	v37 =	vmul.f32 v37, v32;
	v27 =	vadd.f32 v39, v27;
	[tilespmem:s26+$0x4A60] =	vst v29  }
0x17f: {  	v23 =	vmul.f32 v23, v33;
	v29 =	vld [tilespmem:s26+$0x10640];
	v36 =	vmul.f32 v36, v32;
	v26 =	vadd.f32 v38, v26;
	[tilespmem:s26+$0x4A50] =	vst v28  }
0x180: {  	v22 =	vmul.f32 v22, v33;
	v28 =	vld [tilespmem:s26+$0x10630];
	v35 =	vmul.f32 v35, v32;
	v25 =	vadd.f32 v37, v25;
	[tilespmem:s26+$0x4A40] =	vst v27  }
0x181: {  	v21 =	vmul.f32 v21, v33;
	v27 =	vld [tilespmem:s26+$0x10620];
	v34 =	vmul.f32 v34, v32;
	v24 =	vadd.f32 v36, v24;
	[tilespmem:s26+$0x4A30] =	vst v26  }
0x182: {  	v20 =	vmul.f32 v20, v33;
	v26 =	vld [tilespmem:s26+$0x10610];
	v31 =	vmul.f32 v31, v32;
	v23 =	vadd.f32 v35, v23;
	[tilespmem:s26+$0x4A20] =	vst v25  }
0x183: {  	v19 =	vmul.f32 v19, v33;
	v25 =	vld [tilespmem:s26+$0x10600];
	v30 =	vmul.f32 v30, v32;
	v22 =	vadd.f32 v34, v22;
	[tilespmem:s26+$0x4A10] =	vst v24  }
0x184: {  	v18 =	vmul.f32 v18, v33;
	v24 =	vld [tilespmem:s26+$0x10270];
	v29 =	vmul.f32 v29, v32;
	v21 =	vadd.f32 v31, v21;
	[tilespmem:s26+$0x4A00] =	vst v23  }
0x185: {  	v17 =	vmul.f32 v17, v33;
	v23 =	vld [tilespmem:s26+$0x10260];
	v28 =	vmul.f32 v28, v32;
	v20 =	vadd.f32 v30, v20;
	[tilespmem:s26+$0x4670] =	vst v22  }
0x186: {  	v16 =	vmul.f32 v16, v33;
	v22 =	vmul.f32 v27, v32;
	v19 =	vadd.f32 v29, v19;
	[tilespmem:s26+$0x4660] =	vst v21;
	v21 =	vld [tilespmem:s26+$0x11640]  }
0x187: {  	v15 =	vmul.f32 v15, v33;
	v26 =	vmul.f32 v26, v32;
	v18 =	vadd.f32 v28, v18;
	[tilespmem:s26+$0x4650] =	vst v20;
	v20 =	vld [tilespmem:s26+$0x11650]  }
0x188: {  	v14 =	vmul.f32 v14, v33;
	v25 =	vmul.f32 v25, v32;
	v17 =	vadd.f32 v22, v17;
	[tilespmem:s26+$0x4640] =	vst v19;
	v19 =	vld [tilespmem:s26+$0x11660]  }
0x189: {  	v13 =	vmul.f32 v13, v33;
	v22 =	vmul.f32 v24, v32;
	v16 =	vadd.f32 v26, v16;
	[tilespmem:s26+$0x4630] =	vst v18;
	v18 =	vld [tilespmem:s26+$0x11670]  }
0x18a: {  	v12 =	vmul.f32 v12, v33;
	v23 =	vmul.f32 v23, v32;
	v15 =	vadd.f32 v25, v15;
	[tilespmem:s26+$0x4620] =	vst v17;
	v17 =	vld [tilespmem:s26+$0x5640]  }
0x18b: {  	v10 =	vmul.f32 v10, v33;
	v11 =	vmul.f32 v11, v32;
	v14 =	vadd.f32 v22, v14;
	[tilespmem:s26+$0x4610] =	vst v16;
	v16 =	vld [tilespmem:s26+$0x5650]  }
0x18c: {  	v8 =	vmul.f32 v8, v33;
	v9 =	vmul.f32 v9, v32;
	v13 =	vadd.f32 v23, v13;
	[tilespmem:s26+$0x4600] =	vst v15;
	v15 =	vld [tilespmem:s26+$0x5660]  }
0x18d: {  	v6 =	vmul.f32 v6, v33;
	v7 =	vmul.f32 v7, v32;
	v11 =	vadd.f32 v11, v12;
	[tilespmem:s26+$0x4270] =	vst v14;
	v12 =	vld [tilespmem:s26+$0x5670]  }
0x18e: {  	v3 =	vmul.f32 v3, v33;
	v5 =	vmul.f32 v5, v32;
	v9 =	vadd.f32 v9, v10;
	v14 =	vld [tilespmem:s26+$0x4200];
	[tilespmem:s26+$0x4260] =	vst v13  }
0x18f: {  	v4 =	vmul.f32 v4, v32;
	v7 =	vadd.f32 v7, v8;
	v10 =	vld [tilespmem:s26+$0x10200];
	[tilespmem:s26+$0x4250] =	vst v11;
	v8 =	vmul.f32 v17, v33  }
0x190: {  	s31 =	sshrl.u32 s30, $0x3;
	v5 =	vadd.f32 v5, v6;
	v6 =	vmul.f32 v21, v32;
	[tilespmem:s26+$0x4240] =	vst v9;
	v9 =	vmul.f32 v16, v33  }
0x191: {  	s29 =	sadd.s32 $0x80, s29;
	s31 =	smul.u32 $0x1800, s31;
	v3 =	vadd.f32 v4, v3;
	v4 =	vmul.f32 v20, v32;
	[tilespmem:s26+$0x4230] =	vst v7;
	v7 =	vmul.f32 v15, v33  }
0x192: {  	s0 =	sand.u32 $0x380, s29;
	[tilespmem:s26+$0x4220] =	vst v5;
	v5 =	vadd.f32 v6, v8;
	v6 =	vmul.f32 v19, v32;
	v8 =	vmul.f32 v12, v33  }
0x193: {  	s0 =	sor.u32 s0, s31;
	v9 =	vadd.f32 v4, v9;
	v12 =	vmul.f32 v18, v32;
	v11 =	vmul.f32 v14, v33;
	[tilespmem:s26+$0x4210] =	vst v3  }
0x194: {  	v3 =	vld [tilespmem:s0+$0x4210];
	v10 =	vmul.f32 v10, v32;
	[tilespmem:s26+$0x5640] =	vst v5;
	v5 =	vadd.f32 v6, v7  }
0x195: {  	v7 =	vadd.f32 v12, v8;
	v4 =	vld [tilespmem:s0+$0x10210];
	[tilespmem:s26+$0x5650] =	vst v9  }
0x196: {  	v6 =	vld [tilespmem:s0+$0x4220];
	v9 =	vadd.f32 v10, v11;
	[tilespmem:s26+$0x5660] =	vst v5  }
0x197: {  	v5 =	vld [tilespmem:s0+$0x10220];
	[tilespmem:s26+$0x5670] =	vst v7  }
0x198: {  	v8 =	vld [tilespmem:s0+$0x4230];
	[tilespmem:s26+$0x4200] =	vst v9;
	s26 =	smov.u32 s0  }
0x199: {  	v7 =	vld [tilespmem:s26+$0x10230]  }
0x19a: {  	v10 =	vld [tilespmem:s26+$0x4240]  }
0x19b: {  	v9 =	vld [tilespmem:s26+$0x10240]  }
0x19c: {  	v12 =	vld [tilespmem:s26+$0x4250]  }
0x19d: {  	v11 =	vld [tilespmem:s26+$0x10250]  }
0x19e: {  	v13 =	vld [tilespmem:s26+$0x4260]  }
0x19f: {  	v14 =	vld [tilespmem:s26+$0x4270]  }
0x1a0: {  	v15 =	vld [tilespmem:s26+$0x4600]  }
0x1a1: {  	v16 =	vld [tilespmem:s26+$0x4610]  }
0x1a2: {  	v17 =	vld [tilespmem:s26+$0x4620]  }
0x1a3: {  	v18 =	vld [tilespmem:s26+$0x4630]  }
0x1a4: {  	v19 =	vld [tilespmem:s26+$0x4640]  }
0x1a5: {  	v20 =	vld [tilespmem:s26+$0x4650]  }
0x1a6: {  	v21 =	vld [tilespmem:s26+$0x4660]  }
0x1a7: {  	v22 =	vld [tilespmem:s26+$0x4670]  }
0x1a8: {  	v23 =	vld [tilespmem:s26+$0x4A00]  }
0x1a9: {  	v24 =	vld [tilespmem:s26+$0x4A10]  }
0x1aa: {  	v25 =	vld [tilespmem:s26+$0x4A20]  }
0x1ab: {  	v26 =	vld [tilespmem:s26+$0x4A30]  }
0x1ac: {  	v27 =	vld [tilespmem:s26+$0x4A40]  }
0x1ad: {  	v28 =	vld [tilespmem:s26+$0x4A50]  }
0x1ae: {  	v29 =	vld [tilespmem:s26+$0x4A60]  }
0x1af: {  	v30 =	vld [tilespmem:s26+$0x4A70]  }
0x1b0: {  	v31 =	vld [tilespmem:s26+$0x4E00]  }
0x1b1: {  	v34 =	vld [tilespmem:s26+$0x4E10]  }
0x1b2: {  	v35 =	vld [tilespmem:s26+$0x4E20]  }
0x1b3: {  	v36 =	vld [tilespmem:s26+$0x4E30]  }
0x1b4: {  	v37 =	vld [tilespmem:s26+$0x4E40]  }
0x1b5: {  	v38 =	vld [tilespmem:s26+$0x4E50]  }
0x1b6: {  	v39 =	vld [tilespmem:s26+$0x4E60]  }
0x1b7: {  	v40 =	vld [tilespmem:s26+$0x4E70]  }
0x1b8: {  	v41 =	vld [tilespmem:s26+$0x5200]  }
0x1b9: {  	v42 =	vld [tilespmem:s26+$0x5210]  }
0x1ba: {  	v43 =	vld [tilespmem:s26+$0x5220]  }
0x1bb: {  	v44 =	vld [tilespmem:s26+$0x5230]  }
0x1bc: {  	v45 =	vld [tilespmem:s26+$0x5240]  }
0x1bd: {  	v46 =	vld [tilespmem:s26+$0x5250]  }
.Ltmp0:
0x1be: {  	v47 =	vld [tilespmem:s26+$0x5260];
	(pc) =	sbr.rel @p0 .LBB2_2-.Ltmp0, $4  }
0x1bf: {  	v48 =	vld [tilespmem:s26+$0x5600]  }
0x1c0: {  	v50 =	vld [tilespmem:s26+$0x5610]  }
0x1c1: {  	v49 =	vld [tilespmem:s26+$0x11610]  }
0x1c2: {  	s30 =	sadd.s32 $0x1, s30;
	v51 =	vld [tilespmem:s26+$0x11630]  }
0x1c3: {  	v52 =	vld [tilespmem:s26+$0x5630]  }
0x1c4: {  	v53 =	vld [tilespmem:s26+$0x5620];
	s0 =	sadd.s32 $0x80, s24  }
0x1c5: {  	s25 =	sadd.s32 $0x80, s25;
	v32 =	vld [tilespmem:s0+$0x0]  }
0x1c6: {  	v33 =	vld [tilespmem:s25+$0x0]  }
0x1c7: {  	v54 =	vld [tilespmem:s26+$0x11620]  }
0x1c8: {  	v55 =	vld [tilespmem:s26+$0x11600]  }
0x1c9: {  	v56 =	vld [tilespmem:s26+$0x5270]  }
0x1ca: {  	v57 =	vld [tilespmem:s26+$0x11270]  }
0x1cb: {  	v58 =	vld [tilespmem:s26+$0x11260];
	v52 =	vmul.f32 v52, v32;
	v51 =	vmul.f32 v51, v33  }
0x1cc: {  	v53 =	vmul.f32 v53, v32;
	v54 =	vmul.f32 v54, v33  }
0x1cd: {  	v59 =	vld [tilespmem:s26+$0x11250];
	v50 =	vmul.f32 v50, v32;
	v49 =	vmul.f32 v49, v33  }
0x1ce: {  	v61 =	vld [tilespmem:s26+$0x11220];
	v48 =	vmul.f32 v48, v32;
	v62 =	vmul.f32 v55, v33;
	v51 =	vadd.f32 v51, v52  }
0x1cf: {  	v60 =	vld [tilespmem:s26+$0x11240];
	v63 =	vmul.f32 v56, v32;
	v57 =	vmul.f32 v57, v33;
	v53 =	vadd.f32 v54, v53  }
0x1d0: {  	v47 =	vmul.f32 v47, v32;
	v58 =	vmul.f32 v58, v33;
	v52 =	vld [tilespmem:s26+$0x11230];
	v49 =	vadd.f32 v49, v50;
	[tilespmem:s26+$0x5630] =	vst v51  }
0x1d1: {  	v46 =	vmul.f32 v46, v32;
	v45 =	vmul.f32 v45, v32;
	v50 =	vld [tilespmem:s26+$0x11200];
	v48 =	vadd.f32 v62, v48;
	[tilespmem:s26+$0x5620] =	vst v53  }
0x1d2: {  	v44 =	vmul.f32 v44, v32;
	v62 =	vmul.f32 v59, v33;
	v47 =	vadd.f32 v58, v47;
	v58 =	vld [tilespmem:s26+$0x10E30];
	[tilespmem:s26+$0x5610] =	vst v49  }
0x1d3: {  	v43 =	vmul.f32 v43, v32;
	v59 =	vmul.f32 v61, v33;
	v51 =	vld [tilespmem:s26+$0x11210];
	v53 =	vadd.f32 v57, v63;
	[tilespmem:s26+$0x5600] =	vst v48  }
0x1d4: {  	v42 =	vmul.f32 v42, v32;
	v49 =	vld [tilespmem:s26+$0x10E70];
	v63 =	vmul.f32 v60, v33;
	v46 =	vadd.f32 v62, v46;
	[tilespmem:s26+$0x5260] =	vst v47  }
0x1d5: {  	v41 =	vmul.f32 v41, v32;
	v48 =	vld [tilespmem:s26+$0x10E60];
	v43 =	vadd.f32 v59, v43;
	[tilespmem:s26+$0x5270] =	vst v53;
	v52 =	vmul.f32 v52, v33  }
0x1d6: {  	v40 =	vmul.f32 v40, v32;
	v57 =	vld [tilespmem:s26+$0x10E40];
	v45 =	vadd.f32 v63, v45;
	[tilespmem:s26+$0x5250] =	vst v46;
	v50 =	vmul.f32 v50, v33  }
0x1d7: {  	v36 =	vmul.f32 v36, v32;
	v60 =	vld [tilespmem:s26+$0x10E20];
	[tilespmem:s26+$0x5220] =	vst v43;
	v46 =	vmul.f32 v58, v33;
	v44 =	vadd.f32 v52, v44  }
0x1d8: {  	v39 =	vmul.f32 v39, v32;
	v62 =	vld [tilespmem:s26+$0x10E00];
	[tilespmem:s26+$0x5240] =	vst v45;
	v51 =	vmul.f32 v51, v33;
	v41 =	vadd.f32 v50, v41  }
0x1d9: {  	v38 =	vmul.f32 v38, v32;
	v53 =	vld [tilespmem:s26+$0x10E50];
	v49 =	vmul.f32 v49, v33;
	v36 =	vadd.f32 v46, v36;
	[tilespmem:s26+$0x5230] =	vst v44  }
0x1da: {  	v37 =	vmul.f32 v37, v32;
	v61 =	vld [tilespmem:s26+$0x10E10];
	v48 =	vmul.f32 v48, v33;
	v42 =	vadd.f32 v51, v42;
	[tilespmem:s26+$0x5200] =	vst v41  }
0x1db: {  	v35 =	vmul.f32 v35, v32;
	v59 =	vld [tilespmem:s26+$0x10A10];
	v47 =	vmul.f32 v57, v33;
	v40 =	vadd.f32 v49, v40;
	[tilespmem:s26+$0x4E30] =	vst v36  }
0x1dc: {  	v34 =	vmul.f32 v34, v32;
	v63 =	vld [tilespmem:s26+$0x10A70];
	v45 =	vmul.f32 v60, v33;
	v39 =	vadd.f32 v48, v39;
	[tilespmem:s26+$0x5210] =	vst v42  }
0x1dd: {  	v55 =	vld [tilespmem:s26+$0x10A50];
	v31 =	vmul.f32 v31, v32;
	v43 =	vmul.f32 v62, v33;
	v37 =	vadd.f32 v47, v37;
	[tilespmem:s26+$0x4E70] =	vst v40  }
0x1de: {  	v30 =	vmul.f32 v30, v32;
	v52 =	vld [tilespmem:s26+$0x10A60];
	v54 =	vmul.f32 v53, v33;
	v35 =	vadd.f32 v45, v35;
	[tilespmem:s26+$0x4E60] =	vst v39  }
0x1df: {  	v56 =	vld [tilespmem:s26+$0x10A40];
	v29 =	vmul.f32 v29, v32;
	v44 =	vmul.f32 v61, v33;
	v31 =	vadd.f32 v43, v31;
	[tilespmem:s26+$0x4E40] =	vst v37  }
0x1e0: {  	v24 =	vmul.f32 v24, v32;
	v58 =	vld [tilespmem:s26+$0x10A20];
	v36 =	vmul.f32 v59, v33;
	v38 =	vadd.f32 v54, v38;
	[tilespmem:s26+$0x4E20] =	vst v35  }
0x1e1: {  	v28 =	vmul.f32 v28, v32;
	v60 =	vld [tilespmem:s26+$0x10A00];
	v34 =	vadd.f32 v44, v34;
	v42 =	vmul.f32 v63, v33;
	[tilespmem:s26+$0x4E00] =	vst v31  }
0x1e2: {  	v27 =	vmul.f32 v27, v32;
	v57 =	vld [tilespmem:s26+$0x10A30];
	v40 =	vmul.f32 v55, v33;
	v24 =	vadd.f32 v36, v24;
	[tilespmem:s26+$0x4E50] =	vst v38  }
0x1e3: {  	v26 =	vmul.f32 v26, v32;
	v61 =	vld [tilespmem:s26+$0x10670];
	v41 =	vmul.f32 v52, v33;
	[tilespmem:s26+$0x4E10] =	vst v34;
	v30 =	vadd.f32 v42, v30  }
0x1e4: {  	v25 =	vmul.f32 v25, v32;
	v39 =	vmul.f32 v56, v33;
	v28 =	vadd.f32 v40, v28;
	[tilespmem:s26+$0x4A10] =	vst v24  }
0x1e5: {  	v23 =	vmul.f32 v23, v32;
	v31 =	vld [tilespmem:s26+$0x10660];
	v37 =	vmul.f32 v58, v33;
	v29 =	vadd.f32 v41, v29;
	[tilespmem:s26+$0x4A70] =	vst v30  }
0x1e6: {  	v22 =	vmul.f32 v22, v32;
	v35 =	vmul.f32 v60, v33;
	v27 =	vadd.f32 v39, v27;
	v30 =	vld [tilespmem:s26+$0x10650];
	[tilespmem:s26+$0x4A50] =	vst v28  }
0x1e7: {  	v10 =	vmul.f32 v10, v32;
	v38 =	vmul.f32 v57, v33;
	v25 =	vadd.f32 v37, v25;
	[tilespmem:s26+$0x4A60] =	vst v29;
	v29 =	vld [tilespmem:s26+$0x10640]  }
0x1e8: {  	v9 =	vmul.f32 v9, v33;
	v34 =	vmul.f32 v61, v33;
	v23 =	vadd.f32 v35, v23;
	v28 =	vld [tilespmem:s26+$0x10630];
	[tilespmem:s26+$0x4A40] =	vst v27  }
0x1e9: {  	v21 =	vmul.f32 v21, v32;
	v26 =	vadd.f32 v38, v26;
	v27 =	vld [tilespmem:s26+$0x10620];
	[tilespmem:s26+$0x4A20] =	vst v25  }
0x1ea: {  	v9 =	vadd.f32 v9, v10;
	v10 =	vld [tilespmem:s26+$0x10200];
	v24 =	vmul.f32 v31, v33;
	v22 =	vadd.f32 v34, v22;
	[tilespmem:s26+$0x4A00] =	vst v23  }
0x1eb: {  	v20 =	vmul.f32 v20, v32;
	[tilespmem:s26+$0x4A30] =	vst v26;
	v26 =	vld [tilespmem:s26+$0x10610];
	v23 =	vmul.f32 v30, v33  }
0x1ec: {  	v19 =	vmul.f32 v19, v32;
	v25 =	vld [tilespmem:s26+$0x10600];
	v21 =	vadd.f32 v24, v21;
	[tilespmem:s26+$0x4670] =	vst v22;
	v22 =	vmul.f32 v29, v33  }
0x1ed: {  	v18 =	vmul.f32 v18, v32;
	v31 =	vld [tilespmem:s26+$0x10270];
	v20 =	vadd.f32 v23, v20;
	v23 =	vmul.f32 v28, v33  }
0x1ee: {  	v17 =	vmul.f32 v17, v32;
	v24 =	vld [tilespmem:s26+$0x10260];
	[tilespmem:s26+$0x4660] =	vst v21;
	v19 =	vadd.f32 v22, v19;
	v22 =	vmul.f32 v27, v33  }
0x1ef: {  	v12 =	vmul.f32 v12, v32;
	v11 =	vmul.f32 v11, v33;
	v21 =	vld [tilespmem:s26+$0x11640];
	[tilespmem:s26+$0x4650] =	vst v20;
	v18 =	vadd.f32 v23, v18  }
0x1f0: {  	v16 =	vmul.f32 v16, v32;
	v20 =	vld [tilespmem:s26+$0x11650];
	v23 =	vmul.f32 v26, v33;
	[tilespmem:s26+$0x4640] =	vst v19;
	v17 =	vadd.f32 v22, v17  }
0x1f1: {  	v15 =	vmul.f32 v15, v32;
	v11 =	vadd.f32 v11, v12;
	v19 =	vld [tilespmem:s26+$0x11660];
	[tilespmem:s26+$0x4630] =	vst v18;
	v18 =	vmul.f32 v25, v33  }
0x1f2: {  	v14 =	vmul.f32 v14, v32;
	v22 =	vld [tilespmem:s26+$0x11670];
	v16 =	vadd.f32 v23, v16;
	[tilespmem:s26+$0x4620] =	vst v17;
	v17 =	vmul.f32 v31, v33  }
0x1f3: {  	[tilespmem:s26+$0x4250] =	vst v11;
	v15 =	vadd.f32 v18, v15;
	v18 =	vld [tilespmem:s26+$0x5640]  }
0x1f4: {  	v8 =	vmul.f32 v8, v32;
	v7 =	vmul.f32 v7, v33;
	[tilespmem:s26+$0x4610] =	vst v16;
	v16 =	vld [tilespmem:s26+$0x5650];
	v14 =	vadd.f32 v17, v14  }
0x1f5: {  	v6 =	vmul.f32 v6, v32;
	v5 =	vmul.f32 v5, v33;
	[tilespmem:s26+$0x4600] =	vst v15;
	v15 =	vld [tilespmem:s26+$0x5660]  }
0x1f6: {  	v3 =	vmul.f32 v3, v32;
	v4 =	vmul.f32 v4, v33;
	v7 =	vadd.f32 v7, v8;
	[tilespmem:s26+$0x4270] =	vst v14;
	v14 =	vld [tilespmem:s26+$0x5670]  }
0x1f7: {  	v13 =	vmul.f32 v13, v32;
	v12 =	vld [tilespmem:s26+$0x4200];
	v5 =	vadd.f32 v5, v6;
	[tilespmem:s26+$0x4240] =	vst v9;
	v23 =	vmul.f32 v24, v33  }
0x1f8: {  	v3 =	vadd.f32 v4, v3;
	[tilespmem:s26+$0x4230] =	vst v7;
	v6 =	vmul.f32 v21, v33;
	v8 =	vmul.f32 v18, v32  }
0x1f9: {  	[tilespmem:s26+$0x4220] =	vst v5;
	v13 =	vadd.f32 v23, v13;
	v4 =	vmul.f32 v20, v33;
	v9 =	vmul.f32 v16, v32  }
0x1fa: {  	[tilespmem:s26+$0x4210] =	vst v3;
	v7 =	vmul.f32 v15, v32;
	v5 =	vadd.f32 v6, v8;
	v6 =	vmul.f32 v19, v33  }
0x1fb: {  	[tilespmem:s26+$0x4260] =	vst v13;
	v3 =	vadd.f32 v4, v9;
	v4 =	vmul.f32 v22, v33;
	v8 =	vmul.f32 v14, v32  }
0x1fc: {  	v10 =	vmul.f32 v10, v33;
	v9 =	vmul.f32 v12, v32;
	[tilespmem:s26+$0x5640] =	vst v5;
	v5 =	vadd.f32 v6, v7  }
0x1fd: {  	[tilespmem:s26+$0x5650] =	vst v3;
	v3 =	vadd.f32 v4, v8  }
0x1fe: {  	v4 =	vadd.f32 v10, v9;
	[tilespmem:s26+$0x5660] =	vst v5  }
0x1ff: {  	[tilespmem:s26+$0x5670] =	vst v3  }
0x200: {  	[tilespmem:s26+$0x4200] =	vst v4;
	s26 =	simm.s32 $0x0  }
0x201: {  	[hbm4b:s12+s26] =	stream.linear.scatter [tilespmem:s17], [sflag:$0x3], $0x6000, $0x38;
	[tilespmem:$0x1C200] =	vst v63  }
0x202: {  	_ =	swait.ge [sflag:s20], $0x6000  }
0x203: {  	[sflag:s20] =	ssyncset.done $0x0  }
0x204: {  	s31 =	simm.s32 $0x0;
	[sflag:s20] =	ssyncadd.s32 $0xFFFFA000  }
0x205: {  	s24 =	smul.u32 $0x1800, s31;
	_ =	swait.ge [sflag:s21], $0x6000  }
0x206: {  	s0 =	sand.u32 $0x380, s26;
	[sflag:s21] =	ssyncset.done $0x0  }
0x207: {  	s30 =	sor.u32 s0, s24;
	[sflag:s21] =	ssyncadd.s32 $0xFFFFA000  }
0x208: {  	v4 =	vld [tilespmem:s30+$0xA210]  }
0x209: {  	v3 =	vld [tilespmem:s30+$0x16210]  }
0x20a: {  	v6 =	vld [tilespmem:s30+$0xA220]  }
0x20b: {  	v5 =	vld [tilespmem:s30+$0x16220]  }
0x20c: {  	v10 =	vld [tilespmem:s30+$0xA230]  }
0x20d: {  	v7 =	vld [tilespmem:s30+$0x16230]  }
0x20e: {  	v12 =	vld [tilespmem:s30+$0xA240]  }
0x20f: {  	v11 =	vld [tilespmem:s30+$0x16240]  }
0x210: {  	v13 =	vld [tilespmem:s30+$0xA260]  }
0x211: {  	v14 =	vld [tilespmem:s30+$0xA270]  }
0x212: {  	v15 =	vld [tilespmem:s30+$0xA600]  }
0x213: {  	v16 =	vld [tilespmem:s30+$0xA610]  }
0x214: {  	v17 =	vld [tilespmem:s30+$0xA620]  }
0x215: {  	v18 =	vld [tilespmem:s30+$0xA630]  }
0x216: {  	v19 =	vld [tilespmem:s30+$0xA640]  }
0x217: {  	v20 =	vld [tilespmem:s30+$0xA650]  }
0x218: {  	v21 =	vld [tilespmem:s30+$0xA660]  }
0x219: {  	v22 =	vld [tilespmem:s30+$0xA670]  }
0x21a: {  	v23 =	vld [tilespmem:s30+$0xAA00]  }
0x21b: {  	v24 =	vld [tilespmem:s30+$0xAA10]  }
0x21c: {  	v25 =	vld [tilespmem:s30+$0xAA20]  }
0x21d: {  	v26 =	vld [tilespmem:s30+$0xAA30]  }
0x21e: {  	v27 =	vld [tilespmem:s30+$0xAA40]  }
0x21f: {  	v28 =	vld [tilespmem:s30+$0xAA50]  }
0x220: {  	v29 =	vld [tilespmem:s30+$0xAA60]  }
0x221: {  	v30 =	vld [tilespmem:s30+$0xAA70]  }
0x222: {  	v31 =	vld [tilespmem:s30+$0xAE00]  }
0x223: {  	v32 =	vld [tilespmem:s30+$0xAE10]  }
0x224: {  	v33 =	vld [tilespmem:s30+$0xAE20]  }
0x225: {  	v34 =	vld [tilespmem:s30+$0xAE30]  }
0x226: {  	v35 =	vld [tilespmem:s30+$0xAE40]  }
0x227: {  	v36 =	vld [tilespmem:s30+$0xAE50]  }
0x228: {  	v37 =	vld [tilespmem:s30+$0xAE60]  }
0x229: {  	v38 =	vld [tilespmem:s30+$0xAE70]  }
0x22a: {  	v39 =	vld [tilespmem:s30+$0xB200]  }
0x22b: {  	v40 =	vld [tilespmem:s30+$0xB210]  }
0x22c: {  	v41 =	vld [tilespmem:s30+$0xB220]  }
0x22d: {  	v42 =	vld [tilespmem:s30+$0xB230]  }
0x22e: {  	v43 =	vld [tilespmem:s30+$0xB240]  }
0x22f: {  	v44 =	vld [tilespmem:s30+$0xB250]  }
0x230: {  	v45 =	vld [tilespmem:s30+$0xB260]  }
0x231: {  	v46 =	vld [tilespmem:s30+$0xB600]  }
0x232: {  	v47 =	vld [tilespmem:s30+$0xB610]  }
0x233: {  	v48 =	vld [tilespmem:s30+$0x17610]  }
0x234: {  	v49 =	vld [tilespmem:s30+$0x17630]  }
0x235: {  	v50 =	vld [tilespmem:s30+$0xB630]  }
0x236: {  	s25 =	simm.s32 $0x1200;
	v51 =	vld [tilespmem:s30+$0xB620]  }
0x237: {  	s26 =	simm.s32 $0x3200;
	v8 =	vld [tilespmem:s25+$0x0]  }
0x238: {  	v9 =	vld [tilespmem:s26+$0x0]  }
0x239: {  	v52 =	vld [tilespmem:s30+$0x17620]  }
0x23a: {  	v62 =	vld [tilespmem:s30+$0x17600]  }
0x23b: {  	v63 =	vld [tilespmem:s30+$0xB270]  }
0x23c: {  	v60 =	vld [tilespmem:s30+$0x17270];
	v50 =	vmul.f32 v50, v8  }
0x23d: {  	v61 =	vld [tilespmem:s30+$0x17260];
	v49 =	vmul.f32 v49, v9;
	v51 =	vmul.f32 v51, v8  }
0x23e: {  	v57 =	vld [tilespmem:s30+$0x17250];
	v52 =	vmul.f32 v52, v9;
	v47 =	vmul.f32 v47, v8  }
0x23f: {  	v58 =	vld [tilespmem:s30+$0x17240];
	v48 =	vmul.f32 v48, v9;
	v46 =	vmul.f32 v46, v8  }
0x240: {  	v53 =	vld [tilespmem:s30+$0x17230];
	v62 =	vmul.f32 v62, v9;
	v63 =	vmul.f32 v63, v8;
	v49 =	vadd.f32 v49, v50  }
0x241: {  	v56 =	vld [tilespmem:s30+$0x16E60];
	v59 =	vmul.f32 v60, v9;
	v45 =	vmul.f32 v45, v8;
	v51 =	vadd.f32 v52, v51  }
0x242: {  	v55 =	vld [tilespmem:s30+$0x16A70];
	v60 =	vmul.f32 v61, v9;
	v44 =	vmul.f32 v44, v8;
	v47 =	vadd.f32 v48, v47;
	[tilespmem:s30+$0xB630] =	vst v49  }
0x243: {  	v61 =	vld [tilespmem:s30+$0x17200];
	v43 =	vmul.f32 v43, v8;
	v12 =	vmul.f32 v12, v8;
	v46 =	vadd.f32 v62, v46;
	[tilespmem:s30+$0xB620] =	vst v51  }
0x244: {  	v11 =	vmul.f32 v11, v9;
	v10 =	vmul.f32 v10, v8;
	v48 =	vld [tilespmem:s30+$0x17220];
	v52 =	vadd.f32 v59, v63;
	[tilespmem:s30+$0xB610] =	vst v47  }
0x245: {  	v7 =	vmul.f32 v7, v9;
	v63 =	vmul.f32 v58, v9;
	v45 =	vadd.f32 v60, v45;
	v58 =	vld [tilespmem:s30+$0x16E50];
	[tilespmem:s30+$0xB600] =	vst v46  }
0x246: {  	v42 =	vmul.f32 v42, v8;
	v62 =	vmul.f32 v57, v9;
	v59 =	vld [tilespmem:s30+$0x16E40];
	v11 =	vadd.f32 v11, v12;
	[tilespmem:s30+$0xB270] =	vst v52  }
0x247: {  	v41 =	vmul.f32 v41, v8;
	v40 =	vmul.f32 v40, v8;
	v60 =	vld [tilespmem:s30+$0x16E30];
	v7 =	vadd.f32 v7, v10;
	[tilespmem:s30+$0xB260] =	vst v45  }
0x248: {  	v39 =	vmul.f32 v39, v8;
	v57 =	vmul.f32 v53, v9;
	v53 =	vld [tilespmem:s30+$0x16E00];
	v44 =	vadd.f32 v62, v44;
	[tilespmem:s30+$0xA240] =	vst v11  }
0x249: {  	v37 =	vmul.f32 v37, v8;
	v12 =	vld [tilespmem:s30+$0xB660];
	v43 =	vadd.f32 v63, v43;
	v46 =	vmul.f32 v56, v9;
	[tilespmem:s30+$0xA230] =	vst v7  }
0x24a: {  	v36 =	vmul.f32 v36, v8;
	v49 =	vld [tilespmem:s30+$0x17210];
	v42 =	vadd.f32 v57, v42;
	v61 =	vmul.f32 v61, v9;
	[tilespmem:s30+$0xB250] =	vst v44  }
0x24b: {  	v35 =	vmul.f32 v35, v8;
	v47 =	vld [tilespmem:s30+$0x16E70];
	[tilespmem:s30+$0xB240] =	vst v43;
	v37 =	vadd.f32 v46, v37;
	v48 =	vmul.f32 v48, v9  }
0x24c: {  	v6 =	vmul.f32 v6, v8;
	v62 =	vld [tilespmem:s30+$0x16E20];
	[tilespmem:s30+$0xB230] =	vst v42;
	v39 =	vadd.f32 v61, v39;
	v54 =	vmul.f32 v58, v9  }
0x24d: {  	v5 =	vmul.f32 v5, v9;
	v63 =	vld [tilespmem:s30+$0x16E10];
	v45 =	vmul.f32 v59, v9;
	[tilespmem:s30+$0xAE60] =	vst v37;
	v41 =	vadd.f32 v48, v41  }
0x24e: {  	v34 =	vmul.f32 v34, v8;
	v56 =	vld [tilespmem:s30+$0x16A60];
	v44 =	vmul.f32 v60, v9;
	[tilespmem:s30+$0xB200] =	vst v39;
	v36 =	vadd.f32 v54, v36  }
0x24f: {  	v5 =	vadd.f32 v5, v6;
	v6 =	vld [tilespmem:s30+$0xA200];
	v49 =	vmul.f32 v49, v9;
	v35 =	vadd.f32 v45, v35;
	[tilespmem:s30+$0xB220] =	vst v41  }
0x250: {  	v38 =	vmul.f32 v38, v8;
	v58 =	vld [tilespmem:s30+$0x16A40];
	v47 =	vmul.f32 v47, v9;
	v34 =	vadd.f32 v44, v34;
	[tilespmem:s30+$0xAE50] =	vst v36  }
0x251: {  	v33 =	vmul.f32 v33, v8;
	v59 =	vld [tilespmem:s30+$0x16A30];
	v43 =	vmul.f32 v62, v9;
	v40 =	vadd.f32 v49, v40;
	[tilespmem:s30+$0xAE40] =	vst v35  }
0x252: {  	v32 =	vmul.f32 v32, v8;
	v57 =	vld [tilespmem:s30+$0x16A50];
	v42 =	vmul.f32 v63, v9;
	v38 =	vadd.f32 v47, v38;
	[tilespmem:s30+$0xAE30] =	vst v34  }
0x253: {  	v29 =	vmul.f32 v29, v8;
	v60 =	vld [tilespmem:s30+$0x16A20];
	v39 =	vmul.f32 v56, v9;
	v33 =	vadd.f32 v43, v33;
	[tilespmem:s30+$0xB210] =	vst v40  }
0x254: {  	v31 =	vmul.f32 v31, v8;
	v61 =	vld [tilespmem:s30+$0x16A10];
	v41 =	vmul.f32 v53, v9;
	v32 =	vadd.f32 v42, v32;
	[tilespmem:s30+$0xAE70] =	vst v38  }
0x255: {  	v27 =	vmul.f32 v27, v8;
	v62 =	vld [tilespmem:s30+$0x16A00];
	v29 =	vadd.f32 v39, v29;
	v37 =	vmul.f32 v58, v9;
	[tilespmem:s30+$0xAE20] =	vst v33  }
0x256: {  	v26 =	vmul.f32 v26, v8;
	v63 =	vld [tilespmem:s30+$0x16670];
	v36 =	vmul.f32 v59, v9;
	v31 =	vadd.f32 v41, v31;
	[tilespmem:s30+$0xAE10] =	vst v32  }
0x257: {  	v30 =	vmul.f32 v30, v8;
	v40 =	vmul.f32 v55, v9;
	[tilespmem:s30+$0xAA60] =	vst v29;
	v29 =	vld [tilespmem:s30+$0x16640];
	v27 =	vadd.f32 v37, v27  }
0x258: {  	v25 =	vmul.f32 v25, v8;
	v35 =	vmul.f32 v60, v9;
	v26 =	vadd.f32 v36, v26;
	[tilespmem:s30+$0xAE00] =	vst v31;
	v31 =	vld [tilespmem:s30+$0x16660]  }
0x259: {  	v28 =	vmul.f32 v28, v8;
	v38 =	vmul.f32 v57, v9;
	v30 =	vadd.f32 v40, v30;
	[tilespmem:s30+$0xAA40] =	vst v27;
	v27 =	vld [tilespmem:s30+$0x16620]  }
0x25a: {  	v23 =	vmul.f32 v23, v8;
	v33 =	vmul.f32 v62, v9;
	v25 =	vadd.f32 v35, v25;
	[tilespmem:s30+$0xAA30] =	vst v26;
	v26 =	vld [tilespmem:s30+$0x16610]  }
0x25b: {  	v24 =	vmul.f32 v24, v8;
	v34 =	vmul.f32 v61, v9;
	v28 =	vadd.f32 v38, v28;
	[tilespmem:s30+$0xAA70] =	vst v30;
	v30 =	vld [tilespmem:s30+$0x16650]  }
0x25c: {  	v22 =	vmul.f32 v22, v8;
	v32 =	vmul.f32 v63, v9;
	v23 =	vadd.f32 v33, v23;
	[tilespmem:s30+$0xAA20] =	vst v25;
	v25 =	vld [tilespmem:s30+$0x16600]  }
0x25d: {  	v19 =	vmul.f32 v19, v8;
	v24 =	vadd.f32 v34, v24;
	[tilespmem:s30+$0xAA50] =	vst v28;
	v28 =	vld [tilespmem:s30+$0x16630];
	v29 =	vmul.f32 v29, v9  }
0x25e: {  	v21 =	vmul.f32 v21, v8;
	v22 =	vadd.f32 v32, v22;
	[tilespmem:s30+$0xAA00] =	vst v23;
	v23 =	vld [tilespmem:s30+$0x16260];
	v31 =	vmul.f32 v31, v9  }
0x25f: {  	v17 =	vmul.f32 v17, v8;
	[tilespmem:s30+$0xAA10] =	vst v24;
	v24 =	vld [tilespmem:s30+$0x16270];
	v19 =	vadd.f32 v29, v19;
	v27 =	vmul.f32 v27, v9  }
0x260: {  	v20 =	vmul.f32 v20, v8;
	[tilespmem:s30+$0xA670] =	vst v22;
	v22 =	vld [tilespmem:s30+$0xA250];
	v30 =	vmul.f32 v30, v9;
	v21 =	vadd.f32 v31, v21  }
0x261: {  	v15 =	vmul.f32 v15, v8;
	v25 =	vmul.f32 v25, v9;
	[tilespmem:s30+$0xA640] =	vst v19;
	v19 =	vld [tilespmem:s30+$0x17650];
	v17 =	vadd.f32 v27, v17  }
0x262: {  	v18 =	vmul.f32 v18, v8;
	v28 =	vmul.f32 v28, v9;
	v20 =	vadd.f32 v30, v20;
	[tilespmem:s30+$0xA660] =	vst v21;
	v21 =	vld [tilespmem:s30+$0x16250]  }
0x263: {  	v13 =	vmul.f32 v13, v8;
	v23 =	vmul.f32 v23, v9;
	v15 =	vadd.f32 v25, v15;
	[tilespmem:s30+$0xA620] =	vst v17;
	v17 =	vld [tilespmem:s30+$0xB640]  }
0x264: {  	v14 =	vmul.f32 v14, v8;
	v24 =	vmul.f32 v24, v9;
	v18 =	vadd.f32 v28, v18;
	[tilespmem:s30+$0xA650] =	vst v20;
	v20 =	vld [tilespmem:s30+$0x17640]  }
0x265: {  	v13 =	vadd.f32 v23, v13;
	[tilespmem:s30+$0xA600] =	vst v15;
	v15 =	vld [tilespmem:s30+$0xB650]  }
0x266: {  	v4 =	vmul.f32 v4, v8;
	v3 =	vmul.f32 v3, v9;
	v14 =	vadd.f32 v24, v14;
	[tilespmem:s30+$0xA630] =	vst v18;
	v18 =	vld [tilespmem:s30+$0x17660]  }
0x267: {  	v7 =	vld [tilespmem:s30+$0x16200];
	v10 =	vmul.f32 v22, v8;
	[tilespmem:s30+$0xA260] =	vst v13;
	v13 =	vmul.f32 v21, v9  }
0x268: {  	v16 =	vmul.f32 v16, v8;
	v3 =	vadd.f32 v3, v4;
	v26 =	vmul.f32 v26, v9;
	[tilespmem:s30+$0xA270] =	vst v14;
	v14 =	vld [tilespmem:s30+$0xB670]  }
0x269: {  	s24 =	simm.s32 $0x0;
	[tilespmem:s30+$0xA220] =	vst v5;
	v11 =	vmul.f32 v17, v8;
	v17 =	vmul.f32 v20, v9;
	v4 =	vadd.f32 v13, v10  }
0x26a: {  	s29 =	simm.s32 $0x80;
	s0 =	smul.u32 $0x1800, s24;
	[tilespmem:s30+$0xA210] =	vst v3;
	v16 =	vadd.f32 v26, v16;
	v5 =	vmul.f32 v15, v8;
	v10 =	vmul.f32 v19, v9  }
0x26b: {  	s31 =	sand.u32 $0x380, s29;
	v11 =	vadd.f32 v17, v11;
	[tilespmem:s30+$0xA250] =	vst v4;
	v4 =	vmul.f32 v12, v8;
	v12 =	vmul.f32 v18, v9  }
0x26c: {  	s24 =	sor.u32 s31, s0;
	v7 =	vmul.f32 v7, v9;
	[tilespmem:s30+$0xA610] =	vst v16;
	v16 =	vld [tilespmem:s30+$0x17670];
	v5 =	vadd.f32 v10, v5  }
0x26d: {  	v3 =	vld [tilespmem:s24+$0xA210];
	v10 =	vmul.f32 v14, v8;
	v8 =	vmul.f32 v6, v8;
	[tilespmem:s30+$0xB640] =	vst v11;
	v12 =	vadd.f32 v12, v4  }
0x26e: {  	v4 =	vld [tilespmem:s24+$0x16210];
	[tilespmem:s30+$0xB650] =	vst v5  }
0x26f: {  	v7 =	vadd.f32 v7, v8;
	v6 =	vld [tilespmem:s24+$0xA220];
	[tilespmem:s30+$0xB660] =	vst v12  }
0x270: {  	v5 =	vld [tilespmem:s24+$0x16220]  }
0x271: {  	v8 =	vld [tilespmem:s24+$0xA230];
	[tilespmem:s30+$0xA200] =	vst v7  }
0x272: {  	v18 =	vld [tilespmem:s24+$0xA630]  }
0x273: {  	v11 =	vmul.f32 v16, v9;
	v26 =	vld [tilespmem:s24+$0xAA30]  }
0x274: {  	v36 =	vld [tilespmem:s24+$0xAE30]  }
0x275: {  	v9 =	vadd.f32 v11, v10;
	v44 =	vld [tilespmem:s24+$0xB230]  }
0x276: {  	v48 =	vld [tilespmem:s24+$0xB600]  }
0x277: {  	[tilespmem:s30+$0xB670] =	vst v9;
	v50 =	vld [tilespmem:s24+$0xB610]  }
0x278: {  	v7 =	vld [tilespmem:s24+$0x16230]  }
0x279: {  	v10 =	vld [tilespmem:s24+$0xA240]  }
0x27a: {  	v9 =	vld [tilespmem:s24+$0x16240]  }
0x27b: {  	v12 =	vld [tilespmem:s24+$0xA250]  }
0x27c: {  	v11 =	vld [tilespmem:s24+$0x16250]  }
0x27d: {  	v13 =	vld [tilespmem:s24+$0xA260]  }
0x27e: {  	v14 =	vld [tilespmem:s24+$0xA270]  }
0x27f: {  	v15 =	vld [tilespmem:s24+$0xA600]  }
0x280: {  	v16 =	vld [tilespmem:s24+$0xA610]  }
0x281: {  	v17 =	vld [tilespmem:s24+$0xA620]  }
0x282: {  	v19 =	vld [tilespmem:s24+$0xA640]  }
0x283: {  	v20 =	vld [tilespmem:s24+$0xA650]  }
0x284: {  	v21 =	vld [tilespmem:s24+$0xA660]  }
0x285: {  	v22 =	vld [tilespmem:s24+$0xA670]  }
0x286: {  	v23 =	vld [tilespmem:s24+$0xAA00]  }
0x287: {  	v24 =	vld [tilespmem:s24+$0xAA10]  }
0x288: {  	v25 =	vld [tilespmem:s24+$0xAA20]  }
0x289: {  	v27 =	vld [tilespmem:s24+$0xAA40]  }
0x28a: {  	v28 =	vld [tilespmem:s24+$0xAA50]  }
0x28b: {  	v29 =	vld [tilespmem:s24+$0xAA60]  }
0x28c: {  	v30 =	vld [tilespmem:s24+$0xAA70]  }
0x28d: {  	v31 =	vld [tilespmem:s24+$0xAE00]  }
0x28e: {  	v34 =	vld [tilespmem:s24+$0xAE10]  }
0x28f: {  	v35 =	vld [tilespmem:s24+$0xAE20]  }
0x290: {  	v37 =	vld [tilespmem:s24+$0xAE40]  }
0x291: {  	v38 =	vld [tilespmem:s24+$0xAE50]  }
0x292: {  	v39 =	vld [tilespmem:s24+$0xAE60]  }
0x293: {  	v40 =	vld [tilespmem:s24+$0xAE70]  }
0x294: {  	v41 =	vld [tilespmem:s24+$0xB200]  }
0x295: {  	v42 =	vld [tilespmem:s24+$0xB210]  }
0x296: {  	v43 =	vld [tilespmem:s24+$0xB220]  }
0x297: {  	v45 =	vld [tilespmem:s24+$0xB240]  }
0x298: {  	v46 =	vld [tilespmem:s24+$0xB250]  }
0x299: {  	v47 =	vld [tilespmem:s24+$0xB260]  }
0x29a: {  	v49 =	vld [tilespmem:s24+$0x17610]  }
0x29b: {  	s30 =	simm.s32 $0x2;
	v51 =	vld [tilespmem:s24+$0x17630]  }
.LBB2_4:
0x29c: {  	p0 =	sne.s32 s30, $0x1F;
	v52 =	vld [tilespmem:s24+$0xB630]  }
0x29d: {  	s25 =	sadd.s32 $0x80, s25;
	v53 =	vld [tilespmem:s24+$0xB620]  }
0x29e: {  	s26 =	sadd.s32 $0x80, s26;
	v33 =	vld [tilespmem:s25+$0x0]  }
0x29f: {  	v32 =	vld [tilespmem:s26+$0x0]  }
0x2a0: {  	v54 =	vld [tilespmem:s24+$0x17620]  }
0x2a1: {  	v55 =	vld [tilespmem:s24+$0x17600]  }
0x2a2: {  	v56 =	vld [tilespmem:s24+$0xB270]  }
0x2a3: {  	v57 =	vld [tilespmem:s24+$0x17270];
	v50 =	vmul.f32 v50, v33;
	v53 =	vmul.f32 v53, v33  }
0x2a4: {  	v52 =	vmul.f32 v52, v33;
	v58 =	vld [tilespmem:s24+$0x17260];
	v51 =	vmul.f32 v51, v32  }
0x2a5: {  	v49 =	vmul.f32 v49, v32;
	v59 =	vld [tilespmem:s24+$0x17250];
	v54 =	vmul.f32 v54, v32  }
0x2a6: {  	v48 =	vmul.f32 v48, v33;
	v60 =	vld [tilespmem:s24+$0x17240];
	v55 =	vmul.f32 v55, v32;
	v51 =	vadd.f32 v51, v52  }
0x2a7: {  	v49 =	vadd.f32 v49, v50;
	v52 =	vld [tilespmem:s24+$0x17230];
	v56 =	vmul.f32 v56, v33;
	v50 =	vadd.f32 v54, v53  }
0x2a8: {  	v47 =	vmul.f32 v47, v33;
	v53 =	vld [tilespmem:s24+$0x17220];
	v54 =	vmul.f32 v57, v32;
	v48 =	vadd.f32 v55, v48;
	[tilespmem:s24+$0xB630] =	vst v51  }
0x2a9: {  	v46 =	vmul.f32 v46, v33;
	v51 =	vld [tilespmem:s24+$0x17210];
	v55 =	vmul.f32 v58, v32;
	[tilespmem:s24+$0xB620] =	vst v50  }
0x2aa: {  	v45 =	vmul.f32 v45, v33;
	v50 =	vld [tilespmem:s24+$0x17200];
	v57 =	vmul.f32 v59, v32;
	v54 =	vadd.f32 v54, v56;
	[tilespmem:s24+$0xB610] =	vst v49  }
0x2ab: {  	v44 =	vmul.f32 v44, v33;
	v49 =	vld [tilespmem:s24+$0x16E70];
	v56 =	vmul.f32 v60, v32;
	v47 =	vadd.f32 v55, v47;
	[tilespmem:s24+$0xB600] =	vst v48  }
0x2ac: {  	v43 =	vmul.f32 v43, v33;
	v48 =	vld [tilespmem:s24+$0x16E60];
	v52 =	vmul.f32 v52, v32;
	v46 =	vadd.f32 v57, v46;
	[tilespmem:s24+$0xB270] =	vst v54  }
0x2ad: {  	v42 =	vmul.f32 v42, v33;
	v54 =	vld [tilespmem:s24+$0x16E50];
	v53 =	vmul.f32 v53, v32;
	v45 =	vadd.f32 v56, v45;
	[tilespmem:s24+$0xB260] =	vst v47  }
0x2ae: {  	v41 =	vmul.f32 v41, v33;
	v47 =	vld [tilespmem:s24+$0x16E40];
	v51 =	vmul.f32 v51, v32;
	v44 =	vadd.f32 v52, v44;
	[tilespmem:s24+$0xB250] =	vst v46  }
0x2af: {  	v40 =	vmul.f32 v40, v33;
	v46 =	vld [tilespmem:s24+$0x16E30];
	v50 =	vmul.f32 v50, v32;
	v43 =	vadd.f32 v53, v43;
	[tilespmem:s24+$0xB240] =	vst v45  }
0x2b0: {  	v39 =	vmul.f32 v39, v33;
	v45 =	vld [tilespmem:s24+$0x16E20];
	v49 =	vmul.f32 v49, v32;
	v42 =	vadd.f32 v51, v42;
	[tilespmem:s24+$0xB230] =	vst v44  }
0x2b1: {  	v38 =	vmul.f32 v38, v33;
	v44 =	vld [tilespmem:s24+$0x16E10];
	v48 =	vmul.f32 v48, v32;
	v41 =	vadd.f32 v50, v41;
	[tilespmem:s24+$0xB220] =	vst v43  }
0x2b2: {  	v37 =	vmul.f32 v37, v33;
	v43 =	vld [tilespmem:s24+$0x16E00];
	v50 =	vmul.f32 v54, v32;
	v40 =	vadd.f32 v49, v40;
	[tilespmem:s24+$0xB210] =	vst v42  }
0x2b3: {  	v36 =	vmul.f32 v36, v33;
	v42 =	vld [tilespmem:s24+$0x16A70];
	v47 =	vmul.f32 v47, v32;
	v39 =	vadd.f32 v48, v39;
	[tilespmem:s24+$0xB200] =	vst v41  }
0x2b4: {  	v35 =	vmul.f32 v35, v33;
	v41 =	vld [tilespmem:s24+$0x16A60];
	v46 =	vmul.f32 v46, v32;
	v38 =	vadd.f32 v50, v38;
	[tilespmem:s24+$0xAE70] =	vst v40  }
0x2b5: {  	v34 =	vmul.f32 v34, v33;
	v40 =	vld [tilespmem:s24+$0x16A50];
	v45 =	vmul.f32 v45, v32;
	v37 =	vadd.f32 v47, v37;
	[tilespmem:s24+$0xAE60] =	vst v39  }
0x2b6: {  	v31 =	vmul.f32 v31, v33;
	v39 =	vld [tilespmem:s24+$0x16A40];
	v44 =	vmul.f32 v44, v32;
	v36 =	vadd.f32 v46, v36;
	[tilespmem:s24+$0xAE50] =	vst v38  }
0x2b7: {  	v30 =	vmul.f32 v30, v33;
	v38 =	vld [tilespmem:s24+$0x16A30];
	v43 =	vmul.f32 v43, v32;
	v35 =	vadd.f32 v45, v35;
	[tilespmem:s24+$0xAE40] =	vst v37  }
0x2b8: {  	v29 =	vmul.f32 v29, v33;
	v37 =	vld [tilespmem:s24+$0x16A20];
	v42 =	vmul.f32 v42, v32;
	v34 =	vadd.f32 v44, v34;
	[tilespmem:s24+$0xAE30] =	vst v36  }
0x2b9: {  	v28 =	vmul.f32 v28, v33;
	v36 =	vld [tilespmem:s24+$0x16A10];
	v41 =	vmul.f32 v41, v32;
	v31 =	vadd.f32 v43, v31;
	[tilespmem:s24+$0xAE20] =	vst v35  }
0x2ba: {  	v27 =	vmul.f32 v27, v33;
	v35 =	vld [tilespmem:s24+$0x16A00];
	v40 =	vmul.f32 v40, v32;
	v30 =	vadd.f32 v42, v30;
	[tilespmem:s24+$0xAE10] =	vst v34  }
0x2bb: {  	v26 =	vmul.f32 v26, v33;
	v34 =	vld [tilespmem:s24+$0x16670];
	v39 =	vmul.f32 v39, v32;
	v29 =	vadd.f32 v41, v29;
	[tilespmem:s24+$0xAE00] =	vst v31  }
0x2bc: {  	v25 =	vmul.f32 v25, v33;
	v31 =	vld [tilespmem:s24+$0x16660];
	v38 =	vmul.f32 v38, v32;
	v28 =	vadd.f32 v40, v28;
	[tilespmem:s24+$0xAA70] =	vst v30  }
0x2bd: {  	v24 =	vmul.f32 v24, v33;
	v30 =	vld [tilespmem:s24+$0x16650];
	v37 =	vmul.f32 v37, v32;
	v27 =	vadd.f32 v39, v27;
	[tilespmem:s24+$0xAA60] =	vst v29  }
0x2be: {  	v23 =	vmul.f32 v23, v33;
	v29 =	vld [tilespmem:s24+$0x16640];
	v36 =	vmul.f32 v36, v32;
	v26 =	vadd.f32 v38, v26;
	[tilespmem:s24+$0xAA50] =	vst v28  }
0x2bf: {  	v22 =	vmul.f32 v22, v33;
	v28 =	vld [tilespmem:s24+$0x16630];
	v35 =	vmul.f32 v35, v32;
	v25 =	vadd.f32 v37, v25;
	[tilespmem:s24+$0xAA40] =	vst v27  }
0x2c0: {  	v21 =	vmul.f32 v21, v33;
	v27 =	vld [tilespmem:s24+$0x16620];
	v34 =	vmul.f32 v34, v32;
	v24 =	vadd.f32 v36, v24;
	[tilespmem:s24+$0xAA30] =	vst v26  }
0x2c1: {  	v20 =	vmul.f32 v20, v33;
	v26 =	vld [tilespmem:s24+$0x16610];
	v31 =	vmul.f32 v31, v32;
	v23 =	vadd.f32 v35, v23;
	[tilespmem:s24+$0xAA20] =	vst v25  }
0x2c2: {  	v19 =	vmul.f32 v19, v33;
	v25 =	vld [tilespmem:s24+$0x16600];
	v30 =	vmul.f32 v30, v32;
	v22 =	vadd.f32 v34, v22;
	[tilespmem:s24+$0xAA10] =	vst v24  }
0x2c3: {  	v18 =	vmul.f32 v18, v33;
	v24 =	vld [tilespmem:s24+$0x16270];
	v29 =	vmul.f32 v29, v32;
	v21 =	vadd.f32 v31, v21;
	[tilespmem:s24+$0xAA00] =	vst v23  }
0x2c4: {  	v17 =	vmul.f32 v17, v33;
	v23 =	vld [tilespmem:s24+$0x16260];
	v28 =	vmul.f32 v28, v32;
	v20 =	vadd.f32 v30, v20;
	[tilespmem:s24+$0xA670] =	vst v22  }
0x2c5: {  	v16 =	vmul.f32 v16, v33;
	v22 =	vmul.f32 v27, v32;
	v19 =	vadd.f32 v29, v19;
	[tilespmem:s24+$0xA660] =	vst v21;
	v21 =	vld [tilespmem:s24+$0x17640]  }
0x2c6: {  	v15 =	vmul.f32 v15, v33;
	v26 =	vmul.f32 v26, v32;
	v18 =	vadd.f32 v28, v18;
	[tilespmem:s24+$0xA650] =	vst v20;
	v20 =	vld [tilespmem:s24+$0x17650]  }
0x2c7: {  	v14 =	vmul.f32 v14, v33;
	v25 =	vmul.f32 v25, v32;
	v17 =	vadd.f32 v22, v17;
	[tilespmem:s24+$0xA640] =	vst v19;
	v19 =	vld [tilespmem:s24+$0x17660]  }
0x2c8: {  	v13 =	vmul.f32 v13, v33;
	v22 =	vmul.f32 v24, v32;
	v16 =	vadd.f32 v26, v16;
	[tilespmem:s24+$0xA630] =	vst v18;
	v18 =	vld [tilespmem:s24+$0x17670]  }
0x2c9: {  	v12 =	vmul.f32 v12, v33;
	v23 =	vmul.f32 v23, v32;
	v15 =	vadd.f32 v25, v15;
	[tilespmem:s24+$0xA620] =	vst v17;
	v17 =	vld [tilespmem:s24+$0xB640]  }
0x2ca: {  	v10 =	vmul.f32 v10, v33;
	v11 =	vmul.f32 v11, v32;
	v14 =	vadd.f32 v22, v14;
	[tilespmem:s24+$0xA610] =	vst v16;
	v16 =	vld [tilespmem:s24+$0xB650]  }
0x2cb: {  	v8 =	vmul.f32 v8, v33;
	v9 =	vmul.f32 v9, v32;
	v13 =	vadd.f32 v23, v13;
	[tilespmem:s24+$0xA600] =	vst v15;
	v15 =	vld [tilespmem:s24+$0xB660]  }
0x2cc: {  	v6 =	vmul.f32 v6, v33;
	v7 =	vmul.f32 v7, v32;
	v11 =	vadd.f32 v11, v12;
	[tilespmem:s24+$0xA270] =	vst v14;
	v12 =	vld [tilespmem:s24+$0xB670]  }
0x2cd: {  	v3 =	vmul.f32 v3, v33;
	v5 =	vmul.f32 v5, v32;
	v9 =	vadd.f32 v9, v10;
	v14 =	vld [tilespmem:s24+$0xA200];
	[tilespmem:s24+$0xA260] =	vst v13  }
0x2ce: {  	v4 =	vmul.f32 v4, v32;
	v7 =	vadd.f32 v7, v8;
	v10 =	vld [tilespmem:s24+$0x16200];
	[tilespmem:s24+$0xA250] =	vst v11;
	v8 =	vmul.f32 v17, v33  }
0x2cf: {  	s0 =	sshrl.u32 s30, $0x3;
	v5 =	vadd.f32 v5, v6;
	v6 =	vmul.f32 v21, v32;
	[tilespmem:s24+$0xA240] =	vst v9;
	v9 =	vmul.f32 v16, v33  }
0x2d0: {  	s29 =	sadd.s32 $0x80, s29;
	s0 =	smul.u32 $0x1800, s0;
	v3 =	vadd.f32 v4, v3;
	v4 =	vmul.f32 v20, v32;
	[tilespmem:s24+$0xA230] =	vst v7;
	v7 =	vmul.f32 v15, v33  }
0x2d1: {  	s31 =	sand.u32 $0x380, s29;
	[tilespmem:s24+$0xA220] =	vst v5;
	v5 =	vadd.f32 v6, v8;
	v6 =	vmul.f32 v19, v32;
	v8 =	vmul.f32 v12, v33  }
0x2d2: {  	s0 =	sor.u32 s31, s0;
	v9 =	vadd.f32 v4, v9;
	v12 =	vmul.f32 v18, v32;
	v11 =	vmul.f32 v14, v33;
	[tilespmem:s24+$0xA210] =	vst v3  }
0x2d3: {  	v3 =	vld [tilespmem:s0+$0xA210];
	v10 =	vmul.f32 v10, v32;
	[tilespmem:s24+$0xB640] =	vst v5;
	v5 =	vadd.f32 v6, v7  }
0x2d4: {  	v7 =	vadd.f32 v12, v8;
	v4 =	vld [tilespmem:s0+$0x16210];
	[tilespmem:s24+$0xB650] =	vst v9  }
0x2d5: {  	v6 =	vld [tilespmem:s0+$0xA220];
	v9 =	vadd.f32 v10, v11;
	[tilespmem:s24+$0xB660] =	vst v5  }
0x2d6: {  	v5 =	vld [tilespmem:s0+$0x16220];
	[tilespmem:s24+$0xB670] =	vst v7  }
0x2d7: {  	v8 =	vld [tilespmem:s0+$0xA230];
	[tilespmem:s24+$0xA200] =	vst v9;
	s24 =	smov.u32 s0  }
0x2d8: {  	v7 =	vld [tilespmem:s24+$0x16230]  }
0x2d9: {  	v10 =	vld [tilespmem:s24+$0xA240]  }
0x2da: {  	v9 =	vld [tilespmem:s24+$0x16240]  }
0x2db: {  	v12 =	vld [tilespmem:s24+$0xA250]  }
0x2dc: {  	v11 =	vld [tilespmem:s24+$0x16250]  }
0x2dd: {  	v13 =	vld [tilespmem:s24+$0xA260]  }
0x2de: {  	v14 =	vld [tilespmem:s24+$0xA270]  }
0x2df: {  	v15 =	vld [tilespmem:s24+$0xA600]  }
0x2e0: {  	v16 =	vld [tilespmem:s24+$0xA610]  }
0x2e1: {  	v17 =	vld [tilespmem:s24+$0xA620]  }
0x2e2: {  	v18 =	vld [tilespmem:s24+$0xA630]  }
0x2e3: {  	v19 =	vld [tilespmem:s24+$0xA640]  }
0x2e4: {  	v20 =	vld [tilespmem:s24+$0xA650]  }
0x2e5: {  	v21 =	vld [tilespmem:s24+$0xA660]  }
0x2e6: {  	v22 =	vld [tilespmem:s24+$0xA670]  }
0x2e7: {  	v23 =	vld [tilespmem:s24+$0xAA00]  }
0x2e8: {  	v24 =	vld [tilespmem:s24+$0xAA10]  }
0x2e9: {  	v25 =	vld [tilespmem:s24+$0xAA20]  }
0x2ea: {  	v26 =	vld [tilespmem:s24+$0xAA30]  }
0x2eb: {  	v27 =	vld [tilespmem:s24+$0xAA40]  }
0x2ec: {  	v28 =	vld [tilespmem:s24+$0xAA50]  }
0x2ed: {  	v29 =	vld [tilespmem:s24+$0xAA60]  }
0x2ee: {  	v30 =	vld [tilespmem:s24+$0xAA70]  }
0x2ef: {  	v31 =	vld [tilespmem:s24+$0xAE00]  }
0x2f0: {  	v34 =	vld [tilespmem:s24+$0xAE10]  }
0x2f1: {  	v35 =	vld [tilespmem:s24+$0xAE20]  }
0x2f2: {  	v36 =	vld [tilespmem:s24+$0xAE30]  }
0x2f3: {  	v37 =	vld [tilespmem:s24+$0xAE40]  }
0x2f4: {  	v38 =	vld [tilespmem:s24+$0xAE50]  }
0x2f5: {  	v39 =	vld [tilespmem:s24+$0xAE60]  }
0x2f6: {  	v40 =	vld [tilespmem:s24+$0xAE70]  }
0x2f7: {  	v41 =	vld [tilespmem:s24+$0xB200]  }
0x2f8: {  	v42 =	vld [tilespmem:s24+$0xB210]  }
0x2f9: {  	v43 =	vld [tilespmem:s24+$0xB220]  }
0x2fa: {  	v44 =	vld [tilespmem:s24+$0xB230]  }
0x2fb: {  	v45 =	vld [tilespmem:s24+$0xB240]  }
0x2fc: {  	v46 =	vld [tilespmem:s24+$0xB250]  }
.Ltmp1:
0x2fd: {  	v47 =	vld [tilespmem:s24+$0xB260];
	(pc) =	sbr.rel @p0 .LBB2_4-.Ltmp1, $4  }
0x2fe: {  	v48 =	vld [tilespmem:s24+$0xB600]  }
0x2ff: {  	v50 =	vld [tilespmem:s24+$0xB610]  }
0x300: {  	v49 =	vld [tilespmem:s24+$0x17610]  }
0x301: {  	s30 =	sadd.s32 $0x1, s30;
	v51 =	vld [tilespmem:s24+$0x17630]  }
0x302: {  	v52 =	vld [tilespmem:s24+$0xB630]  }
0x303: {  	v53 =	vld [tilespmem:s24+$0xB620];
	s0 =	sadd.s32 $0x80, s25  }
0x304: {  	s31 =	sadd.s32 $0x80, s26;
	v32 =	vld [tilespmem:s0+$0x0]  }
0x305: {  	v33 =	vld [tilespmem:s31+$0x0]  }
0x306: {  	v54 =	vld [tilespmem:s24+$0x17620];
	_ =	sdelay $0x1  }
0x307: {  	v55 =	vld [tilespmem:s24+$0x17600]  }
0x308: {  	v56 =	vld [tilespmem:s24+$0xB270]  }
0x309: {  	v58 =	vld [tilespmem:s24+$0x17260];
	v52 =	vmul.f32 v52, v32;
	v51 =	vmul.f32 v51, v33  }
0x30a: {  	v57 =	vld [tilespmem:s24+$0x17270];
	v53 =	vmul.f32 v53, v32;
	v54 =	vmul.f32 v54, v33  }
0x30b: {  	v59 =	vld [tilespmem:s24+$0x17250];
	v50 =	vmul.f32 v50, v32;
	v49 =	vmul.f32 v49, v33  }
0x30c: {  	v60 =	vld [tilespmem:s24+$0x17240];
	v48 =	vmul.f32 v48, v32;
	v62 =	vmul.f32 v55, v33;
	v51 =	vadd.f32 v51, v52  }
0x30d: {  	v61 =	vld [tilespmem:s24+$0x17220];
	v63 =	vmul.f32 v56, v32;
	v47 =	vmul.f32 v47, v32;
	v53 =	vadd.f32 v54, v53  }
0x30e: {  	v58 =	vmul.f32 v58, v33;
	v55 =	vld [tilespmem:s24+$0x16660];
	v12 =	vmul.f32 v12, v32;
	v49 =	vadd.f32 v49, v50;
	[tilespmem:s24+$0xB630] =	vst v51  }
0x30f: {  	v56 =	vld [tilespmem:s24+$0x16650];
	v11 =	vmul.f32 v11, v33;
	v10 =	vmul.f32 v10, v32;
	v48 =	vadd.f32 v62, v48;
	[tilespmem:s24+$0xB620] =	vst v53  }
0x310: {  	v9 =	vmul.f32 v9, v33;
	v8 =	vmul.f32 v8, v32;
	v52 =	vld [tilespmem:s24+$0x17230];
	v47 =	vadd.f32 v58, v47;
	[tilespmem:s24+$0xB610] =	vst v49  }
0x311: {  	v7 =	vmul.f32 v7, v33;
	v6 =	vmul.f32 v6, v32;
	v50 =	vld [tilespmem:s24+$0x17200];
	v11 =	vadd.f32 v11, v12;
	[tilespmem:s24+$0xB600] =	vst v48  }
0x312: {  	v5 =	vmul.f32 v5, v33;
	v3 =	vmul.f32 v3, v32;
	v58 =	vld [tilespmem:s24+$0x16E20];
	v9 =	vadd.f32 v9, v10;
	[tilespmem:s24+$0xB260] =	vst v47  }
0x313: {  	v4 =	vmul.f32 v4, v33;
	v62 =	vmul.f32 v59, v33;
	v59 =	vld [tilespmem:s24+$0x16E10];
	v7 =	vadd.f32 v7, v8;
	[tilespmem:s24+$0xA250] =	vst v11  }
0x314: {  	v57 =	vmul.f32 v57, v33;
	v54 =	vld [tilespmem:s24+$0x16670];
	v5 =	vadd.f32 v5, v6;
	[tilespmem:s24+$0xA240] =	vst v9  }
0x315: {  	v46 =	vmul.f32 v46, v32;
	v3 =	vadd.f32 v4, v3;
	v51 =	vld [tilespmem:s24+$0x17210];
	[tilespmem:s24+$0xA230] =	vst v7  }
0x316: {  	v45 =	vmul.f32 v45, v32;
	v49 =	vld [tilespmem:s24+$0x16E70];
	v53 =	vadd.f32 v57, v63;
	v63 =	vmul.f32 v60, v33;
	[tilespmem:s24+$0xA220] =	vst v5  }
0x317: {  	v43 =	vmul.f32 v43, v32;
	v48 =	vld [tilespmem:s24+$0x16E60];
	v46 =	vadd.f32 v62, v46;
	v57 =	vmul.f32 v61, v33;
	[tilespmem:s24+$0xA210] =	vst v3  }
0x318: {  	v44 =	vmul.f32 v44, v32;
	v47 =	vld [tilespmem:s24+$0x16E40];
	[tilespmem:s24+$0xB270] =	vst v53;
	v45 =	vadd.f32 v63, v45;
	v52 =	vmul.f32 v52, v33  }
0x319: {  	v41 =	vmul.f32 v41, v32;
	v60 =	vld [tilespmem:s24+$0x16E00];
	[tilespmem:s24+$0xB250] =	vst v46;
	v43 =	vadd.f32 v57, v43;
	v50 =	vmul.f32 v50, v33  }
0x31a: {  	v35 =	vmul.f32 v35, v32;
	v61 =	vld [tilespmem:s24+$0x16A70];
	[tilespmem:s24+$0xB240] =	vst v45;
	v45 =	vmul.f32 v58, v33;
	v44 =	vadd.f32 v52, v44  }
0x31b: {  	v42 =	vmul.f32 v42, v32;
	v53 =	vld [tilespmem:s24+$0x16E50];
	[tilespmem:s24+$0xB220] =	vst v43;
	v51 =	vmul.f32 v51, v33;
	v41 =	vadd.f32 v50, v41  }
0x31c: {  	v40 =	vmul.f32 v40, v32;
	v46 =	vld [tilespmem:s24+$0x16E30];
	v49 =	vmul.f32 v49, v33;
	v35 =	vadd.f32 v45, v35;
	[tilespmem:s24+$0xB230] =	vst v44  }
0x31d: {  	v39 =	vmul.f32 v39, v32;
	v62 =	vld [tilespmem:s24+$0x16A60];
	v48 =	vmul.f32 v48, v33;
	v42 =	vadd.f32 v51, v42;
	[tilespmem:s24+$0xB200] =	vst v41  }
0x31e: {  	v37 =	vmul.f32 v37, v32;
	v57 =	vld [tilespmem:s24+$0x16640];
	v47 =	vmul.f32 v47, v33;
	v40 =	vadd.f32 v49, v40;
	[tilespmem:s24+$0xAE20] =	vst v35  }
0x31f: {  	v31 =	vmul.f32 v31, v32;
	v58 =	vld [tilespmem:s24+$0x16630];
	v43 =	vmul.f32 v60, v33;
	v39 =	vadd.f32 v48, v39;
	[tilespmem:s24+$0xB210] =	vst v42  }
0x320: {  	v38 =	vmul.f32 v38, v32;
	v50 =	vld [tilespmem:s24+$0x16A30];
	v63 =	vmul.f32 v53, v33;
	v37 =	vadd.f32 v47, v37;
	[tilespmem:s24+$0xAE70] =	vst v40  }
0x321: {  	v36 =	vmul.f32 v36, v32;
	v60 =	vld [tilespmem:s24+$0x16610];
	v46 =	vmul.f32 v46, v33;
	v31 =	vadd.f32 v43, v31;
	[tilespmem:s24+$0xAE60] =	vst v39  }
0x322: {  	v34 =	vmul.f32 v34, v32;
	v52 =	vld [tilespmem:s24+$0x16A10];
	v44 =	vmul.f32 v59, v33;
	v38 =	vadd.f32 v63, v38;
	[tilespmem:s24+$0xAE40] =	vst v37  }
0x323: {  	v29 =	vmul.f32 v29, v32;
	v45 =	vld [tilespmem:s24+$0xB640];
	v41 =	vmul.f32 v62, v33;
	v36 =	vadd.f32 v46, v36;
	[tilespmem:s24+$0xAE00] =	vst v31  }
0x324: {  	v21 =	vmul.f32 v21, v32;
	v48 =	vld [tilespmem:s24+$0x16A50];
	v62 =	vmul.f32 v55, v33;
	v34 =	vadd.f32 v44, v34;
	[tilespmem:s24+$0xAE50] =	vst v38  }
0x325: {  	v30 =	vmul.f32 v30, v32;
	v49 =	vld [tilespmem:s24+$0x16A40];
	v42 =	vmul.f32 v61, v33;
	v29 =	vadd.f32 v41, v29;
	[tilespmem:s24+$0xAE30] =	vst v36  }
0x326: {  	v16 =	vmul.f32 v16, v32;
	v51 =	vld [tilespmem:s24+$0x16A20];
	v21 =	vadd.f32 v62, v21;
	v41 =	vmul.f32 v60, v33;
	[tilespmem:s24+$0xAE10] =	vst v34  }
0x327: {  	v26 =	vmul.f32 v26, v32;
	v53 =	vld [tilespmem:s24+$0x16A00];
	v30 =	vadd.f32 v42, v30;
	[tilespmem:s24+$0xAA60] =	vst v29;
	v38 =	vmul.f32 v50, v33  }
0x328: {  	v24 =	vmul.f32 v24, v32;
	v59 =	vld [tilespmem:s24+$0x16620];
	v36 =	vmul.f32 v52, v33;
	[tilespmem:s24+$0xA660] =	vst v21;
	v16 =	vadd.f32 v41, v16  }
0x329: {  	v22 =	vmul.f32 v22, v32;
	v43 =	vld [tilespmem:s24+$0x17670];
	v34 =	vmul.f32 v54, v33;
	[tilespmem:s24+$0xAA70] =	vst v30;
	v26 =	vadd.f32 v38, v26  }
0x32a: {  	v28 =	vmul.f32 v28, v32;
	v61 =	vld [tilespmem:s24+$0x16600];
	v40 =	vmul.f32 v48, v33;
	v24 =	vadd.f32 v36, v24;
	[tilespmem:s24+$0xA610] =	vst v16  }
0x32b: {  	v27 =	vmul.f32 v27, v32;
	v63 =	vld [tilespmem:s24+$0x16270];
	v39 =	vmul.f32 v49, v33;
	v22 =	vadd.f32 v34, v22;
	[tilespmem:s24+$0xAA30] =	vst v26  }
0x32c: {  	v25 =	vmul.f32 v25, v32;
	v46 =	vld [tilespmem:s24+$0xB650];
	v37 =	vmul.f32 v51, v33;
	v28 =	vadd.f32 v40, v28;
	[tilespmem:s24+$0xAA10] =	vst v24  }
0x32d: {  	v23 =	vmul.f32 v23, v32;
	v50 =	vld [tilespmem:s24+$0x16200];
	v35 =	vmul.f32 v53, v33;
	v27 =	vadd.f32 v39, v27;
	[tilespmem:s24+$0xA670] =	vst v22  }
0x32e: {  	v20 =	vmul.f32 v20, v32;
	v48 =	vld [tilespmem:s24+$0xB660];
	v30 =	vmul.f32 v56, v33;
	v25 =	vadd.f32 v37, v25;
	[tilespmem:s24+$0xAA50] =	vst v28  }
0x32f: {  	v19 =	vmul.f32 v19, v32;
	v51 =	vld [tilespmem:s24+$0xA200];
	v23 =	vadd.f32 v35, v23;
	v35 =	vmul.f32 v57, v33;
	[tilespmem:s24+$0xAA40] =	vst v27  }
0x330: {  	v18 =	vmul.f32 v18, v32;
	v34 =	vld [tilespmem:s24+$0x16260];
	v37 =	vmul.f32 v58, v33;
	v20 =	vadd.f32 v30, v20;
	[tilespmem:s24+$0xAA20] =	vst v25  }
0x331: {  	v17 =	vmul.f32 v17, v32;
	v36 =	vld [tilespmem:s24+$0x17640];
	v39 =	vmul.f32 v59, v33;
	[tilespmem:s24+$0xAA00] =	vst v23;
	v19 =	vadd.f32 v35, v19  }
0x332: {  	v15 =	vmul.f32 v15, v32;
	v38 =	vld [tilespmem:s24+$0x17650];
	v42 =	vmul.f32 v61, v33;
	v18 =	vadd.f32 v37, v18;
	[tilespmem:s24+$0xA650] =	vst v20  }
0x333: {  	v14 =	vmul.f32 v14, v32;
	v40 =	vld [tilespmem:s24+$0x17660];
	v44 =	vmul.f32 v63, v33;
	v17 =	vadd.f32 v39, v17;
	[tilespmem:s24+$0xA640] =	vst v19  }
0x334: {  	v49 =	vld [tilespmem:s24+$0xB670];
	v15 =	vadd.f32 v42, v15;
	v10 =	vmul.f32 v50, v33;
	v61 =	vmul.f32 v51, v32;
	[tilespmem:s24+$0xA630] =	vst v18  }
0x335: {  	v13 =	vmul.f32 v13, v32;
	v14 =	vadd.f32 v44, v14;
	[tilespmem:s24+$0xA620] =	vst v17;
	v47 =	vmul.f32 v34, v33  }
0x336: {  	v52 =	vmul.f32 v45, v32;
	[tilespmem:s24+$0xA600] =	vst v15;
	v53 =	vmul.f32 v36, v33;
	v63 =	vadd.f32 v10, v61  }
0x337: {  	v54 =	vmul.f32 v46, v32;
	[tilespmem:s24+$0xA270] =	vst v14;
	v55 =	vmul.f32 v38, v33;
	v13 =	vadd.f32 v47, v13  }
0x338: {  	v56 =	vmul.f32 v48, v32;
	v58 =	vmul.f32 v40, v33;
	v57 =	vadd.f32 v53, v52;
	[tilespmem:s24+$0xA200] =	vst v63  }
0x339: {  	v60 =	vmul.f32 v43, v33;
	v59 =	vmul.f32 v49, v32;
	v3 =	vadd.f32 v55, v54;
	[tilespmem:s24+$0xA260] =	vst v13  }
0x33a: {  	v62 =	vadd.f32 v58, v56;
	[tilespmem:s24+$0xB640] =	vst v57  }
0x33b: {  	[tilespmem:s24+$0xB650] =	vst v3;
	v3 =	vadd.f32 v60, v59  }
0x33c: {  	[tilespmem:s24+$0xB660] =	vst v62  }
0x33d: {  	s23 =	sadd.s32 $0x1, s23;
	[tilespmem:s24+$0xB670] =	vst v3  }
0x33e: {  	[hbm4b:s13+s1] =	stream.linear.scatter [tilespmem:s28], [sflag:$0x3], $0x6000, $0x38;
	[tilespmem:$0x1C200] =	vst v63  }
0x33f: {  	p0 =	sne.s32 s23, s14;
	_ =	swait.ge [sflag:s22], $0x6000  }
.Ltmp2:
0x340: {  	[sflag:s22] =	ssyncset.done $0x0;
	(pc) =	sbr.rel @p0 .LBB2_1-.Ltmp2, $4  }
0x341: {  	[sflag:s22] =	ssyncadd.s32 $0xFFFFA000  }
0x342: {  	_ =	swait.ge [sflag:s22], $0x6000  }
0x343: {  	[sflag:s22] =	ssyncset.done $0x0  }
0x344: {  	[sflag:s22] =	ssyncadd.s32 $0xFFFFA000  }
0x345: {  	_ =	sfence.sel $0x180000  }
0x346: {  	[bflag:$0x0] =	sbarrier.arrive $0xFFFF  }
0x347: {  	_ =	strace $0x9000004A  }
0x348: {  	s0 =	stileid.u32;
	[bflag:$0x2] =	sbarrier.arrive $0xFFFF  }
0x349: {  	p0 =	sne.s32 s0, $0x0;
	s0 =	rddreg [dreg:$0x2]  }
0x34a: {  	s0 =	sadd.s32 @!p0 $0x100000, s0  }
0x34b: {  	[sflag:s0] =	ssyncadd.tile.s32 @!p0 $0x1;
	_ =	shalt  }
.Lfunc_end2:
_tile_overlayer_lowered:
.L_overlay_start_2:
0x34c: {  	(tag) =	ssettag $0x2  }
0x34d: {  	s0 =	rddreg [dreg:$0x0];
	s2 =	stileid.u32  }
0x34e: {  	s1 =	rddreg [dreg:$0x1];
	p0 =	sne.s32 s2, $0x0  }
0x34f: {  	s3 =	rddreg [dreg:$0x2];
	[bflag:$0x3] =	sbarrier.arrive $0xFFFF;
	s2 =	simm.s32 @!p0 $0x1C04  }
0x350: {  	[timem:s3], [sflag:s2] =	dma.local @!p0 [hbm:s0], s1  }
0x351: {  	s0 =	simm.s32 @!p0 $0x4  }
0x352: {  	_ =	swait.ge @!p0 [sflag:s0], s1  }
0x353: {  	s1 =	ssub.s32 @!p0 $0x0, s1;
	[sflag:s0] =	ssyncset.done @!p0 $0x0  }
0x354: {  	[sflag:s0] =	ssyncadd.s32 @!p0 s1  }
0x355: {  	[bflag:$0x3] =	sbarrier.arrive $0xFFFF  }
0x356: {  	_ =	shalt  }

</sc_bundles>
